<compile_context>
chip_gen: v7x
topology: tpu7x:2x2x1
jax: 0.10.2.dev20260603
libtpu: 0.0.44.dev20260713+nightly
codegen_flags: <defaults>
</compile_context>

<pallas_src>
import functools

import jax
import jax.numpy as jnp
from jax import lax
from jax.experimental import pallas as pl
from jax.experimental.pallas import tpu as pltpu
from jax.experimental.pallas import tpu_sc as plsc

_SC_CORES = 2
_SC_SUBCORES = 16
_NW = _SC_CORES * _SC_SUBCORES
_CHUNK = 128


def _topk_one_level(u, k_ref, i_ref, w1_ref, w2_ref, w3_ref, Q, m):
    ux, uy, uz = u[:, 0:1], u[:, 1:2], u[:, 2:3]
    kx, ky, kz = k_ref[0:1, :], k_ref[1:2, :], k_ref[2:3, :]
    dx = ux - kx
    dy = uy - ky
    dz = uz - kz
    D = dx * dx + dy * dy + dz * dz

    lane0 = jax.lax.broadcasted_iota(jnp.int32, (Q, 128), 1)
    INF = jnp.float32(jnp.inf)
    BIGI = jnp.int32(2 ** 30)

    def run_argmin(excludes):
        best = jnp.full((Q, 128), INF, jnp.float32)
        besti = jnp.zeros((Q, 128), jnp.int32)
        for c in range(m // 128):
            Dc = D[:, c * 128:(c + 1) * 128]
            b = Dc < best
            if excludes:
                flat = lane0 + jnp.int32(c * 128)
                for e in excludes:
                    b = b & (flat != e)
            best = jnp.where(b, Dc, best)
            besti = jnp.where(b, jnp.int32(c), besti)
        mv = jnp.min(best, axis=1, keepdims=True)
        flat = besti * 128 + lane0
        iv = jnp.min(jnp.where(best == mv, flat, BIGI), axis=1, keepdims=True)
        return mv, iv

    m1, i1 = run_argmin(())
    m2, i2 = run_argmin((i1,))
    m3, i3 = run_argmin((i1, i2))

    d1 = jnp.sqrt(m1 + 1e-12)
    d2 = jnp.sqrt(m2 + 1e-12)
    d3 = jnp.sqrt(m3 + 1e-12)
    r1 = 1.0 / (d1 + 1e-8)
    r2 = 1.0 / (d2 + 1e-8)
    r3 = 1.0 / (d3 + 1e-8)
    norm = r1 + r2 + r3

    i_ref[...] = jnp.concatenate([i1, i2, i3], axis=1)
    w1_ref[...] = r1 / norm
    w2_ref[...] = r2 / norm
    w3_ref[...] = r3 / norm


def _topk_all_body(u_ref, k0_ref, k1_ref, k2_ref,
                   i0_ref, wa0, wa1, wa2,
                   i1_ref, wb0, wb1, wb2,
                   i2_ref, wc0, wc1, wc2, *, Q, ms):
    u = u_ref[...]
    _topk_one_level(u, k0_ref, i0_ref, wa0, wa1, wa2, Q, ms[0])
    _topk_one_level(u, k1_ref, i1_ref, wb0, wb1, wb2, Q, ms[1])
    _topk_one_level(u, k2_ref, i2_ref, wc0, wc1, wc2, Q, ms[2])


def _nn_topk_all(unknown, ktp0, ktp1, ktp2, Q):
    N = unknown.shape[0]
    ms = (ktp0.shape[1], ktp1.shape[1], ktp2.shape[1])
    body = functools.partial(_topk_all_body, Q=Q, ms=ms)
    out_level = [
        jax.ShapeDtypeStruct((N, 3), jnp.int32),
        jax.ShapeDtypeStruct((N, 1), jnp.float32),
        jax.ShapeDtypeStruct((N, 1), jnp.float32),
        jax.ShapeDtypeStruct((N, 1), jnp.float32),
    ]
    spec_level = [
        pl.BlockSpec((Q, 3), lambda i: (i, 0)),
        pl.BlockSpec((Q, 1), lambda i: (i, 0)),
        pl.BlockSpec((Q, 1), lambda i: (i, 0)),
        pl.BlockSpec((Q, 1), lambda i: (i, 0)),
    ]
    return pl.pallas_call(
        body,
        grid=(N // Q,),
        in_specs=[
            pl.BlockSpec((Q, 3), lambda i: (i, 0)),
            pl.BlockSpec((8, ms[0]), lambda i: (0, 0)),
            pl.BlockSpec((8, ms[1]), lambda i: (0, 0)),
            pl.BlockSpec((8, ms[2]), lambda i: (0, 0)),
        ],
        out_specs=spec_level * 3,
        out_shape=out_level * 3,
    )(unknown, ktp0, ktp1, ktp2)


def _sc_gather(feat0, feat1, feat2, idx0, idx1, idx2, B):
    bpw = B // _NW
    nch = bpw // _CHUNK
    mesh = plsc.VectorSubcoreMesh(core_axis_name="c", subcore_axis_name="s")
    out_t = [jax.ShapeDtypeStruct((B, 32), jnp.float32)] * 3

    @functools.partial(
        pl.kernel,
        out_type=out_t,
        mesh=mesh,
        compiler_params=pltpu.CompilerParams(use_tc_tiling_on_sc=False),
        scratch_types=[
            pltpu.VMEM((nch, _CHUNK), jnp.int32),
            pltpu.VMEM((bpw, 32), jnp.float32),
            pltpu.SemaphoreType.DMA,
        ],
    )
    def k(f0, f1, f2, i0, i1, i2, o0, o1, o2, idx_v, rows_v, sem):
        wid = lax.axis_index("s") * _SC_CORES + lax.axis_index("c")
        base = wid * bpw
        for f, i, o in ((f0, i0, o0), (f1, i1, o1), (f2, i2, o2)):
            pltpu.sync_copy(i.at[wid], idx_v)
            copies = []
            for j in range(nch):
                copies.append(pltpu.async_copy(
                    f.at[idx_v.at[j]],
                    rows_v.at[pl.ds(j * _CHUNK, _CHUNK)],
                    sem))
            for c in copies:
                c.wait()
            pltpu.sync_copy(rows_v, o.at[pl.ds(base, bpw)])

    return k(feat0, feat1, feat2, idx0, idx1, idx2)


def _head_body(r0_ref, r1_ref, r2_ref,
               wa0, wa1, wa2, wb0, wb1, wb2, wc0, wc1, wc2,
               f0_ref, f1_ref, f2_ref, wc_ref, wr_ref, cls_ref, reg_ref):
    hi = jax.lax.Precision.HIGHEST
    pw = None
    for r_ref, w_refs, f_ref in ((r0_ref, (wa0, wa1, wa2), f0_ref),
                                 (r1_ref, (wb0, wb1, wb2), f1_ref),
                                 (r2_ref, (wc0, wc1, wc2), f2_ref)):
        r = r_ref[...]
        p = (w_refs[0][...] * r[:, 0:32]
             + w_refs[1][...] * r[:, 32:64]
             + w_refs[2][...] * r[:, 64:96])
        t = jnp.dot(p, f_ref[...], preferred_element_type=jnp.float32,
                    precision=hi)
        pw = t if pw is None else pw + t
    cls_ref[...] = jnp.dot(pw, wc_ref[...], preferred_element_type=jnp.float32,
                           precision=hi)
    reg_ref[...] = jnp.dot(pw, wr_ref[...], preferred_element_type=jnp.float32,
                           precision=hi)


def _head(r0, r1, r2, w0, w1, w2, W_fc, W_cls, W_reg):
    N = r0.shape[0]
    QB = 2048
    qb_spec = pl.BlockSpec((QB, 96), lambda i: (i, 0))
    w_spec = pl.BlockSpec((QB, 1), lambda i: (i, 0))
    fc_spec = pl.BlockSpec((32, 64), lambda i: (0, 0))
    cls, reg = pl.pallas_call(
        _head_body,
        grid=(N // QB,),
        in_specs=[qb_spec, qb_spec, qb_spec] + [w_spec] * 9
                 + [fc_spec, fc_spec, fc_spec,
                    pl.BlockSpec((64, 1), lambda i: (0, 0)),
                    pl.BlockSpec((64, 3), lambda i: (0, 0))],
        out_specs=[
            pl.BlockSpec((QB, 1), lambda i: (i, 0)),
            pl.BlockSpec((QB, 3), lambda i: (i, 0)),
        ],
        out_shape=[
            jax.ShapeDtypeStruct((N, 1), jnp.float32),
            jax.ShapeDtypeStruct((N, 3), jnp.float32),
        ],
    )(r0, r1, r2, *w0, *w1, *w2, W_fc[0:32], W_fc[32:64], W_fc[64:96],
      W_cls, W_reg)
    return cls, reg


def _pad_t(known):
    return jnp.pad(known.T, ((0, 5), (0, 0)))


def kernel(unknown, known0, feat0, known1, feat1, known2, feat2, spatial,
           W_fc, W_cls, W_reg):
    N = unknown.shape[0]
    B = N * 3
    outs = _nn_topk_all(unknown, _pad_t(known0), _pad_t(known1),
                        _pad_t(known2), Q=128)
    idx0, w0 = outs[0], outs[1:4]
    idx1, w1 = outs[4], outs[5:8]
    idx2, w2 = outs[8], outs[9:12]
    tile = (_NW, B // _NW // _CHUNK, _CHUNK)
    r0, r1, r2 = _sc_gather(feat0, feat1, feat2,
                            idx0.reshape(tile), idx1.reshape(tile),
                            idx2.reshape(tile), B)
    point_cls, point_reg = _head(r0.reshape(N, 96), r1.reshape(N, 96),
                                 r2.reshape(N, 96), w0, w1, w2,
                                 W_fc, W_cls, W_reg)
    n_, c_, d_, h_, w_ = spatial.shape
    spatial_features = spatial.reshape(n_, c_ * d_, h_, w_)
    return (point_cls, point_reg, spatial_features)

# --- scband reference (transcript-rebuilt; emitter-appended) ---
"""Pipeline reference for scband-height-compression-63599875719739 (READ-ONLY COPY).

The authoritative reference and input builder live on the scoring server;
editing this copy changes nothing except your own understanding.
"""

import jax, jax.numpy as jnp
import numpy as np


def _three_nn_idx(unknown, known, chunk=1024):
    # Brute-force 3-nearest-neighbor search (equivalent of pointnet2_utils.three_nn).
    # Indices are non-differentiable; computed under stop_gradient, chunked over queries.
    u = jax.lax.stop_gradient(unknown)
    k = jax.lax.stop_gradient(known)
    n = u.shape[0]

    def chunk_fn(uc):
        d2 = jnp.sum((uc[:, None, :] - k[None, :, :]) ** 2, axis=-1)  # (chunk, m)
        _, idx = jax.lax.top_k(-d2, 3)
        return idx

    uc = u.reshape(n // chunk, chunk, 3)
    idx = jax.lax.map(chunk_fn, uc).reshape(n, 3)
    return idx


def _nearest_neighbor_interpolate(unknown, known, known_feats):
    # unknown: (n, 3), known: (m, 3), known_feats: (m, C) -> (n, C)
    idx = _three_nn_idx(unknown, known)           # (n, 3) int32
    nn_pos = known[idx]                           # (n, 3, 3) gather
    dist = jnp.sqrt(jnp.sum((unknown[:, None, :] - nn_pos) ** 2, axis=-1) + 1e-12)
    dist_recip = 1.0 / (dist + 1e-8)
    norm = jnp.sum(dist_recip, axis=1, keepdims=True)
    weight = dist_recip / norm                    # (n, 3)
    feats = known_feats[idx]                      # (n, 3, C) gather
    return jnp.sum(feats * weight[..., None], axis=1)


def setup_inputs(seed: int = 0):
    key = jax.random.key(seed)
    ks = jax.random.split(key, 12)
    N = 16384
    lo = jnp.array([0.0, -40.0, -3.0], dtype=jnp.float32)
    rng = jnp.array([70.4, 80.0, 4.0], dtype=jnp.float32)
    unknown = jax.random.uniform(ks[0], (N, 3), dtype=jnp.float32) * rng + lo
    known0 = jax.random.uniform(ks[1], (8192, 3), dtype=jnp.float32) * rng + lo
    feat0 = jax.random.normal(ks[2], (8192, 32), dtype=jnp.float32)
    known1 = jax.random.uniform(ks[3], (2048, 3), dtype=jnp.float32) * rng + lo
    feat1 = jax.random.normal(ks[4], (2048, 32), dtype=jnp.float32)
    known2 = jax.random.uniform(ks[5], (512, 3), dtype=jnp.float32) * rng + lo
    feat2 = jax.random.normal(ks[6], (512, 32), dtype=jnp.float32)
    spatial = jax.random.normal(ks[7], (1, 128, 2, 200, 176), dtype=jnp.float32)
    W_fc = jax.random.normal(ks[8], (96, 64), dtype=jnp.float32) * 0.05
    W_cls = jax.random.normal(ks[9], (64, 1), dtype=jnp.float32) * 0.05
    W_reg = jax.random.normal(ks[10], (64, 3), dtype=jnp.float32) * 0.05
    return {"unknown": unknown, "known0": known0, "feat0": feat0,
            "known1": known1, "feat1": feat1, "known2": known2, "feat2": feat2,
            "spatial": spatial, "W_fc": W_fc, "W_cls": W_cls, "W_reg": W_reg}


def reference(unknown, known0, feat0, known1, feat1, known2, feat2, spatial, W_fc, W_cls, W_reg):
    p0 = _nearest_neighbor_interpolate(unknown, known0, feat0)  # (N, 32)
    p1 = _nearest_neighbor_interpolate(unknown, known1, feat1)  # (N, 32)
    p2 = _nearest_neighbor_interpolate(unknown, known2, feat2)  # (N, 32)
    pointwise = jnp.concatenate([p0, p1, p2], axis=-1) @ W_fc   # (N, 64)
    point_cls = pointwise @ W_cls                               # (N, 1)
    point_reg = pointwise @ W_reg                               # (N, 3)
    n_, c_, d_, h_, w_ = spatial.shape
    spatial_features = spatial.reshape(n_, c_ * d_, h_, w_)     # (1, 256, 200, 176)
    return (point_cls, point_reg, spatial_features)

if __name__ == "__main__":
    import jax
    _d = setup_inputs()
    print(jax.jit(kernel)(*tuple(_d.values())))

</pallas_src>

<mosaic_0001>
#map = affine_map<(d0, d1) -> (0, 0)>
#map1 = affine_map<(d0, d1) -> (0, 0, 0)>
module attributes {stable_mosaic.version = 14 : i64} {
  func.func @k(%arg0: i32, %arg1: i32, %arg2: memref<8192x32xf32, #tpu.memory_space<hbm>>, %arg3: memref<2048x32xf32, #tpu.memory_space<hbm>>, %arg4: memref<512x32xf32, #tpu.memory_space<hbm>>, %arg5: memref<32x12x128xi32, #tpu.memory_space<hbm>>, %arg6: memref<32x12x128xi32, #tpu.memory_space<hbm>>, %arg7: memref<32x12x128xi32, #tpu.memory_space<hbm>>, %arg8: memref<49152x32xf32, #tpu.memory_space<hbm>>, %arg9: memref<49152x32xf32, #tpu.memory_space<hbm>>, %arg10: memref<49152x32xf32, #tpu.memory_space<hbm>>, %arg11: memref<12x128xi32, #tpu.memory_space<vmem>>, %arg12: memref<1536x32xf32, #tpu.memory_space<vmem>>, %arg13: memref<!tpu.dma_semaphore, #tpu.memory_space<semaphore_mem>>) attributes {dimension_semantics = [#tpu.dimension_semantics<core_parallel>, #tpu.dimension_semantics<subcore_parallel>], iteration_bounds = array<i64: 2, 16>, scalar_prefetch = 0 : i64, scratch_operands = 3 : i64, tpu.core_type = #tpu.core_type<sc_vector_subcore>, window_params = [{transform_indices = #map}, {transform_indices = #map}, {transform_indices = #map}, {transform_indices = #map1}, {transform_indices = #map1}, {transform_indices = #map1}, {transform_indices = #map}, {transform_indices = #map}, {transform_indices = #map}]} {
    %mul3A = arith.constant 2 : i32
    %mul3A_0 = arith.muli %arg1, %mul3A : i32
    %add3A = arith.addi %mul3A_0, %arg0 : i32
    %mul3A_1 = arith.constant 1536 : i32
    %mul3A_2 = arith.muli %add3A, %mul3A_1 : i32
    "tpu.region"() ({
      %run_scoped3A = tpu.sem_alloc : memref<!tpu.dma_semaphore, #tpu.memory_space<semaphore_mem>>
      %dma_start3A_721 = arith.constant 0 : i32
      %dma_start3A_722 = arith.constant 0 : i32
      %dma_start3A_723 = tpu.memref_slice %arg5[%add3A, %dma_start3A_721, %dma_start3A_722] : memref<32x12x128xi32, #tpu.memory_space<hbm>> -> memref<1x12x128xi32, #tpu.memory_space<hbm>>
      %dma_start3A_724 = tpu.memref_squeeze %dma_start3A_723 : memref<1x12x128xi32, #tpu.memory_space<hbm>> -> memref<12x128xi32, #tpu.memory_space<hbm>>
      %dma_start3A_725 = arith.constant 0 : i32
      %dma_start3A_726 = arith.constant 0 : i32
      %dma_start3A_727 = tpu.memref_slice %arg5[%add3A, %dma_start3A_725, %dma_start3A_726] : memref<32x12x128xi32, #tpu.memory_space<hbm>> -> memref<1x12x128xi32, #tpu.memory_space<hbm>>
      %dma_start3A_728 = tpu.memref_squeeze %dma_start3A_727 : memref<1x12x128xi32, #tpu.memory_space<hbm>> -> memref<12x128xi32, #tpu.memory_space<hbm>>
      tpu.enqueue_dma source(%dma_start3A_728 : memref<12x128xi32, #tpu.memory_space<hbm>>) target(%arg11 : memref<12x128xi32, #tpu.memory_space<vmem>>) target_semaphore(%run_scoped3A : memref<!tpu.dma_semaphore, #tpu.memory_space<semaphore_mem>>)
      %dma_wait3A_729 = arith.constant 0 : i32
      %dma_wait3A_730 = arith.constant 0 : i32
      %dma_wait3A_731 = tpu.memref_slice %arg5[%add3A, %dma_wait3A_729, %dma_wait3A_730] : memref<32x12x128xi32, #tpu.memory_space<hbm>> -> memref<1x12x128xi32, #tpu.memory_space<hbm>>
      %dma_wait3A_732 = tpu.memref_squeeze %dma_wait3A_731 : memref<1x12x128xi32, #tpu.memory_space<hbm>> -> memref<12x128xi32, #tpu.memory_space<hbm>>
      %dma_wait3A_733 = arith.constant 0 : i32
      %dma_wait3A_734 = arith.constant 0 : i32
      %dma_wait3A_735 = tpu.memref_slice %arg5[%add3A, %dma_wait3A_733, %dma_wait3A_734] : memref<32x12x128xi32, #tpu.memory_space<hbm>> -> memref<1x12x128xi32, #tpu.memory_space<hbm>>
      %dma_wait3A_736 = tpu.memref_squeeze %dma_wait3A_735 : memref<1x12x128xi32, #tpu.memory_space<hbm>> -> memref<12x128xi32, #tpu.memory_space<hbm>>
      tpu.wait_dma2 semaphore(%run_scoped3A : memref<!tpu.dma_semaphore, #tpu.memory_space<semaphore_mem>>) src(%dma_wait3A_736 : memref<12x128xi32, #tpu.memory_space<hbm>>) dst(%arg11 : memref<12x128xi32, #tpu.memory_space<vmem>>)
      tpu.yield
    }) : () -> ()
    %dma_start3A = arith.constant 0 : i32
    %dma_start3A_3 = arith.constant 0 : i32
    %dma_start3A_4 = arith.constant 0 : i32
    %dma_start3A_5 = tpu.memref_slice %arg12[%dma_start3A_3, %dma_start3A_4] : memref<1536x32xf32, #tpu.memory_space<vmem>> -> memref<128x32xf32, #tpu.memory_space<vmem>>
    %dma_start3A_6 = arith.constant 0 : i32
    %dma_start3A_7 = tpu.memref_slice %arg11[%dma_start3A, %dma_start3A_6] : memref<12x128xi32, #tpu.memory_space<vmem>> -> memref<1x128xi32, #tpu.memory_space<vmem>>
    %dma_start3A_8 = tpu.memref_squeeze %dma_start3A_7 : memref<1x128xi32, #tpu.memory_space<vmem>> -> memref<128xi32, #tpu.memory_space<vmem>>
    %dma_start3A_9 = arith.constant 0 : i32
    %dma_start3A_10 = arith.constant 0 : i32
    %dma_start3A_11 = tpu.memref_slice %arg2[%dma_start3A_9, %dma_start3A_10] : memref<8192x32xf32, #tpu.memory_space<hbm>> -> memref<8192x32xf32, #tpu.memory_space<hbm>>
    tpu.enqueue_indirect_dma source(%dma_start3A_11 : memref<8192x32xf32, #tpu.memory_space<hbm>>) target(%dma_start3A_5 : memref<128x32xf32, #tpu.memory_space<vmem>>) offsets(%dma_start3A_8 : memref<128xi32, #tpu.memory_space<vmem>>) semaphore(%arg13 : memref<!tpu.dma_semaphore, #tpu.memory_space<semaphore_mem>>)
    %dma_start3A_12 = arith.constant 1 : i32
    %dma_start3A_13 = arith.constant 128 : i32
    %dma_start3A_14 = arith.constant 0 : i32
    %dma_start3A_15 = tpu.memref_slice %arg12[%dma_start3A_13, %dma_start3A_14] : memref<1536x32xf32, #tpu.memory_space<vmem>> -> memref<128x32xf32, #tpu.memory_space<vmem>>
    %dma_start3A_16 = arith.constant 0 : i32
    %dma_start3A_17 = tpu.memref_slice %arg11[%dma_start3A_12, %dma_start3A_16] : memref<12x128xi32, #tpu.memory_space<vmem>> -> memref<1x128xi32, #tpu.memory_space<vmem>>
    %dma_start3A_18 = tpu.memref_squeeze %dma_start3A_17 : memref<1x128xi32, #tpu.memory_space<vmem>> -> memref<128xi32, #tpu.memory_space<vmem>>
    %dma_start3A_19 = arith.constant 0 : i32
    %dma_start3A_20 = arith.constant 0 : i32
    %dma_start3A_21 = tpu.memref_slice %arg2[%dma_start3A_19, %dma_start3A_20] : memref<8192x32xf32, #tpu.memory_space<hbm>> -> memref<8192x32xf32, #tpu.memory_space<hbm>>
    tpu.enqueue_indirect_dma source(%dma_start3A_21 : memref<8192x32xf32, #tpu.memory_space<hbm>>) target(%dma_start3A_15 : memref<128x32xf32, #tpu.memory_space<vmem>>) offsets(%dma_start3A_18 : memref<128xi32, #tpu.memory_space<vmem>>) semaphore(%arg13 : memref<!tpu.dma_semaphore, #tpu.memory_space<semaphore_mem>>)
    %dma_start3A_22 = arith.constant 2 : i32
    %dma_start3A_23 = arith.constant 256 : i32
    %dma_start3A_24 = arith.constant 0 : i32
    %dma_start3A_25 = tpu.memref_slice %arg12[%dma_start3A_23, %dma_start3A_24] : memref<1536x32xf32, #tpu.memory_space<vmem>> -> memref<128x32xf32, #tpu.memory_space<vmem>>
    %dma_start3A_26 = arith.constant 0 : i32
    %dma_start3A_27 = tpu.memref_slice %arg11[%dma_start3A_22, %dma_start3A_26] : memref<12x128xi32, #tpu.memory_space<vmem>> -> memref<1x128xi32, #tpu.memory_space<vmem>>
    %dma_start3A_28 = tpu.memref_squeeze %dma_start3A_27 : memref<1x128xi32, #tpu.memory_space<vmem>> -> memref<128xi32, #tpu.memory_space<vmem>>
    %dma_start3A_29 = arith.constant 0 : i32
    %dma_start3A_30 = arith.constant 0 : i32
    %dma_start3A_31 = tpu.memref_slice %arg2[%dma_start3A_29, %dma_start3A_30] : memref<8192x32xf32, #tpu.memory_space<hbm>> -> memref<8192x32xf32, #tpu.memory_space<hbm>>
    tpu.enqueue_indirect_dma source(%dma_start3A_31 : memref<8192x32xf32, #tpu.memory_space<hbm>>) target(%dma_start3A_25 : memref<128x32xf32, #tpu.memory_space<vmem>>) offsets(%dma_start3A_28 : memref<128xi32, #tpu.memory_space<vmem>>) semaphore(%arg13 : memref<!tpu.dma_semaphore, #tpu.memory_space<semaphore_mem>>)
    %dma_start3A_32 = arith.constant 3 : i32
    %dma_start3A_33 = arith.constant 384 : i32
    %dma_start3A_34 = arith.constant 0 : i32
    %dma_start3A_35 = tpu.memref_slice %arg12[%dma_start3A_33, %dma_start3A_34] : memref<1536x32xf32, #tpu.memory_space<vmem>> -> memref<128x32xf32, #tpu.memory_space<vmem>>
    %dma_start3A_36 = arith.constant 0 : i32
    %dma_start3A_37 = tpu.memref_slice %arg11[%dma_start3A_32, %dma_start3A_36] : memref<12x128xi32, #tpu.memory_space<vmem>> -> memref<1x128xi32, #tpu.memory_space<vmem>>
    %dma_start3A_38 = tpu.memref_squeeze %dma_start3A_37 : memref<1x128xi32, #tpu.memory_space<vmem>> -> memref<128xi32, #tpu.memory_space<vmem>>
    %dma_start3A_39 = arith.constant 0 : i32
    %dma_start3A_40 = arith.constant 0 : i32
    %dma_start3A_41 = tpu.memref_slice %arg2[%dma_start3A_39, %dma_start3A_40] : memref<8192x32xf32, #tpu.memory_space<hbm>> -> memref<8192x32xf32, #tpu.memory_space<hbm>>
    tpu.enqueue_indirect_dma source(%dma_start3A_41 : memref<8192x32xf32, #tpu.memory_space<hbm>>) target(%dma_start3A_35 : memref<128x32xf32, #tpu.memory_space<vmem>>) offsets(%dma_start3A_38 : memref<128xi32, #tpu.memory_space<vmem>>) semaphore(%arg13 : memref<!tpu.dma_semaphore, #tpu.memory_space<semaphore_mem>>)
    %dma_start3A_42 = arith.constant 4 : i32
    %dma_start3A_43 = arith.constant 512 : i32
    %dma_start3A_44 = arith.constant 0 : i32
    %dma_start3A_45 = tpu.memref_slice %arg12[%dma_start3A_43, %dma_start3A_44] : memref<1536x32xf32, #tpu.memory_space<vmem>> -> memref<128x32xf32, #tpu.memory_space<vmem>>
    %dma_start3A_46 = arith.constant 0 : i32
    %dma_start3A_47 = tpu.memref_slice %arg11[%dma_start3A_42, %dma_start3A_46] : memref<12x128xi32, #tpu.memory_space<vmem>> -> memref<1x128xi32, #tpu.memory_space<vmem>>
    %dma_start3A_48 = tpu.memref_squeeze %dma_start3A_47 : memref<1x128xi32, #tpu.memory_space<vmem>> -> memref<128xi32, #tpu.memory_space<vmem>>
    %dma_start3A_49 = arith.constant 0 : i32
    %dma_start3A_50 = arith.constant 0 : i32
    %dma_start3A_51 = tpu.memref_slice %arg2[%dma_start3A_49, %dma_start3A_50] : memref<8192x32xf32, #tpu.memory_space<hbm>> -> memref<8192x32xf32, #tpu.memory_space<hbm>>
    tpu.enqueue_indirect_dma source(%dma_start3A_51 : memref<8192x32xf32, #tpu.memory_space<hbm>>) target(%dma_start3A_45 : memref<128x32xf32, #tpu.memory_space<vmem>>) offsets(%dma_start3A_48 : memref<128xi32, #tpu.memory_space<vmem>>) semaphore(%arg13 : memref<!tpu.dma_semaphore, #tpu.memory_space<semaphore_mem>>)
    %dma_start3A_52 = arith.constant 5 : i32
    %dma_start3A_53 = arith.constant 640 : i32
    %dma_start3A_54 = arith.constant 0 : i32
    %dma_start3A_55 = tpu.memref_slice %arg12[%dma_start3A_53, %dma_start3A_54] : memref<1536x32xf32, #tpu.memory_space<vmem>> -> memref<128x32xf32, #tpu.memory_space<vmem>>
    %dma_start3A_56 = arith.constant 0 : i32
    %dma_start3A_57 = tpu.memref_slice %arg11[%dma_start3A_52, %dma_start3A_56] : memref<12x128xi32, #tpu.memory_space<vmem>> -> memref<1x128xi32, #tpu.memory_space<vmem>>
    %dma_start3A_58 = tpu.memref_squeeze %dma_start3A_57 : memref<1x128xi32, #tpu.memory_space<vmem>> -> memref<128xi32, #tpu.memory_space<vmem>>
    %dma_start3A_59 = arith.constant 0 : i32
    %dma_start3A_60 = arith.constant 0 : i32
    %dma_start3A_61 = tpu.memref_slice %arg2[%dma_start3A_59, %dma_start3A_60] : memref<8192x32xf32, #tpu.memory_space<hbm>> -> memref<8192x32xf32, #tpu.memory_space<hbm>>
    tpu.enqueue_indirect_dma source(%dma_start3A_61 : memref<8192x32xf32, #tpu.memory_space<hbm>>) target(%dma_start3A_55 : memref<128x32xf32, #tpu.memory_space<vmem>>) offsets(%dma_start3A_58 : memref<128xi32, #tpu.memory_space<vmem>>) semaphore(%arg13 : memref<!tpu.dma_semaphore, #tpu.memory_space<semaphore_mem>>)
    %dma_start3A_62 = arith.constant 6 : i32
    %dma_start3A_63 = arith.constant 768 : i32
    %dma_start3A_64 = arith.constant 0 : i32
    %dma_start3A_65 = tpu.memref_slice %arg12[%dma_start3A_63, %dma_start3A_64] : memref<1536x32xf32, #tpu.memory_space<vmem>> -> memref<128x32xf32, #tpu.memory_space<vmem>>
    %dma_start3A_66 = arith.constant 0 : i32
    %dma_start3A_67 = tpu.memref_slice %arg11[%dma_start3A_62, %dma_start3A_66] : memref<12x128xi32, #tpu.memory_space<vmem>> -> memref<1x128xi32, #tpu.memory_space<vmem>>
    %dma_start3A_68 = tpu.memref_squeeze %dma_start3A_67 : memref<1x128xi32, #tpu.memory_space<vmem>> -> memref<128xi32, #tpu.memory_space<vmem>>
    %dma_start3A_69 = arith.constant 0 : i32
    %dma_start3A_70 = arith.constant 0 : i32
    %dma_start3A_71 = tpu.memref_slice %arg2[%dma_start3A_69, %dma_start3A_70] : memref<8192x32xf32, #tpu.memory_space<hbm>> -> memref<8192x32xf32, #tpu.memory_space<hbm>>
    tpu.enqueue_indirect_dma source(%dma_start3A_71 : memref<8192x32xf32, #tpu.memory_space<hbm>>) target(%dma_start3A_65 : memref<128x32xf32, #tpu.memory_space<vmem>>) offsets(%dma_start3A_68 : memref<128xi32, #tpu.memory_space<vmem>>) semaphore(%arg13 : memref<!tpu.dma_semaphore, #tpu.memory_space<semaphore_mem>>)
    %dma_start3A_72 = arith.constant 7 : i32
    %dma_start3A_73 = arith.constant 896 : i32
    %dma_start3A_74 = arith.constant 0 : i32
    %dma_start3A_75 = tpu.memref_slice %arg12[%dma_start3A_73, %dma_start3A_74] : memref<1536x32xf32, #tpu.memory_space<vmem>> -> memref<128x32xf32, #tpu.memory_space<vmem>>
    %dma_start3A_76 = arith.constant 0 : i32
    %dma_start3A_77 = tpu.memref_slice %arg11[%dma_start3A_72, %dma_start3A_76] : memref<12x128xi32, #tpu.memory_space<vmem>> -> memref<1x128xi32, #tpu.memory_space<vmem>>
    %dma_start3A_78 = tpu.memref_squeeze %dma_start3A_77 : memref<1x128xi32, #tpu.memory_space<vmem>> -> memref<128xi32, #tpu.memory_space<vmem>>
    %dma_start3A_79 = arith.constant 0 : i32
    %dma_start3A_80 = arith.constant 0 : i32
    %dma_start3A_81 = tpu.memref_slice %arg2[%dma_start3A_79, %dma_start3A_80] : memref<8192x32xf32, #tpu.memory_space<hbm>> -> memref<8192x32xf32, #tpu.memory_space<hbm>>
    tpu.enqueue_indirect_dma source(%dma_start3A_81 : memref<8192x32xf32, #tpu.memory_space<hbm>>) target(%dma_start3A_75 : memref<128x32xf32, #tpu.memory_space<vmem>>) offsets(%dma_start3A_78 : memref<128xi32, #tpu.memory_space<vmem>>) semaphore(%arg13 : memref<!tpu.dma_semaphore, #tpu.memory_space<semaphore_mem>>)
    %dma_start3A_82 = arith.constant 8 : i32
    %dma_start3A_83 = arith.constant 1024 : i32
    %dma_start3A_84 = arith.constant 0 : i32
    %dma_start3A_85 = tpu.memref_slice %arg12[%dma_start3A_83, %dma_start3A_84] : memref<1536x32xf32, #tpu.memory_space<vmem>> -> memref<128x32xf32, #tpu.memory_space<vmem>>
    %dma_start3A_86 = arith.constant 0 : i32
    %dma_start3A_87 = tpu.memref_slice %arg11[%dma_start3A_82, %dma_start3A_86] : memref<12x128xi32, #tpu.memory_space<vmem>> -> memref<1x128xi32, #tpu.memory_space<vmem>>
    %dma_start3A_88 = tpu.memref_squeeze %dma_start3A_87 : memref<1x128xi32, #tpu.memory_space<vmem>> -> memref<128xi32, #tpu.memory_space<vmem>>
    %dma_start3A_89 = arith.constant 0 : i32
    %dma_start3A_90 = arith.constant 0 : i32
    %dma_start3A_91 = tpu.memref_slice %arg2[%dma_start3A_89, %dma_start3A_90] : memref<8192x32xf32, #tpu.memory_space<hbm>> -> memref<8192x32xf32, #tpu.memory_space<hbm>>
    tpu.enqueue_indirect_dma source(%dma_start3A_91 : memref<8192x32xf32, #tpu.memory_space<hbm>>) target(%dma_start3A_85 : memref<128x32xf32, #tpu.memory_space<vmem>>) offsets(%dma_start3A_88 : memref<128xi32, #tpu.memory_space<vmem>>) semaphore(%arg13 : memref<!tpu.dma_semaphore, #tpu.memory_space<semaphore_mem>>)
    %dma_start3A_92 = arith.constant 9 : i32
    %dma_start3A_93 = arith.constant 1152 : i32
    %dma_start3A_94 = arith.constant 0 : i32
    %dma_start3A_95 = tpu.memref_slice %arg12[%dma_start3A_93, %dma_start3A_94] : memref<1536x32xf32, #tpu.memory_space<vmem>> -> memref<128x32xf32, #tpu.memory_space<vmem>>
    %dma_start3A_96 = arith.constant 0 : i32
    %dma_start3A_97 = tpu.memref_slice %arg11[%dma_start3A_92, %dma_start3A_96] : memref<12x128xi32, #tpu.memory_space<vmem>> -> memref<1x128xi32, #tpu.memory_space<vmem>>
    %dma_start3A_98 = tpu.memref_squeeze %dma_start3A_97 : memref<1x128xi32, #tpu.memory_space<vmem>> -> memref<128xi32, #tpu.memory_space<vmem>>
    %dma_start3A_99 = arith.constant 0 : i32
    %dma_start3A_100 = arith.constant 0 : i32
    %dma_start3A_101 = tpu.memref_slice %arg2[%dma_start3A_99, %dma_start3A_100] : memref<8192x32xf32, #tpu.memory_space<hbm>> -> memref<8192x32xf32, #tpu.memory_space<hbm>>
    tpu.enqueue_indirect_dma source(%dma_start3A_101 : memref<8192x32xf32, #tpu.memory_space<hbm>>) target(%dma_start3A_95 : memref<128x32xf32, #tpu.memory_space<vmem>>) offsets(%dma_start3A_98 : memref<128xi32, #tpu.memory_space<vmem>>) semaphore(%arg13 : memref<!tpu.dma_semaphore, #tpu.memory_space<semaphore_mem>>)
    %dma_start3A_102 = arith.constant 10 : i32
    %dma_start3A_103 = arith.constant 1280 : i32
    %dma_start3A_104 = arith.constant 0 : i32
    %dma_start3A_105 = tpu.memref_slice %arg12[%dma_start3A_103, %dma_start3A_104] : memref<1536x32xf32, #tpu.memory_space<vmem>> -> memref<128x32xf32, #tpu.memory_space<vmem>>
    %dma_start3A_106 = arith.constant 0 : i32
    %dma_start3A_107 = tpu.memref_slice %arg11[%dma_start3A_102, %dma_start3A_106] : memref<12x128xi32, #tpu.memory_space<vmem>> -> memref<1x128xi32, #tpu.memory_space<vmem>>
    %dma_start3A_108 = tpu.memref_squeeze %dma_start3A_107 : memref<1x128xi32, #tpu.memory_space<vmem>> -> memref<128xi32, #tpu.memory_space<vmem>>
    %dma_start3A_109 = arith.constant 0 : i32
    %dma_start3A_110 = arith.constant 0 : i32
    %dma_start3A_111 = tpu.memref_slice %arg2[%dma_start3A_109, %dma_start3A_110] : memref<8192x32xf32, #tpu.memory_space<hbm>> -> memref<8192x32xf32, #tpu.memory_space<hbm>>
    tpu.enqueue_indirect_dma source(%dma_start3A_111 : memref<8192x32xf32, #tpu.memory_space<hbm>>) target(%dma_start3A_105 : memref<128x32xf32, #tpu.memory_space<vmem>>) offsets(%dma_start3A_108 : memref<128xi32, #tpu.memory_space<vmem>>) semaphore(%arg13 : memref<!tpu.dma_semaphore, #tpu.memory_space<semaphore_mem>>)
    %dma_start3A_112 = arith.constant 11 : i32
    %dma_start3A_113 = arith.constant 1408 : i32
    %dma_start3A_114 = arith.constant 0 : i32
    %dma_start3A_115 = tpu.memref_slice %arg12[%dma_start3A_113, %dma_start3A_114] : memref<1536x32xf32, #tpu.memory_space<vmem>> -> memref<128x32xf32, #tpu.memory_space<vmem>>
    %dma_start3A_116 = arith.constant 0 : i32
    %dma_start3A_117 = tpu.memref_slice %arg11[%dma_start3A_112, %dma_start3A_116] : memref<12x128xi32, #tpu.memory_space<vmem>> -> memref<1x128xi32, #tpu.memory_space<vmem>>
    %dma_start3A_118 = tpu.memref_squeeze %dma_start3A_117 : memref<1x128xi32, #tpu.memory_space<vmem>> -> memref<128xi32, #tpu.memory_space<vmem>>
    %dma_start3A_119 = arith.constant 0 : i32
    %dma_start3A_120 = arith.constant 0 : i32
    %dma_start3A_121 = tpu.memref_slice %arg2[%dma_start3A_119, %dma_start3A_120] : memref<8192x32xf32, #tpu.memory_space<hbm>> -> memref<8192x32xf32, #tpu.memory_space<hbm>>
    tpu.enqueue_indirect_dma source(%dma_start3A_121 : memref<8192x32xf32, #tpu.memory_space<hbm>>) target(%dma_start3A_115 : memref<128x32xf32, #tpu.memory_space<vmem>>) offsets(%dma_start3A_118 : memref<128xi32, #tpu.memory_space<vmem>>) semaphore(%arg13 : memref<!tpu.dma_semaphore, #tpu.memory_space<semaphore_mem>>)
    %dma_wait3A = arith.constant 0 : i32
    %dma_wait3A_122 = arith.constant 0 : i32
    %dma_wait3A_123 = arith.constant 0 : i32
    %dma_wait3A_124 = tpu.memref_slice %arg12[%dma_wait3A_122, %dma_wait3A_123] : memref<1536x32xf32, #tpu.memory_space<vmem>> -> memref<128x32xf32, #tpu.memory_space<vmem>>
    %dma_wait3A_125 = arith.constant 0 : i32
    %dma_wait3A_126 = tpu.memref_slice %arg11[%dma_wait3A, %dma_wait3A_125] : memref<12x128xi32, #tpu.memory_space<vmem>> -> memref<1x128xi32, #tpu.memory_space<vmem>>
    %dma_wait3A_127 = tpu.memref_squeeze %dma_wait3A_126 : memref<1x128xi32, #tpu.memory_space<vmem>> -> memref<128xi32, #tpu.memory_space<vmem>>
    %dma_wait3A_128 = arith.constant 0 : i32
    %dma_wait3A_129 = arith.constant 0 : i32
    %dma_wait3A_130 = tpu.memref_slice %arg2[%dma_wait3A_128, %dma_wait3A_129] : memref<8192x32xf32, #tpu.memory_space<hbm>> -> memref<8192x32xf32, #tpu.memory_space<hbm>>
    tpu.wait_indirect_dma semaphore(%arg13 : memref<!tpu.dma_semaphore, #tpu.memory_space<semaphore_mem>>) src(%dma_wait3A_130 : memref<8192x32xf32, #tpu.memory_space<hbm>>) dst(%dma_wait3A_124 : memref<128x32xf32, #tpu.memory_space<vmem>>)
    %dma_wait3A_131 = arith.constant 1 : i32
    %dma_wait3A_132 = arith.constant 128 : i32
    %dma_wait3A_133 = arith.constant 0 : i32
    %dma_wait3A_134 = tpu.memref_slice %arg12[%dma_wait3A_132, %dma_wait3A_133] : memref<1536x32xf32, #tpu.memory_space<vmem>> -> memref<128x32xf32, #tpu.memory_space<vmem>>
    %dma_wait3A_135 = arith.constant 0 : i32
    %dma_wait3A_136 = tpu.memref_slice %arg11[%dma_wait3A_131, %dma_wait3A_135] : memref<12x128xi32, #tpu.memory_space<vmem>> -> memref<1x128xi32, #tpu.memory_space<vmem>>
    %dma_wait3A_137 = tpu.memref_squeeze %dma_wait3A_136 : memref<1x128xi32, #tpu.memory_space<vmem>> -> memref<128xi32, #tpu.memory_space<vmem>>
    %dma_wait3A_138 = arith.constant 0 : i32
    %dma_wait3A_139 = arith.constant 0 : i32
    %dma_wait3A_140 = tpu.memref_slice %arg2[%dma_wait3A_138, %dma_wait3A_139] : memref<8192x32xf32, #tpu.memory_space<hbm>> -> memref<8192x32xf32, #tpu.memory_space<hbm>>
    tpu.wait_indirect_dma semaphore(%arg13 : memref<!tpu.dma_semaphore, #tpu.memory_space<semaphore_mem>>) src(%dma_wait3A_140 : memref<8192x32xf32, #tpu.memory_space<hbm>>) dst(%dma_wait3A_134 : memref<128x32xf32, #tpu.memory_space<vmem>>)
    %dma_wait3A_141 = arith.constant 2 : i32
    %dma_wait3A_142 = arith.constant 256 : i32
    %dma_wait3A_143 = arith.constant 0 : i32
    %dma_wait3A_144 = tpu.memref_slice %arg12[%dma_wait3A_142, %dma_wait3A_143] : memref<1536x32xf32, #tpu.memory_space<vmem>> -> memref<128x32xf32, #tpu.memory_space<vmem>>
    %dma_wait3A_145 = arith.constant 0 : i32
    %dma_wait3A_146 = tpu.memref_slice %arg11[%dma_wait3A_141, %dma_wait3A_145] : memref<12x128xi32, #tpu.memory_space<vmem>> -> memref<1x128xi32, #tpu.memory_space<vmem>>
    %dma_wait3A_147 = tpu.memref_squeeze %dma_wait3A_146 : memref<1x128xi32, #tpu.memory_space<vmem>> -> memref<128xi32, #tpu.memory_space<vmem>>
    %dma_wait3A_148 = arith.constant 0 : i32
    %dma_wait3A_149 = arith.constant 0 : i32
    %dma_wait3A_150 = tpu.memref_slice %arg2[%dma_wait3A_148, %dma_wait3A_149] : memref<8192x32xf32, #tpu.memory_space<hbm>> -> memref<8192x32xf32, #tpu.memory_space<hbm>>
    tpu.wait_indirect_dma semaphore(%arg13 : memref<!tpu.dma_semaphore, #tpu.memory_space<semaphore_mem>>) src(%dma_wait3A_150 : memref<8192x32xf32, #tpu.memory_space<hbm>>) dst(%dma_wait3A_144 : memref<128x32xf32, #tpu.memory_space<vmem>>)
    %dma_wait3A_151 = arith.constant 3 : i32
    %dma_wait3A_152 = arith.constant 384 : i32
    %dma_wait3A_153 = arith.constant 0 : i32
    %dma_wait3A_154 = tpu.memref_slice %arg12[%dma_wait3A_152, %dma_wait3A_153] : memref<1536x32xf32, #tpu.memory_space<vmem>> -> memref<128x32xf32, #tpu.memory_space<vmem>>
    %dma_wait3A_155 = arith.constant 0 : i32
    %dma_wait3A_156 = tpu.memref_slice %arg11[%dma_wait3A_151, %dma_wait3A_155] : memref<12x128xi32, #tpu.memory_space<vmem>> -> memref<1x128xi32, #tpu.memory_space<vmem>>
    %dma_wait3A_157 = tpu.memref_squeeze %dma_wait3A_156 : memref<1x128xi32, #tpu.memory_space<vmem>> -> memref<128xi32, #tpu.memory_space<vmem>>
    %dma_wait3A_158 = arith.constant 0 : i32
    %dma_wait3A_159 = arith.constant 0 : i32
    %dma_wait3A_160 = tpu.memref_slice %arg2[%dma_wait3A_158, %dma_wait3A_159] : memref<8192x32xf32, #tpu.memory_space<hbm>> -> memref<8192x32xf32, #tpu.memory_space<hbm>>
    tpu.wait_indirect_dma semaphore(%arg13 : memref<!tpu.dma_semaphore, #tpu.memory_space<semaphore_mem>>) src(%dma_wait3A_160 : memref<8192x32xf32, #tpu.memory_space<hbm>>) dst(%dma_wait3A_154 : memref<128x32xf32, #tpu.memory_space<vmem>>)
    %dma_wait3A_161 = arith.constant 4 : i32
    %dma_wait3A_162 = arith.constant 512 : i32
    %dma_wait3A_163 = arith.constant 0 : i32
    %dma_wait3A_164 = tpu.memref_slice %arg12[%dma_wait3A_162, %dma_wait3A_163] : memref<1536x32xf32, #tpu.memory_space<vmem>> -> memref<128x32xf32, #tpu.memory_space<vmem>>
    %dma_wait3A_165 = arith.constant 0 : i32
    %dma_wait3A_166 = tpu.memref_slice %arg11[%dma_wait3A_161, %dma_wait3A_165] : memref<12x128xi32, #tpu.memory_space<vmem>> -> memref<1x128xi32, #tpu.memory_space<vmem>>
    %dma_wait3A_167 = tpu.memref_squeeze %dma_wait3A_166 : memref<1x128xi32, #tpu.memory_space<vmem>> -> memref<128xi32, #tpu.memory_space<vmem>>
    %dma_wait3A_168 = arith.constant 0 : i32
    %dma_wait3A_169 = arith.constant 0 : i32
    %dma_wait3A_170 = tpu.memref_slice %arg2[%dma_wait3A_168, %dma_wait3A_169] : memref<8192x32xf32, #tpu.memory_space<hbm>> -> memref<8192x32xf32, #tpu.memory_space<hbm>>
    tpu.wait_indirect_dma semaphore(%arg13 : memref<!tpu.dma_semaphore, #tpu.memory_space<semaphore_mem>>) src(%dma_wait3A_170 : memref<8192x32xf32, #tpu.memory_space<hbm>>) dst(%dma_wait3A_164 : memref<128x32xf32, #tpu.memory_space<vmem>>)
    %dma_wait3A_171 = arith.constant 5 : i32
    %dma_wait3A_172 = arith.constant 640 : i32
    %dma_wait3A_173 = arith.constant 0 : i32
    %dma_wait3A_174 = tpu.memref_slice %arg12[%dma_wait3A_172, %dma_wait3A_173] : memref<1536x32xf32, #tpu.memory_space<vmem>> -> memref<128x32xf32, #tpu.memory_space<vmem>>
    %dma_wait3A_175 = arith.constant 0 : i32
    %dma_wait3A_176 = tpu.memref_slice %arg11[%dma_wait3A_171, %dma_wait3A_175] : memref<12x128xi32, #tpu.memory_space<vmem>> -> memref<1x128xi32, #tpu.memory_space<vmem>>
    %dma_wait3A_177 = tpu.memref_squeeze %dma_wait3A_176 : memref<1x128xi32, #tpu.memory_space<vmem>> -> memref<128xi32, #tpu.memory_space<vmem>>
    %dma_wait3A_178 = arith.constant 0 : i32
    %dma_wait3A_179 = arith.constant 0 : i32
    %dma_wait3A_180 = tpu.memref_slice %arg2[%dma_wait3A_178, %dma_wait3A_179] : memref<8192x32xf32, #tpu.memory_space<hbm>> -> memref<8192x32xf32, #tpu.memory_space<hbm>>
    tpu.wait_indirect_dma semaphore(%arg13 : memref<!tpu.dma_semaphore, #tpu.memory_space<semaphore_mem>>) src(%dma_wait3A_180 : memref<8192x32xf32, #tpu.memory_space<hbm>>) dst(%dma_wait3A_174 : memref<128x32xf32, #tpu.memory_space<vmem>>)
    %dma_wait3A_181 = arith.constant 6 : i32
    %dma_wait3A_182 = arith.constant 768 : i32
    %dma_wait3A_183 = arith.constant 0 : i32
    %dma_wait3A_184 = tpu.memref_slice %arg12[%dma_wait3A_182, %dma_wait3A_183] : memref<1536x32xf32, #tpu.memory_space<vmem>> -> memref<128x32xf32, #tpu.memory_space<vmem>>
    %dma_wait3A_185 = arith.constant 0 : i32
    %dma_wait3A_186 = tpu.memref_slice %arg11[%dma_wait3A_181, %dma_wait3A_185] : memref<12x128xi32, #tpu.memory_space<vmem>> -> memref<1x128xi32, #tpu.memory_space<vmem>>
    %dma_wait3A_187 = tpu.memref_squeeze %dma_wait3A_186 : memref<1x128xi32, #tpu.memory_space<vmem>> -> memref<128xi32, #tpu.memory_space<vmem>>
    %dma_wait3A_188 = arith.constant 0 : i32
    %dma_wait3A_189 = arith.constant 0 : i32
    %dma_wait3A_190 = tpu.memref_slice %arg2[%dma_wait3A_188, %dma_wait3A_189] : memref<8192x32xf32, #tpu.memory_space<hbm>> -> memref<8192x32xf32, #tpu.memory_space<hbm>>
    tpu.wait_indirect_dma semaphore(%arg13 : memref<!tpu.dma_semaphore, #tpu.memory_space<semaphore_mem>>) src(%dma_wait3A_190 : memref<8192x32xf32, #tpu.memory_space<hbm>>) dst(%dma_wait3A_184 : memref<128x32xf32, #tpu.memory_space<vmem>>)
    %dma_wait3A_191 = arith.constant 7 : i32
    %dma_wait3A_192 = arith.constant 896 : i32
    %dma_wait3A_193 = arith.constant 0 : i32
    %dma_wait3A_194 = tpu.memref_slice %arg12[%dma_wait3A_192, %dma_wait3A_193] : memref<1536x32xf32, #tpu.memory_space<vmem>> -> memref<128x32xf32, #tpu.memory_space<vmem>>
    %dma_wait3A_195 = arith.constant 0 : i32
    %dma_wait3A_196 = tpu.memref_slice %arg11[%dma_wait3A_191, %dma_wait3A_195] : memref<12x128xi32, #tpu.memory_space<vmem>> -> memref<1x128xi32, #tpu.memory_space<vmem>>
    %dma_wait3A_197 = tpu.memref_squeeze %dma_wait3A_196 : memref<1x128xi32, #tpu.memory_space<vmem>> -> memref<128xi32, #tpu.memory_space<vmem>>
    %dma_wait3A_198 = arith.constant 0 : i32
    %dma_wait3A_199 = arith.constant 0 : i32
    %dma_wait3A_200 = tpu.memref_slice %arg2[%dma_wait3A_198, %dma_wait3A_199] : memref<8192x32xf32, #tpu.memory_space<hbm>> -> memref<8192x32xf32, #tpu.memory_space<hbm>>
    tpu.wait_indirect_dma semaphore(%arg13 : memref<!tpu.dma_semaphore, #tpu.memory_space<semaphore_mem>>) src(%dma_wait3A_200 : memref<8192x32xf32, #tpu.memory_space<hbm>>) dst(%dma_wait3A_194 : memref<128x32xf32, #tpu.memory_space<vmem>>)
    %dma_wait3A_201 = arith.constant 8 : i32
    %dma_wait3A_202 = arith.constant 1024 : i32
    %dma_wait3A_203 = arith.constant 0 : i32
    %dma_wait3A_204 = tpu.memref_slice %arg12[%dma_wait3A_202, %dma_wait3A_203] : memref<1536x32xf32, #tpu.memory_space<vmem>> -> memref<128x32xf32, #tpu.memory_space<vmem>>
    %dma_wait3A_205 = arith.constant 0 : i32
    %dma_wait3A_206 = tpu.memref_slice %arg11[%dma_wait3A_201, %dma_wait3A_205] : memref<12x128xi32, #tpu.memory_space<vmem>> -> memref<1x128xi32, #tpu.memory_space<vmem>>
    %dma_wait3A_207 = tpu.memref_squeeze %dma_wait3A_206 : memref<1x128xi32, #tpu.memory_space<vmem>> -> memref<128xi32, #tpu.memory_space<vmem>>
    %dma_wait3A_208 = arith.constant 0 : i32
    %dma_wait3A_209 = arith.constant 0 : i32
    %dma_wait3A_210 = tpu.memref_slice %arg2[%dma_wait3A_208, %dma_wait3A_209] : memref<8192x32xf32, #tpu.memory_space<hbm>> -> memref<8192x32xf32, #tpu.memory_space<hbm>>
    tpu.wait_indirect_dma semaphore(%arg13 : memref<!tpu.dma_semaphore, #tpu.memory_space<semaphore_mem>>) src(%dma_wait3A_210 : memref<8192x32xf32, #tpu.memory_space<hbm>>) dst(%dma_wait3A_204 : memref<128x32xf32, #tpu.memory_space<vmem>>)
    %dma_wait3A_211 = arith.constant 9 : i32
    %dma_wait3A_212 = arith.constant 1152 : i32
    %dma_wait3A_213 = arith.constant 0 : i32
    %dma_wait3A_214 = tpu.memref_slice %arg12[%dma_wait3A_212, %dma_wait3A_213] : memref<1536x32xf32, #tpu.memory_space<vmem>> -> memref<128x32xf32, #tpu.memory_space<vmem>>
    %dma_wait3A_215 = arith.constant 0 : i32
    %dma_wait3A_216 = tpu.memref_slice %arg11[%dma_wait3A_211, %dma_wait3A_215] : memref<12x128xi32, #tpu.memory_space<vmem>> -> memref<1x128xi32, #tpu.memory_space<vmem>>
    %dma_wait3A_217 = tpu.memref_squeeze %dma_wait3A_216 : memref<1x128xi32, #tpu.memory_space<vmem>> -> memref<128xi32, #tpu.memory_space<vmem>>
    %dma_wait3A_218 = arith.constant 0 : i32
    %dma_wait3A_219 = arith.constant 0 : i32
    %dma_wait3A_220 = tpu.memref_slice %arg2[%dma_wait3A_218, %dma_wait3A_219] : memref<8192x32xf32, #tpu.memory_space<hbm>> -> memref<8192x32xf32, #tpu.memory_space<hbm>>
    tpu.wait_indirect_dma semaphore(%arg13 : memref<!tpu.dma_semaphore, #tpu.memory_space<semaphore_mem>>) src(%dma_wait3A_220 : memref<8192x32xf32, #tpu.memory_space<hbm>>) dst(%dma_wait3A_214 : memref<128x32xf32, #tpu.memory_space<vmem>>)
    %dma_wait3A_221 = arith.constant 10 : i32
    %dma_wait3A_222 = arith.constant 1280 : i32
    %dma_wait3A_223 = arith.constant 0 : i32
    %dma_wait3A_224 = tpu.memref_slice %arg12[%dma_wait3A_222, %dma_wait3A_223] : memref<1536x32xf32, #tpu.memory_space<vmem>> -> memref<128x32xf32, #tpu.memory_space<vmem>>
    %dma_wait3A_225 = arith.constant 0 : i32
    %dma_wait3A_226 = tpu.memref_slice %arg11[%dma_wait3A_221, %dma_wait3A_225] : memref<12x128xi32, #tpu.memory_space<vmem>> -> memref<1x128xi32, #tpu.memory_space<vmem>>
    %dma_wait3A_227 = tpu.memref_squeeze %dma_wait3A_226 : memref<1x128xi32, #tpu.memory_space<vmem>> -> memref<128xi32, #tpu.memory_space<vmem>>
    %dma_wait3A_228 = arith.constant 0 : i32
    %dma_wait3A_229 = arith.constant 0 : i32
    %dma_wait3A_230 = tpu.memref_slice %arg2[%dma_wait3A_228, %dma_wait3A_229] : memref<8192x32xf32, #tpu.memory_space<hbm>> -> memref<8192x32xf32, #tpu.memory_space<hbm>>
    tpu.wait_indirect_dma semaphore(%arg13 : memref<!tpu.dma_semaphore, #tpu.memory_space<semaphore_mem>>) src(%dma_wait3A_230 : memref<8192x32xf32, #tpu.memory_space<hbm>>) dst(%dma_wait3A_224 : memref<128x32xf32, #tpu.memory_space<vmem>>)
    %dma_wait3A_231 = arith.constant 11 : i32
    %dma_wait3A_232 = arith.constant 1408 : i32
    %dma_wait3A_233 = arith.constant 0 : i32
    %dma_wait3A_234 = tpu.memref_slice %arg12[%dma_wait3A_232, %dma_wait3A_233] : memref<1536x32xf32, #tpu.memory_space<vmem>> -> memref<128x32xf32, #tpu.memory_space<vmem>>
    %dma_wait3A_235 = arith.constant 0 : i32
    %dma_wait3A_236 = tpu.memref_slice %arg11[%dma_wait3A_231, %dma_wait3A_235] : memref<12x128xi32, #tpu.memory_space<vmem>> -> memref<1x128xi32, #tpu.memory_space<vmem>>
    %dma_wait3A_237 = tpu.memref_squeeze %dma_wait3A_236 : memref<1x128xi32, #tpu.memory_space<vmem>> -> memref<128xi32, #tpu.memory_space<vmem>>
    %dma_wait3A_238 = arith.constant 0 : i32
    %dma_wait3A_239 = arith.constant 0 : i32
    %dma_wait3A_240 = tpu.memref_slice %arg2[%dma_wait3A_238, %dma_wait3A_239] : memref<8192x32xf32, #tpu.memory_space<hbm>> -> memref<8192x32xf32, #tpu.memory_space<hbm>>
    tpu.wait_indirect_dma semaphore(%arg13 : memref<!tpu.dma_semaphore, #tpu.memory_space<semaphore_mem>>) src(%dma_wait3A_240 : memref<8192x32xf32, #tpu.memory_space<hbm>>) dst(%dma_wait3A_234 : memref<128x32xf32, #tpu.memory_space<vmem>>)
    "tpu.region"() ({
      %run_scoped3A = tpu.sem_alloc : memref<!tpu.dma_semaphore, #tpu.memory_space<semaphore_mem>>
      %dma_start3A_721 = arith.constant 0 : i32
      %dma_start3A_722 = tpu.memref_slice %arg8[%mul3A_2, %dma_start3A_721] : memref<49152x32xf32, #tpu.memory_space<hbm>> -> memref<1536x32xf32, #tpu.memory_space<hbm>>
      %dma_start3A_723 = arith.constant 0 : i32
      %dma_start3A_724 = tpu.memref_slice %arg8[%mul3A_2, %dma_start3A_723] : memref<49152x32xf32, #tpu.memory_space<hbm>> -> memref<1536x32xf32, #tpu.memory_space<hbm>>
      tpu.enqueue_dma source(%arg12 : memref<1536x32xf32, #tpu.memory_space<vmem>>) target(%dma_start3A_724 : memref<1536x32xf32, #tpu.memory_space<hbm>>) target_semaphore(%run_scoped3A : memref<!tpu.dma_semaphore, #tpu.memory_space<semaphore_mem>>)
      %dma_wait3A_725 = arith.constant 0 : i32
      %dma_wait3A_726 = tpu.memref_slice %arg8[%mul3A_2, %dma_wait3A_725] : memref<49152x32xf32, #tpu.memory_space<hbm>> -> memref<1536x32xf32, #tpu.memory_space<hbm>>
      %dma_wait3A_727 = arith.constant 0 : i32
      %dma_wait3A_728 = tpu.memref_slice %arg8[%mul3A_2, %dma_wait3A_727] : memref<49152x32xf32, #tpu.memory_space<hbm>> -> memref<1536x32xf32, #tpu.memory_space<hbm>>
      tpu.wait_dma2 semaphore(%run_scoped3A : memref<!tpu.dma_semaphore, #tpu.memory_space<semaphore_mem>>) src(%arg12 : memref<1536x32xf32, #tpu.memory_space<vmem>>) dst(%dma_wait3A_728 : memref<1536x32xf32, #tpu.memory_space<hbm>>)
      tpu.yield
    }) : () -> ()
    "tpu.region"() ({
      %run_scoped3A = tpu.sem_alloc : memref<!tpu.dma_semaphore, #tpu.memory_space<semaphore_mem>>
      %dma_start3A_721 = arith.constant 0 : i32
      %dma_start3A_722 = arith.constant 0 : i32
      %dma_start3A_723 = tpu.memref_slice %arg6[%add3A, %dma_start3A_721, %dma_start3A_722] : memref<32x12x128xi32, #tpu.memory_space<hbm>> -> memref<1x12x128xi32, #tpu.memory_space<hbm>>
      %dma_start3A_724 = tpu.memref_squeeze %dma_start3A_723 : memref<1x12x128xi32, #tpu.memory_space<hbm>> -> memref<12x128xi32, #tpu.memory_space<hbm>>
      %dma_start3A_725 = arith.constant 0 : i32
      %dma_start3A_726 = arith.constant 0 : i32
      %dma_start3A_727 = tpu.memref_slice %arg6[%add3A, %dma_start3A_725, %dma_start3A_726] : memref<32x12x128xi32, #tpu.memory_space<hbm>> -> memref<1x12x128xi32, #tpu.memory_space<hbm>>
      %dma_start3A_728 = tpu.memref_squeeze %dma_start3A_727 : memref<1x12x128xi32, #tpu.memory_space<hbm>> -> memref<12x128xi32, #tpu.memory_space<hbm>>
      tpu.enqueue_dma source(%dma_start3A_728 : memref<12x128xi32, #tpu.memory_space<hbm>>) target(%arg11 : memref<12x128xi32, #tpu.memory_space<vmem>>) target_semaphore(%run_scoped3A : memref<!tpu.dma_semaphore, #tpu.memory_space<semaphore_mem>>)
      %dma_wait3A_729 = arith.constant 0 : i32
      %dma_wait3A_730 = arith.constant 0 : i32
      %dma_wait3A_731 = tpu.memref_slice %arg6[%add3A, %dma_wait3A_729, %dma_wait3A_730] : memref<32x12x128xi32, #tpu.memory_space<hbm>> -> memref<1x12x128xi32, #tpu.memory_space<hbm>>
      %dma_wait3A_732 = tpu.memref_squeeze %dma_wait3A_731 : memref<1x12x128xi32, #tpu.memory_space<hbm>> -> memref<12x128xi32, #tpu.memory_space<hbm>>
      %dma_wait3A_733 = arith.constant 0 : i32
      %dma_wait3A_734 = arith.constant 0 : i32
      %dma_wait3A_735 = tpu.memref_slice %arg6[%add3A, %dma_wait3A_733, %dma_wait3A_734] : memref<32x12x128xi32, #tpu.memory_space<hbm>> -> memref<1x12x128xi32, #tpu.memory_space<hbm>>
      %dma_wait3A_736 = tpu.memref_squeeze %dma_wait3A_735 : memref<1x12x128xi32, #tpu.memory_space<hbm>> -> memref<12x128xi32, #tpu.memory_space<hbm>>
      tpu.wait_dma2 semaphore(%run_scoped3A : memref<!tpu.dma_semaphore, #tpu.memory_space<semaphore_mem>>) src(%dma_wait3A_736 : memref<12x128xi32, #tpu.memory_space<hbm>>) dst(%arg11 : memref<12x128xi32, #tpu.memory_space<vmem>>)
      tpu.yield
    }) : () -> ()
    %dma_start3A_241 = arith.constant 0 : i32
    %dma_start3A_242 = arith.constant 0 : i32
    %dma_start3A_243 = arith.constant 0 : i32
    %dma_start3A_244 = tpu.memref_slice %arg12[%dma_start3A_242, %dma_start3A_243] : memref<1536x32xf32, #tpu.memory_space<vmem>> -> memref<128x32xf32, #tpu.memory_space<vmem>>
    %dma_start3A_245 = arith.constant 0 : i32
    %dma_start3A_246 = tpu.memref_slice %arg11[%dma_start3A_241, %dma_start3A_245] : memref<12x128xi32, #tpu.memory_space<vmem>> -> memref<1x128xi32, #tpu.memory_space<vmem>>
    %dma_start3A_247 = tpu.memref_squeeze %dma_start3A_246 : memref<1x128xi32, #tpu.memory_space<vmem>> -> memref<128xi32, #tpu.memory_space<vmem>>
    %dma_start3A_248 = arith.constant 0 : i32
    %dma_start3A_249 = arith.constant 0 : i32
    %dma_start3A_250 = tpu.memref_slice %arg3[%dma_start3A_248, %dma_start3A_249] : memref<2048x32xf32, #tpu.memory_space<hbm>> -> memref<2048x32xf32, #tpu.memory_space<hbm>>
    tpu.enqueue_indirect_dma source(%dma_start3A_250 : memref<2048x32xf32, #tpu.memory_space<hbm>>) target(%dma_start3A_244 : memref<128x32xf32, #tpu.memory_space<vmem>>) offsets(%dma_start3A_247 : memref<128xi32, #tpu.memory_space<vmem>>) semaphore(%arg13 : memref<!tpu.dma_semaphore, #tpu.memory_space<semaphore_mem>>)
    %dma_start3A_251 = arith.constant 1 : i32
    %dma_start3A_252 = arith.constant 128 : i32
    %dma_start3A_253 = arith.constant 0 : i32
    %dma_start3A_254 = tpu.memref_slice %arg12[%dma_start3A_252, %dma_start3A_253] : memref<1536x32xf32, #tpu.memory_space<vmem>> -> memref<128x32xf32, #tpu.memory_space<vmem>>
    %dma_start3A_255 = arith.constant 0 : i32
    %dma_start3A_256 = tpu.memref_slice %arg11[%dma_start3A_251, %dma_start3A_255] : memref<12x128xi32, #tpu.memory_space<vmem>> -> memref<1x128xi32, #tpu.memory_space<vmem>>
    %dma_start3A_257 = tpu.memref_squeeze %dma_start3A_256 : memref<1x128xi32, #tpu.memory_space<vmem>> -> memref<128xi32, #tpu.memory_space<vmem>>
    %dma_start3A_258 = arith.constant 0 : i32
    %dma_start3A_259 = arith.constant 0 : i32
    %dma_start3A_260 = tpu.memref_slice %arg3[%dma_start3A_258, %dma_start3A_259] : memref<2048x32xf32, #tpu.memory_space<hbm>> -> memref<2048x32xf32, #tpu.memory_space<hbm>>
    tpu.enqueue_indirect_dma source(%dma_start3A_260 : memref<2048x32xf32, #tpu.memory_space<hbm>>) target(%dma_start3A_254 : memref<128x32xf32, #tpu.memory_space<vmem>>) offsets(%dma_start3A_257 : memref<128xi32, #tpu.memory_space<vmem>>) semaphore(%arg13 : memref<!tpu.dma_semaphore, #tpu.memory_space<semaphore_mem>>)
    %dma_start3A_261 = arith.constant 2 : i32
    %dma_start3A_262 = arith.constant 256 : i32
    %dma_start3A_263 = arith.constant 0 : i32
    %dma_start3A_264 = tpu.memref_slice %arg12[%dma_start3A_262, %dma_start3A_263] : memref<1536x32xf32, #tpu.memory_space<vmem>> -> memref<128x32xf32, #tpu.memory_space<vmem>>
    %dma_start3A_265 = arith.constant 0 : i32
    %dma_start3A_266 = tpu.memref_slice %arg11[%dma_start3A_261, %dma_start3A_265] : memref<12x128xi32, #tpu.memory_space<vmem>> -> memref<1x128xi32, #tpu.memory_space<vmem>>
    %dma_start3A_267 = tpu.memref_squeeze %dma_start3A_266 : memref<1x128xi32, #tpu.memory_space<vmem>> -> memref<128xi32, #tpu.memory_space<vmem>>
    %dma_start3A_268 = arith.constant 0 : i32
    %dma_start3A_269 = arith.constant 0 : i32
    %dma_start3A_270 = tpu.memref_slice %arg3[%dma_start3A_268, %dma_start3A_269] : memref<2048x32xf32, #tpu.memory_space<hbm>> -> memref<2048x32xf32, #tpu.memory_space<hbm>>
    tpu.enqueue_indirect_dma source(%dma_start3A_270 : memref<2048x32xf32, #tpu.memory_space<hbm>>) target(%dma_start3A_264 : memref<128x32xf32, #tpu.memory_space<vmem>>) offsets(%dma_start3A_267 : memref<128xi32, #tpu.memory_space<vmem>>) semaphore(%arg13 : memref<!tpu.dma_semaphore, #tpu.memory_space<semaphore_mem>>)
    %dma_start3A_271 = arith.constant 3 : i32
    %dma_start3A_272 = arith.constant 384 : i32
    %dma_start3A_273 = arith.constant 0 : i32
    %dma_start3A_274 = tpu.memref_slice %arg12[%dma_start3A_272, %dma_start3A_273] : memref<1536x32xf32, #tpu.memory_space<vmem>> -> memref<128x32xf32, #tpu.memory_space<vmem>>
    %dma_start3A_275 = arith.constant 0 : i32
    %dma_start3A_276 = tpu.memref_slice %arg11[%dma_start3A_271, %dma_start3A_275] : memref<12x128xi32, #tpu.memory_space<vmem>> -> memref<1x128xi32, #tpu.memory_space<vmem>>
    %dma_start3A_277 = tpu.memref_squeeze %dma_start3A_276 : memref<1x128xi32, #tpu.memory_space<vmem>> -> memref<128xi32, #tpu.memory_space<vmem>>
    %dma_start3A_278 = arith.constant 0 : i32
    %dma_start3A_279 = arith.constant 0 : i32
    %dma_start3A_280 = tpu.memref_slice %arg3[%dma_start3A_278, %dma_start3A_279] : memref<2048x32xf32, #tpu.memory_space<hbm>> -> memref<2048x32xf32, #tpu.memory_space<hbm>>
    tpu.enqueue_indirect_dma source(%dma_start3A_280 : memref<2048x32xf32, #tpu.memory_space<hbm>>) target(%dma_start3A_274 : memref<128x32xf32, #tpu.memory_space<vmem>>) offsets(%dma_start3A_277 : memref<128xi32, #tpu.memory_space<vmem>>) semaphore(%arg13 : memref<!tpu.dma_semaphore, #tpu.memory_space<semaphore_mem>>)
    %dma_start3A_281 = arith.constant 4 : i32
    %dma_start3A_282 = arith.constant 512 : i32
    %dma_start3A_283 = arith.constant 0 : i32
    %dma_start3A_284 = tpu.memref_slice %arg12[%dma_start3A_282, %dma_start3A_283] : memref<1536x32xf32, #tpu.memory_space<vmem>> -> memref<128x32xf32, #tpu.memory_space<vmem>>
    %dma_start3A_285 = arith.constant 0 : i32
    %dma_start3A_286 = tpu.memref_slice %arg11[%dma_start3A_281, %dma_start3A_285] : memref<12x128xi32, #tpu.memory_space<vmem>> -> memref<1x128xi32, #tpu.memory_space<vmem>>
    %dma_start3A_287 = tpu.memref_squeeze %dma_start3A_286 : memref<1x128xi32, #tpu.memory_space<vmem>> -> memref<128xi32, #tpu.memory_space<vmem>>
    %dma_start3A_288 = arith.constant 0 : i32
    %dma_start3A_289 = arith.constant 0 : i32
    %dma_start3A_290 = tpu.memref_slice %arg3[%dma_start3A_288, %dma_start3A_289] : memref<2048x32xf32, #tpu.memory_space<hbm>> -> memref<2048x32xf32, #tpu.memory_space<hbm>>
    tpu.enqueue_indirect_dma source(%dma_start3A_290 : memref<2048x32xf32, #tpu.memory_space<hbm>>) target(%dma_start3A_284 : memref<128x32xf32, #tpu.memory_space<vmem>>) offsets(%dma_start3A_287 : memref<128xi32, #tpu.memory_space<vmem>>) semaphore(%arg13 : memref<!tpu.dma_semaphore, #tpu.memory_space<semaphore_mem>>)
    %dma_start3A_291 = arith.constant 5 : i32
    %dma_start3A_292 = arith.constant 640 : i32
    %dma_start3A_293 = arith.constant 0 : i32
    %dma_start3A_294 = tpu.memref_slice %arg12[%dma_start3A_292, %dma_start3A_293] : memref<1536x32xf32, #tpu.memory_space<vmem>> -> memref<128x32xf32, #tpu.memory_space<vmem>>
    %dma_start3A_295 = arith.constant 0 : i32
    %dma_start3A_296 = tpu.memref_slice %arg11[%dma_start3A_291, %dma_start3A_295] : memref<12x128xi32, #tpu.memory_space<vmem>> -> memref<1x128xi32, #tpu.memory_space<vmem>>
    %dma_start3A_297 = tpu.memref_squeeze %dma_start3A_296 : memref<1x128xi32, #tpu.memory_space<vmem>> -> memref<128xi32, #tpu.memory_space<vmem>>
    %dma_start3A_298 = arith.constant 0 : i32
    %dma_start3A_299 = arith.constant 0 : i32
    %dma_start3A_300 = tpu.memref_slice %arg3[%dma_start3A_298, %dma_start3A_299] : memref<2048x32xf32, #tpu.memory_space<hbm>> -> memref<2048x32xf32, #tpu.memory_space<hbm>>
    tpu.enqueue_indirect_dma source(%dma_start3A_300 : memref<2048x32xf32, #tpu.memory_space<hbm>>) target(%dma_start3A_294 : memref<128x32xf32, #tpu.memory_space<vmem>>) offsets(%dma_start3A_297 : memref<128xi32, #tpu.memory_space<vmem>>) semaphore(%arg13 : memref<!tpu.dma_semaphore, #tpu.memory_space<semaphore_mem>>)
    %dma_start3A_301 = arith.constant 6 : i32
    %dma_start3A_302 = arith.constant 768 : i32
    %dma_start3A_303 = arith.constant 0 : i32
    %dma_start3A_304 = tpu.memref_slice %arg12[%dma_start3A_302, %dma_start3A_303] : memref<1536x32xf32, #tpu.memory_space<vmem>> -> memref<128x32xf32, #tpu.memory_space<vmem>>
    %dma_start3A_305 = arith.constant 0 : i32
    %dma_start3A_306 = tpu.memref_slice %arg11[%dma_start3A_301, %dma_start3A_305] : memref<12x128xi32, #tpu.memory_space<vmem>> -> memref<1x128xi32, #tpu.memory_space<vmem>>
    %dma_start3A_307 = tpu.memref_squeeze %dma_start3A_306 : memref<1x128xi32, #tpu.memory_space<vmem>> -> memref<128xi32, #tpu.memory_space<vmem>>
    %dma_start3A_308 = arith.constant 0 : i32
    %dma_start3A_309 = arith.constant 0 : i32
    %dma_start3A_310 = tpu.memref_slice %arg3[%dma_start3A_308, %dma_start3A_309] : memref<2048x32xf32, #tpu.memory_space<hbm>> -> memref<2048x32xf32, #tpu.memory_space<hbm>>
    tpu.enqueue_indirect_dma source(%dma_start3A_310 : memref<2048x32xf32, #tpu.memory_space<hbm>>) target(%dma_start3A_304 : memref<128x32xf32, #tpu.memory_space<vmem>>) offsets(%dma_start3A_307 : memref<128xi32, #tpu.memory_space<vmem>>) semaphore(%arg13 : memref<!tpu.dma_semaphore, #tpu.memory_space<semaphore_mem>>)
    %dma_start3A_311 = arith.constant 7 : i32
    %dma_start3A_312 = arith.constant 896 : i32
    %dma_start3A_313 = arith.constant 0 : i32
    %dma_start3A_314 = tpu.memref_slice %arg12[%dma_start3A_312, %dma_start3A_313] : memref<1536x32xf32, #tpu.memory_space<vmem>> -> memref<128x32xf32, #tpu.memory_space<vmem>>
    %dma_start3A_315 = arith.constant 0 : i32
    %dma_start3A_316 = tpu.memref_slice %arg11[%dma_start3A_311, %dma_start3A_315] : memref<12x128xi32, #tpu.memory_space<vmem>> -> memref<1x128xi32, #tpu.memory_space<vmem>>
    %dma_start3A_317 = tpu.memref_squeeze %dma_start3A_316 : memref<1x128xi32, #tpu.memory_space<vmem>> -> memref<128xi32, #tpu.memory_space<vmem>>
    %dma_start3A_318 = arith.constant 0 : i32
    %dma_start3A_319 = arith.constant 0 : i32
    %dma_start3A_320 = tpu.memref_slice %arg3[%dma_start3A_318, %dma_start3A_319] : memref<2048x32xf32, #tpu.memory_space<hbm>> -> memref<2048x32xf32, #tpu.memory_space<hbm>>
    tpu.enqueue_indirect_dma source(%dma_start3A_320 : memref<2048x32xf32, #tpu.memory_space<hbm>>) target(%dma_start3A_314 : memref<128x32xf32, #tpu.memory_space<vmem>>) offsets(%dma_start3A_317 : memref<128xi32, #tpu.memory_space<vmem>>) semaphore(%arg13 : memref<!tpu.dma_semaphore, #tpu.memory_space<semaphore_mem>>)
    %dma_start3A_321 = arith.constant 8 : i32
    %dma_start3A_322 = arith.constant 1024 : i32
    %dma_start3A_323 = arith.constant 0 : i32
    %dma_start3A_324 = tpu.memref_slice %arg12[%dma_start3A_322, %dma_start3A_323] : memref<1536x32xf32, #tpu.memory_space<vmem>> -> memref<128x32xf32, #tpu.memory_space<vmem>>
    %dma_start3A_325 = arith.constant 0 : i32
    %dma_start3A_326 = tpu.memref_slice %arg11[%dma_start3A_321, %dma_start3A_325] : memref<12x128xi32, #tpu.memory_space<vmem>> -> memref<1x128xi32, #tpu.memory_space<vmem>>
    %dma_start3A_327 = tpu.memref_squeeze %dma_start3A_326 : memref<1x128xi32, #tpu.memory_space<vmem>> -> memref<128xi32, #tpu.memory_space<vmem>>
    %dma_start3A_328 = arith.constant 0 : i32
    %dma_start3A_329 = arith.constant 0 : i32
    %dma_start3A_330 = tpu.memref_slice %arg3[%dma_start3A_328, %dma_start3A_329] : memref<2048x32xf32, #tpu.memory_space<hbm>> -> memref<2048x32xf32, #tpu.memory_space<hbm>>
    tpu.enqueue_indirect_dma source(%dma_start3A_330 : memref<2048x32xf32, #tpu.memory_space<hbm>>) target(%dma_start3A_324 : memref<128x32xf32, #tpu.memory_space<vmem>>) offsets(%dma_start3A_327 : memref<128xi32, #tpu.memory_space<vmem>>) semaphore(%arg13 : memref<!tpu.dma_semaphore, #tpu.memory_space<semaphore_mem>>)
    %dma_start3A_331 = arith.constant 9 : i32
    %dma_start3A_332 = arith.constant 1152 : i32
    %dma_start3A_333 = arith.constant 0 : i32
    %dma_start3A_334 = tpu.memref_slice %arg12[%dma_start3A_332, %dma_start3A_333] : memref<1536x32xf32, #tpu.memory_space<vmem>> -> memref<128x32xf32, #tpu.memory_space<vmem>>
    %dma_start3A_335 = arith.constant 0 : i32
    %dma_start3A_336 = tpu.memref_slice %arg11[%dma_start3A_331, %dma_start3A_335] : memref<12x128xi32, #tpu.memory_space<vmem>> -> memref<1x128xi32, #tpu.memory_space<vmem>>
    %dma_start3A_337 = tpu.memref_squeeze %dma_start3A_336 : memref<1x128xi32, #tpu.memory_space<vmem>> -> memref<128xi32, #tpu.memory_space<vmem>>
    %dma_start3A_338 = arith.constant 0 : i32
    %dma_start3A_339 = arith.constant 0 : i32
    %dma_start3A_340 = tpu.memref_slice %arg3[%dma_start3A_338, %dma_start3A_339] : memref<2048x32xf32, #tpu.memory_space<hbm>> -> memref<2048x32xf32, #tpu.memory_space<hbm>>
    tpu.enqueue_indirect_dma source(%dma_start3A_340 : memref<2048x32xf32, #tpu.memory_space<hbm>>) target(%dma_start3A_334 : memref<128x32xf32, #tpu.memory_space<vmem>>) offsets(%dma_start3A_337 : memref<128xi32, #tpu.memory_space<vmem>>) semaphore(%arg13 : memref<!tpu.dma_semaphore, #tpu.memory_space<semaphore_mem>>)
    %dma_start3A_341 = arith.constant 10 : i32
    %dma_start3A_342 = arith.constant 1280 : i32
    %dma_start3A_343 = arith.constant 0 : i32
    %dma_start3A_344 = tpu.memref_slice %arg12[%dma_start3A_342, %dma_start3A_343] : memref<1536x32xf32, #tpu.memory_space<vmem>> -> memref<128x32xf32, #tpu.memory_space<vmem>>
    %dma_start3A_345 = arith.constant 0 : i32
    %dma_start3A_346 = tpu.memref_slice %arg11[%dma_start3A_341, %dma_start3A_345] : memref<12x128xi32, #tpu.memory_space<vmem>> -> memref<1x128xi32, #tpu.memory_space<vmem>>
    %dma_start3A_347 = tpu.memref_squeeze %dma_start3A_346 : memref<1x128xi32, #tpu.memory_space<vmem>> -> memref<128xi32, #tpu.memory_space<vmem>>
    %dma_start3A_348 = arith.constant 0 : i32
    %dma_start3A_349 = arith.constant 0 : i32
    %dma_start3A_350 = tpu.memref_slice %arg3[%dma_start3A_348, %dma_start3A_349] : memref<2048x32xf32, #tpu.memory_space<hbm>> -> memref<2048x32xf32, #tpu.memory_space<hbm>>
    tpu.enqueue_indirect_dma source(%dma_start3A_350 : memref<2048x32xf32, #tpu.memory_space<hbm>>) target(%dma_start3A_344 : memref<128x32xf32, #tpu.memory_space<vmem>>) offsets(%dma_start3A_347 : memref<128xi32, #tpu.memory_space<vmem>>) semaphore(%arg13 : memref<!tpu.dma_semaphore, #tpu.memory_space<semaphore_mem>>)
    %dma_start3A_351 = arith.constant 11 : i32
    %dma_start3A_352 = arith.constant 1408 : i32
    %dma_start3A_353 = arith.constant 0 : i32
    %dma_start3A_354 = tpu.memref_slice %arg12[%dma_start3A_352, %dma_start3A_353] : memref<1536x32xf32, #tpu.memory_space<vmem>> -> memref<128x32xf32, #tpu.memory_space<vmem>>
    %dma_start3A_355 = arith.constant 0 : i32
    %dma_start3A_356 = tpu.memref_slice %arg11[%dma_start3A_351, %dma_start3A_355] : memref<12x128xi32, #tpu.memory_space<vmem>> -> memref<1x128xi32, #tpu.memory_space<vmem>>
    %dma_start3A_357 = tpu.memref_squeeze %dma_start3A_356 : memref<1x128xi32, #tpu.memory_space<vmem>> -> memref<128xi32, #tpu.memory_space<vmem>>
    %dma_start3A_358 = arith.constant 0 : i32
    %dma_start3A_359 = arith.constant 0 : i32
    %dma_start3A_360 = tpu.memref_slice %arg3[%dma_start3A_358, %dma_start3A_359] : memref<2048x32xf32, #tpu.memory_space<hbm>> -> memref<2048x32xf32, #tpu.memory_space<hbm>>
    tpu.enqueue_indirect_dma source(%dma_start3A_360 : memref<2048x32xf32, #tpu.memory_space<hbm>>) target(%dma_start3A_354 : memref<128x32xf32, #tpu.memory_space<vmem>>) offsets(%dma_start3A_357 : memref<128xi32, #tpu.memory_space<vmem>>) semaphore(%arg13 : memref<!tpu.dma_semaphore, #tpu.memory_space<semaphore_mem>>)
    %dma_wait3A_361 = arith.constant 0 : i32
    %dma_wait3A_362 = arith.constant 0 : i32
    %dma_wait3A_363 = arith.constant 0 : i32
    %dma_wait3A_364 = tpu.memref_slice %arg12[%dma_wait3A_362, %dma_wait3A_363] : memref<1536x32xf32, #tpu.memory_space<vmem>> -> memref<128x32xf32, #tpu.memory_space<vmem>>
    %dma_wait3A_365 = arith.constant 0 : i32
    %dma_wait3A_366 = tpu.memref_slice %arg11[%dma_wait3A_361, %dma_wait3A_365] : memref<12x128xi32, #tpu.memory_space<vmem>> -> memref<1x128xi32, #tpu.memory_space<vmem>>
    %dma_wait3A_367 = tpu.memref_squeeze %dma_wait3A_366 : memref<1x128xi32, #tpu.memory_space<vmem>> -> memref<128xi32, #tpu.memory_space<vmem>>
    %dma_wait3A_368 = arith.constant 0 : i32
    %dma_wait3A_369 = arith.constant 0 : i32
    %dma_wait3A_370 = tpu.memref_slice %arg3[%dma_wait3A_368, %dma_wait3A_369] : memref<2048x32xf32, #tpu.memory_space<hbm>> -> memref<2048x32xf32, #tpu.memory_space<hbm>>
    tpu.wait_indirect_dma semaphore(%arg13 : memref<!tpu.dma_semaphore, #tpu.memory_space<semaphore_mem>>) src(%dma_wait3A_370 : memref<2048x32xf32, #tpu.memory_space<hbm>>) dst(%dma_wait3A_364 : memref<128x32xf32, #tpu.memory_space<vmem>>)
    %dma_wait3A_371 = arith.constant 1 : i32
    %dma_wait3A_372 = arith.constant 128 : i32
    %dma_wait3A_373 = arith.constant 0 : i32
    %dma_wait3A_374 = tpu.memref_slice %arg12[%dma_wait3A_372, %dma_wait3A_373] : memref<1536x32xf32, #tpu.memory_space<vmem>> -> memref<128x32xf32, #tpu.memory_space<vmem>>
    %dma_wait3A_375 = arith.constant 0 : i32
    %dma_wait3A_376 = tpu.memref_slice %arg11[%dma_wait3A_371, %dma_wait3A_375] : memref<12x128xi32, #tpu.memory_space<vmem>> -> memref<1x128xi32, #tpu.memory_space<vmem>>
    %dma_wait3A_377 = tpu.memref_squeeze %dma_wait3A_376 : memref<1x128xi32, #tpu.memory_space<vmem>> -> memref<128xi32, #tpu.memory_space<vmem>>
    %dma_wait3A_378 = arith.constant 0 : i32
    %dma_wait3A_379 = arith.constant 0 : i32
    %dma_wait3A_380 = tpu.memref_slice %arg3[%dma_wait3A_378, %dma_wait3A_379] : memref<2048x32xf32, #tpu.memory_space<hbm>> -> memref<2048x32xf32, #tpu.memory_space<hbm>>
    tpu.wait_indirect_dma semaphore(%arg13 : memref<!tpu.dma_semaphore, #tpu.memory_space<semaphore_mem>>) src(%dma_wait3A_380 : memref<2048x32xf32, #tpu.memory_space<hbm>>) dst(%dma_wait3A_374 : memref<128x32xf32, #tpu.memory_space<vmem>>)
    %dma_wait3A_381 = arith.constant 2 : i32
    %dma_wait3A_382 = arith.constant 256 : i32
    %dma_wait3A_383 = arith.constant 0 : i32
    %dma_wait3A_384 = tpu.memref_slice %arg12[%dma_wait3A_382, %dma_wait3A_383] : memref<1536x32xf32, #tpu.memory_space<vmem>> -> memref<128x32xf32, #tpu.memory_space<vmem>>
    %dma_wait3A_385 = arith.constant 0 : i32
    %dma_wait3A_386 = tpu.memref_slice %arg11[%dma_wait3A_381, %dma_wait3A_385] : memref<12x128xi32, #tpu.memory_space<vmem>> -> memref<1x128xi32, #tpu.memory_space<vmem>>
    %dma_wait3A_387 = tpu.memref_squeeze %dma_wait3A_386 : memref<1x128xi32, #tpu.memory_space<vmem>> -> memref<128xi32, #tpu.memory_space<vmem>>
    %dma_wait3A_388 = arith.constant 0 : i32
    %dma_wait3A_389 = arith.constant 0 : i32
    %dma_wait3A_390 = tpu.memref_slice %arg3[%dma_wait3A_388, %dma_wait3A_389] : memref<2048x32xf32, #tpu.memory_space<hbm>> -> memref<2048x32xf32, #tpu.memory_space<hbm>>
    tpu.wait_indirect_dma semaphore(%arg13 : memref<!tpu.dma_semaphore, #tpu.memory_space<semaphore_mem>>) src(%dma_wait3A_390 : memref<2048x32xf32, #tpu.memory_space<hbm>>) dst(%dma_wait3A_384 : memref<128x32xf32, #tpu.memory_space<vmem>>)
    %dma_wait3A_391 = arith.constant 3 : i32
    %dma_wait3A_392 = arith.constant 384 : i32
    %dma_wait3A_393 = arith.constant 0 : i32
    %dma_wait3A_394 = tpu.memref_slice %arg12[%dma_wait3A_392, %dma_wait3A_393] : memref<1536x32xf32, #tpu.memory_space<vmem>> -> memref<128x32xf32, #tpu.memory_space<vmem>>
    %dma_wait3A_395 = arith.constant 0 : i32
    %dma_wait3A_396 = tpu.memref_slice %arg11[%dma_wait3A_391, %dma_wait3A_395] : memref<12x128xi32, #tpu.memory_space<vmem>> -> memref<1x128xi32, #tpu.memory_space<vmem>>
    %dma_wait3A_397 = tpu.memref_squeeze %dma_wait3A_396 : memref<1x128xi32, #tpu.memory_space<vmem>> -> memref<128xi32, #tpu.memory_space<vmem>>
    %dma_wait3A_398 = arith.constant 0 : i32
    %dma_wait3A_399 = arith.constant 0 : i32
    %dma_wait3A_400 = tpu.memref_slice %arg3[%dma_wait3A_398, %dma_wait3A_399] : memref<2048x32xf32, #tpu.memory_space<hbm>> -> memref<2048x32xf32, #tpu.memory_space<hbm>>
    tpu.wait_indirect_dma semaphore(%arg13 : memref<!tpu.dma_semaphore, #tpu.memory_space<semaphore_mem>>) src(%dma_wait3A_400 : memref<2048x32xf32, #tpu.memory_space<hbm>>) dst(%dma_wait3A_394 : memref<128x32xf32, #tpu.memory_space<vmem>>)
    %dma_wait3A_401 = arith.constant 4 : i32
    %dma_wait3A_402 = arith.constant 512 : i32
    %dma_wait3A_403 = arith.constant 0 : i32
    %dma_wait3A_404 = tpu.memref_slice %arg12[%dma_wait3A_402, %dma_wait3A_403] : memref<1536x32xf32, #tpu.memory_space<vmem>> -> memref<128x32xf32, #tpu.memory_space<vmem>>
    %dma_wait3A_405 = arith.constant 0 : i32
    %dma_wait3A_406 = tpu.memref_slice %arg11[%dma_wait3A_401, %dma_wait3A_405] : memref<12x128xi32, #tpu.memory_space<vmem>> -> memref<1x128xi32, #tpu.memory_space<vmem>>
    %dma_wait3A_407 = tpu.memref_squeeze %dma_wait3A_406 : memref<1x128xi32, #tpu.memory_space<vmem>> -> memref<128xi32, #tpu.memory_space<vmem>>
    %dma_wait3A_408 = arith.constant 0 : i32
    %dma_wait3A_409 = arith.constant 0 : i32
    %dma_wait3A_410 = tpu.memref_slice %arg3[%dma_wait3A_408, %dma_wait3A_409] : memref<2048x32xf32, #tpu.memory_space<hbm>> -> memref<2048x32xf32, #tpu.memory_space<hbm>>
    tpu.wait_indirect_dma semaphore(%arg13 : memref<!tpu.dma_semaphore, #tpu.memory_space<semaphore_mem>>) src(%dma_wait3A_410 : memref<2048x32xf32, #tpu.memory_space<hbm>>) dst(%dma_wait3A_404 : memref<128x32xf32, #tpu.memory_space<vmem>>)
    %dma_wait3A_411 = arith.constant 5 : i32
    %dma_wait3A_412 = arith.constant 640 : i32
    %dma_wait3A_413 = arith.constant 0 : i32
    %dma_wait3A_414 = tpu.memref_slice %arg12[%dma_wait3A_412, %dma_wait3A_413] : memref<1536x32xf32, #tpu.memory_space<vmem>> -> memref<128x32xf32, #tpu.memory_space<vmem>>
    %dma_wait3A_415 = arith.constant 0 : i32
    %dma_wait3A_416 = tpu.memref_slice %arg11[%dma_wait3A_411, %dma_wait3A_415] : memref<12x128xi32, #tpu.memory_space<vmem>> -> memref<1x128xi32, #tpu.memory_space<vmem>>
    %dma_wait3A_417 = tpu.memref_squeeze %dma_wait3A_416 : memref<1x128xi32, #tpu.memory_space<vmem>> -> memref<128xi32, #tpu.memory_space<vmem>>
    %dma_wait3A_418 = arith.constant 0 : i32
    %dma_wait3A_419 = arith.constant 0 : i32
    %dma_wait3A_420 = tpu.memref_slice %arg3[%dma_wait3A_418, %dma_wait3A_419] : memref<2048x32xf32, #tpu.memory_space<hbm>> -> memref<2048x32xf32, #tpu.memory_space<hbm>>
    tpu.wait_indirect_dma semaphore(%arg13 : memref<!tpu.dma_semaphore, #tpu.memory_space<semaphore_mem>>) src(%dma_wait3A_420 : memref<2048x32xf32, #tpu.memory_space<hbm>>) dst(%dma_wait3A_414 : memref<128x32xf32, #tpu.memory_space<vmem>>)
    %dma_wait3A_421 = arith.constant 6 : i32
    %dma_wait3A_422 = arith.constant 768 : i32
    %dma_wait3A_423 = arith.constant 0 : i32
    %dma_wait3A_424 = tpu.memref_slice %arg12[%dma_wait3A_422, %dma_wait3A_423] : memref<1536x32xf32, #tpu.memory_space<vmem>> -> memref<128x32xf32, #tpu.memory_space<vmem>>
    %dma_wait3A_425 = arith.constant 0 : i32
    %dma_wait3A_426 = tpu.memref_slice %arg11[%dma_wait3A_421, %dma_wait3A_425] : memref<12x128xi32, #tpu.memory_space<vmem>> -> memref<1x128xi32, #tpu.memory_space<vmem>>
    %dma_wait3A_427 = tpu.memref_squeeze %dma_wait3A_426 : memref<1x128xi32, #tpu.memory_space<vmem>> -> memref<128xi32, #tpu.memory_space<vmem>>
    %dma_wait3A_428 = arith.constant 0 : i32
    %dma_wait3A_429 = arith.constant 0 : i32
    %dma_wait3A_430 = tpu.memref_slice %arg3[%dma_wait3A_428, %dma_wait3A_429] : memref<2048x32xf32, #tpu.memory_space<hbm>> -> memref<2048x32xf32, #tpu.memory_space<hbm>>
    tpu.wait_indirect_dma semaphore(%arg13 : memref<!tpu.dma_semaphore, #tpu.memory_space<semaphore_mem>>) src(%dma_wait3A_430 : memref<2048x32xf32, #tpu.memory_space<hbm>>) dst(%dma_wait3A_424 : memref<128x32xf32, #tpu.memory_space<vmem>>)
    %dma_wait3A_431 = arith.constant 7 : i32
    %dma_wait3A_432 = arith.constant 896 : i32
    %dma_wait3A_433 = arith.constant 0 : i32
    %dma_wait3A_434 = tpu.memref_slice %arg12[%dma_wait3A_432, %dma_wait3A_433] : memref<1536x32xf32, #tpu.memory_space<vmem>> -> memref<128x32xf32, #tpu.memory_space<vmem>>
    %dma_wait3A_435 = arith.constant 0 : i32
    %dma_wait3A_436 = tpu.memref_slice %arg11[%dma_wait3A_431, %dma_wait3A_435] : memref<12x128xi32, #tpu.memory_space<vmem>> -> memref<1x128xi32, #tpu.memory_space<vmem>>
    %dma_wait3A_437 = tpu.memref_squeeze %dma_wait3A_436 : memref<1x128xi32, #tpu.memory_space<vmem>> -> memref<128xi32, #tpu.memory_space<vmem>>
    %dma_wait3A_438 = arith.constant 0 : i32
    %dma_wait3A_439 = arith.constant 0 : i32
    %dma_wait3A_440 = tpu.memref_slice %arg3[%dma_wait3A_438, %dma_wait3A_439] : memref<2048x32xf32, #tpu.memory_space<hbm>> -> memref<2048x32xf32, #tpu.memory_space<hbm>>
    tpu.wait_indirect_dma semaphore(%arg13 : memref<!tpu.dma_semaphore, #tpu.memory_space<semaphore_mem>>) src(%dma_wait3A_440 : memref<2048x32xf32, #tpu.memory_space<hbm>>) dst(%dma_wait3A_434 : memref<128x32xf32, #tpu.memory_space<vmem>>)
    %dma_wait3A_441 = arith.constant 8 : i32
    %dma_wait3A_442 = arith.constant 1024 : i32
    %dma_wait3A_443 = arith.constant 0 : i32
    %dma_wait3A_444 = tpu.memref_slice %arg12[%dma_wait3A_442, %dma_wait3A_443] : memref<1536x32xf32, #tpu.memory_space<vmem>> -> memref<128x32xf32, #tpu.memory_space<vmem>>
    %dma_wait3A_445 = arith.constant 0 : i32
    %dma_wait3A_446 = tpu.memref_slice %arg11[%dma_wait3A_441, %dma_wait3A_445] : memref<12x128xi32, #tpu.memory_space<vmem>> -> memref<1x128xi32, #tpu.memory_space<vmem>>
    %dma_wait3A_447 = tpu.memref_squeeze %dma_wait3A_446 : memref<1x128xi32, #tpu.memory_space<vmem>> -> memref<128xi32, #tpu.memory_space<vmem>>
    %dma_wait3A_448 = arith.constant 0 : i32
    %dma_wait3A_449 = arith.constant 0 : i32
    %dma_wait3A_450 = tpu.memref_slice %arg3[%dma_wait3A_448, %dma_wait3A_449] : memref<2048x32xf32, #tpu.memory_space<hbm>> -> memref<2048x32xf32, #tpu.memory_space<hbm>>
    tpu.wait_indirect_dma semaphore(%arg13 : memref<!tpu.dma_semaphore, #tpu.memory_space<semaphore_mem>>) src(%dma_wait3A_450 : memref<2048x32xf32, #tpu.memory_space<hbm>>) dst(%dma_wait3A_444 : memref<128x32xf32, #tpu.memory_space<vmem>>)
    %dma_wait3A_451 = arith.constant 9 : i32
    %dma_wait3A_452 = arith.constant 1152 : i32
    %dma_wait3A_453 = arith.constant 0 : i32
    %dma_wait3A_454 = tpu.memref_slice %arg12[%dma_wait3A_452, %dma_wait3A_453] : memref<1536x32xf32, #tpu.memory_space<vmem>> -> memref<128x32xf32, #tpu.memory_space<vmem>>
    %dma_wait3A_455 = arith.constant 0 : i32
    %dma_wait3A_456 = tpu.memref_slice %arg11[%dma_wait3A_451, %dma_wait3A_455] : memref<12x128xi32, #tpu.memory_space<vmem>> -> memref<1x128xi32, #tpu.memory_space<vmem>>
    %dma_wait3A_457 = tpu.memref_squeeze %dma_wait3A_456 : memref<1x128xi32, #tpu.memory_space<vmem>> -> memref<128xi32, #tpu.memory_space<vmem>>
    %dma_wait3A_458 = arith.constant 0 : i32
    %dma_wait3A_459 = arith.constant 0 : i32
    %dma_wait3A_460 = tpu.memref_slice %arg3[%dma_wait3A_458, %dma_wait3A_459] : memref<2048x32xf32, #tpu.memory_space<hbm>> -> memref<2048x32xf32, #tpu.memory_space<hbm>>
    tpu.wait_indirect_dma semaphore(%arg13 : memref<!tpu.dma_semaphore, #tpu.memory_space<semaphore_mem>>) src(%dma_wait3A_460 : memref<2048x32xf32, #tpu.memory_space<hbm>>) dst(%dma_wait3A_454 : memref<128x32xf32, #tpu.memory_space<vmem>>)
    %dma_wait3A_461 = arith.constant 10 : i32
    %dma_wait3A_462 = arith.constant 1280 : i32
    %dma_wait3A_463 = arith.constant 0 : i32
    %dma_wait3A_464 = tpu.memref_slice %arg12[%dma_wait3A_462, %dma_wait3A_463] : memref<1536x32xf32, #tpu.memory_space<vmem>> -> memref<128x32xf32, #tpu.memory_space<vmem>>
    %dma_wait3A_465 = arith.constant 0 : i32
    %dma_wait3A_466 = tpu.memref_slice %arg11[%dma_wait3A_461, %dma_wait3A_465] : memref<12x128xi32, #tpu.memory_space<vmem>> -> memref<1x128xi32, #tpu.memory_space<vmem>>
    %dma_wait3A_467 = tpu.memref_squeeze %dma_wait3A_466 : memref<1x128xi32, #tpu.memory_space<vmem>> -> memref<128xi32, #tpu.memory_space<vmem>>
    %dma_wait3A_468 = arith.constant 0 : i32
    %dma_wait3A_469 = arith.constant 0 : i32
    %dma_wait3A_470 = tpu.memref_slice %arg3[%dma_wait3A_468, %dma_wait3A_469] : memref<2048x32xf32, #tpu.memory_space<hbm>> -> memref<2048x32xf32, #tpu.memory_space<hbm>>
    tpu.wait_indirect_dma semaphore(%arg13 : memref<!tpu.dma_semaphore, #tpu.memory_space<semaphore_mem>>) src(%dma_wait3A_470 : memref<2048x32xf32, #tpu.memory_space<hbm>>) dst(%dma_wait3A_464 : memref<128x32xf32, #tpu.memory_space<vmem>>)
    %dma_wait3A_471 = arith.constant 11 : i32
    %dma_wait3A_472 = arith.constant 1408 : i32
    %dma_wait3A_473 = arith.constant 0 : i32
    %dma_wait3A_474 = tpu.memref_slice %arg12[%dma_wait3A_472, %dma_wait3A_473] : memref<1536x32xf32, #tpu.memory_space<vmem>> -> memref<128x32xf32, #tpu.memory_space<vmem>>
    %dma_wait3A_475 = arith.constant 0 : i32
    %dma_wait3A_476 = tpu.memref_slice %arg11[%dma_wait3A_471, %dma_wait3A_475] : memref<12x128xi32, #tpu.memory_space<vmem>> -> memref<1x128xi32, #tpu.memory_space<vmem>>
    %dma_wait3A_477 = tpu.memref_squeeze %dma_wait3A_476 : memref<1x128xi32, #tpu.memory_space<vmem>> -> memref<128xi32, #tpu.memory_space<vmem>>
    %dma_wait3A_478 = arith.constant 0 : i32
    %dma_wait3A_479 = arith.constant 0 : i32
    %dma_wait3A_480 = tpu.memref_slice %arg3[%dma_wait3A_478, %dma_wait3A_479] : memref<2048x32xf32, #tpu.memory_space<hbm>> -> memref<2048x32xf32, #tpu.memory_space<hbm>>
    tpu.wait_indirect_dma semaphore(%arg13 : memref<!tpu.dma_semaphore, #tpu.memory_space<semaphore_mem>>) src(%dma_wait3A_480 : memref<2048x32xf32, #tpu.memory_space<hbm>>) dst(%dma_wait3A_474 : memref<128x32xf32, #tpu.memory_space<vmem>>)
    "tpu.region"() ({
      %run_scoped3A = tpu.sem_alloc : memref<!tpu.dma_semaphore, #tpu.memory_space<semaphore_mem>>
      %dma_start3A_721 = arith.constant 0 : i32
      %dma_start3A_722 = tpu.memref_slice %arg9[%mul3A_2, %dma_start3A_721] : memref<49152x32xf32, #tpu.memory_space<hbm>> -> memref<1536x32xf32, #tpu.memory_space<hbm>>
      %dma_start3A_723 = arith.constant 0 : i32
      %dma_start3A_724 = tpu.memref_slice %arg9[%mul3A_2, %dma_start3A_723] : memref<49152x32xf32, #tpu.memory_space<hbm>> -> memref<1536x32xf32, #tpu.memory_space<hbm>>
      tpu.enqueue_dma source(%arg12 : memref<1536x32xf32, #tpu.memory_space<vmem>>) target(%dma_start3A_724 : memref<1536x32xf32, #tpu.memory_space<hbm>>) target_semaphore(%run_scoped3A : memref<!tpu.dma_semaphore, #tpu.memory_space<semaphore_mem>>)
      %dma_wait3A_725 = arith.constant 0 : i32
      %dma_wait3A_726 = tpu.memref_slice %arg9[%mul3A_2, %dma_wait3A_725] : memref<49152x32xf32, #tpu.memory_space<hbm>> -> memref<1536x32xf32, #tpu.memory_space<hbm>>
      %dma_wait3A_727 = arith.constant 0 : i32
      %dma_wait3A_728 = tpu.memref_slice %arg9[%mul3A_2, %dma_wait3A_727] : memref<49152x32xf32, #tpu.memory_space<hbm>> -> memref<1536x32xf32, #tpu.memory_space<hbm>>
      tpu.wait_dma2 semaphore(%run_scoped3A : memref<!tpu.dma_semaphore, #tpu.memory_space<semaphore_mem>>) src(%arg12 : memref<1536x32xf32, #tpu.memory_space<vmem>>) dst(%dma_wait3A_728 : memref<1536x32xf32, #tpu.memory_space<hbm>>)
      tpu.yield
    }) : () -> ()
    "tpu.region"() ({
      %run_scoped3A = tpu.sem_alloc : memref<!tpu.dma_semaphore, #tpu.memory_space<semaphore_mem>>
      %dma_start3A_721 = arith.constant 0 : i32
      %dma_start3A_722 = arith.constant 0 : i32
      %dma_start3A_723 = tpu.memref_slice %arg7[%add3A, %dma_start3A_721, %dma_start3A_722] : memref<32x12x128xi32, #tpu.memory_space<hbm>> -> memref<1x12x128xi32, #tpu.memory_space<hbm>>
      %dma_start3A_724 = tpu.memref_squeeze %dma_start3A_723 : memref<1x12x128xi32, #tpu.memory_space<hbm>> -> memref<12x128xi32, #tpu.memory_space<hbm>>
      %dma_start3A_725 = arith.constant 0 : i32
      %dma_start3A_726 = arith.constant 0 : i32
      %dma_start3A_727 = tpu.memref_slice %arg7[%add3A, %dma_start3A_725, %dma_start3A_726] : memref<32x12x128xi32, #tpu.memory_space<hbm>> -> memref<1x12x128xi32, #tpu.memory_space<hbm>>
      %dma_start3A_728 = tpu.memref_squeeze %dma_start3A_727 : memref<1x12x128xi32, #tpu.memory_space<hbm>> -> memref<12x128xi32, #tpu.memory_space<hbm>>
      tpu.enqueue_dma source(%dma_start3A_728 : memref<12x128xi32, #tpu.memory_space<hbm>>) target(%arg11 : memref<12x128xi32, #tpu.memory_space<vmem>>) target_semaphore(%run_scoped3A : memref<!tpu.dma_semaphore, #tpu.memory_space<semaphore_mem>>)
      %dma_wait3A_729 = arith.constant 0 : i32
      %dma_wait3A_730 = arith.constant 0 : i32
      %dma_wait3A_731 = tpu.memref_slice %arg7[%add3A, %dma_wait3A_729, %dma_wait3A_730] : memref<32x12x128xi32, #tpu.memory_space<hbm>> -> memref<1x12x128xi32, #tpu.memory_space<hbm>>
      %dma_wait3A_732 = tpu.memref_squeeze %dma_wait3A_731 : memref<1x12x128xi32, #tpu.memory_space<hbm>> -> memref<12x128xi32, #tpu.memory_space<hbm>>
      %dma_wait3A_733 = arith.constant 0 : i32
      %dma_wait3A_734 = arith.constant 0 : i32
      %dma_wait3A_735 = tpu.memref_slice %arg7[%add3A, %dma_wait3A_733, %dma_wait3A_734] : memref<32x12x128xi32, #tpu.memory_space<hbm>> -> memref<1x12x128xi32, #tpu.memory_space<hbm>>
      %dma_wait3A_736 = tpu.memref_squeeze %dma_wait3A_735 : memref<1x12x128xi32, #tpu.memory_space<hbm>> -> memref<12x128xi32, #tpu.memory_space<hbm>>
      tpu.wait_dma2 semaphore(%run_scoped3A : memref<!tpu.dma_semaphore, #tpu.memory_space<semaphore_mem>>) src(%dma_wait3A_736 : memref<12x128xi32, #tpu.memory_space<hbm>>) dst(%arg11 : memref<12x128xi32, #tpu.memory_space<vmem>>)
      tpu.yield
    }) : () -> ()
    %dma_start3A_481 = arith.constant 0 : i32
    %dma_start3A_482 = arith.constant 0 : i32
    %dma_start3A_483 = arith.constant 0 : i32
    %dma_start3A_484 = tpu.memref_slice %arg12[%dma_start3A_482, %dma_start3A_483] : memref<1536x32xf32, #tpu.memory_space<vmem>> -> memref<128x32xf32, #tpu.memory_space<vmem>>
    %dma_start3A_485 = arith.constant 0 : i32
    %dma_start3A_486 = tpu.memref_slice %arg11[%dma_start3A_481, %dma_start3A_485] : memref<12x128xi32, #tpu.memory_space<vmem>> -> memref<1x128xi32, #tpu.memory_space<vmem>>
    %dma_start3A_487 = tpu.memref_squeeze %dma_start3A_486 : memref<1x128xi32, #tpu.memory_space<vmem>> -> memref<128xi32, #tpu.memory_space<vmem>>
    %dma_start3A_488 = arith.constant 0 : i32
    %dma_start3A_489 = arith.constant 0 : i32
    %dma_start3A_490 = tpu.memref_slice %arg4[%dma_start3A_488, %dma_start3A_489] : memref<512x32xf32, #tpu.memory_space<hbm>> -> memref<512x32xf32, #tpu.memory_space<hbm>>
    tpu.enqueue_indirect_dma source(%dma_start3A_490 : memref<512x32xf32, #tpu.memory_space<hbm>>) target(%dma_start3A_484 : memref<128x32xf32, #tpu.memory_space<vmem>>) offsets(%dma_start3A_487 : memref<128xi32, #tpu.memory_space<vmem>>) semaphore(%arg13 : memref<!tpu.dma_semaphore, #tpu.memory_space<semaphore_mem>>)
    %dma_start3A_491 = arith.constant 1 : i32
    %dma_start3A_492 = arith.constant 128 : i32
    %dma_start3A_493 = arith.constant 0 : i32
    %dma_start3A_494 = tpu.memref_slice %arg12[%dma_start3A_492, %dma_start3A_493] : memref<1536x32xf32, #tpu.memory_space<vmem>> -> memref<128x32xf32, #tpu.memory_space<vmem>>
    %dma_start3A_495 = arith.constant 0 : i32
    %dma_start3A_496 = tpu.memref_slice %arg11[%dma_start3A_491, %dma_start3A_495] : memref<12x128xi32, #tpu.memory_space<vmem>> -> memref<1x128xi32, #tpu.memory_space<vmem>>
    %dma_start3A_497 = tpu.memref_squeeze %dma_start3A_496 : memref<1x128xi32, #tpu.memory_space<vmem>> -> memref<128xi32, #tpu.memory_space<vmem>>
    %dma_start3A_498 = arith.constant 0 : i32
    %dma_start3A_499 = arith.constant 0 : i32
    %dma_start3A_500 = tpu.memref_slice %arg4[%dma_start3A_498, %dma_start3A_499] : memref<512x32xf32, #tpu.memory_space<hbm>> -> memref<512x32xf32, #tpu.memory_space<hbm>>
    tpu.enqueue_indirect_dma source(%dma_start3A_500 : memref<512x32xf32, #tpu.memory_space<hbm>>) target(%dma_start3A_494 : memref<128x32xf32, #tpu.memory_space<vmem>>) offsets(%dma_start3A_497 : memref<128xi32, #tpu.memory_space<vmem>>) semaphore(%arg13 : memref<!tpu.dma_semaphore, #tpu.memory_space<semaphore_mem>>)
    %dma_start3A_501 = arith.constant 2 : i32
    %dma_start3A_502 = arith.constant 256 : i32
    %dma_start3A_503 = arith.constant 0 : i32
    %dma_start3A_504 = tpu.memref_slice %arg12[%dma_start3A_502, %dma_start3A_503] : memref<1536x32xf32, #tpu.memory_space<vmem>> -> memref<128x32xf32, #tpu.memory_space<vmem>>
    %dma_start3A_505 = arith.constant 0 : i32
    %dma_start3A_506 = tpu.memref_slice %arg11[%dma_start3A_501, %dma_start3A_505] : memref<12x128xi32, #tpu.memory_space<vmem>> -> memref<1x128xi32, #tpu.memory_space<vmem>>
    %dma_start3A_507 = tpu.memref_squeeze %dma_start3A_506 : memref<1x128xi32, #tpu.memory_space<vmem>> -> memref<128xi32, #tpu.memory_space<vmem>>
    %dma_start3A_508 = arith.constant 0 : i32
    %dma_start3A_509 = arith.constant 0 : i32
    %dma_start3A_510 = tpu.memref_slice %arg4[%dma_start3A_508, %dma_start3A_509] : memref<512x32xf32, #tpu.memory_space<hbm>> -> memref<512x32xf32, #tpu.memory_space<hbm>>
    tpu.enqueue_indirect_dma source(%dma_start3A_510 : memref<512x32xf32, #tpu.memory_space<hbm>>) target(%dma_start3A_504 : memref<128x32xf32, #tpu.memory_space<vmem>>) offsets(%dma_start3A_507 : memref<128xi32, #tpu.memory_space<vmem>>) semaphore(%arg13 : memref<!tpu.dma_semaphore, #tpu.memory_space<semaphore_mem>>)
    %dma_start3A_511 = arith.constant 3 : i32
    %dma_start3A_512 = arith.constant 384 : i32
    %dma_start3A_513 = arith.constant 0 : i32
    %dma_start3A_514 = tpu.memref_slice %arg12[%dma_start3A_512, %dma_start3A_513] : memref<1536x32xf32, #tpu.memory_space<vmem>> -> memref<128x32xf32, #tpu.memory_space<vmem>>
    %dma_start3A_515 = arith.constant 0 : i32
    %dma_start3A_516 = tpu.memref_slice %arg11[%dma_start3A_511, %dma_start3A_515] : memref<12x128xi32, #tpu.memory_space<vmem>> -> memref<1x128xi32, #tpu.memory_space<vmem>>
    %dma_start3A_517 = tpu.memref_squeeze %dma_start3A_516 : memref<1x128xi32, #tpu.memory_space<vmem>> -> memref<128xi32, #tpu.memory_space<vmem>>
    %dma_start3A_518 = arith.constant 0 : i32
    %dma_start3A_519 = arith.constant 0 : i32
    %dma_start3A_520 = tpu.memref_slice %arg4[%dma_start3A_518, %dma_start3A_519] : memref<512x32xf32, #tpu.memory_space<hbm>> -> memref<512x32xf32, #tpu.memory_space<hbm>>
    tpu.enqueue_indirect_dma source(%dma_start3A_520 : memref<512x32xf32, #tpu.memory_space<hbm>>) target(%dma_start3A_514 : memref<128x32xf32, #tpu.memory_space<vmem>>) offsets(%dma_start3A_517 : memref<128xi32, #tpu.memory_space<vmem>>) semaphore(%arg13 : memref<!tpu.dma_semaphore, #tpu.memory_space<semaphore_mem>>)
    %dma_start3A_521 = arith.constant 4 : i32
    %dma_start3A_522 = arith.constant 512 : i32
    %dma_start3A_523 = arith.constant 0 : i32
    %dma_start3A_524 = tpu.memref_slice %arg12[%dma_start3A_522, %dma_start3A_523] : memref<1536x32xf32, #tpu.memory_space<vmem>> -> memref<128x32xf32, #tpu.memory_space<vmem>>
    %dma_start3A_525 = arith.constant 0 : i32
    %dma_start3A_526 = tpu.memref_slice %arg11[%dma_start3A_521, %dma_start3A_525] : memref<12x128xi32, #tpu.memory_space<vmem>> -> memref<1x128xi32, #tpu.memory_space<vmem>>
    %dma_start3A_527 = tpu.memref_squeeze %dma_start3A_526 : memref<1x128xi32, #tpu.memory_space<vmem>> -> memref<128xi32, #tpu.memory_space<vmem>>
    %dma_start3A_528 = arith.constant 0 : i32
    %dma_start3A_529 = arith.constant 0 : i32
    %dma_start3A_530 = tpu.memref_slice %arg4[%dma_start3A_528, %dma_start3A_529] : memref<512x32xf32, #tpu.memory_space<hbm>> -> memref<512x32xf32, #tpu.memory_space<hbm>>
    tpu.enqueue_indirect_dma source(%dma_start3A_530 : memref<512x32xf32, #tpu.memory_space<hbm>>) target(%dma_start3A_524 : memref<128x32xf32, #tpu.memory_space<vmem>>) offsets(%dma_start3A_527 : memref<128xi32, #tpu.memory_space<vmem>>) semaphore(%arg13 : memref<!tpu.dma_semaphore, #tpu.memory_space<semaphore_mem>>)
    %dma_start3A_531 = arith.constant 5 : i32
    %dma_start3A_532 = arith.constant 640 : i32
    %dma_start3A_533 = arith.constant 0 : i32
    %dma_start3A_534 = tpu.memref_slice %arg12[%dma_start3A_532, %dma_start3A_533] : memref<1536x32xf32, #tpu.memory_space<vmem>> -> memref<128x32xf32, #tpu.memory_space<vmem>>
    %dma_start3A_535 = arith.constant 0 : i32
    %dma_start3A_536 = tpu.memref_slice %arg11[%dma_start3A_531, %dma_start3A_535] : memref<12x128xi32, #tpu.memory_space<vmem>> -> memref<1x128xi32, #tpu.memory_space<vmem>>
    %dma_start3A_537 = tpu.memref_squeeze %dma_start3A_536 : memref<1x128xi32, #tpu.memory_space<vmem>> -> memref<128xi32, #tpu.memory_space<vmem>>
    %dma_start3A_538 = arith.constant 0 : i32
    %dma_start3A_539 = arith.constant 0 : i32
    %dma_start3A_540 = tpu.memref_slice %arg4[%dma_start3A_538, %dma_start3A_539] : memref<512x32xf32, #tpu.memory_space<hbm>> -> memref<512x32xf32, #tpu.memory_space<hbm>>
    tpu.enqueue_indirect_dma source(%dma_start3A_540 : memref<512x32xf32, #tpu.memory_space<hbm>>) target(%dma_start3A_534 : memref<128x32xf32, #tpu.memory_space<vmem>>) offsets(%dma_start3A_537 : memref<128xi32, #tpu.memory_space<vmem>>) semaphore(%arg13 : memref<!tpu.dma_semaphore, #tpu.memory_space<semaphore_mem>>)
    %dma_start3A_541 = arith.constant 6 : i32
    %dma_start3A_542 = arith.constant 768 : i32
    %dma_start3A_543 = arith.constant 0 : i32
    %dma_start3A_544 = tpu.memref_slice %arg12[%dma_start3A_542, %dma_start3A_543] : memref<1536x32xf32, #tpu.memory_space<vmem>> -> memref<128x32xf32, #tpu.memory_space<vmem>>
    %dma_start3A_545 = arith.constant 0 : i32
    %dma_start3A_546 = tpu.memref_slice %arg11[%dma_start3A_541, %dma_start3A_545] : memref<12x128xi32, #tpu.memory_space<vmem>> -> memref<1x128xi32, #tpu.memory_space<vmem>>
    %dma_start3A_547 = tpu.memref_squeeze %dma_start3A_546 : memref<1x128xi32, #tpu.memory_space<vmem>> -> memref<128xi32, #tpu.memory_space<vmem>>
    %dma_start3A_548 = arith.constant 0 : i32
    %dma_start3A_549 = arith.constant 0 : i32
    %dma_start3A_550 = tpu.memref_slice %arg4[%dma_start3A_548, %dma_start3A_549] : memref<512x32xf32, #tpu.memory_space<hbm>> -> memref<512x32xf32, #tpu.memory_space<hbm>>
    tpu.enqueue_indirect_dma source(%dma_start3A_550 : memref<512x32xf32, #tpu.memory_space<hbm>>) target(%dma_start3A_544 : memref<128x32xf32, #tpu.memory_space<vmem>>) offsets(%dma_start3A_547 : memref<128xi32, #tpu.memory_space<vmem>>) semaphore(%arg13 : memref<!tpu.dma_semaphore, #tpu.memory_space<semaphore_mem>>)
    %dma_start3A_551 = arith.constant 7 : i32
    %dma_start3A_552 = arith.constant 896 : i32
    %dma_start3A_553 = arith.constant 0 : i32
    %dma_start3A_554 = tpu.memref_slice %arg12[%dma_start3A_552, %dma_start3A_553] : memref<1536x32xf32, #tpu.memory_space<vmem>> -> memref<128x32xf32, #tpu.memory_space<vmem>>
    %dma_start3A_555 = arith.constant 0 : i32
    %dma_start3A_556 = tpu.memref_slice %arg11[%dma_start3A_551, %dma_start3A_555] : memref<12x128xi32, #tpu.memory_space<vmem>> -> memref<1x128xi32, #tpu.memory_space<vmem>>
    %dma_start3A_557 = tpu.memref_squeeze %dma_start3A_556 : memref<1x128xi32, #tpu.memory_space<vmem>> -> memref<128xi32, #tpu.memory_space<vmem>>
    %dma_start3A_558 = arith.constant 0 : i32
    %dma_start3A_559 = arith.constant 0 : i32
    %dma_start3A_560 = tpu.memref_slice %arg4[%dma_start3A_558, %dma_start3A_559] : memref<512x32xf32, #tpu.memory_space<hbm>> -> memref<512x32xf32, #tpu.memory_space<hbm>>
    tpu.enqueue_indirect_dma source(%dma_start3A_560 : memref<512x32xf32, #tpu.memory_space<hbm>>) target(%dma_start3A_554 : memref<128x32xf32, #tpu.memory_space<vmem>>) offsets(%dma_start3A_557 : memref<128xi32, #tpu.memory_space<vmem>>) semaphore(%arg13 : memref<!tpu.dma_semaphore, #tpu.memory_space<semaphore_mem>>)
    %dma_start3A_561 = arith.constant 8 : i32
    %dma_start3A_562 = arith.constant 1024 : i32
    %dma_start3A_563 = arith.constant 0 : i32
    %dma_start3A_564 = tpu.memref_slice %arg12[%dma_start3A_562, %dma_start3A_563] : memref<1536x32xf32, #tpu.memory_space<vmem>> -> memref<128x32xf32, #tpu.memory_space<vmem>>
    %dma_start3A_565 = arith.constant 0 : i32
    %dma_start3A_566 = tpu.memref_slice %arg11[%dma_start3A_561, %dma_start3A_565] : memref<12x128xi32, #tpu.memory_space<vmem>> -> memref<1x128xi32, #tpu.memory_space<vmem>>
    %dma_start3A_567 = tpu.memref_squeeze %dma_start3A_566 : memref<1x128xi32, #tpu.memory_space<vmem>> -> memref<128xi32, #tpu.memory_space<vmem>>
    %dma_start3A_568 = arith.constant 0 : i32
    %dma_start3A_569 = arith.constant 0 : i32
    %dma_start3A_570 = tpu.memref_slice %arg4[%dma_start3A_568, %dma_start3A_569] : memref<512x32xf32, #tpu.memory_space<hbm>> -> memref<512x32xf32, #tpu.memory_space<hbm>>
    tpu.enqueue_indirect_dma source(%dma_start3A_570 : memref<512x32xf32, #tpu.memory_space<hbm>>) target(%dma_start3A_564 : memref<128x32xf32, #tpu.memory_space<vmem>>) offsets(%dma_start3A_567 : memref<128xi32, #tpu.memory_space<vmem>>) semaphore(%arg13 : memref<!tpu.dma_semaphore, #tpu.memory_space<semaphore_mem>>)
    %dma_start3A_571 = arith.constant 9 : i32
    %dma_start3A_572 = arith.constant 1152 : i32
    %dma_start3A_573 = arith.constant 0 : i32
    %dma_start3A_574 = tpu.memref_slice %arg12[%dma_start3A_572, %dma_start3A_573] : memref<1536x32xf32, #tpu.memory_space<vmem>> -> memref<128x32xf32, #tpu.memory_space<vmem>>
    %dma_start3A_575 = arith.constant 0 : i32
    %dma_start3A_576 = tpu.memref_slice %arg11[%dma_start3A_571, %dma_start3A_575] : memref<12x128xi32, #tpu.memory_space<vmem>> -> memref<1x128xi32, #tpu.memory_space<vmem>>
    %dma_start3A_577 = tpu.memref_squeeze %dma_start3A_576 : memref<1x128xi32, #tpu.memory_space<vmem>> -> memref<128xi32, #tpu.memory_space<vmem>>
    %dma_start3A_578 = arith.constant 0 : i32
    %dma_start3A_579 = arith.constant 0 : i32
    %dma_start3A_580 = tpu.memref_slice %arg4[%dma_start3A_578, %dma_start3A_579] : memref<512x32xf32, #tpu.memory_space<hbm>> -> memref<512x32xf32, #tpu.memory_space<hbm>>
    tpu.enqueue_indirect_dma source(%dma_start3A_580 : memref<512x32xf32, #tpu.memory_space<hbm>>) target(%dma_start3A_574 : memref<128x32xf32, #tpu.memory_space<vmem>>) offsets(%dma_start3A_577 : memref<128xi32, #tpu.memory_space<vmem>>) semaphore(%arg13 : memref<!tpu.dma_semaphore, #tpu.memory_space<semaphore_mem>>)
    %dma_start3A_581 = arith.constant 10 : i32
    %dma_start3A_582 = arith.constant 1280 : i32
    %dma_start3A_583 = arith.constant 0 : i32
    %dma_start3A_584 = tpu.memref_slice %arg12[%dma_start3A_582, %dma_start3A_583] : memref<1536x32xf32, #tpu.memory_space<vmem>> -> memref<128x32xf32, #tpu.memory_space<vmem>>
    %dma_start3A_585 = arith.constant 0 : i32
    %dma_start3A_586 = tpu.memref_slice %arg11[%dma_start3A_581, %dma_start3A_585] : memref<12x128xi32, #tpu.memory_space<vmem>> -> memref<1x128xi32, #tpu.memory_space<vmem>>
    %dma_start3A_587 = tpu.memref_squeeze %dma_start3A_586 : memref<1x128xi32, #tpu.memory_space<vmem>> -> memref<128xi32, #tpu.memory_space<vmem>>
    %dma_start3A_588 = arith.constant 0 : i32
    %dma_start3A_589 = arith.constant 0 : i32
    %dma_start3A_590 = tpu.memref_slice %arg4[%dma_start3A_588, %dma_start3A_589] : memref<512x32xf32, #tpu.memory_space<hbm>> -> memref<512x32xf32, #tpu.memory_space<hbm>>
    tpu.enqueue_indirect_dma source(%dma_start3A_590 : memref<512x32xf32, #tpu.memory_space<hbm>>) target(%dma_start3A_584 : memref<128x32xf32, #tpu.memory_space<vmem>>) offsets(%dma_start3A_587 : memref<128xi32, #tpu.memory_space<vmem>>) semaphore(%arg13 : memref<!tpu.dma_semaphore, #tpu.memory_space<semaphore_mem>>)
    %dma_start3A_591 = arith.constant 11 : i32
    %dma_start3A_592 = arith.constant 1408 : i32
    %dma_start3A_593 = arith.constant 0 : i32
    %dma_start3A_594 = tpu.memref_slice %arg12[%dma_start3A_592, %dma_start3A_593] : memref<1536x32xf32, #tpu.memory_space<vmem>> -> memref<128x32xf32, #tpu.memory_space<vmem>>
    %dma_start3A_595 = arith.constant 0 : i32
    %dma_start3A_596 = tpu.memref_slice %arg11[%dma_start3A_591, %dma_start3A_595] : memref<12x128xi32, #tpu.memory_space<vmem>> -> memref<1x128xi32, #tpu.memory_space<vmem>>
    %dma_start3A_597 = tpu.memref_squeeze %dma_start3A_596 : memref<1x128xi32, #tpu.memory_space<vmem>> -> memref<128xi32, #tpu.memory_space<vmem>>
    %dma_start3A_598 = arith.constant 0 : i32
    %dma_start3A_599 = arith.constant 0 : i32
    %dma_start3A_600 = tpu.memref_slice %arg4[%dma_start3A_598, %dma_start3A_599] : memref<512x32xf32, #tpu.memory_space<hbm>> -> memref<512x32xf32, #tpu.memory_space<hbm>>
    tpu.enqueue_indirect_dma source(%dma_start3A_600 : memref<512x32xf32, #tpu.memory_space<hbm>>) target(%dma_start3A_594 : memref<128x32xf32, #tpu.memory_space<vmem>>) offsets(%dma_start3A_597 : memref<128xi32, #tpu.memory_space<vmem>>) semaphore(%arg13 : memref<!tpu.dma_semaphore, #tpu.memory_space<semaphore_mem>>)
    %dma_wait3A_601 = arith.constant 0 : i32
    %dma_wait3A_602 = arith.constant 0 : i32
    %dma_wait3A_603 = arith.constant 0 : i32
    %dma_wait3A_604 = tpu.memref_slice %arg12[%dma_wait3A_602, %dma_wait3A_603] : memref<1536x32xf32, #tpu.memory_space<vmem>> -> memref<128x32xf32, #tpu.memory_space<vmem>>
    %dma_wait3A_605 = arith.constant 0 : i32
    %dma_wait3A_606 = tpu.memref_slice %arg11[%dma_wait3A_601, %dma_wait3A_605] : memref<12x128xi32, #tpu.memory_space<vmem>> -> memref<1x128xi32, #tpu.memory_space<vmem>>
    %dma_wait3A_607 = tpu.memref_squeeze %dma_wait3A_606 : memref<1x128xi32, #tpu.memory_space<vmem>> -> memref<128xi32, #tpu.memory_space<vmem>>
    %dma_wait3A_608 = arith.constant 0 : i32
    %dma_wait3A_609 = arith.constant 0 : i32
    %dma_wait3A_610 = tpu.memref_slice %arg4[%dma_wait3A_608, %dma_wait3A_609] : memref<512x32xf32, #tpu.memory_space<hbm>> -> memref<512x32xf32, #tpu.memory_space<hbm>>
    tpu.wait_indirect_dma semaphore(%arg13 : memref<!tpu.dma_semaphore, #tpu.memory_space<semaphore_mem>>) src(%dma_wait3A_610 : memref<512x32xf32, #tpu.memory_space<hbm>>) dst(%dma_wait3A_604 : memref<128x32xf32, #tpu.memory_space<vmem>>)
    %dma_wait3A_611 = arith.constant 1 : i32
    %dma_wait3A_612 = arith.constant 128 : i32
    %dma_wait3A_613 = arith.constant 0 : i32
    %dma_wait3A_614 = tpu.memref_slice %arg12[%dma_wait3A_612, %dma_wait3A_613] : memref<1536x32xf32, #tpu.memory_space<vmem>> -> memref<128x32xf32, #tpu.memory_space<vmem>>
    %dma_wait3A_615 = arith.constant 0 : i32
    %dma_wait3A_616 = tpu.memref_slice %arg11[%dma_wait3A_611, %dma_wait3A_615] : memref<12x128xi32, #tpu.memory_space<vmem>> -> memref<1x128xi32, #tpu.memory_space<vmem>>
    %dma_wait3A_617 = tpu.memref_squeeze %dma_wait3A_616 : memref<1x128xi32, #tpu.memory_space<vmem>> -> memref<128xi32, #tpu.memory_space<vmem>>
    %dma_wait3A_618 = arith.constant 0 : i32
    %dma_wait3A_619 = arith.constant 0 : i32
    %dma_wait3A_620 = tpu.memref_slice %arg4[%dma_wait3A_618, %dma_wait3A_619] : memref<512x32xf32, #tpu.memory_space<hbm>> -> memref<512x32xf32, #tpu.memory_space<hbm>>
    tpu.wait_indirect_dma semaphore(%arg13 : memref<!tpu.dma_semaphore, #tpu.memory_space<semaphore_mem>>) src(%dma_wait3A_620 : memref<512x32xf32, #tpu.memory_space<hbm>>) dst(%dma_wait3A_614 : memref<128x32xf32, #tpu.memory_space<vmem>>)
    %dma_wait3A_621 = arith.constant 2 : i32
    %dma_wait3A_622 = arith.constant 256 : i32
    %dma_wait3A_623 = arith.constant 0 : i32
    %dma_wait3A_624 = tpu.memref_slice %arg12[%dma_wait3A_622, %dma_wait3A_623] : memref<1536x32xf32, #tpu.memory_space<vmem>> -> memref<128x32xf32, #tpu.memory_space<vmem>>
    %dma_wait3A_625 = arith.constant 0 : i32
    %dma_wait3A_626 = tpu.memref_slice %arg11[%dma_wait3A_621, %dma_wait3A_625] : memref<12x128xi32, #tpu.memory_space<vmem>> -> memref<1x128xi32, #tpu.memory_space<vmem>>
    %dma_wait3A_627 = tpu.memref_squeeze %dma_wait3A_626 : memref<1x128xi32, #tpu.memory_space<vmem>> -> memref<128xi32, #tpu.memory_space<vmem>>
    %dma_wait3A_628 = arith.constant 0 : i32
    %dma_wait3A_629 = arith.constant 0 : i32
    %dma_wait3A_630 = tpu.memref_slice %arg4[%dma_wait3A_628, %dma_wait3A_629] : memref<512x32xf32, #tpu.memory_space<hbm>> -> memref<512x32xf32, #tpu.memory_space<hbm>>
    tpu.wait_indirect_dma semaphore(%arg13 : memref<!tpu.dma_semaphore, #tpu.memory_space<semaphore_mem>>) src(%dma_wait3A_630 : memref<512x32xf32, #tpu.memory_space<hbm>>) dst(%dma_wait3A_624 : memref<128x32xf32, #tpu.memory_space<vmem>>)
    %dma_wait3A_631 = arith.constant 3 : i32
    %dma_wait3A_632 = arith.constant 384 : i32
    %dma_wait3A_633 = arith.constant 0 : i32
    %dma_wait3A_634 = tpu.memref_slice %arg12[%dma_wait3A_632, %dma_wait3A_633] : memref<1536x32xf32, #tpu.memory_space<vmem>> -> memref<128x32xf32, #tpu.memory_space<vmem>>
    %dma_wait3A_635 = arith.constant 0 : i32
    %dma_wait3A_636 = tpu.memref_slice %arg11[%dma_wait3A_631, %dma_wait3A_635] : memref<12x128xi32, #tpu.memory_space<vmem>> -> memref<1x128xi32, #tpu.memory_space<vmem>>
    %dma_wait3A_637 = tpu.memref_squeeze %dma_wait3A_636 : memref<1x128xi32, #tpu.memory_space<vmem>> -> memref<128xi32, #tpu.memory_space<vmem>>
    %dma_wait3A_638 = arith.constant 0 : i32
    %dma_wait3A_639 = arith.constant 0 : i32
    %dma_wait3A_640 = tpu.memref_slice %arg4[%dma_wait3A_638, %dma_wait3A_639] : memref<512x32xf32, #tpu.memory_space<hbm>> -> memref<512x32xf32, #tpu.memory_space<hbm>>
    tpu.wait_indirect_dma semaphore(%arg13 : memref<!tpu.dma_semaphore, #tpu.memory_space<semaphore_mem>>) src(%dma_wait3A_640 : memref<512x32xf32, #tpu.memory_space<hbm>>) dst(%dma_wait3A_634 : memref<128x32xf32, #tpu.memory_space<vmem>>)
    %dma_wait3A_641 = arith.constant 4 : i32
    %dma_wait3A_642 = arith.constant 512 : i32
    %dma_wait3A_643 = arith.constant 0 : i32
    %dma_wait3A_644 = tpu.memref_slice %arg12[%dma_wait3A_642, %dma_wait3A_643] : memref<1536x32xf32, #tpu.memory_space<vmem>> -> memref<128x32xf32, #tpu.memory_space<vmem>>
    %dma_wait3A_645 = arith.constant 0 : i32
    %dma_wait3A_646 = tpu.memref_slice %arg11[%dma_wait3A_641, %dma_wait3A_645] : memref<12x128xi32, #tpu.memory_space<vmem>> -> memref<1x128xi32, #tpu.memory_space<vmem>>
    %dma_wait3A_647 = tpu.memref_squeeze %dma_wait3A_646 : memref<1x128xi32, #tpu.memory_space<vmem>> -> memref<128xi32, #tpu.memory_space<vmem>>
    %dma_wait3A_648 = arith.constant 0 : i32
    %dma_wait3A_649 = arith.constant 0 : i32
    %dma_wait3A_650 = tpu.memref_slice %arg4[%dma_wait3A_648, %dma_wait3A_649] : memref<512x32xf32, #tpu.memory_space<hbm>> -> memref<512x32xf32, #tpu.memory_space<hbm>>
    tpu.wait_indirect_dma semaphore(%arg13 : memref<!tpu.dma_semaphore, #tpu.memory_space<semaphore_mem>>) src(%dma_wait3A_650 : memref<512x32xf32, #tpu.memory_space<hbm>>) dst(%dma_wait3A_644 : memref<128x32xf32, #tpu.memory_space<vmem>>)
    %dma_wait3A_651 = arith.constant 5 : i32
    %dma_wait3A_652 = arith.constant 640 : i32
    %dma_wait3A_653 = arith.constant 0 : i32
    %dma_wait3A_654 = tpu.memref_slice %arg12[%dma_wait3A_652, %dma_wait3A_653] : memref<1536x32xf32, #tpu.memory_space<vmem>> -> memref<128x32xf32, #tpu.memory_space<vmem>>
    %dma_wait3A_655 = arith.constant 0 : i32
    %dma_wait3A_656 = tpu.memref_slice %arg11[%dma_wait3A_651, %dma_wait3A_655] : memref<12x128xi32, #tpu.memory_space<vmem>> -> memref<1x128xi32, #tpu.memory_space<vmem>>
    %dma_wait3A_657 = tpu.memref_squeeze %dma_wait3A_656 : memref<1x128xi32, #tpu.memory_space<vmem>> -> memref<128xi32, #tpu.memory_space<vmem>>
    %dma_wait3A_658 = arith.constant 0 : i32
    %dma_wait3A_659 = arith.constant 0 : i32
    %dma_wait3A_660 = tpu.memref_slice %arg4[%dma_wait3A_658, %dma_wait3A_659] : memref<512x32xf32, #tpu.memory_space<hbm>> -> memref<512x32xf32, #tpu.memory_space<hbm>>
    tpu.wait_indirect_dma semaphore(%arg13 : memref<!tpu.dma_semaphore, #tpu.memory_space<semaphore_mem>>) src(%dma_wait3A_660 : memref<512x32xf32, #tpu.memory_space<hbm>>) dst(%dma_wait3A_654 : memref<128x32xf32, #tpu.memory_space<vmem>>)
    %dma_wait3A_661 = arith.constant 6 : i32
    %dma_wait3A_662 = arith.constant 768 : i32
    %dma_wait3A_663 = arith.constant 0 : i32
    %dma_wait3A_664 = tpu.memref_slice %arg12[%dma_wait3A_662, %dma_wait3A_663] : memref<1536x32xf32, #tpu.memory_space<vmem>> -> memref<128x32xf32, #tpu.memory_space<vmem>>
    %dma_wait3A_665 = arith.constant 0 : i32
    %dma_wait3A_666 = tpu.memref_slice %arg11[%dma_wait3A_661, %dma_wait3A_665] : memref<12x128xi32, #tpu.memory_space<vmem>> -> memref<1x128xi32, #tpu.memory_space<vmem>>
    %dma_wait3A_667 = tpu.memref_squeeze %dma_wait3A_666 : memref<1x128xi32, #tpu.memory_space<vmem>> -> memref<128xi32, #tpu.memory_space<vmem>>
    %dma_wait3A_668 = arith.constant 0 : i32
    %dma_wait3A_669 = arith.constant 0 : i32
    %dma_wait3A_670 = tpu.memref_slice %arg4[%dma_wait3A_668, %dma_wait3A_669] : memref<512x32xf32, #tpu.memory_space<hbm>> -> memref<512x32xf32, #tpu.memory_space<hbm>>
    tpu.wait_indirect_dma semaphore(%arg13 : memref<!tpu.dma_semaphore, #tpu.memory_space<semaphore_mem>>) src(%dma_wait3A_670 : memref<512x32xf32, #tpu.memory_space<hbm>>) dst(%dma_wait3A_664 : memref<128x32xf32, #tpu.memory_space<vmem>>)
    %dma_wait3A_671 = arith.constant 7 : i32
    %dma_wait3A_672 = arith.constant 896 : i32
    %dma_wait3A_673 = arith.constant 0 : i32
    %dma_wait3A_674 = tpu.memref_slice %arg12[%dma_wait3A_672, %dma_wait3A_673] : memref<1536x32xf32, #tpu.memory_space<vmem>> -> memref<128x32xf32, #tpu.memory_space<vmem>>
    %dma_wait3A_675 = arith.constant 0 : i32
    %dma_wait3A_676 = tpu.memref_slice %arg11[%dma_wait3A_671, %dma_wait3A_675] : memref<12x128xi32, #tpu.memory_space<vmem>> -> memref<1x128xi32, #tpu.memory_space<vmem>>
    %dma_wait3A_677 = tpu.memref_squeeze %dma_wait3A_676 : memref<1x128xi32, #tpu.memory_space<vmem>> -> memref<128xi32, #tpu.memory_space<vmem>>
    %dma_wait3A_678 = arith.constant 0 : i32
    %dma_wait3A_679 = arith.constant 0 : i32
    %dma_wait3A_680 = tpu.memref_slice %arg4[%dma_wait3A_678, %dma_wait3A_679] : memref<512x32xf32, #tpu.memory_space<hbm>> -> memref<512x32xf32, #tpu.memory_space<hbm>>
    tpu.wait_indirect_dma semaphore(%arg13 : memref<!tpu.dma_semaphore, #tpu.memory_space<semaphore_mem>>) src(%dma_wait3A_680 : memref<512x32xf32, #tpu.memory_space<hbm>>) dst(%dma_wait3A_674 : memref<128x32xf32, #tpu.memory_space<vmem>>)
    %dma_wait3A_681 = arith.constant 8 : i32
    %dma_wait3A_682 = arith.constant 1024 : i32
    %dma_wait3A_683 = arith.constant 0 : i32
    %dma_wait3A_684 = tpu.memref_slice %arg12[%dma_wait3A_682, %dma_wait3A_683] : memref<1536x32xf32, #tpu.memory_space<vmem>> -> memref<128x32xf32, #tpu.memory_space<vmem>>
    %dma_wait3A_685 = arith.constant 0 : i32
    %dma_wait3A_686 = tpu.memref_slice %arg11[%dma_wait3A_681, %dma_wait3A_685] : memref<12x128xi32, #tpu.memory_space<vmem>> -> memref<1x128xi32, #tpu.memory_space<vmem>>
    %dma_wait3A_687 = tpu.memref_squeeze %dma_wait3A_686 : memref<1x128xi32, #tpu.memory_space<vmem>> -> memref<128xi32, #tpu.memory_space<vmem>>
    %dma_wait3A_688 = arith.constant 0 : i32
    %dma_wait3A_689 = arith.constant 0 : i32
    %dma_wait3A_690 = tpu.memref_slice %arg4[%dma_wait3A_688, %dma_wait3A_689] : memref<512x32xf32, #tpu.memory_space<hbm>> -> memref<512x32xf32, #tpu.memory_space<hbm>>
    tpu.wait_indirect_dma semaphore(%arg13 : memref<!tpu.dma_semaphore, #tpu.memory_space<semaphore_mem>>) src(%dma_wait3A_690 : memref<512x32xf32, #tpu.memory_space<hbm>>) dst(%dma_wait3A_684 : memref<128x32xf32, #tpu.memory_space<vmem>>)
    %dma_wait3A_691 = arith.constant 9 : i32
    %dma_wait3A_692 = arith.constant 1152 : i32
    %dma_wait3A_693 = arith.constant 0 : i32
    %dma_wait3A_694 = tpu.memref_slice %arg12[%dma_wait3A_692, %dma_wait3A_693] : memref<1536x32xf32, #tpu.memory_space<vmem>> -> memref<128x32xf32, #tpu.memory_space<vmem>>
    %dma_wait3A_695 = arith.constant 0 : i32
    %dma_wait3A_696 = tpu.memref_slice %arg11[%dma_wait3A_691, %dma_wait3A_695] : memref<12x128xi32, #tpu.memory_space<vmem>> -> memref<1x128xi32, #tpu.memory_space<vmem>>
    %dma_wait3A_697 = tpu.memref_squeeze %dma_wait3A_696 : memref<1x128xi32, #tpu.memory_space<vmem>> -> memref<128xi32, #tpu.memory_space<vmem>>
    %dma_wait3A_698 = arith.constant 0 : i32
    %dma_wait3A_699 = arith.constant 0 : i32
    %dma_wait3A_700 = tpu.memref_slice %arg4[%dma_wait3A_698, %dma_wait3A_699] : memref<512x32xf32, #tpu.memory_space<hbm>> -> memref<512x32xf32, #tpu.memory_space<hbm>>
    tpu.wait_indirect_dma semaphore(%arg13 : memref<!tpu.dma_semaphore, #tpu.memory_space<semaphore_mem>>) src(%dma_wait3A_700 : memref<512x32xf32, #tpu.memory_space<hbm>>) dst(%dma_wait3A_694 : memref<128x32xf32, #tpu.memory_space<vmem>>)
    %dma_wait3A_701 = arith.constant 10 : i32
    %dma_wait3A_702 = arith.constant 1280 : i32
    %dma_wait3A_703 = arith.constant 0 : i32
    %dma_wait3A_704 = tpu.memref_slice %arg12[%dma_wait3A_702, %dma_wait3A_703] : memref<1536x32xf32, #tpu.memory_space<vmem>> -> memref<128x32xf32, #tpu.memory_space<vmem>>
    %dma_wait3A_705 = arith.constant 0 : i32
    %dma_wait3A_706 = tpu.memref_slice %arg11[%dma_wait3A_701, %dma_wait3A_705] : memref<12x128xi32, #tpu.memory_space<vmem>> -> memref<1x128xi32, #tpu.memory_space<vmem>>
    %dma_wait3A_707 = tpu.memref_squeeze %dma_wait3A_706 : memref<1x128xi32, #tpu.memory_space<vmem>> -> memref<128xi32, #tpu.memory_space<vmem>>
    %dma_wait3A_708 = arith.constant 0 : i32
    %dma_wait3A_709 = arith.constant 0 : i32
    %dma_wait3A_710 = tpu.memref_slice %arg4[%dma_wait3A_708, %dma_wait3A_709] : memref<512x32xf32, #tpu.memory_space<hbm>> -> memref<512x32xf32, #tpu.memory_space<hbm>>
    tpu.wait_indirect_dma semaphore(%arg13 : memref<!tpu.dma_semaphore, #tpu.memory_space<semaphore_mem>>) src(%dma_wait3A_710 : memref<512x32xf32, #tpu.memory_space<hbm>>) dst(%dma_wait3A_704 : memref<128x32xf32, #tpu.memory_space<vmem>>)
    %dma_wait3A_711 = arith.constant 11 : i32
    %dma_wait3A_712 = arith.constant 1408 : i32
    %dma_wait3A_713 = arith.constant 0 : i32
    %dma_wait3A_714 = tpu.memref_slice %arg12[%dma_wait3A_712, %dma_wait3A_713] : memref<1536x32xf32, #tpu.memory_space<vmem>> -> memref<128x32xf32, #tpu.memory_space<vmem>>
    %dma_wait3A_715 = arith.constant 0 : i32
    %dma_wait3A_716 = tpu.memref_slice %arg11[%dma_wait3A_711, %dma_wait3A_715] : memref<12x128xi32, #tpu.memory_space<vmem>> -> memref<1x128xi32, #tpu.memory_space<vmem>>
    %dma_wait3A_717 = tpu.memref_squeeze %dma_wait3A_716 : memref<1x128xi32, #tpu.memory_space<vmem>> -> memref<128xi32, #tpu.memory_space<vmem>>
    %dma_wait3A_718 = arith.constant 0 : i32
    %dma_wait3A_719 = arith.constant 0 : i32
    %dma_wait3A_720 = tpu.memref_slice %arg4[%dma_wait3A_718, %dma_wait3A_719] : memref<512x32xf32, #tpu.memory_space<hbm>> -> memref<512x32xf32, #tpu.memory_space<hbm>>
    tpu.wait_indirect_dma semaphore(%arg13 : memref<!tpu.dma_semaphore, #tpu.memory_space<semaphore_mem>>) src(%dma_wait3A_720 : memref<512x32xf32, #tpu.memory_space<hbm>>) dst(%dma_wait3A_714 : memref<128x32xf32, #tpu.memory_space<vmem>>)
    "tpu.region"() ({
      %run_scoped3A = tpu.sem_alloc : memref<!tpu.dma_semaphore, #tpu.memory_space<semaphore_mem>>
      %dma_start3A_721 = arith.constant 0 : i32
      %dma_start3A_722 = tpu.memref_slice %arg10[%mul3A_2, %dma_start3A_721] : memref<49152x32xf32, #tpu.memory_space<hbm>> -> memref<1536x32xf32, #tpu.memory_space<hbm>>
      %dma_start3A_723 = arith.constant 0 : i32
      %dma_start3A_724 = tpu.memref_slice %arg10[%mul3A_2, %dma_start3A_723] : memref<49152x32xf32, #tpu.memory_space<hbm>> -> memref<1536x32xf32, #tpu.memory_space<hbm>>
      tpu.enqueue_dma source(%arg12 : memref<1536x32xf32, #tpu.memory_space<vmem>>) target(%dma_start3A_724 : memref<1536x32xf32, #tpu.memory_space<hbm>>) target_semaphore(%run_scoped3A : memref<!tpu.dma_semaphore, #tpu.memory_space<semaphore_mem>>)
      %dma_wait3A_725 = arith.constant 0 : i32
      %dma_wait3A_726 = tpu.memref_slice %arg10[%mul3A_2, %dma_wait3A_725] : memref<49152x32xf32, #tpu.memory_space<hbm>> -> memref<1536x32xf32, #tpu.memory_space<hbm>>
      %dma_wait3A_727 = arith.constant 0 : i32
      %dma_wait3A_728 = tpu.memref_slice %arg10[%mul3A_2, %dma_wait3A_727] : memref<49152x32xf32, #tpu.memory_space<hbm>> -> memref<1536x32xf32, #tpu.memory_space<hbm>>
      tpu.wait_dma2 semaphore(%run_scoped3A : memref<!tpu.dma_semaphore, #tpu.memory_space<semaphore_mem>>) src(%arg12 : memref<1536x32xf32, #tpu.memory_space<vmem>>) dst(%dma_wait3A_728 : memref<1536x32xf32, #tpu.memory_space<hbm>>)
      tpu.yield
    }) : () -> ()
    return
  }
}

module attributes {stable_mosaic.version = 14 : i64} {
  func.func @_topk_all_body(%arg0: i32, %arg1: memref<128x3xf32, #tpu.memory_space<vmem>>, %arg2: memref<8x8192xf32, #tpu.memory_space<vmem>>, %arg3: memref<8x2048xf32, #tpu.memory_space<vmem>>, %arg4: memref<8x512xf32, #tpu.memory_space<vmem>>, %arg5: memref<128x3xi32, #tpu.memory_space<vmem>>, %arg6: memref<128x1xf32, #tpu.memory_space<vmem>>, %arg7: memref<128x1xf32, #tpu.memory_space<vmem>>, %arg8: memref<128x1xf32, #tpu.memory_space<vmem>>, %arg9: memref<128x3xi32, #tpu.memory_space<vmem>>, %arg10: memref<128x1xf32, #tpu.memory_space<vmem>>, %arg11: memref<128x1xf32, #tpu.memory_space<vmem>>, %arg12: memref<128x1xf32, #tpu.memory_space<vmem>>, %arg13: memref<128x3xi32, #tpu.memory_space<vmem>>, %arg14: memref<128x1xf32, #tpu.memory_space<vmem>>, %arg15: memref<128x1xf32, #tpu.memory_space<vmem>>, %arg16: memref<128x1xf32, #tpu.memory_space<vmem>>) attributes {dimension_semantics = [#tpu.dimension_semantics<arbitrary>], iteration_bounds = array<i64: 128>, scalar_prefetch = 0 : i64, scratch_operands = 0 : i64, tpu.core_type = #tpu.core_type<tc>, window_params = [{transform_indices = @transform_0, window_bounds = array<i64: 128, 3>}, {pipeline_mode = #tpu.pipeline_mode<synchronous>, transform_indices = @transform_1, window_bounds = array<i64: 8, 8192>}, {pipeline_mode = #tpu.pipeline_mode<synchronous>, transform_indices = @transform_2, window_bounds = array<i64: 8, 2048>}, {pipeline_mode = #tpu.pipeline_mode<synchronous>, transform_indices = @transform_3, window_bounds = array<i64: 8, 512>}, {transform_indices = @transform_4, window_bounds = array<i64: 128, 3>}, {transform_indices = @transform_5, window_bounds = array<i64: 128, 1>}, {transform_indices = @transform_6, window_bounds = array<i64: 128, 1>}, {transform_indices = @transform_7, window_bounds = array<i64: 128, 1>}, {transform_indices = @transform_8, window_bounds = array<i64: 128, 3>}, {transform_indices = @transform_9, window_bounds = array<i64: 128, 1>}, {transform_indices = @transform_10, window_bounds = array<i64: 128, 1>}, {transform_indices = @transform_11, window_bounds = array<i64: 128, 1>}, {transform_indices = @transform_12, window_bounds = array<i64: 128, 3>}, {transform_indices = @transform_13, window_bounds = array<i64: 128, 1>}, {transform_indices = @transform_14, window_bounds = array<i64: 128, 1>}, {transform_indices = @transform_15, window_bounds = array<i64: 128, 1>}]} {
    %get3A = arith.constant 0 : index
    %get3A_0 = arith.constant 0 : index
    %get3A_1 = vector.load %arg1[%get3A, %get3A_0] : memref<128x3xf32, #tpu.memory_space<vmem>>, vector<128x3xf32>
    %slice3A = vector.extract_strided_slice %get3A_1 {offsets = [0, 0], sizes = [128, 1], strides = [1, 1]} : vector<128x3xf32> to vector<128x1xf32>
    %slice3A_2 = vector.extract_strided_slice %get3A_1 {offsets = [0, 1], sizes = [128, 1], strides = [1, 1]} : vector<128x3xf32> to vector<128x1xf32>
    %slice3A_3 = vector.extract_strided_slice %get3A_1 {offsets = [0, 2], sizes = [128, 1], strides = [1, 1]} : vector<128x3xf32> to vector<128x1xf32>
    %get3A_4 = arith.constant 0 : index
    %get3A_5 = arith.constant 0 : index
    %get3A_6 = vector.load %arg2[%get3A_4, %get3A_5] : memref<8x8192xf32, #tpu.memory_space<vmem>>, vector<1x8192xf32>
    %get3A_7 = arith.constant 1 : index
    %get3A_8 = arith.constant 0 : index
    %get3A_9 = vector.load %arg2[%get3A_7, %get3A_8] : memref<8x8192xf32, #tpu.memory_space<vmem>>, vector<1x8192xf32>
    %get3A_10 = arith.constant 2 : index
    %get3A_11 = arith.constant 0 : index
    %get3A_12 = vector.load %arg2[%get3A_10, %get3A_11] : memref<8x8192xf32, #tpu.memory_space<vmem>>, vector<1x8192xf32>
    %sub3A = vector.broadcast %slice3A : vector<128x1xf32> to vector<128x8192xf32>
    %sub3A_13 = vector.broadcast %get3A_6 : vector<1x8192xf32> to vector<128x8192xf32>
    %sub3A_14 = arith.subf %sub3A, %sub3A_13 : vector<128x8192xf32>
    %sub3A_15 = vector.broadcast %slice3A_2 : vector<128x1xf32> to vector<128x8192xf32>
    %sub3A_16 = vector.broadcast %get3A_9 : vector<1x8192xf32> to vector<128x8192xf32>
    %sub3A_17 = arith.subf %sub3A_15, %sub3A_16 : vector<128x8192xf32>
    %sub3A_18 = vector.broadcast %slice3A_3 : vector<128x1xf32> to vector<128x8192xf32>
    %sub3A_19 = vector.broadcast %get3A_12 : vector<1x8192xf32> to vector<128x8192xf32>
    %sub3A_20 = arith.subf %sub3A_18, %sub3A_19 : vector<128x8192xf32>
    %mul3A = arith.mulf %sub3A_14, %sub3A_14 : vector<128x8192xf32>
    %mul3A_21 = arith.mulf %sub3A_17, %sub3A_17 : vector<128x8192xf32>
    %add3A = arith.addf %mul3A, %mul3A_21 : vector<128x8192xf32>
    %mul3A_22 = arith.mulf %sub3A_20, %sub3A_20 : vector<128x8192xf32>
    %add3A_23 = arith.addf %add3A, %mul3A_22 : vector<128x8192xf32>
    %iota3A = tpu.iota {dimensions = array<i32: 1>} : vector<128x128xi32>
    %broadcast_in_dim3A = arith.constant 0x7F800000 : f32
    %broadcast_in_dim3A_24 = vector.broadcast %broadcast_in_dim3A : f32 to vector<128x128xf32>
    %broadcast_in_dim3A_25 = arith.constant 0 : i32
    %broadcast_in_dim3A_26 = vector.broadcast %broadcast_in_dim3A_25 : i32 to vector<128x128xi32>
    %slice3A_27 = vector.extract_strided_slice %add3A_23 {offsets = [0, 0], sizes = [128, 128], strides = [1, 1]} : vector<128x8192xf32> to vector<128x128xf32>
    %lt3A = arith.cmpf olt, %slice3A_27, %broadcast_in_dim3A_24 : vector<128x128xf32>
    %select_n3A = arith.select %lt3A, %slice3A_27, %broadcast_in_dim3A_24 : vector<128x128xi1>, vector<128x128xf32>
    %jit3A = arith.constant 0 : i32
    %broadcast_in_dim3A_28 = vector.broadcast %jit3A : i32 to vector<128x128xi32>
    %select_n3A_29 = arith.select %lt3A, %broadcast_in_dim3A_28, %broadcast_in_dim3A_26 : vector<128x128xi1>, vector<128x128xi32>
    %slice3A_30 = vector.extract_strided_slice %add3A_23 {offsets = [0, 128], sizes = [128, 128], strides = [1, 1]} : vector<128x8192xf32> to vector<128x128xf32>
    %lt3A_31 = arith.cmpf olt, %slice3A_30, %select_n3A : vector<128x128xf32>
    %select_n3A_32 = arith.select %lt3A_31, %slice3A_30, %select_n3A : vector<128x128xi1>, vector<128x128xf32>
    %jit3A_33 = arith.constant 1 : i32
    %broadcast_in_dim3A_34 = vector.broadcast %jit3A_33 : i32 to vector<128x128xi32>
    %select_n3A_35 = arith.select %lt3A_31, %broadcast_in_dim3A_34, %select_n3A_29 : vector<128x128xi1>, vector<128x128xi32>
    %slice3A_36 = vector.extract_strided_slice %add3A_23 {offsets = [0, 256], sizes = [128, 128], strides = [1, 1]} : vector<128x8192xf32> to vector<128x128xf32>
    %lt3A_37 = arith.cmpf olt, %slice3A_36, %select_n3A_32 : vector<128x128xf32>
    %select_n3A_38 = arith.select %lt3A_37, %slice3A_36, %select_n3A_32 : vector<128x128xi1>, vector<128x128xf32>
    %jit3A_39 = arith.constant 2 : i32
    %broadcast_in_dim3A_40 = vector.broadcast %jit3A_39 : i32 to vector<128x128xi32>
    %select_n3A_41 = arith.select %lt3A_37, %broadcast_in_dim3A_40, %select_n3A_35 : vector<128x128xi1>, vector<128x128xi32>
    %slice3A_42 = vector.extract_strided_slice %add3A_23 {offsets = [0, 384], sizes = [128, 128], strides = [1, 1]} : vector<128x8192xf32> to vector<128x128xf32>
    %lt3A_43 = arith.cmpf olt, %slice3A_42, %select_n3A_38 : vector<128x128xf32>
    %select_n3A_44 = arith.select %lt3A_43, %slice3A_42, %select_n3A_38 : vector<128x128xi1>, vector<128x128xf32>
    %jit3A_45 = arith.constant 3 : i32
    %broadcast_in_dim3A_46 = vector.broadcast %jit3A_45 : i32 to vector<128x128xi32>
    %select_n3A_47 = arith.select %lt3A_43, %broadcast_in_dim3A_46, %select_n3A_41 : vector<128x128xi1>, vector<128x128xi32>
    %slice3A_48 = vector.extract_strided_slice %add3A_23 {offsets = [0, 512], sizes = [128, 128], strides = [1, 1]} : vector<128x8192xf32> to vector<128x128xf32>
    %lt3A_49 = arith.cmpf olt, %slice3A_48, %select_n3A_44 : vector<128x128xf32>
    %select_n3A_50 = arith.select %lt3A_49, %slice3A_48, %select_n3A_44 : vector<128x128xi1>, vector<128x128xf32>
    %jit3A_51 = arith.constant 4 : i32
    %broadcast_in_dim3A_52 = vector.broadcast %jit3A_51 : i32 to vector<128x128xi32>
    %select_n3A_53 = arith.select %lt3A_49, %broadcast_in_dim3A_52, %select_n3A_47 : vector<128x128xi1>, vector<128x128xi32>
    %slice3A_54 = vector.extract_strided_slice %add3A_23 {offsets = [0, 640], sizes = [128, 128], strides = [1, 1]} : vector<128x8192xf32> to vector<128x128xf32>
    %lt3A_55 = arith.cmpf olt, %slice3A_54, %select_n3A_50 : vector<128x128xf32>
    %select_n3A_56 = arith.select %lt3A_55, %slice3A_54, %select_n3A_50 : vector<128x128xi1>, vector<128x128xf32>
    %jit3A_57 = arith.constant 5 : i32
    %broadcast_in_dim3A_58 = vector.broadcast %jit3A_57 : i32 to vector<128x128xi32>
    %select_n3A_59 = arith.select %lt3A_55, %broadcast_in_dim3A_58, %select_n3A_53 : vector<128x128xi1>, vector<128x128xi32>
    %slice3A_60 = vector.extract_strided_slice %add3A_23 {offsets = [0, 768], sizes = [128, 128], strides = [1, 1]} : vector<128x8192xf32> to vector<128x128xf32>
    %lt3A_61 = arith.cmpf olt, %slice3A_60, %select_n3A_56 : vector<128x128xf32>
    %select_n3A_62 = arith.select %lt3A_61, %slice3A_60, %select_n3A_56 : vector<128x128xi1>, vector<128x128xf32>
    %jit3A_63 = arith.constant 6 : i32
    %broadcast_in_dim3A_64 = vector.broadcast %jit3A_63 : i32 to vector<128x128xi32>
    %select_n3A_65 = arith.select %lt3A_61, %broadcast_in_dim3A_64, %select_n3A_59 : vector<128x128xi1>, vector<128x128xi32>
    %slice3A_66 = vector.extract_strided_slice %add3A_23 {offsets = [0, 896], sizes = [128, 128], strides = [1, 1]} : vector<128x8192xf32> to vector<128x128xf32>
    %lt3A_67 = arith.cmpf olt, %slice3A_66, %select_n3A_62 : vector<128x128xf32>
    %select_n3A_68 = arith.select %lt3A_67, %slice3A_66, %select_n3A_62 : vector<128x128xi1>, vector<128x128xf32>
    %jit3A_69 = arith.constant 7 : i32
    %broadcast_in_dim3A_70 = vector.broadcast %jit3A_69 : i32 to vector<128x128xi32>
    %select_n3A_71 = arith.select %lt3A_67, %broadcast_in_dim3A_70, %select_n3A_65 : vector<128x128xi1>, vector<128x128xi32>
    %slice3A_72 = vector.extract_strided_slice %add3A_23 {offsets = [0, 1024], sizes = [128, 128], strides = [1, 1]} : vector<128x8192xf32> to vector<128x128xf32>
    %lt3A_73 = arith.cmpf olt, %slice3A_72, %select_n3A_68 : vector<128x128xf32>
    %select_n3A_74 = arith.select %lt3A_73, %slice3A_72, %select_n3A_68 : vector<128x128xi1>, vector<128x128xf32>
    %jit3A_75 = arith.constant 8 : i32
    %broadcast_in_dim3A_76 = vector.broadcast %jit3A_75 : i32 to vector<128x128xi32>
    %select_n3A_77 = arith.select %lt3A_73, %broadcast_in_dim3A_76, %select_n3A_71 : vector<128x128xi1>, vector<128x128xi32>
    %slice3A_78 = vector.extract_strided_slice %add3A_23 {offsets = [0, 1152], sizes = [128, 128], strides = [1, 1]} : vector<128x8192xf32> to vector<128x128xf32>
    %lt3A_79 = arith.cmpf olt, %slice3A_78, %select_n3A_74 : vector<128x128xf32>
    %select_n3A_80 = arith.select %lt3A_79, %slice3A_78, %select_n3A_74 : vector<128x128xi1>, vector<128x128xf32>
    %jit3A_81 = arith.constant 9 : i32
    %broadcast_in_dim3A_82 = vector.broadcast %jit3A_81 : i32 to vector<128x128xi32>
    %select_n3A_83 = arith.select %lt3A_79, %broadcast_in_dim3A_82, %select_n3A_77 : vector<128x128xi1>, vector<128x128xi32>
    %slice3A_84 = vector.extract_strided_slice %add3A_23 {offsets = [0, 1280], sizes = [128, 128], strides = [1, 1]} : vector<128x8192xf32> to vector<128x128xf32>
    %lt3A_85 = arith.cmpf olt, %slice3A_84, %select_n3A_80 : vector<128x128xf32>
    %select_n3A_86 = arith.select %lt3A_85, %slice3A_84, %select_n3A_80 : vector<128x128xi1>, vector<128x128xf32>
    %jit3A_87 = arith.constant 10 : i32
    %broadcast_in_dim3A_88 = vector.broadcast %jit3A_87 : i32 to vector<128x128xi32>
    %select_n3A_89 = arith.select %lt3A_85, %broadcast_in_dim3A_88, %select_n3A_83 : vector<128x128xi1>, vector<128x128xi32>
    %slice3A_90 = vector.extract_strided_slice %add3A_23 {offsets = [0, 1408], sizes = [128, 128], strides = [1, 1]} : vector<128x8192xf32> to vector<128x128xf32>
    %lt3A_91 = arith.cmpf olt, %slice3A_90, %select_n3A_86 : vector<128x128xf32>
    %select_n3A_92 = arith.select %lt3A_91, %slice3A_90, %select_n3A_86 : vector<128x128xi1>, vector<128x128xf32>
    %jit3A_93 = arith.constant 11 : i32
    %broadcast_in_dim3A_94 = vector.broadcast %jit3A_93 : i32 to vector<128x128xi32>
    %select_n3A_95 = arith.select %lt3A_91, %broadcast_in_dim3A_94, %select_n3A_89 : vector<128x128xi1>, vector<128x128xi32>
    %slice3A_96 = vector.extract_strided_slice %add3A_23 {offsets = [0, 1536], sizes = [128, 128], strides = [1, 1]} : vector<128x8192xf32> to vector<128x128xf32>
    %lt3A_97 = arith.cmpf olt, %slice3A_96, %select_n3A_92 : vector<128x128xf32>
    %select_n3A_98 = arith.select %lt3A_97, %slice3A_96, %select_n3A_92 : vector<128x128xi1>, vector<128x128xf32>
    %jit3A_99 = arith.constant 12 : i32
    %broadcast_in_dim3A_100 = vector.broadcast %jit3A_99 : i32 to vector<128x128xi32>
    %select_n3A_101 = arith.select %lt3A_97, %broadcast_in_dim3A_100, %select_n3A_95 : vector<128x128xi1>, vector<128x128xi32>
    %slice3A_102 = vector.extract_strided_slice %add3A_23 {offsets = [0, 1664], sizes = [128, 128], strides = [1, 1]} : vector<128x8192xf32> to vector<128x128xf32>
    %lt3A_103 = arith.cmpf olt, %slice3A_102, %select_n3A_98 : vector<128x128xf32>
    %select_n3A_104 = arith.select %lt3A_103, %slice3A_102, %select_n3A_98 : vector<128x128xi1>, vector<128x128xf32>
    %jit3A_105 = arith.constant 13 : i32
    %broadcast_in_dim3A_106 = vector.broadcast %jit3A_105 : i32 to vector<128x128xi32>
    %select_n3A_107 = arith.select %lt3A_103, %broadcast_in_dim3A_106, %select_n3A_101 : vector<128x128xi1>, vector<128x128xi32>
    %slice3A_108 = vector.extract_strided_slice %add3A_23 {offsets = [0, 1792], sizes = [128, 128], strides = [1, 1]} : vector<128x8192xf32> to vector<128x128xf32>
    %lt3A_109 = arith.cmpf olt, %slice3A_108, %select_n3A_104 : vector<128x128xf32>
    %select_n3A_110 = arith.select %lt3A_109, %slice3A_108, %select_n3A_104 : vector<128x128xi1>, vector<128x128xf32>
    %jit3A_111 = arith.constant 14 : i32
    %broadcast_in_dim3A_112 = vector.broadcast %jit3A_111 : i32 to vector<128x128xi32>
    %select_n3A_113 = arith.select %lt3A_109, %broadcast_in_dim3A_112, %select_n3A_107 : vector<128x128xi1>, vector<128x128xi32>
    %slice3A_114 = vector.extract_strided_slice %add3A_23 {offsets = [0, 1920], sizes = [128, 128], strides = [1, 1]} : vector<128x8192xf32> to vector<128x128xf32>
    %lt3A_115 = arith.cmpf olt, %slice3A_114, %select_n3A_110 : vector<128x128xf32>
    %select_n3A_116 = arith.select %lt3A_115, %slice3A_114, %select_n3A_110 : vector<128x128xi1>, vector<128x128xf32>
    %jit3A_117 = arith.constant 15 : i32
    %broadcast_in_dim3A_118 = vector.broadcast %jit3A_117 : i32 to vector<128x128xi32>
    %select_n3A_119 = arith.select %lt3A_115, %broadcast_in_dim3A_118, %select_n3A_113 : vector<128x128xi1>, vector<128x128xi32>
    %slice3A_120 = vector.extract_strided_slice %add3A_23 {offsets = [0, 2048], sizes = [128, 128], strides = [1, 1]} : vector<128x8192xf32> to vector<128x128xf32>
    %lt3A_121 = arith.cmpf olt, %slice3A_120, %select_n3A_116 : vector<128x128xf32>
    %select_n3A_122 = arith.select %lt3A_121, %slice3A_120, %select_n3A_116 : vector<128x128xi1>, vector<128x128xf32>
    %jit3A_123 = arith.constant 16 : i32
    %broadcast_in_dim3A_124 = vector.broadcast %jit3A_123 : i32 to vector<128x128xi32>
    %select_n3A_125 = arith.select %lt3A_121, %broadcast_in_dim3A_124, %select_n3A_119 : vector<128x128xi1>, vector<128x128xi32>
    %slice3A_126 = vector.extract_strided_slice %add3A_23 {offsets = [0, 2176], sizes = [128, 128], strides = [1, 1]} : vector<128x8192xf32> to vector<128x128xf32>
    %lt3A_127 = arith.cmpf olt, %slice3A_126, %select_n3A_122 : vector<128x128xf32>
    %select_n3A_128 = arith.select %lt3A_127, %slice3A_126, %select_n3A_122 : vector<128x128xi1>, vector<128x128xf32>
    %jit3A_129 = arith.constant 17 : i32
    %broadcast_in_dim3A_130 = vector.broadcast %jit3A_129 : i32 to vector<128x128xi32>
    %select_n3A_131 = arith.select %lt3A_127, %broadcast_in_dim3A_130, %select_n3A_125 : vector<128x128xi1>, vector<128x128xi32>
    %slice3A_132 = vector.extract_strided_slice %add3A_23 {offsets = [0, 2304], sizes = [128, 128], strides = [1, 1]} : vector<128x8192xf32> to vector<128x128xf32>
    %lt3A_133 = arith.cmpf olt, %slice3A_132, %select_n3A_128 : vector<128x128xf32>
    %select_n3A_134 = arith.select %lt3A_133, %slice3A_132, %select_n3A_128 : vector<128x128xi1>, vector<128x128xf32>
    %jit3A_135 = arith.constant 18 : i32
    %broadcast_in_dim3A_136 = vector.broadcast %jit3A_135 : i32 to vector<128x128xi32>
    %select_n3A_137 = arith.select %lt3A_133, %broadcast_in_dim3A_136, %select_n3A_131 : vector<128x128xi1>, vector<128x128xi32>
    %slice3A_138 = vector.extract_strided_slice %add3A_23 {offsets = [0, 2432], sizes = [128, 128], strides = [1, 1]} : vector<128x8192xf32> to vector<128x128xf32>
    %lt3A_139 = arith.cmpf olt, %slice3A_138, %select_n3A_134 : vector<128x128xf32>
    %select_n3A_140 = arith.select %lt3A_139, %slice3A_138, %select_n3A_134 : vector<128x128xi1>, vector<128x128xf32>
    %jit3A_141 = arith.constant 19 : i32
    %broadcast_in_dim3A_142 = vector.broadcast %jit3A_141 : i32 to vector<128x128xi32>
    %select_n3A_143 = arith.select %lt3A_139, %broadcast_in_dim3A_142, %select_n3A_137 : vector<128x128xi1>, vector<128x128xi32>
    %slice3A_144 = vector.extract_strided_slice %add3A_23 {offsets = [0, 2560], sizes = [128, 128], strides = [1, 1]} : vector<128x8192xf32> to vector<128x128xf32>
    %lt3A_145 = arith.cmpf olt, %slice3A_144, %select_n3A_140 : vector<128x128xf32>
    %select_n3A_146 = arith.select %lt3A_145, %slice3A_144, %select_n3A_140 : vector<128x128xi1>, vector<128x128xf32>
    %jit3A_147 = arith.constant 20 : i32
    %broadcast_in_dim3A_148 = vector.broadcast %jit3A_147 : i32 to vector<128x128xi32>
    %select_n3A_149 = arith.select %lt3A_145, %broadcast_in_dim3A_148, %select_n3A_143 : vector<128x128xi1>, vector<128x128xi32>
    %slice3A_150 = vector.extract_strided_slice %add3A_23 {offsets = [0, 2688], sizes = [128, 128], strides = [1, 1]} : vector<128x8192xf32> to vector<128x128xf32>
    %lt3A_151 = arith.cmpf olt, %slice3A_150, %select_n3A_146 : vector<128x128xf32>
    %select_n3A_152 = arith.select %lt3A_151, %slice3A_150, %select_n3A_146 : vector<128x128xi1>, vector<128x128xf32>
    %jit3A_153 = arith.constant 21 : i32
    %broadcast_in_dim3A_154 = vector.broadcast %jit3A_153 : i32 to vector<128x128xi32>
    %select_n3A_155 = arith.select %lt3A_151, %broadcast_in_dim3A_154, %select_n3A_149 : vector<128x128xi1>, vector<128x128xi32>
    %slice3A_156 = vector.extract_strided_slice %add3A_23 {offsets = [0, 2816], sizes = [128, 128], strides = [1, 1]} : vector<128x8192xf32> to vector<128x128xf32>
    %lt3A_157 = arith.cmpf olt, %slice3A_156, %select_n3A_152 : vector<128x128xf32>
    %select_n3A_158 = arith.select %lt3A_157, %slice3A_156, %select_n3A_152 : vector<128x128xi1>, vector<128x128xf32>
    %jit3A_159 = arith.constant 22 : i32
    %broadcast_in_dim3A_160 = vector.broadcast %jit3A_159 : i32 to vector<128x128xi32>
    %select_n3A_161 = arith.select %lt3A_157, %broadcast_in_dim3A_160, %select_n3A_155 : vector<128x128xi1>, vector<128x128xi32>
    %slice3A_162 = vector.extract_strided_slice %add3A_23 {offsets = [0, 2944], sizes = [128, 128], strides = [1, 1]} : vector<128x8192xf32> to vector<128x128xf32>
    %lt3A_163 = arith.cmpf olt, %slice3A_162, %select_n3A_158 : vector<128x128xf32>
    %select_n3A_164 = arith.select %lt3A_163, %slice3A_162, %select_n3A_158 : vector<128x128xi1>, vector<128x128xf32>
    %jit3A_165 = arith.constant 23 : i32
    %broadcast_in_dim3A_166 = vector.broadcast %jit3A_165 : i32 to vector<128x128xi32>
    %select_n3A_167 = arith.select %lt3A_163, %broadcast_in_dim3A_166, %select_n3A_161 : vector<128x128xi1>, vector<128x128xi32>
    %slice3A_168 = vector.extract_strided_slice %add3A_23 {offsets = [0, 3072], sizes = [128, 128], strides = [1, 1]} : vector<128x8192xf32> to vector<128x128xf32>
    %lt3A_169 = arith.cmpf olt, %slice3A_168, %select_n3A_164 : vector<128x128xf32>
    %select_n3A_170 = arith.select %lt3A_169, %slice3A_168, %select_n3A_164 : vector<128x128xi1>, vector<128x128xf32>
    %jit3A_171 = arith.constant 24 : i32
    %broadcast_in_dim3A_172 = vector.broadcast %jit3A_171 : i32 to vector<128x128xi32>
    %select_n3A_173 = arith.select %lt3A_169, %broadcast_in_dim3A_172, %select_n3A_167 : vector<128x128xi1>, vector<128x128xi32>
    %slice3A_174 = vector.extract_strided_slice %add3A_23 {offsets = [0, 3200], sizes = [128, 128], strides = [1, 1]} : vector<128x8192xf32> to vector<128x128xf32>
    %lt3A_175 = arith.cmpf olt, %slice3A_174, %select_n3A_170 : vector<128x128xf32>
    %select_n3A_176 = arith.select %lt3A_175, %slice3A_174, %select_n3A_170 : vector<128x128xi1>, vector<128x128xf32>
    %jit3A_177 = arith.constant 25 : i32
    %broadcast_in_dim3A_178 = vector.broadcast %jit3A_177 : i32 to vector<128x128xi32>
    %select_n3A_179 = arith.select %lt3A_175, %broadcast_in_dim3A_178, %select_n3A_173 : vector<128x128xi1>, vector<128x128xi32>
    %slice3A_180 = vector.extract_strided_slice %add3A_23 {offsets = [0, 3328], sizes = [128, 128], strides = [1, 1]} : vector<128x8192xf32> to vector<128x128xf32>
    %lt3A_181 = arith.cmpf olt, %slice3A_180, %select_n3A_176 : vector<128x128xf32>
    %select_n3A_182 = arith.select %lt3A_181, %slice3A_180, %select_n3A_176 : vector<128x128xi1>, vector<128x128xf32>
    %jit3A_183 = arith.constant 26 : i32
    %broadcast_in_dim3A_184 = vector.broadcast %jit3A_183 : i32 to vector<128x128xi32>
    %select_n3A_185 = arith.select %lt3A_181, %broadcast_in_dim3A_184, %select_n3A_179 : vector<128x128xi1>, vector<128x128xi32>
    %slice3A_186 = vector.extract_strided_slice %add3A_23 {offsets = [0, 3456], sizes = [128, 128], strides = [1, 1]} : vector<128x8192xf32> to vector<128x128xf32>
    %lt3A_187 = arith.cmpf olt, %slice3A_186, %select_n3A_182 : vector<128x128xf32>
    %select_n3A_188 = arith.select %lt3A_187, %slice3A_186, %select_n3A_182 : vector<128x128xi1>, vector<128x128xf32>
    %jit3A_189 = arith.constant 27 : i32
    %broadcast_in_dim3A_190 = vector.broadcast %jit3A_189 : i32 to vector<128x128xi32>
    %select_n3A_191 = arith.select %lt3A_187, %broadcast_in_dim3A_190, %select_n3A_185 : vector<128x128xi1>, vector<128x128xi32>
    %slice3A_192 = vector.extract_strided_slice %add3A_23 {offsets = [0, 3584], sizes = [128, 128], strides = [1, 1]} : vector<128x8192xf32> to vector<128x128xf32>
    %lt3A_193 = arith.cmpf olt, %slice3A_192, %select_n3A_188 : vector<128x128xf32>
    %select_n3A_194 = arith.select %lt3A_193, %slice3A_192, %select_n3A_188 : vector<128x128xi1>, vector<128x128xf32>
    %jit3A_195 = arith.constant 28 : i32
    %broadcast_in_dim3A_196 = vector.broadcast %jit3A_195 : i32 to vector<128x128xi32>
    %select_n3A_197 = arith.select %lt3A_193, %broadcast_in_dim3A_196, %select_n3A_191 : vector<128x128xi1>, vector<128x128xi32>
    %slice3A_198 = vector.extract_strided_slice %add3A_23 {offsets = [0, 3712], sizes = [128, 128], strides = [1, 1]} : vector<128x8192xf32> to vector<128x128xf32>
    %lt3A_199 = arith.cmpf olt, %slice3A_198, %select_n3A_194 : vector<128x128xf32>
    %select_n3A_200 = arith.select %lt3A_199, %slice3A_198, %select_n3A_194 : vector<128x128xi1>, vector<128x128xf32>
    %jit3A_201 = arith.constant 29 : i32
    %broadcast_in_dim3A_202 = vector.broadcast %jit3A_201 : i32 to vector<128x128xi32>
    %select_n3A_203 = arith.select %lt3A_199, %broadcast_in_dim3A_202, %select_n3A_197 : vector<128x128xi1>, vector<128x128xi32>
    %slice3A_204 = vector.extract_strided_slice %add3A_23 {offsets = [0, 3840], sizes = [128, 128], strides = [1, 1]} : vector<128x8192xf32> to vector<128x128xf32>
    %lt3A_205 = arith.cmpf olt, %slice3A_204, %select_n3A_200 : vector<128x128xf32>
    %select_n3A_206 = arith.select %lt3A_205, %slice3A_204, %select_n3A_200 : vector<128x128xi1>, vector<128x128xf32>
    %jit3A_207 = arith.constant 30 : i32
    %broadcast_in_dim3A_208 = vector.broadcast %jit3A_207 : i32 to vector<128x128xi32>
    %select_n3A_209 = arith.select %lt3A_205, %broadcast_in_dim3A_208, %select_n3A_203 : vector<128x128xi1>, vector<128x128xi32>
    %slice3A_210 = vector.extract_strided_slice %add3A_23 {offsets = [0, 3968], sizes = [128, 128], strides = [1, 1]} : vector<128x8192xf32> to vector<128x128xf32>
    %lt3A_211 = arith.cmpf olt, %slice3A_210, %select_n3A_206 : vector<128x128xf32>
    %select_n3A_212 = arith.select %lt3A_211, %slice3A_210, %select_n3A_206 : vector<128x128xi1>, vector<128x128xf32>
    %jit3A_213 = arith.constant 31 : i32
    %broadcast_in_dim3A_214 = vector.broadcast %jit3A_213 : i32 to vector<128x128xi32>
    %select_n3A_215 = arith.select %lt3A_211, %broadcast_in_dim3A_214, %select_n3A_209 : vector<128x128xi1>, vector<128x128xi32>
    %slice3A_216 = vector.extract_strided_slice %add3A_23 {offsets = [0, 4096], sizes = [128, 128], strides = [1, 1]} : vector<128x8192xf32> to vector<128x128xf32>
    %lt3A_217 = arith.cmpf olt, %slice3A_216, %select_n3A_212 : vector<128x128xf32>
    %select_n3A_218 = arith.select %lt3A_217, %slice3A_216, %select_n3A_212 : vector<128x128xi1>, vector<128x128xf32>
    %jit3A_219 = arith.constant 32 : i32
    %broadcast_in_dim3A_220 = vector.broadcast %jit3A_219 : i32 to vector<128x128xi32>
    %select_n3A_221 = arith.select %lt3A_217, %broadcast_in_dim3A_220, %select_n3A_215 : vector<128x128xi1>, vector<128x128xi32>
    %slice3A_222 = vector.extract_strided_slice %add3A_23 {offsets = [0, 4224], sizes = [128, 128], strides = [1, 1]} : vector<128x8192xf32> to vector<128x128xf32>
    %lt3A_223 = arith.cmpf olt, %slice3A_222, %select_n3A_218 : vector<128x128xf32>
    %select_n3A_224 = arith.select %lt3A_223, %slice3A_222, %select_n3A_218 : vector<128x128xi1>, vector<128x128xf32>
    %jit3A_225 = arith.constant 33 : i32
    %broadcast_in_dim3A_226 = vector.broadcast %jit3A_225 : i32 to vector<128x128xi32>
    %select_n3A_227 = arith.select %lt3A_223, %broadcast_in_dim3A_226, %select_n3A_221 : vector<128x128xi1>, vector<128x128xi32>
    %slice3A_228 = vector.extract_strided_slice %add3A_23 {offsets = [0, 4352], sizes = [128, 128], strides = [1, 1]} : vector<128x8192xf32> to vector<128x128xf32>
    %lt3A_229 = arith.cmpf olt, %slice3A_228, %select_n3A_224 : vector<128x128xf32>
    %select_n3A_230 = arith.select %lt3A_229, %slice3A_228, %select_n3A_224 : vector<128x128xi1>, vector<128x128xf32>
    %jit3A_231 = arith.constant 34 : i32
    %broadcast_in_dim3A_232 = vector.broadcast %jit3A_231 : i32 to vector<128x128xi32>
    %select_n3A_233 = arith.select %lt3A_229, %broadcast_in_dim3A_232, %select_n3A_227 : vector<128x128xi1>, vector<128x128xi32>
    %slice3A_234 = vector.extract_strided_slice %add3A_23 {offsets = [0, 4480], sizes = [128, 128], strides = [1, 1]} : vector<128x8192xf32> to vector<128x128xf32>
    %lt3A_235 = arith.cmpf olt, %slice3A_234, %select_n3A_230 : vector<128x128xf32>
    %select_n3A_236 = arith.select %lt3A_235, %slice3A_234, %select_n3A_230 : vector<128x128xi1>, vector<128x128xf32>
    %jit3A_237 = arith.constant 35 : i32
    %broadcast_in_dim3A_238 = vector.broadcast %jit3A_237 : i32 to vector<128x128xi32>
    %select_n3A_239 = arith.select %lt3A_235, %broadcast_in_dim3A_238, %select_n3A_233 : vector<128x128xi1>, vector<128x128xi32>
    %slice3A_240 = vector.extract_strided_slice %add3A_23 {offsets = [0, 4608], sizes = [128, 128], strides = [1, 1]} : vector<128x8192xf32> to vector<128x128xf32>
    %lt3A_241 = arith.cmpf olt, %slice3A_240, %select_n3A_236 : vector<128x128xf32>
    %select_n3A_242 = arith.select %lt3A_241, %slice3A_240, %select_n3A_236 : vector<128x128xi1>, vector<128x128xf32>
    %jit3A_243 = arith.constant 36 : i32
    %broadcast_in_dim3A_244 = vector.broadcast %jit3A_243 : i32 to vector<128x128xi32>
    %select_n3A_245 = arith.select %lt3A_241, %broadcast_in_dim3A_244, %select_n3A_239 : vector<128x128xi1>, vector<128x128xi32>
    %slice3A_246 = vector.extract_strided_slice %add3A_23 {offsets = [0, 4736], sizes = [128, 128], strides = [1, 1]} : vector<128x8192xf32> to vector<128x128xf32>
    %lt3A_247 = arith.cmpf olt, %slice3A_246, %select_n3A_242 : vector<128x128xf32>
    %select_n3A_248 = arith.select %lt3A_247, %slice3A_246, %select_n3A_242 : vector<128x128xi1>, vector<128x128xf32>
    %jit3A_249 = arith.constant 37 : i32
    %broadcast_in_dim3A_250 = vector.broadcast %jit3A_249 : i32 to vector<128x128xi32>
    %select_n3A_251 = arith.select %lt3A_247, %broadcast_in_dim3A_250, %select_n3A_245 : vector<128x128xi1>, vector<128x128xi32>
    %slice3A_252 = vector.extract_strided_slice %add3A_23 {offsets = [0, 4864], sizes = [128, 128], strides = [1, 1]} : vector<128x8192xf32> to vector<128x128xf32>
    %lt3A_253 = arith.cmpf olt, %slice3A_252, %select_n3A_248 : vector<128x128xf32>
    %select_n3A_254 = arith.select %lt3A_253, %slice3A_252, %select_n3A_248 : vector<128x128xi1>, vector<128x128xf32>
    %jit3A_255 = arith.constant 38 : i32
    %broadcast_in_dim3A_256 = vector.broadcast %jit3A_255 : i32 to vector<128x128xi32>
    %select_n3A_257 = arith.select %lt3A_253, %broadcast_in_dim3A_256, %select_n3A_251 : vector<128x128xi1>, vector<128x128xi32>
    %slice3A_258 = vector.extract_strided_slice %add3A_23 {offsets = [0, 4992], sizes = [128, 128], strides = [1, 1]} : vector<128x8192xf32> to vector<128x128xf32>
    %lt3A_259 = arith.cmpf olt, %slice3A_258, %select_n3A_254 : vector<128x128xf32>
    %select_n3A_260 = arith.select %lt3A_259, %slice3A_258, %select_n3A_254 : vector<128x128xi1>, vector<128x128xf32>
    %jit3A_261 = arith.constant 39 : i32
    %broadcast_in_dim3A_262 = vector.broadcast %jit3A_261 : i32 to vector<128x128xi32>
    %select_n3A_263 = arith.select %lt3A_259, %broadcast_in_dim3A_262, %select_n3A_257 : vector<128x128xi1>, vector<128x128xi32>
    %slice3A_264 = vector.extract_strided_slice %add3A_23 {offsets = [0, 5120], sizes = [128, 128], strides = [1, 1]} : vector<128x8192xf32> to vector<128x128xf32>
    %lt3A_265 = arith.cmpf olt, %slice3A_264, %select_n3A_260 : vector<128x128xf32>
    %select_n3A_266 = arith.select %lt3A_265, %slice3A_264, %select_n3A_260 : vector<128x128xi1>, vector<128x128xf32>
    %jit3A_267 = arith.constant 40 : i32
    %broadcast_in_dim3A_268 = vector.broadcast %jit3A_267 : i32 to vector<128x128xi32>
    %select_n3A_269 = arith.select %lt3A_265, %broadcast_in_dim3A_268, %select_n3A_263 : vector<128x128xi1>, vector<128x128xi32>
    %slice3A_270 = vector.extract_strided_slice %add3A_23 {offsets = [0, 5248], sizes = [128, 128], strides = [1, 1]} : vector<128x8192xf32> to vector<128x128xf32>
    %lt3A_271 = arith.cmpf olt, %slice3A_270, %select_n3A_266 : vector<128x128xf32>
    %select_n3A_272 = arith.select %lt3A_271, %slice3A_270, %select_n3A_266 : vector<128x128xi1>, vector<128x128xf32>
    %jit3A_273 = arith.constant 41 : i32
    %broadcast_in_dim3A_274 = vector.broadcast %jit3A_273 : i32 to vector<128x128xi32>
    %select_n3A_275 = arith.select %lt3A_271, %broadcast_in_dim3A_274, %select_n3A_269 : vector<128x128xi1>, vector<128x128xi32>
    %slice3A_276 = vector.extract_strided_slice %add3A_23 {offsets = [0, 5376], sizes = [128, 128], strides = [1, 1]} : vector<128x8192xf32> to vector<128x128xf32>
    %lt3A_277 = arith.cmpf olt, %slice3A_276, %select_n3A_272 : vector<128x128xf32>
    %select_n3A_278 = arith.select %lt3A_277, %slice3A_276, %select_n3A_272 : vector<128x128xi1>, vector<128x128xf32>
    %jit3A_279 = arith.constant 42 : i32
    %broadcast_in_dim3A_280 = vector.broadcast %jit3A_279 : i32 to vector<128x128xi32>
    %select_n3A_281 = arith.select %lt3A_277, %broadcast_in_dim3A_280, %select_n3A_275 : vector<128x128xi1>, vector<128x128xi32>
    %slice3A_282 = vector.extract_strided_slice %add3A_23 {offsets = [0, 5504], sizes = [128, 128], strides = [1, 1]} : vector<128x8192xf32> to vector<128x128xf32>
    %lt3A_283 = arith.cmpf olt, %slice3A_282, %select_n3A_278 : vector<128x128xf32>
    %select_n3A_284 = arith.select %lt3A_283, %slice3A_282, %select_n3A_278 : vector<128x128xi1>, vector<128x128xf32>
    %jit3A_285 = arith.constant 43 : i32
    %broadcast_in_dim3A_286 = vector.broadcast %jit3A_285 : i32 to vector<128x128xi32>
    %select_n3A_287 = arith.select %lt3A_283, %broadcast_in_dim3A_286, %select_n3A_281 : vector<128x128xi1>, vector<128x128xi32>
    %slice3A_288 = vector.extract_strided_slice %add3A_23 {offsets = [0, 5632], sizes = [128, 128], strides = [1, 1]} : vector<128x8192xf32> to vector<128x128xf32>
    %lt3A_289 = arith.cmpf olt, %slice3A_288, %select_n3A_284 : vector<128x128xf32>
    %select_n3A_290 = arith.select %lt3A_289, %slice3A_288, %select_n3A_284 : vector<128x128xi1>, vector<128x128xf32>
    %jit3A_291 = arith.constant 44 : i32
    %broadcast_in_dim3A_292 = vector.broadcast %jit3A_291 : i32 to vector<128x128xi32>
    %select_n3A_293 = arith.select %lt3A_289, %broadcast_in_dim3A_292, %select_n3A_287 : vector<128x128xi1>, vector<128x128xi32>
    %slice3A_294 = vector.extract_strided_slice %add3A_23 {offsets = [0, 5760], sizes = [128, 128], strides = [1, 1]} : vector<128x8192xf32> to vector<128x128xf32>
    %lt3A_295 = arith.cmpf olt, %slice3A_294, %select_n3A_290 : vector<128x128xf32>
    %select_n3A_296 = arith.select %lt3A_295, %slice3A_294, %select_n3A_290 : vector<128x128xi1>, vector<128x128xf32>
    %jit3A_297 = arith.constant 45 : i32
    %broadcast_in_dim3A_298 = vector.broadcast %jit3A_297 : i32 to vector<128x128xi32>
    %select_n3A_299 = arith.select %lt3A_295, %broadcast_in_dim3A_298, %select_n3A_293 : vector<128x128xi1>, vector<128x128xi32>
    %slice3A_300 = vector.extract_strided_slice %add3A_23 {offsets = [0, 5888], sizes = [128, 128], strides = [1, 1]} : vector<128x8192xf32> to vector<128x128xf32>
    %lt3A_301 = arith.cmpf olt, %slice3A_300, %select_n3A_296 : vector<128x128xf32>
    %select_n3A_302 = arith.select %lt3A_301, %slice3A_300, %select_n3A_296 : vector<128x128xi1>, vector<128x128xf32>
    %jit3A_303 = arith.constant 46 : i32
    %broadcast_in_dim3A_304 = vector.broadcast %jit3A_303 : i32 to vector<128x128xi32>
    %select_n3A_305 = arith.select %lt3A_301, %broadcast_in_dim3A_304, %select_n3A_299 : vector<128x128xi1>, vector<128x128xi32>
    %slice3A_306 = vector.extract_strided_slice %add3A_23 {offsets = [0, 6016], sizes = [128, 128], strides = [1, 1]} : vector<128x8192xf32> to vector<128x128xf32>
    %lt3A_307 = arith.cmpf olt, %slice3A_306, %select_n3A_302 : vector<128x128xf32>
    %select_n3A_308 = arith.select %lt3A_307, %slice3A_306, %select_n3A_302 : vector<128x128xi1>, vector<128x128xf32>
    %jit3A_309 = arith.constant 47 : i32
    %broadcast_in_dim3A_310 = vector.broadcast %jit3A_309 : i32 to vector<128x128xi32>
    %select_n3A_311 = arith.select %lt3A_307, %broadcast_in_dim3A_310, %select_n3A_305 : vector<128x128xi1>, vector<128x128xi32>
    %slice3A_312 = vector.extract_strided_slice %add3A_23 {offsets = [0, 6144], sizes = [128, 128], strides = [1, 1]} : vector<128x8192xf32> to vector<128x128xf32>
    %lt3A_313 = arith.cmpf olt, %slice3A_312, %select_n3A_308 : vector<128x128xf32>
    %select_n3A_314 = arith.select %lt3A_313, %slice3A_312, %select_n3A_308 : vector<128x128xi1>, vector<128x128xf32>
    %jit3A_315 = arith.constant 48 : i32
    %broadcast_in_dim3A_316 = vector.broadcast %jit3A_315 : i32 to vector<128x128xi32>
    %select_n3A_317 = arith.select %lt3A_313, %broadcast_in_dim3A_316, %select_n3A_311 : vector<128x128xi1>, vector<128x128xi32>
    %slice3A_318 = vector.extract_strided_slice %add3A_23 {offsets = [0, 6272], sizes = [128, 128], strides = [1, 1]} : vector<128x8192xf32> to vector<128x128xf32>
    %lt3A_319 = arith.cmpf olt, %slice3A_318, %select_n3A_314 : vector<128x128xf32>
    %select_n3A_320 = arith.select %lt3A_319, %slice3A_318, %select_n3A_314 : vector<128x128xi1>, vector<128x128xf32>
    %jit3A_321 = arith.constant 49 : i32
    %broadcast_in_dim3A_322 = vector.broadcast %jit3A_321 : i32 to vector<128x128xi32>
    %select_n3A_323 = arith.select %lt3A_319, %broadcast_in_dim3A_322, %select_n3A_317 : vector<128x128xi1>, vector<128x128xi32>
    %slice3A_324 = vector.extract_strided_slice %add3A_23 {offsets = [0, 6400], sizes = [128, 128], strides = [1, 1]} : vector<128x8192xf32> to vector<128x128xf32>
    %lt3A_325 = arith.cmpf olt, %slice3A_324, %select_n3A_320 : vector<128x128xf32>
    %select_n3A_326 = arith.select %lt3A_325, %slice3A_324, %select_n3A_320 : vector<128x128xi1>, vector<128x128xf32>
    %jit3A_327 = arith.constant 50 : i32
    %broadcast_in_dim3A_328 = vector.broadcast %jit3A_327 : i32 to vector<128x128xi32>
    %select_n3A_329 = arith.select %lt3A_325, %broadcast_in_dim3A_328, %select_n3A_323 : vector<128x128xi1>, vector<128x128xi32>
    %slice3A_330 = vector.extract_strided_slice %add3A_23 {offsets = [0, 6528], sizes = [128, 128], strides = [1, 1]} : vector<128x8192xf32> to vector<128x128xf32>
    %lt3A_331 = arith.cmpf olt, %slice3A_330, %select_n3A_326 : vector<128x128xf32>
    %select_n3A_332 = arith.select %lt3A_331, %slice3A_330, %select_n3A_326 : vector<128x128xi1>, vector<128x128xf32>
    %jit3A_333 = arith.constant 51 : i32
    %broadcast_in_dim3A_334 = vector.broadcast %jit3A_333 : i32 to vector<128x128xi32>
    %select_n3A_335 = arith.select %lt3A_331, %broadcast_in_dim3A_334, %select_n3A_329 : vector<128x128xi1>, vector<128x128xi32>
    %slice3A_336 = vector.extract_strided_slice %add3A_23 {offsets = [0, 6656], sizes = [128, 128], strides = [1, 1]} : vector<128x8192xf32> to vector<128x128xf32>
    %lt3A_337 = arith.cmpf olt, %slice3A_336, %select_n3A_332 : vector<128x128xf32>
    %select_n3A_338 = arith.select %lt3A_337, %slice3A_336, %select_n3A_332 : vector<128x128xi1>, vector<128x128xf32>
    %jit3A_339 = arith.constant 52 : i32
    %broadcast_in_dim3A_340 = vector.broadcast %jit3A_339 : i32 to vector<128x128xi32>
    %select_n3A_341 = arith.select %lt3A_337, %broadcast_in_dim3A_340, %select_n3A_335 : vector<128x128xi1>, vector<128x128xi32>
    %slice3A_342 = vector.extract_strided_slice %add3A_23 {offsets = [0, 6784], sizes = [128, 128], strides = [1, 1]} : vector<128x8192xf32> to vector<128x128xf32>
    %lt3A_343 = arith.cmpf olt, %slice3A_342, %select_n3A_338 : vector<128x128xf32>
    %select_n3A_344 = arith.select %lt3A_343, %slice3A_342, %select_n3A_338 : vector<128x128xi1>, vector<128x128xf32>
    %jit3A_345 = arith.constant 53 : i32
    %broadcast_in_dim3A_346 = vector.broadcast %jit3A_345 : i32 to vector<128x128xi32>
    %select_n3A_347 = arith.select %lt3A_343, %broadcast_in_dim3A_346, %select_n3A_341 : vector<128x128xi1>, vector<128x128xi32>
    %slice3A_348 = vector.extract_strided_slice %add3A_23 {offsets = [0, 6912], sizes = [128, 128], strides = [1, 1]} : vector<128x8192xf32> to vector<128x128xf32>
    %lt3A_349 = arith.cmpf olt, %slice3A_348, %select_n3A_344 : vector<128x128xf32>
    %select_n3A_350 = arith.select %lt3A_349, %slice3A_348, %select_n3A_344 : vector<128x128xi1>, vector<128x128xf32>
    %jit3A_351 = arith.constant 54 : i32
    %broadcast_in_dim3A_352 = vector.broadcast %jit3A_351 : i32 to vector<128x128xi32>
    %select_n3A_353 = arith.select %lt3A_349, %broadcast_in_dim3A_352, %select_n3A_347 : vector<128x128xi1>, vector<128x128xi32>
    %slice3A_354 = vector.extract_strided_slice %add3A_23 {offsets = [0, 7040], sizes = [128, 128], strides = [1, 1]} : vector<128x8192xf32> to vector<128x128xf32>
    %lt3A_355 = arith.cmpf olt, %slice3A_354, %select_n3A_350 : vector<128x128xf32>
    %select_n3A_356 = arith.select %lt3A_355, %slice3A_354, %select_n3A_350 : vector<128x128xi1>, vector<128x128xf32>
    %jit3A_357 = arith.constant 55 : i32
    %broadcast_in_dim3A_358 = vector.broadcast %jit3A_357 : i32 to vector<128x128xi32>
    %select_n3A_359 = arith.select %lt3A_355, %broadcast_in_dim3A_358, %select_n3A_353 : vector<128x128xi1>, vector<128x128xi32>
    %slice3A_360 = vector.extract_strided_slice %add3A_23 {offsets = [0, 7168], sizes = [128, 128], strides = [1, 1]} : vector<128x8192xf32> to vector<128x128xf32>
    %lt3A_361 = arith.cmpf olt, %slice3A_360, %select_n3A_356 : vector<128x128xf32>
    %select_n3A_362 = arith.select %lt3A_361, %slice3A_360, %select_n3A_356 : vector<128x128xi1>, vector<128x128xf32>
    %jit3A_363 = arith.constant 56 : i32
    %broadcast_in_dim3A_364 = vector.broadcast %jit3A_363 : i32 to vector<128x128xi32>
    %select_n3A_365 = arith.select %lt3A_361, %broadcast_in_dim3A_364, %select_n3A_359 : vector<128x128xi1>, vector<128x128xi32>
    %slice3A_366 = vector.extract_strided_slice %add3A_23 {offsets = [0, 7296], sizes = [128, 128], strides = [1, 1]} : vector<128x8192xf32> to vector<128x128xf32>
    %lt3A_367 = arith.cmpf olt, %slice3A_366, %select_n3A_362 : vector<128x128xf32>
    %select_n3A_368 = arith.select %lt3A_367, %slice3A_366, %select_n3A_362 : vector<128x128xi1>, vector<128x128xf32>
    %jit3A_369 = arith.constant 57 : i32
    %broadcast_in_dim3A_370 = vector.broadcast %jit3A_369 : i32 to vector<128x128xi32>
    %select_n3A_371 = arith.select %lt3A_367, %broadcast_in_dim3A_370, %select_n3A_365 : vector<128x128xi1>, vector<128x128xi32>
    %slice3A_372 = vector.extract_strided_slice %add3A_23 {offsets = [0, 7424], sizes = [128, 128], strides = [1, 1]} : vector<128x8192xf32> to vector<128x128xf32>
    %lt3A_373 = arith.cmpf olt, %slice3A_372, %select_n3A_368 : vector<128x128xf32>
    %select_n3A_374 = arith.select %lt3A_373, %slice3A_372, %select_n3A_368 : vector<128x128xi1>, vector<128x128xf32>
    %jit3A_375 = arith.constant 58 : i32
    %broadcast_in_dim3A_376 = vector.broadcast %jit3A_375 : i32 to vector<128x128xi32>
    %select_n3A_377 = arith.select %lt3A_373, %broadcast_in_dim3A_376, %select_n3A_371 : vector<128x128xi1>, vector<128x128xi32>
    %slice3A_378 = vector.extract_strided_slice %add3A_23 {offsets = [0, 7552], sizes = [128, 128], strides = [1, 1]} : vector<128x8192xf32> to vector<128x128xf32>
    %lt3A_379 = arith.cmpf olt, %slice3A_378, %select_n3A_374 : vector<128x128xf32>
    %select_n3A_380 = arith.select %lt3A_379, %slice3A_378, %select_n3A_374 : vector<128x128xi1>, vector<128x128xf32>
    %jit3A_381 = arith.constant 59 : i32
    %broadcast_in_dim3A_382 = vector.broadcast %jit3A_381 : i32 to vector<128x128xi32>
    %select_n3A_383 = arith.select %lt3A_379, %broadcast_in_dim3A_382, %select_n3A_377 : vector<128x128xi1>, vector<128x128xi32>
    %slice3A_384 = vector.extract_strided_slice %add3A_23 {offsets = [0, 7680], sizes = [128, 128], strides = [1, 1]} : vector<128x8192xf32> to vector<128x128xf32>
    %lt3A_385 = arith.cmpf olt, %slice3A_384, %select_n3A_380 : vector<128x128xf32>
    %select_n3A_386 = arith.select %lt3A_385, %slice3A_384, %select_n3A_380 : vector<128x128xi1>, vector<128x128xf32>
    %jit3A_387 = arith.constant 60 : i32
    %broadcast_in_dim3A_388 = vector.broadcast %jit3A_387 : i32 to vector<128x128xi32>
    %select_n3A_389 = arith.select %lt3A_385, %broadcast_in_dim3A_388, %select_n3A_383 : vector<128x128xi1>, vector<128x128xi32>
    %slice3A_390 = vector.extract_strided_slice %add3A_23 {offsets = [0, 7808], sizes = [128, 128], strides = [1, 1]} : vector<128x8192xf32> to vector<128x128xf32>
    %lt3A_391 = arith.cmpf olt, %slice3A_390, %select_n3A_386 : vector<128x128xf32>
    %select_n3A_392 = arith.select %lt3A_391, %slice3A_390, %select_n3A_386 : vector<128x128xi1>, vector<128x128xf32>
    %jit3A_393 = arith.constant 61 : i32
    %broadcast_in_dim3A_394 = vector.broadcast %jit3A_393 : i32 to vector<128x128xi32>
    %select_n3A_395 = arith.select %lt3A_391, %broadcast_in_dim3A_394, %select_n3A_389 : vector<128x128xi1>, vector<128x128xi32>
    %slice3A_396 = vector.extract_strided_slice %add3A_23 {offsets = [0, 7936], sizes = [128, 128], strides = [1, 1]} : vector<128x8192xf32> to vector<128x128xf32>
    %lt3A_397 = arith.cmpf olt, %slice3A_396, %select_n3A_392 : vector<128x128xf32>
    %select_n3A_398 = arith.select %lt3A_397, %slice3A_396, %select_n3A_392 : vector<128x128xi1>, vector<128x128xf32>
    %jit3A_399 = arith.constant 62 : i32
    %broadcast_in_dim3A_400 = vector.broadcast %jit3A_399 : i32 to vector<128x128xi32>
    %select_n3A_401 = arith.select %lt3A_397, %broadcast_in_dim3A_400, %select_n3A_395 : vector<128x128xi1>, vector<128x128xi32>
    %slice3A_402 = vector.extract_strided_slice %add3A_23 {offsets = [0, 8064], sizes = [128, 128], strides = [1, 1]} : vector<128x8192xf32> to vector<128x128xf32>
    %lt3A_403 = arith.cmpf olt, %slice3A_402, %select_n3A_398 : vector<128x128xf32>
    %select_n3A_404 = arith.select %lt3A_403, %slice3A_402, %select_n3A_398 : vector<128x128xi1>, vector<128x128xf32>
    %jit3A_405 = arith.constant 63 : i32
    %broadcast_in_dim3A_406 = vector.broadcast %jit3A_405 : i32 to vector<128x128xi32>
    %select_n3A_407 = arith.select %lt3A_403, %broadcast_in_dim3A_406, %select_n3A_401 : vector<128x128xi1>, vector<128x128xi32>
    %reduce_min3A = arith.constant dense<0x7F800000> : vector<128xf32>
    %reduce_min3A_408 = vector.multi_reduction <minimumf>, %select_n3A_404, %reduce_min3A [1] : vector<128x128xf32> to vector<128xf32>
    %broadcast_in_dim3A_409 = vector.shape_cast %reduce_min3A_408 : vector<128xf32> to vector<128x1xf32>
    %mul3A_410 = arith.constant 128 : i32
    %mul3A_411 = vector.broadcast %mul3A_410 : i32 to vector<128x128xi32>
    %mul3A_412 = arith.muli %select_n3A_407, %mul3A_411 : vector<128x128xi32>
    %add3A_413 = arith.addi %mul3A_412, %iota3A : vector<128x128xi32>
    %eq3A = vector.broadcast %broadcast_in_dim3A_409 : vector<128x1xf32> to vector<128x128xf32>
    %eq3A_414 = arith.cmpf oeq, %select_n3A_404, %eq3A : vector<128x128xf32>
    %jit3A_415 = arith.constant 1073741824 : i32
    %broadcast_in_dim3A_416 = vector.broadcast %jit3A_415 : i32 to vector<128x128xi32>
    %select_n3A_417 = arith.select %eq3A_414, %add3A_413, %broadcast_in_dim3A_416 : vector<128x128xi1>, vector<128x128xi32>
    %reduce_min3A_418 = arith.constant dense<2147483647> : vector<128xi32>
    %reduce_min3A_419 = vector.multi_reduction <minsi>, %select_n3A_417, %reduce_min3A_418 [1] : vector<128x128xi32> to vector<128xi32>
    %broadcast_in_dim3A_420 = vector.shape_cast %reduce_min3A_419 : vector<128xi32> to vector<128x1xi32>
    %broadcast_in_dim3A_421 = arith.constant 0x7F800000 : f32
    %broadcast_in_dim3A_422 = vector.broadcast %broadcast_in_dim3A_421 : f32 to vector<128x128xf32>
    %broadcast_in_dim3A_423 = arith.constant 0 : i32
    %broadcast_in_dim3A_424 = vector.broadcast %broadcast_in_dim3A_423 : i32 to vector<128x128xi32>
    %slice3A_425 = vector.extract_strided_slice %add3A_23 {offsets = [0, 0], sizes = [128, 128], strides = [1, 1]} : vector<128x8192xf32> to vector<128x128xf32>
    %lt3A_426 = arith.cmpf olt, %slice3A_425, %broadcast_in_dim3A_422 : vector<128x128xf32>
    %add3A_427 = arith.constant 0 : i32
    %add3A_428 = vector.broadcast %add3A_427 : i32 to vector<128x128xi32>
    %add3A_429 = arith.addi %iota3A, %add3A_428 : vector<128x128xi32>
    %ne3A = vector.broadcast %broadcast_in_dim3A_420 : vector<128x1xi32> to vector<128x128xi32>
    %ne3A_430 = arith.cmpi ne, %add3A_429, %ne3A : vector<128x128xi32>
    %and3A = arith.andi %lt3A_426, %ne3A_430 : vector<128x128xi1>
    %select_n3A_431 = arith.select %and3A, %slice3A_425, %broadcast_in_dim3A_422 : vector<128x128xi1>, vector<128x128xf32>
    %jit3A_432 = arith.constant 0 : i32
    %broadcast_in_dim3A_433 = vector.broadcast %jit3A_432 : i32 to vector<128x128xi32>
    %select_n3A_434 = arith.select %and3A, %broadcast_in_dim3A_433, %broadcast_in_dim3A_424 : vector<128x128xi1>, vector<128x128xi32>
    %slice3A_435 = vector.extract_strided_slice %add3A_23 {offsets = [0, 128], sizes = [128, 128], strides = [1, 1]} : vector<128x8192xf32> to vector<128x128xf32>
    %lt3A_436 = arith.cmpf olt, %slice3A_435, %select_n3A_431 : vector<128x128xf32>
    %add3A_437 = arith.constant 128 : i32
    %add3A_438 = vector.broadcast %add3A_437 : i32 to vector<128x128xi32>
    %add3A_439 = arith.addi %iota3A, %add3A_438 : vector<128x128xi32>
    %ne3A_440 = vector.broadcast %broadcast_in_dim3A_420 : vector<128x1xi32> to vector<128x128xi32>
    %ne3A_441 = arith.cmpi ne, %add3A_439, %ne3A_440 : vector<128x128xi32>
    %and3A_442 = arith.andi %lt3A_436, %ne3A_441 : vector<128x128xi1>
    %select_n3A_443 = arith.select %and3A_442, %slice3A_435, %select_n3A_431 : vector<128x128xi1>, vector<128x128xf32>
    %jit3A_444 = arith.constant 1 : i32
    %broadcast_in_dim3A_445 = vector.broadcast %jit3A_444 : i32 to vector<128x128xi32>
    %select_n3A_446 = arith.select %and3A_442, %broadcast_in_dim3A_445, %select_n3A_434 : vector<128x128xi1>, vector<128x128xi32>
    %slice3A_447 = vector.extract_strided_slice %add3A_23 {offsets = [0, 256], sizes = [128, 128], strides = [1, 1]} : vector<128x8192xf32> to vector<128x128xf32>
    %lt3A_448 = arith.cmpf olt, %slice3A_447, %select_n3A_443 : vector<128x128xf32>
    %add3A_449 = arith.constant 256 : i32
    %add3A_450 = vector.broadcast %add3A_449 : i32 to vector<128x128xi32>
    %add3A_451 = arith.addi %iota3A, %add3A_450 : vector<128x128xi32>
    %ne3A_452 = vector.broadcast %broadcast_in_dim3A_420 : vector<128x1xi32> to vector<128x128xi32>
    %ne3A_453 = arith.cmpi ne, %add3A_451, %ne3A_452 : vector<128x128xi32>
    %and3A_454 = arith.andi %lt3A_448, %ne3A_453 : vector<128x128xi1>
    %select_n3A_455 = arith.select %and3A_454, %slice3A_447, %select_n3A_443 : vector<128x128xi1>, vector<128x128xf32>
    %jit3A_456 = arith.constant 2 : i32
    %broadcast_in_dim3A_457 = vector.broadcast %jit3A_456 : i32 to vector<128x128xi32>
    %select_n3A_458 = arith.select %and3A_454, %broadcast_in_dim3A_457, %select_n3A_446 : vector<128x128xi1>, vector<128x128xi32>
    %slice3A_459 = vector.extract_strided_slice %add3A_23 {offsets = [0, 384], sizes = [128, 128], strides = [1, 1]} : vector<128x8192xf32> to vector<128x128xf32>
    %lt3A_460 = arith.cmpf olt, %slice3A_459, %select_n3A_455 : vector<128x128xf32>
    %add3A_461 = arith.constant 384 : i32
    %add3A_462 = vector.broadcast %add3A_461 : i32 to vector<128x128xi32>
    %add3A_463 = arith.addi %iota3A, %add3A_462 : vector<128x128xi32>
    %ne3A_464 = vector.broadcast %broadcast_in_dim3A_420 : vector<128x1xi32> to vector<128x128xi32>
    %ne3A_465 = arith.cmpi ne, %add3A_463, %ne3A_464 : vector<128x128xi32>
    %and3A_466 = arith.andi %lt3A_460, %ne3A_465 : vector<128x128xi1>
    %select_n3A_467 = arith.select %and3A_466, %slice3A_459, %select_n3A_455 : vector<128x128xi1>, vector<128x128xf32>
    %jit3A_468 = arith.constant 3 : i32
    %broadcast_in_dim3A_469 = vector.broadcast %jit3A_468 : i32 to vector<128x128xi32>
    %select_n3A_470 = arith.select %and3A_466, %broadcast_in_dim3A_469, %select_n3A_458 : vector<128x128xi1>, vector<128x128xi32>
    %slice3A_471 = vector.extract_strided_slice %add3A_23 {offsets = [0, 512], sizes = [128, 128], strides = [1, 1]} : vector<128x8192xf32> to vector<128x128xf32>
    %lt3A_472 = arith.cmpf olt, %slice3A_471, %select_n3A_467 : vector<128x128xf32>
    %add3A_473 = arith.constant 512 : i32
    %add3A_474 = vector.broadcast %add3A_473 : i32 to vector<128x128xi32>
    %add3A_475 = arith.addi %iota3A, %add3A_474 : vector<128x128xi32>
    %ne3A_476 = vector.broadcast %broadcast_in_dim3A_420 : vector<128x1xi32> to vector<128x128xi32>
    %ne3A_477 = arith.cmpi ne, %add3A_475, %ne3A_476 : vector<128x128xi32>
    %and3A_478 = arith.andi %lt3A_472, %ne3A_477 : vector<128x128xi1>
    %select_n3A_479 = arith.select %and3A_478, %slice3A_471, %select_n3A_467 : vector<128x128xi1>, vector<128x128xf32>
    %jit3A_480 = arith.constant 4 : i32
    %broadcast_in_dim3A_481 = vector.broadcast %jit3A_480 : i32 to vector<128x128xi32>
    %select_n3A_482 = arith.select %and3A_478, %broadcast_in_dim3A_481, %select_n3A_470 : vector<128x128xi1>, vector<128x128xi32>
    %slice3A_483 = vector.extract_strided_slice %add3A_23 {offsets = [0, 640], sizes = [128, 128], strides = [1, 1]} : vector<128x8192xf32> to vector<128x128xf32>
    %lt3A_484 = arith.cmpf olt, %slice3A_483, %select_n3A_479 : vector<128x128xf32>
    %add3A_485 = arith.constant 640 : i32
    %add3A_486 = vector.broadcast %add3A_485 : i32 to vector<128x128xi32>
    %add3A_487 = arith.addi %iota3A, %add3A_486 : vector<128x128xi32>
    %ne3A_488 = vector.broadcast %broadcast_in_dim3A_420 : vector<128x1xi32> to vector<128x128xi32>
    %ne3A_489 = arith.cmpi ne, %add3A_487, %ne3A_488 : vector<128x128xi32>
    %and3A_490 = arith.andi %lt3A_484, %ne3A_489 : vector<128x128xi1>
    %select_n3A_491 = arith.select %and3A_490, %slice3A_483, %select_n3A_479 : vector<128x128xi1>, vector<128x128xf32>
    %jit3A_492 = arith.constant 5 : i32
    %broadcast_in_dim3A_493 = vector.broadcast %jit3A_492 : i32 to vector<128x128xi32>
    %select_n3A_494 = arith.select %and3A_490, %broadcast_in_dim3A_493, %select_n3A_482 : vector<128x128xi1>, vector<128x128xi32>
    %slice3A_495 = vector.extract_strided_slice %add3A_23 {offsets = [0, 768], sizes = [128, 128], strides = [1, 1]} : vector<128x8192xf32> to vector<128x128xf32>
    %lt3A_496 = arith.cmpf olt, %slice3A_495, %select_n3A_491 : vector<128x128xf32>
    %add3A_497 = arith.constant 768 : i32
    %add3A_498 = vector.broadcast %add3A_497 : i32 to vector<128x128xi32>
    %add3A_499 = arith.addi %iota3A, %add3A_498 : vector<128x128xi32>
    %ne3A_500 = vector.broadcast %broadcast_in_dim3A_420 : vector<128x1xi32> to vector<128x128xi32>
    %ne3A_501 = arith.cmpi ne, %add3A_499, %ne3A_500 : vector<128x128xi32>
    %and3A_502 = arith.andi %lt3A_496, %ne3A_501 : vector<128x128xi1>
    %select_n3A_503 = arith.select %and3A_502, %slice3A_495, %select_n3A_491 : vector<128x128xi1>, vector<128x128xf32>
    %jit3A_504 = arith.constant 6 : i32
    %broadcast_in_dim3A_505 = vector.broadcast %jit3A_504 : i32 to vector<128x128xi32>
    %select_n3A_506 = arith.select %and3A_502, %broadcast_in_dim3A_505, %select_n3A_494 : vector<128x128xi1>, vector<128x128xi32>
    %slice3A_507 = vector.extract_strided_slice %add3A_23 {offsets = [0, 896], sizes = [128, 128], strides = [1, 1]} : vector<128x8192xf32> to vector<128x128xf32>
    %lt3A_508 = arith.cmpf olt, %slice3A_507, %select_n3A_503 : vector<128x128xf32>
    %add3A_509 = arith.constant 896 : i32
    %add3A_510 = vector.broadcast %add3A_509 : i32 to vector<128x128xi32>
    %add3A_511 = arith.addi %iota3A, %add3A_510 : vector<128x128xi32>
    %ne3A_512 = vector.broadcast %broadcast_in_dim3A_420 : vector<128x1xi32> to vector<128x128xi32>
    %ne3A_513 = arith.cmpi ne, %add3A_511, %ne3A_512 : vector<128x128xi32>
    %and3A_514 = arith.andi %lt3A_508, %ne3A_513 : vector<128x128xi1>
    %select_n3A_515 = arith.select %and3A_514, %slice3A_507, %select_n3A_503 : vector<128x128xi1>, vector<128x128xf32>
    %jit3A_516 = arith.constant 7 : i32
    %broadcast_in_dim3A_517 = vector.broadcast %jit3A_516 : i32 to vector<128x128xi32>
    %select_n3A_518 = arith.select %and3A_514, %broadcast_in_dim3A_517, %select_n3A_506 : vector<128x128xi1>, vector<128x128xi32>
    %slice3A_519 = vector.extract_strided_slice %add3A_23 {offsets = [0, 1024], sizes = [128, 128], strides = [1, 1]} : vector<128x8192xf32> to vector<128x128xf32>
    %lt3A_520 = arith.cmpf olt, %slice3A_519, %select_n3A_515 : vector<128x128xf32>
    %add3A_521 = arith.constant 1024 : i32
    %add3A_522 = vector.broadcast %add3A_521 : i32 to vector<128x128xi32>
    %add3A_523 = arith.addi %iota3A, %add3A_522 : vector<128x128xi32>
    %ne3A_524 = vector.broadcast %broadcast_in_dim3A_420 : vector<128x1xi32> to vector<128x128xi32>
    %ne3A_525 = arith.cmpi ne, %add3A_523, %ne3A_524 : vector<128x128xi32>
    %and3A_526 = arith.andi %lt3A_520, %ne3A_525 : vector<128x128xi1>
    %select_n3A_527 = arith.select %and3A_526, %slice3A_519, %select_n3A_515 : vector<128x128xi1>, vector<128x128xf32>
    %jit3A_528 = arith.constant 8 : i32
    %broadcast_in_dim3A_529 = vector.broadcast %jit3A_528 : i32 to vector<128x128xi32>
    %select_n3A_530 = arith.select %and3A_526, %broadcast_in_dim3A_529, %select_n3A_518 : vector<128x128xi1>, vector<128x128xi32>
    %slice3A_531 = vector.extract_strided_slice %add3A_23 {offsets = [0, 1152], sizes = [128, 128], strides = [1, 1]} : vector<128x8192xf32> to vector<128x128xf32>
    %lt3A_532 = arith.cmpf olt, %slice3A_531, %select_n3A_527 : vector<128x128xf32>
    %add3A_533 = arith.constant 1152 : i32
    %add3A_534 = vector.broadcast %add3A_533 : i32 to vector<128x128xi32>
    %add3A_535 = arith.addi %iota3A, %add3A_534 : vector<128x128xi32>
    %ne3A_536 = vector.broadcast %broadcast_in_dim3A_420 : vector<128x1xi32> to vector<128x128xi32>
    %ne3A_537 = arith.cmpi ne, %add3A_535, %ne3A_536 : vector<128x128xi32>
    %and3A_538 = arith.andi %lt3A_532, %ne3A_537 : vector<128x128xi1>
    %select_n3A_539 = arith.select %and3A_538, %slice3A_531, %select_n3A_527 : vector<128x128xi1>, vector<128x128xf32>
    %jit3A_540 = arith.constant 9 : i32
    %broadcast_in_dim3A_541 = vector.broadcast %jit3A_540 : i32 to vector<128x128xi32>
    %select_n3A_542 = arith.select %and3A_538, %broadcast_in_dim3A_541, %select_n3A_530 : vector<128x128xi1>, vector<128x128xi32>
    %slice3A_543 = vector.extract_strided_slice %add3A_23 {offsets = [0, 1280], sizes = [128, 128], strides = [1, 1]} : vector<128x8192xf32> to vector<128x128xf32>
    %lt3A_544 = arith.cmpf olt, %slice3A_543, %select_n3A_539 : vector<128x128xf32>
    %add3A_545 = arith.constant 1280 : i32
    %add3A_546 = vector.broadcast %add3A_545 : i32 to vector<128x128xi32>
    %add3A_547 = arith.addi %iota3A, %add3A_546 : vector<128x128xi32>
    %ne3A_548 = vector.broadcast %broadcast_in_dim3A_420 : vector<128x1xi32> to vector<128x128xi32>
    %ne3A_549 = arith.cmpi ne, %add3A_547, %ne3A_548 : vector<128x128xi32>
    %and3A_550 = arith.andi %lt3A_544, %ne3A_549 : vector<128x128xi1>
    %select_n3A_551 = arith.select %and3A_550, %slice3A_543, %select_n3A_539 : vector<128x128xi1>, vector<128x128xf32>
    %jit3A_552 = arith.constant 10 : i32
    %broadcast_in_dim3A_553 = vector.broadcast %jit3A_552 : i32 to vector<128x128xi32>
    %select_n3A_554 = arith.select %and3A_550, %broadcast_in_dim3A_553, %select_n3A_542 : vector<128x128xi1>, vector<128x128xi32>
    %slice3A_555 = vector.extract_strided_slice %add3A_23 {offsets = [0, 1408], sizes = [128, 128], strides = [1, 1]} : vector<128x8192xf32> to vector<128x128xf32>
    %lt3A_556 = arith.cmpf olt, %slice3A_555, %select_n3A_551 : vector<128x128xf32>
    %add3A_557 = arith.constant 1408 : i32
    %add3A_558 = vector.broadcast %add3A_557 : i32 to vector<128x128xi32>
    %add3A_559 = arith.addi %iota3A, %add3A_558 : vector<128x128xi32>
    %ne3A_560 = vector.broadcast %broadcast_in_dim3A_420 : vector<128x1xi32> to vector<128x128xi32>
    %ne3A_561 = arith.cmpi ne, %add3A_559, %ne3A_560 : vector<128x128xi32>
    %and3A_562 = arith.andi %lt3A_556, %ne3A_561 : vector<128x128xi1>
    %select_n3A_563 = arith.select %and3A_562, %slice3A_555, %select_n3A_551 : vector<128x128xi1>, vector<128x128xf32>
    %jit3A_564 = arith.constant 11 : i32
    %broadcast_in_dim3A_565 = vector.broadcast %jit3A_564 : i32 to vector<128x128xi32>
    %select_n3A_566 = arith.select %and3A_562, %broadcast_in_dim3A_565, %select_n3A_554 : vector<128x128xi1>, vector<128x128xi32>
    %slice3A_567 = vector.extract_strided_slice %add3A_23 {offsets = [0, 1536], sizes = [128, 128], strides = [1, 1]} : vector<128x8192xf32> to vector<128x128xf32>
    %lt3A_568 = arith.cmpf olt, %slice3A_567, %select_n3A_563 : vector<128x128xf32>
    %add3A_569 = arith.constant 1536 : i32
    %add3A_570 = vector.broadcast %add3A_569 : i32 to vector<128x128xi32>
    %add3A_571 = arith.addi %iota3A, %add3A_570 : vector<128x128xi32>
    %ne3A_572 = vector.broadcast %broadcast_in_dim3A_420 : vector<128x1xi32> to vector<128x128xi32>
    %ne3A_573 = arith.cmpi ne, %add3A_571, %ne3A_572 : vector<128x128xi32>
    %and3A_574 = arith.andi %lt3A_568, %ne3A_573 : vector<128x128xi1>
    %select_n3A_575 = arith.select %and3A_574, %slice3A_567, %select_n3A_563 : vector<128x128xi1>, vector<128x128xf32>
    %jit3A_576 = arith.constant 12 : i32
    %broadcast_in_dim3A_577 = vector.broadcast %jit3A_576 : i32 to vector<128x128xi32>
    %select_n3A_578 = arith.select %and3A_574, %broadcast_in_dim3A_577, %select_n3A_566 : vector<128x128xi1>, vector<128x128xi32>
    %slice3A_579 = vector.extract_strided_slice %add3A_23 {offsets = [0, 1664], sizes = [128, 128], strides = [1, 1]} : vector<128x8192xf32> to vector<128x128xf32>
    %lt3A_580 = arith.cmpf olt, %slice3A_579, %select_n3A_575 : vector<128x128xf32>
    %add3A_581 = arith.constant 1664 : i32
    %add3A_582 = vector.broadcast %add3A_581 : i32 to vector<128x128xi32>
    %add3A_583 = arith.addi %iota3A, %add3A_582 : vector<128x128xi32>
    %ne3A_584 = vector.broadcast %broadcast_in_dim3A_420 : vector<128x1xi32> to vector<128x128xi32>
    %ne3A_585 = arith.cmpi ne, %add3A_583, %ne3A_584 : vector<128x128xi32>
    %and3A_586 = arith.andi %lt3A_580, %ne3A_585 : vector<128x128xi1>
    %select_n3A_587 = arith.select %and3A_586, %slice3A_579, %select_n3A_575 : vector<128x128xi1>, vector<128x128xf32>
    %jit3A_588 = arith.constant 13 : i32
    %broadcast_in_dim3A_589 = vector.broadcast %jit3A_588 : i32 to vector<128x128xi32>
    %select_n3A_590 = arith.select %and3A_586, %broadcast_in_dim3A_589, %select_n3A_578 : vector<128x128xi1>, vector<128x128xi32>
    %slice3A_591 = vector.extract_strided_slice %add3A_23 {offsets = [0, 1792], sizes = [128, 128], strides = [1, 1]} : vector<128x8192xf32> to vector<128x128xf32>
    %lt3A_592 = arith.cmpf olt, %slice3A_591, %select_n3A_587 : vector<128x128xf32>
    %add3A_593 = arith.constant 1792 : i32
    %add3A_594 = vector.broadcast %add3A_593 : i32 to vector<128x128xi32>
    %add3A_595 = arith.addi %iota3A, %add3A_594 : vector<128x128xi32>
    %ne3A_596 = vector.broadcast %broadcast_in_dim3A_420 : vector<128x1xi32> to vector<128x128xi32>
    %ne3A_597 = arith.cmpi ne, %add3A_595, %ne3A_596 : vector<128x128xi32>
    %and3A_598 = arith.andi %lt3A_592, %ne3A_597 : vector<128x128xi1>
    %select_n3A_599 = arith.select %and3A_598, %slice3A_591, %select_n3A_587 : vector<128x128xi1>, vector<128x128xf32>
    %jit3A_600 = arith.constant 14 : i32
    %broadcast_in_dim3A_601 = vector.broadcast %jit3A_600 : i32 to vector<128x128xi32>
    %select_n3A_602 = arith.select %and3A_598, %broadcast_in_dim3A_601, %select_n3A_590 : vector<128x128xi1>, vector<128x128xi32>
    %slice3A_603 = vector.extract_strided_slice %add3A_23 {offsets = [0, 1920], sizes = [128, 128], strides = [1, 1]} : vector<128x8192xf32> to vector<128x128xf32>
    %lt3A_604 = arith.cmpf olt, %slice3A_603, %select_n3A_599 : vector<128x128xf32>
    %add3A_605 = arith.constant 1920 : i32
    %add3A_606 = vector.broadcast %add3A_605 : i32 to vector<128x128xi32>
    %add3A_607 = arith.addi %iota3A, %add3A_606 : vector<128x128xi32>
    %ne3A_608 = vector.broadcast %broadcast_in_dim3A_420 : vector<128x1xi32> to vector<128x128xi32>
    %ne3A_609 = arith.cmpi ne, %add3A_607, %ne3A_608 : vector<128x128xi32>
    %and3A_610 = arith.andi %lt3A_604, %ne3A_609 : vector<128x128xi1>
    %select_n3A_611 = arith.select %and3A_610, %slice3A_603, %select_n3A_599 : vector<128x128xi1>, vector<128x128xf32>
    %jit3A_612 = arith.constant 15 : i32
    %broadcast_in_dim3A_613 = vector.broadcast %jit3A_612 : i32 to vector<128x128xi32>
    %select_n3A_614 = arith.select %and3A_610, %broadcast_in_dim3A_613, %select_n3A_602 : vector<128x128xi1>, vector<128x128xi32>
    %slice3A_615 = vector.extract_strided_slice %add3A_23 {offsets = [0, 2048], sizes = [128, 128], strides = [1, 1]} : vector<128x8192xf32> to vector<128x128xf32>
    %lt3A_616 = arith.cmpf olt, %slice3A_615, %select_n3A_611 : vector<128x128xf32>
    %add3A_617 = arith.constant 2048 : i32
    %add3A_618 = vector.broadcast %add3A_617 : i32 to vector<128x128xi32>
    %add3A_619 = arith.addi %iota3A, %add3A_618 : vector<128x128xi32>
    %ne3A_620 = vector.broadcast %broadcast_in_dim3A_420 : vector<128x1xi32> to vector<128x128xi32>
    %ne3A_621 = arith.cmpi ne, %add3A_619, %ne3A_620 : vector<128x128xi32>
    %and3A_622 = arith.andi %lt3A_616, %ne3A_621 : vector<128x128xi1>
    %select_n3A_623 = arith.select %and3A_622, %slice3A_615, %select_n3A_611 : vector<128x128xi1>, vector<128x128xf32>
    %jit3A_624 = arith.constant 16 : i32
    %broadcast_in_dim3A_625 = vector.broadcast %jit3A_624 : i32 to vector<128x128xi32>
    %select_n3A_626 = arith.select %and3A_622, %broadcast_in_dim3A_625, %select_n3A_614 : vector<128x128xi1>, vector<128x128xi32>
    %slice3A_627 = vector.extract_strided_slice %add3A_23 {offsets = [0, 2176], sizes = [128, 128], strides = [1, 1]} : vector<128x8192xf32> to vector<128x128xf32>
    %lt3A_628 = arith.cmpf olt, %slice3A_627, %select_n3A_623 : vector<128x128xf32>
    %add3A_629 = arith.constant 2176 : i32
    %add3A_630 = vector.broadcast %add3A_629 : i32 to vector<128x128xi32>
    %add3A_631 = arith.addi %iota3A, %add3A_630 : vector<128x128xi32>
    %ne3A_632 = vector.broadcast %broadcast_in_dim3A_420 : vector<128x1xi32> to vector<128x128xi32>
    %ne3A_633 = arith.cmpi ne, %add3A_631, %ne3A_632 : vector<128x128xi32>
    %and3A_634 = arith.andi %lt3A_628, %ne3A_633 : vector<128x128xi1>
    %select_n3A_635 = arith.select %and3A_634, %slice3A_627, %select_n3A_623 : vector<128x128xi1>, vector<128x128xf32>
    %jit3A_636 = arith.constant 17 : i32
    %broadcast_in_dim3A_637 = vector.broadcast %jit3A_636 : i32 to vector<128x128xi32>
    %select_n3A_638 = arith.select %and3A_634, %broadcast_in_dim3A_637, %select_n3A_626 : vector<128x128xi1>, vector<128x128xi32>
    %slice3A_639 = vector.extract_strided_slice %add3A_23 {offsets = [0, 2304], sizes = [128, 128], strides = [1, 1]} : vector<128x8192xf32> to vector<128x128xf32>
    %lt3A_640 = arith.cmpf olt, %slice3A_639, %select_n3A_635 : vector<128x128xf32>
    %add3A_641 = arith.constant 2304 : i32
    %add3A_642 = vector.broadcast %add3A_641 : i32 to vector<128x128xi32>
    %add3A_643 = arith.addi %iota3A, %add3A_642 : vector<128x128xi32>
    %ne3A_644 = vector.broadcast %broadcast_in_dim3A_420 : vector<128x1xi32> to vector<128x128xi32>
    %ne3A_645 = arith.cmpi ne, %add3A_643, %ne3A_644 : vector<128x128xi32>
    %and3A_646 = arith.andi %lt3A_640, %ne3A_645 : vector<128x128xi1>
    %select_n3A_647 = arith.select %and3A_646, %slice3A_639, %select_n3A_635 : vector<128x128xi1>, vector<128x128xf32>
    %jit3A_648 = arith.constant 18 : i32
    %broadcast_in_dim3A_649 = vector.broadcast %jit3A_648 : i32 to vector<128x128xi32>
    %select_n3A_650 = arith.select %and3A_646, %broadcast_in_dim3A_649, %select_n3A_638 : vector<128x128xi1>, vector<128x128xi32>
    %slice3A_651 = vector.extract_strided_slice %add3A_23 {offsets = [0, 2432], sizes = [128, 128], strides = [1, 1]} : vector<128x8192xf32> to vector<128x128xf32>
    %lt3A_652 = arith.cmpf olt, %slice3A_651, %select_n3A_647 : vector<128x128xf32>
    %add3A_653 = arith.constant 2432 : i32
    %add3A_654 = vector.broadcast %add3A_653 : i32 to vector<128x128xi32>
    %add3A_655 = arith.addi %iota3A, %add3A_654 : vector<128x128xi32>
    %ne3A_656 = vector.broadcast %broadcast_in_dim3A_420 : vector<128x1xi32> to vector<128x128xi32>
    %ne3A_657 = arith.cmpi ne, %add3A_655, %ne3A_656 : vector<128x128xi32>
    %and3A_658 = arith.andi %lt3A_652, %ne3A_657 : vector<128x128xi1>
    %select_n3A_659 = arith.select %and3A_658, %slice3A_651, %select_n3A_647 : vector<128x128xi1>, vector<128x128xf32>
    %jit3A_660 = arith.constant 19 : i32
    %broadcast_in_dim3A_661 = vector.broadcast %jit3A_660 : i32 to vector<128x128xi32>
    %select_n3A_662 = arith.select %and3A_658, %broadcast_in_dim3A_661, %select_n3A_650 : vector<128x128xi1>, vector<128x128xi32>
    %slice3A_663 = vector.extract_strided_slice %add3A_23 {offsets = [0, 2560], sizes = [128, 128], strides = [1, 1]} : vector<128x8192xf32> to vector<128x128xf32>
    %lt3A_664 = arith.cmpf olt, %slice3A_663, %select_n3A_659 : vector<128x128xf32>
    %add3A_665 = arith.constant 2560 : i32
    %add3A_666 = vector.broadcast %add3A_665 : i32 to vector<128x128xi32>
    %add3A_667 = arith.addi %iota3A, %add3A_666 : vector<128x128xi32>
    %ne3A_668 = vector.broadcast %broadcast_in_dim3A_420 : vector<128x1xi32> to vector<128x128xi32>
    %ne3A_669 = arith.cmpi ne, %add3A_667, %ne3A_668 : vector<128x128xi32>
    %and3A_670 = arith.andi %lt3A_664, %ne3A_669 : vector<128x128xi1>
    %select_n3A_671 = arith.select %and3A_670, %slice3A_663, %select_n3A_659 : vector<128x128xi1>, vector<128x128xf32>
    %jit3A_672 = arith.constant 20 : i32
    %broadcast_in_dim3A_673 = vector.broadcast %jit3A_672 : i32 to vector<128x128xi32>
    %select_n3A_674 = arith.select %and3A_670, %broadcast_in_dim3A_673, %select_n3A_662 : vector<128x128xi1>, vector<128x128xi32>
    %slice3A_675 = vector.extract_strided_slice %add3A_23 {offsets = [0, 2688], sizes = [128, 128], strides = [1, 1]} : vector<128x8192xf32> to vector<128x128xf32>
    %lt3A_676 = arith.cmpf olt, %slice3A_675, %select_n3A_671 : vector<128x128xf32>
    %add3A_677 = arith.constant 2688 : i32
    %add3A_678 = vector.broadcast %add3A_677 : i32 to vector<128x128xi32>
    %add3A_679 = arith.addi %iota3A, %add3A_678 : vector<128x128xi32>
    %ne3A_680 = vector.broadcast %broadcast_in_dim3A_420 : vector<128x1xi32> to vector<128x128xi32>
    %ne3A_681 = arith.cmpi ne, %add3A_679, %ne3A_680 : vector<128x128xi32>
    %and3A_682 = arith.andi %lt3A_676, %ne3A_681 : vector<128x128xi1>
    %select_n3A_683 = arith.select %and3A_682, %slice3A_675, %select_n3A_671 : vector<128x128xi1>, vector<128x128xf32>
    %jit3A_684 = arith.constant 21 : i32
    %broadcast_in_dim3A_685 = vector.broadcast %jit3A_684 : i32 to vector<128x128xi32>
    %select_n3A_686 = arith.select %and3A_682, %broadcast_in_dim3A_685, %select_n3A_674 : vector<128x128xi1>, vector<128x128xi32>
    %slice3A_687 = vector.extract_strided_slice %add3A_23 {offsets = [0, 2816], sizes = [128, 128], strides = [1, 1]} : vector<128x8192xf32> to vector<128x128xf32>
    %lt3A_688 = arith.cmpf olt, %slice3A_687, %select_n3A_683 : vector<128x128xf32>
    %add3A_689 = arith.constant 2816 : i32
    %add3A_690 = vector.broadcast %add3A_689 : i32 to vector<128x128xi32>
    %add3A_691 = arith.addi %iota3A, %add3A_690 : vector<128x128xi32>
    %ne3A_692 = vector.broadcast %broadcast_in_dim3A_420 : vector<128x1xi32> to vector<128x128xi32>
    %ne3A_693 = arith.cmpi ne, %add3A_691, %ne3A_692 : vector<128x128xi32>
    %and3A_694 = arith.andi %lt3A_688, %ne3A_693 : vector<128x128xi1>
    %select_n3A_695 = arith.select %and3A_694, %slice3A_687, %select_n3A_683 : vector<128x128xi1>, vector<128x128xf32>
    %jit3A_696 = arith.constant 22 : i32
    %broadcast_in_dim3A_697 = vector.broadcast %jit3A_696 : i32 to vector<128x128xi32>
    %select_n3A_698 = arith.select %and3A_694, %broadcast_in_dim3A_697, %select_n3A_686 : vector<128x128xi1>, vector<128x128xi32>
    %slice3A_699 = vector.extract_strided_slice %add3A_23 {offsets = [0, 2944], sizes = [128, 128], strides = [1, 1]} : vector<128x8192xf32> to vector<128x128xf32>
    %lt3A_700 = arith.cmpf olt, %slice3A_699, %select_n3A_695 : vector<128x128xf32>
    %add3A_701 = arith.constant 2944 : i32
    %add3A_702 = vector.broadcast %add3A_701 : i32 to vector<128x128xi32>
    %add3A_703 = arith.addi %iota3A, %add3A_702 : vector<128x128xi32>
    %ne3A_704 = vector.broadcast %broadcast_in_dim3A_420 : vector<128x1xi32> to vector<128x128xi32>
    %ne3A_705 = arith.cmpi ne, %add3A_703, %ne3A_704 : vector<128x128xi32>
    %and3A_706 = arith.andi %lt3A_700, %ne3A_705 : vector<128x128xi1>
    %select_n3A_707 = arith.select %and3A_706, %slice3A_699, %select_n3A_695 : vector<128x128xi1>, vector<128x128xf32>
    %jit3A_708 = arith.constant 23 : i32
    %broadcast_in_dim3A_709 = vector.broadcast %jit3A_708 : i32 to vector<128x128xi32>
    %select_n3A_710 = arith.select %and3A_706, %broadcast_in_dim3A_709, %select_n3A_698 : vector<128x128xi1>, vector<128x128xi32>
    %slice3A_711 = vector.extract_strided_slice %add3A_23 {offsets = [0, 3072], sizes = [128, 128], strides = [1, 1]} : vector<128x8192xf32> to vector<128x128xf32>
    %lt3A_712 = arith.cmpf olt, %slice3A_711, %select_n3A_707 : vector<128x128xf32>
    %add3A_713 = arith.constant 3072 : i32
    %add3A_714 = vector.broadcast %add3A_713 : i32 to vector<128x128xi32>
    %add3A_715 = arith.addi %iota3A, %add3A_714 : vector<128x128xi32>
    %ne3A_716 = vector.broadcast %broadcast_in_dim3A_420 : vector<128x1xi32> to vector<128x128xi32>
    %ne3A_717 = arith.cmpi ne, %add3A_715, %ne3A_716 : vector<128x128xi32>
    %and3A_718 = arith.andi %lt3A_712, %ne3A_717 : vector<128x128xi1>
    %select_n3A_719 = arith.select %and3A_718, %slice3A_711, %select_n3A_707 : vector<128x128xi1>, vector<128x128xf32>
    %jit3A_720 = arith.constant 24 : i32
    %broadcast_in_dim3A_721 = vector.broadcast %jit3A_720 : i32 to vector<128x128xi32>
    %select_n3A_722 = arith.select %and3A_718, %broadcast_in_dim3A_721, %select_n3A_710 : vector<128x128xi1>, vector<128x128xi32>
    %slice3A_723 = vector.extract_strided_slice %add3A_23 {offsets = [0, 3200], sizes = [128, 128], strides = [1, 1]} : vector<128x8192xf32> to vector<128x128xf32>
    %lt3A_724 = arith.cmpf olt, %slice3A_723, %select_n3A_719 : vector<128x128xf32>
    %add3A_725 = arith.constant 3200 : i32
    %add3A_726 = vector.broadcast %add3A_725 : i32 to vector<128x128xi32>
    %add3A_727 = arith.addi %iota3A, %add3A_726 : vector<128x128xi32>
    %ne3A_728 = vector.broadcast %broadcast_in_dim3A_420 : vector<128x1xi32> to vector<128x128xi32>
    %ne3A_729 = arith.cmpi ne, %add3A_727, %ne3A_728 : vector<128x128xi32>
    %and3A_730 = arith.andi %lt3A_724, %ne3A_729 : vector<128x128xi1>
    %select_n3A_731 = arith.select %and3A_730, %slice3A_723, %select_n3A_719 : vector<128x128xi1>, vector<128x128xf32>
    %jit3A_732 = arith.constant 25 : i32
    %broadcast_in_dim3A_733 = vector.broadcast %jit3A_732 : i32 to vector<128x128xi32>
    %select_n3A_734 = arith.select %and3A_730, %broadcast_in_dim3A_733, %select_n3A_722 : vector<128x128xi1>, vector<128x128xi32>
    %slice3A_735 = vector.extract_strided_slice %add3A_23 {offsets = [0, 3328], sizes = [128, 128], strides = [1, 1]} : vector<128x8192xf32> to vector<128x128xf32>
    %lt3A_736 = arith.cmpf olt, %slice3A_735, %select_n3A_731 : vector<128x128xf32>
    %add3A_737 = arith.constant 3328 : i32
    %add3A_738 = vector.broadcast %add3A_737 : i32 to vector<128x128xi32>
    %add3A_739 = arith.addi %iota3A, %add3A_738 : vector<128x128xi32>
    %ne3A_740 = vector.broadcast %broadcast_in_dim3A_420 : vector<128x1xi32> to vector<128x128xi32>
    %ne3A_741 = arith.cmpi ne, %add3A_739, %ne3A_740 : vector<128x128xi32>
    %and3A_742 = arith.andi %lt3A_736, %ne3A_741 : vector<128x128xi1>
    %select_n3A_743 = arith.select %and3A_742, %slice3A_735, %select_n3A_731 : vector<128x128xi1>, vector<128x128xf32>
    %jit3A_744 = arith.constant 26 : i32
    %broadcast_in_dim3A_745 = vector.broadcast %jit3A_744 : i32 to vector<128x128xi32>
    %select_n3A_746 = arith.select %and3A_742, %broadcast_in_dim3A_745, %select_n3A_734 : vector<128x128xi1>, vector<128x128xi32>
    %slice3A_747 = vector.extract_strided_slice %add3A_23 {offsets = [0, 3456], sizes = [128, 128], strides = [1, 1]} : vector<128x8192xf32> to vector<128x128xf32>
    %lt3A_748 = arith.cmpf olt, %slice3A_747, %select_n3A_743 : vector<128x128xf32>
    %add3A_749 = arith.constant 3456 : i32
    %add3A_750 = vector.broadcast %add3A_749 : i32 to vector<128x128xi32>
    %add3A_751 = arith.addi %iota3A, %add3A_750 : vector<128x128xi32>
    %ne3A_752 = vector.broadcast %broadcast_in_dim3A_420 : vector<128x1xi32> to vector<128x128xi32>
    %ne3A_753 = arith.cmpi ne, %add3A_751, %ne3A_752 : vector<128x128xi32>
    %and3A_754 = arith.andi %lt3A_748, %ne3A_753 : vector<128x128xi1>
    %select_n3A_755 = arith.select %and3A_754, %slice3A_747, %select_n3A_743 : vector<128x128xi1>, vector<128x128xf32>
    %jit3A_756 = arith.constant 27 : i32
    %broadcast_in_dim3A_757 = vector.broadcast %jit3A_756 : i32 to vector<128x128xi32>
    %select_n3A_758 = arith.select %and3A_754, %broadcast_in_dim3A_757, %select_n3A_746 : vector<128x128xi1>, vector<128x128xi32>
    %slice3A_759 = vector.extract_strided_slice %add3A_23 {offsets = [0, 3584], sizes = [128, 128], strides = [1, 1]} : vector<128x8192xf32> to vector<128x128xf32>
    %lt3A_760 = arith.cmpf olt, %slice3A_759, %select_n3A_755 : vector<128x128xf32>
    %add3A_761 = arith.constant 3584 : i32
    %add3A_762 = vector.broadcast %add3A_761 : i32 to vector<128x128xi32>
    %add3A_763 = arith.addi %iota3A, %add3A_762 : vector<128x128xi32>
    %ne3A_764 = vector.broadcast %broadcast_in_dim3A_420 : vector<128x1xi32> to vector<128x128xi32>
    %ne3A_765 = arith.cmpi ne, %add3A_763, %ne3A_764 : vector<128x128xi32>
    %and3A_766 = arith.andi %lt3A_760, %ne3A_765 : vector<128x128xi1>
    %select_n3A_767 = arith.select %and3A_766, %slice3A_759, %select_n3A_755 : vector<128x128xi1>, vector<128x128xf32>
    %jit3A_768 = arith.constant 28 : i32
    %broadcast_in_dim3A_769 = vector.broadcast %jit3A_768 : i32 to vector<128x128xi32>
    %select_n3A_770 = arith.select %and3A_766, %broadcast_in_dim3A_769, %select_n3A_758 : vector<128x128xi1>, vector<128x128xi32>
    %slice3A_771 = vector.extract_strided_slice %add3A_23 {offsets = [0, 3712], sizes = [128, 128], strides = [1, 1]} : vector<128x8192xf32> to vector<128x128xf32>
    %lt3A_772 = arith.cmpf olt, %slice3A_771, %select_n3A_767 : vector<128x128xf32>
    %add3A_773 = arith.constant 3712 : i32
    %add3A_774 = vector.broadcast %add3A_773 : i32 to vector<128x128xi32>
    %add3A_775 = arith.addi %iota3A, %add3A_774 : vector<128x128xi32>
    %ne3A_776 = vector.broadcast %broadcast_in_dim3A_420 : vector<128x1xi32> to vector<128x128xi32>
    %ne3A_777 = arith.cmpi ne, %add3A_775, %ne3A_776 : vector<128x128xi32>
    %and3A_778 = arith.andi %lt3A_772, %ne3A_777 : vector<128x128xi1>
    %select_n3A_779 = arith.select %and3A_778, %slice3A_771, %select_n3A_767 : vector<128x128xi1>, vector<128x128xf32>
    %jit3A_780 = arith.constant 29 : i32
    %broadcast_in_dim3A_781 = vector.broadcast %jit3A_780 : i32 to vector<128x128xi32>
    %select_n3A_782 = arith.select %and3A_778, %broadcast_in_dim3A_781, %select_n3A_770 : vector<128x128xi1>, vector<128x128xi32>
    %slice3A_783 = vector.extract_strided_slice %add3A_23 {offsets = [0, 3840], sizes = [128, 128], strides = [1, 1]} : vector<128x8192xf32> to vector<128x128xf32>
    %lt3A_784 = arith.cmpf olt, %slice3A_783, %select_n3A_779 : vector<128x128xf32>
    %add3A_785 = arith.constant 3840 : i32
    %add3A_786 = vector.broadcast %add3A_785 : i32 to vector<128x128xi32>
    %add3A_787 = arith.addi %iota3A, %add3A_786 : vector<128x128xi32>
    %ne3A_788 = vector.broadcast %broadcast_in_dim3A_420 : vector<128x1xi32> to vector<128x128xi32>
    %ne3A_789 = arith.cmpi ne, %add3A_787, %ne3A_788 : vector<128x128xi32>
    %and3A_790 = arith.andi %lt3A_784, %ne3A_789 : vector<128x128xi1>
    %select_n3A_791 = arith.select %and3A_790, %slice3A_783, %select_n3A_779 : vector<128x128xi1>, vector<128x128xf32>
    %jit3A_792 = arith.constant 30 : i32
    %broadcast_in_dim3A_793 = vector.broadcast %jit3A_792 : i32 to vector<128x128xi32>
    %select_n3A_794 = arith.select %and3A_790, %broadcast_in_dim3A_793, %select_n3A_782 : vector<128x128xi1>, vector<128x128xi32>
    %slice3A_795 = vector.extract_strided_slice %add3A_23 {offsets = [0, 3968], sizes = [128, 128], strides = [1, 1]} : vector<128x8192xf32> to vector<128x128xf32>
    %lt3A_796 = arith.cmpf olt, %slice3A_795, %select_n3A_791 : vector<128x128xf32>
    %add3A_797 = arith.constant 3968 : i32
    %add3A_798 = vector.broadcast %add3A_797 : i32 to vector<128x128xi32>
    %add3A_799 = arith.addi %iota3A, %add3A_798 : vector<128x128xi32>
    %ne3A_800 = vector.broadcast %broadcast_in_dim3A_420 : vector<128x1xi32> to vector<128x128xi32>
    %ne3A_801 = arith.cmpi ne, %add3A_799, %ne3A_800 : vector<128x128xi32>
    %and3A_802 = arith.andi %lt3A_796, %ne3A_801 : vector<128x128xi1>
    %select_n3A_803 = arith.select %and3A_802, %slice3A_795, %select_n3A_791 : vector<128x128xi1>, vector<128x128xf32>
    %jit3A_804 = arith.constant 31 : i32
    %broadcast_in_dim3A_805 = vector.broadcast %jit3A_804 : i32 to vector<128x128xi32>
    %select_n3A_806 = arith.select %and3A_802, %broadcast_in_dim3A_805, %select_n3A_794 : vector<128x128xi1>, vector<128x128xi32>
    %slice3A_807 = vector.extract_strided_slice %add3A_23 {offsets = [0, 4096], sizes = [128, 128], strides = [1, 1]} : vector<128x8192xf32> to vector<128x128xf32>
    %lt3A_808 = arith.cmpf olt, %slice3A_807, %select_n3A_803 : vector<128x128xf32>
    %add3A_809 = arith.constant 4096 : i32
    %add3A_810 = vector.broadcast %add3A_809 : i32 to vector<128x128xi32>
    %add3A_811 = arith.addi %iota3A, %add3A_810 : vector<128x128xi32>
    %ne3A_812 = vector.broadcast %broadcast_in_dim3A_420 : vector<128x1xi32> to vector<128x128xi32>
    %ne3A_813 = arith.cmpi ne, %add3A_811, %ne3A_812 : vector<128x128xi32>
    %and3A_814 = arith.andi %lt3A_808, %ne3A_813 : vector<128x128xi1>
    %select_n3A_815 = arith.select %and3A_814, %slice3A_807, %select_n3A_803 : vector<128x128xi1>, vector<128x128xf32>
    %jit3A_816 = arith.constant 32 : i32
    %broadcast_in_dim3A_817 = vector.broadcast %jit3A_816 : i32 to vector<128x128xi32>
    %select_n3A_818 = arith.select %and3A_814, %broadcast_in_dim3A_817, %select_n3A_806 : vector<128x128xi1>, vector<128x128xi32>
    %slice3A_819 = vector.extract_strided_slice %add3A_23 {offsets = [0, 4224], sizes = [128, 128], strides = [1, 1]} : vector<128x8192xf32> to vector<128x128xf32>
    %lt3A_820 = arith.cmpf olt, %slice3A_819, %select_n3A_815 : vector<128x128xf32>
    %add3A_821 = arith.constant 4224 : i32
    %add3A_822 = vector.broadcast %add3A_821 : i32 to vector<128x128xi32>
    %add3A_823 = arith.addi %iota3A, %add3A_822 : vector<128x128xi32>
    %ne3A_824 = vector.broadcast %broadcast_in_dim3A_420 : vector<128x1xi32> to vector<128x128xi32>
    %ne3A_825 = arith.cmpi ne, %add3A_823, %ne3A_824 : vector<128x128xi32>
    %and3A_826 = arith.andi %lt3A_820, %ne3A_825 : vector<128x128xi1>
    %select_n3A_827 = arith.select %and3A_826, %slice3A_819, %select_n3A_815 : vector<128x128xi1>, vector<128x128xf32>
    %jit3A_828 = arith.constant 33 : i32
    %broadcast_in_dim3A_829 = vector.broadcast %jit3A_828 : i32 to vector<128x128xi32>
    %select_n3A_830 = arith.select %and3A_826, %broadcast_in_dim3A_829, %select_n3A_818 : vector<128x128xi1>, vector<128x128xi32>
    %slice3A_831 = vector.extract_strided_slice %add3A_23 {offsets = [0, 4352], sizes = [128, 128], strides = [1, 1]} : vector<128x8192xf32> to vector<128x128xf32>
    %lt3A_832 = arith.cmpf olt, %slice3A_831, %select_n3A_827 : vector<128x128xf32>
    %add3A_833 = arith.constant 4352 : i32
    %add3A_834 = vector.broadcast %add3A_833 : i32 to vector<128x128xi32>
    %add3A_835 = arith.addi %iota3A, %add3A_834 : vector<128x128xi32>
    %ne3A_836 = vector.broadcast %broadcast_in_dim3A_420 : vector<128x1xi32> to vector<128x128xi32>
    %ne3A_837 = arith.cmpi ne, %add3A_835, %ne3A_836 : vector<128x128xi32>
    %and3A_838 = arith.andi %lt3A_832, %ne3A_837 : vector<128x128xi1>
    %select_n3A_839 = arith.select %and3A_838, %slice3A_831, %select_n3A_827 : vector<128x128xi1>, vector<128x128xf32>
    %jit3A_840 = arith.constant 34 : i32
    %broadcast_in_dim3A_841 = vector.broadcast %jit3A_840 : i32 to vector<128x128xi32>
    %select_n3A_842 = arith.select %and3A_838, %broadcast_in_dim3A_841, %select_n3A_830 : vector<128x128xi1>, vector<128x128xi32>
    %slice3A_843 = vector.extract_strided_slice %add3A_23 {offsets = [0, 4480], sizes = [128, 128], strides = [1, 1]} : vector<128x8192xf32> to vector<128x128xf32>
    %lt3A_844 = arith.cmpf olt, %slice3A_843, %select_n3A_839 : vector<128x128xf32>
    %add3A_845 = arith.constant 4480 : i32
    %add3A_846 = vector.broadcast %add3A_845 : i32 to vector<128x128xi32>
    %add3A_847 = arith.addi %iota3A, %add3A_846 : vector<128x128xi32>
    %ne3A_848 = vector.broadcast %broadcast_in_dim3A_420 : vector<128x1xi32> to vector<128x128xi32>
    %ne3A_849 = arith.cmpi ne, %add3A_847, %ne3A_848 : vector<128x128xi32>
    %and3A_850 = arith.andi %lt3A_844, %ne3A_849 : vector<128x128xi1>
    %select_n3A_851 = arith.select %and3A_850, %slice3A_843, %select_n3A_839 : vector<128x128xi1>, vector<128x128xf32>
    %jit3A_852 = arith.constant 35 : i32
    %broadcast_in_dim3A_853 = vector.broadcast %jit3A_852 : i32 to vector<128x128xi32>
    %select_n3A_854 = arith.select %and3A_850, %broadcast_in_dim3A_853, %select_n3A_842 : vector<128x128xi1>, vector<128x128xi32>
    %slice3A_855 = vector.extract_strided_slice %add3A_23 {offsets = [0, 4608], sizes = [128, 128], strides = [1, 1]} : vector<128x8192xf32> to vector<128x128xf32>
    %lt3A_856 = arith.cmpf olt, %slice3A_855, %select_n3A_851 : vector<128x128xf32>
    %add3A_857 = arith.constant 4608 : i32
    %add3A_858 = vector.broadcast %add3A_857 : i32 to vector<128x128xi32>
    %add3A_859 = arith.addi %iota3A, %add3A_858 : vector<128x128xi32>
    %ne3A_860 = vector.broadcast %broadcast_in_dim3A_420 : vector<128x1xi32> to vector<128x128xi32>
    %ne3A_861 = arith.cmpi ne, %add3A_859, %ne3A_860 : vector<128x128xi32>
    %and3A_862 = arith.andi %lt3A_856, %ne3A_861 : vector<128x128xi1>
    %select_n3A_863 = arith.select %and3A_862, %slice3A_855, %select_n3A_851 : vector<128x128xi1>, vector<128x128xf32>
    %jit3A_864 = arith.constant 36 : i32
    %broadcast_in_dim3A_865 = vector.broadcast %jit3A_864 : i32 to vector<128x128xi32>
    %select_n3A_866 = arith.select %and3A_862, %broadcast_in_dim3A_865, %select_n3A_854 : vector<128x128xi1>, vector<128x128xi32>
    %slice3A_867 = vector.extract_strided_slice %add3A_23 {offsets = [0, 4736], sizes = [128, 128], strides = [1, 1]} : vector<128x8192xf32> to vector<128x128xf32>
    %lt3A_868 = arith.cmpf olt, %slice3A_867, %select_n3A_863 : vector<128x128xf32>
    %add3A_869 = arith.constant 4736 : i32
    %add3A_870 = vector.broadcast %add3A_869 : i32 to vector<128x128xi32>
    %add3A_871 = arith.addi %iota3A, %add3A_870 : vector<128x128xi32>
    %ne3A_872 = vector.broadcast %broadcast_in_dim3A_420 : vector<128x1xi32> to vector<128x128xi32>
    %ne3A_873 = arith.cmpi ne, %add3A_871, %ne3A_872 : vector<128x128xi32>
    %and3A_874 = arith.andi %lt3A_868, %ne3A_873 : vector<128x128xi1>
    %select_n3A_875 = arith.select %and3A_874, %slice3A_867, %select_n3A_863 : vector<128x128xi1>, vector<128x128xf32>
    %jit3A_876 = arith.constant 37 : i32
    %broadcast_in_dim3A_877 = vector.broadcast %jit3A_876 : i32 to vector<128x128xi32>
    %select_n3A_878 = arith.select %and3A_874, %broadcast_in_dim3A_877, %select_n3A_866 : vector<128x128xi1>, vector<128x128xi32>
    %slice3A_879 = vector.extract_strided_slice %add3A_23 {offsets = [0, 4864], sizes = [128, 128], strides = [1, 1]} : vector<128x8192xf32> to vector<128x128xf32>
    %lt3A_880 = arith.cmpf olt, %slice3A_879, %select_n3A_875 : vector<128x128xf32>
    %add3A_881 = arith.constant 4864 : i32
    %add3A_882 = vector.broadcast %add3A_881 : i32 to vector<128x128xi32>
    %add3A_883 = arith.addi %iota3A, %add3A_882 : vector<128x128xi32>
    %ne3A_884 = vector.broadcast %broadcast_in_dim3A_420 : vector<128x1xi32> to vector<128x128xi32>
    %ne3A_885 = arith.cmpi ne, %add3A_883, %ne3A_884 : vector<128x128xi32>
    %and3A_886 = arith.andi %lt3A_880, %ne3A_885 : vector<128x128xi1>
    %select_n3A_887 = arith.select %and3A_886, %slice3A_879, %select_n3A_875 : vector<128x128xi1>, vector<128x128xf32>
    %jit3A_888 = arith.constant 38 : i32
    %broadcast_in_dim3A_889 = vector.broadcast %jit3A_888 : i32 to vector<128x128xi32>
    %select_n3A_890 = arith.select %and3A_886, %broadcast_in_dim3A_889, %select_n3A_878 : vector<128x128xi1>, vector<128x128xi32>
    %slice3A_891 = vector.extract_strided_slice %add3A_23 {offsets = [0, 4992], sizes = [128, 128], strides = [1, 1]} : vector<128x8192xf32> to vector<128x128xf32>
    %lt3A_892 = arith.cmpf olt, %slice3A_891, %select_n3A_887 : vector<128x128xf32>
    %add3A_893 = arith.constant 4992 : i32
    %add3A_894 = vector.broadcast %add3A_893 : i32 to vector<128x128xi32>
    %add3A_895 = arith.addi %iota3A, %add3A_894 : vector<128x128xi32>
    %ne3A_896 = vector.broadcast %broadcast_in_dim3A_420 : vector<128x1xi32> to vector<128x128xi32>
    %ne3A_897 = arith.cmpi ne, %add3A_895, %ne3A_896 : vector<128x128xi32>
    %and3A_898 = arith.andi %lt3A_892, %ne3A_897 : vector<128x128xi1>
    %select_n3A_899 = arith.select %and3A_898, %slice3A_891, %select_n3A_887 : vector<128x128xi1>, vector<128x128xf32>
    %jit3A_900 = arith.constant 39 : i32
    %broadcast_in_dim3A_901 = vector.broadcast %jit3A_900 : i32 to vector<128x128xi32>
    %select_n3A_902 = arith.select %and3A_898, %broadcast_in_dim3A_901, %select_n3A_890 : vector<128x128xi1>, vector<128x128xi32>
    %slice3A_903 = vector.extract_strided_slice %add3A_23 {offsets = [0, 5120], sizes = [128, 128], strides = [1, 1]} : vector<128x8192xf32> to vector<128x128xf32>
    %lt3A_904 = arith.cmpf olt, %slice3A_903, %select_n3A_899 : vector<128x128xf32>
    %add3A_905 = arith.constant 5120 : i32
    %add3A_906 = vector.broadcast %add3A_905 : i32 to vector<128x128xi32>
    %add3A_907 = arith.addi %iota3A, %add3A_906 : vector<128x128xi32>
    %ne3A_908 = vector.broadcast %broadcast_in_dim3A_420 : vector<128x1xi32> to vector<128x128xi32>
    %ne3A_909 = arith.cmpi ne, %add3A_907, %ne3A_908 : vector<128x128xi32>
    %and3A_910 = arith.andi %lt3A_904, %ne3A_909 : vector<128x128xi1>
    %select_n3A_911 = arith.select %and3A_910, %slice3A_903, %select_n3A_899 : vector<128x128xi1>, vector<128x128xf32>
    %jit3A_912 = arith.constant 40 : i32
    %broadcast_in_dim3A_913 = vector.broadcast %jit3A_912 : i32 to vector<128x128xi32>
    %select_n3A_914 = arith.select %and3A_910, %broadcast_in_dim3A_913, %select_n3A_902 : vector<128x128xi1>, vector<128x128xi32>
    %slice3A_915 = vector.extract_strided_slice %add3A_23 {offsets = [0, 5248], sizes = [128, 128], strides = [1, 1]} : vector<128x8192xf32> to vector<128x128xf32>
    %lt3A_916 = arith.cmpf olt, %slice3A_915, %select_n3A_911 : vector<128x128xf32>
    %add3A_917 = arith.constant 5248 : i32
    %add3A_918 = vector.broadcast %add3A_917 : i32 to vector<128x128xi32>
    %add3A_919 = arith.addi %iota3A, %add3A_918 : vector<128x128xi32>
    %ne3A_920 = vector.broadcast %broadcast_in_dim3A_420 : vector<128x1xi32> to vector<128x128xi32>
    %ne3A_921 = arith.cmpi ne, %add3A_919, %ne3A_920 : vector<128x128xi32>
    %and3A_922 = arith.andi %lt3A_916, %ne3A_921 : vector<128x128xi1>
    %select_n3A_923 = arith.select %and3A_922, %slice3A_915, %select_n3A_911 : vector<128x128xi1>, vector<128x128xf32>
    %jit3A_924 = arith.constant 41 : i32
    %broadcast_in_dim3A_925 = vector.broadcast %jit3A_924 : i32 to vector<128x128xi32>
    %select_n3A_926 = arith.select %and3A_922, %broadcast_in_dim3A_925, %select_n3A_914 : vector<128x128xi1>, vector<128x128xi32>
    %slice3A_927 = vector.extract_strided_slice %add3A_23 {offsets = [0, 5376], sizes = [128, 128], strides = [1, 1]} : vector<128x8192xf32> to vector<128x128xf32>
    %lt3A_928 = arith.cmpf olt, %slice3A_927, %select_n3A_923 : vector<128x128xf32>
    %add3A_929 = arith.constant 5376 : i32
    %add3A_930 = vector.broadcast %add3A_929 : i32 to vector<128x128xi32>
    %add3A_931 = arith.addi %iota3A, %add3A_930 : vector<128x128xi32>
    %ne3A_932 = vector.broadcast %broadcast_in_dim3A_420 : vector<128x1xi32> to vector<128x128xi32>
    %ne3A_933 = arith.cmpi ne, %add3A_931, %ne3A_932 : vector<128x128xi32>
    %and3A_934 = arith.andi %lt3A_928, %ne3A_933 : vector<128x128xi1>
    %select_n3A_935 = arith.select %and3A_934, %slice3A_927, %select_n3A_923 : vector<128x128xi1>, vector<128x128xf32>
    %jit3A_936 = arith.constant 42 : i32
    %broadcast_in_dim3A_937 = vector.broadcast %jit3A_936 : i32 to vector<128x128xi32>
    %select_n3A_938 = arith.select %and3A_934, %broadcast_in_dim3A_937, %select_n3A_926 : vector<128x128xi1>, vector<128x128xi32>
    %slice3A_939 = vector.extract_strided_slice %add3A_23 {offsets = [0, 5504], sizes = [128, 128], strides = [1, 1]} : vector<128x8192xf32> to vector<128x128xf32>
    %lt3A_940 = arith.cmpf olt, %slice3A_939, %select_n3A_935 : vector<128x128xf32>
    %add3A_941 = arith.constant 5504 : i32
    %add3A_942 = vector.broadcast %add3A_941 : i32 to vector<128x128xi32>
    %add3A_943 = arith.addi %iota3A, %add3A_942 : vector<128x128xi32>
    %ne3A_944 = vector.broadcast %broadcast_in_dim3A_420 : vector<128x1xi32> to vector<128x128xi32>
    %ne3A_945 = arith.cmpi ne, %add3A_943, %ne3A_944 : vector<128x128xi32>
    %and3A_946 = arith.andi %lt3A_940, %ne3A_945 : vector<128x128xi1>
    %select_n3A_947 = arith.select %and3A_946, %slice3A_939, %select_n3A_935 : vector<128x128xi1>, vector<128x128xf32>
    %jit3A_948 = arith.constant 43 : i32
    %broadcast_in_dim3A_949 = vector.broadcast %jit3A_948 : i32 to vector<128x128xi32>
    %select_n3A_950 = arith.select %and3A_946, %broadcast_in_dim3A_949, %select_n3A_938 : vector<128x128xi1>, vector<128x128xi32>
    %slice3A_951 = vector.extract_strided_slice %add3A_23 {offsets = [0, 5632], sizes = [128, 128], strides = [1, 1]} : vector<128x8192xf32> to vector<128x128xf32>
    %lt3A_952 = arith.cmpf olt, %slice3A_951, %select_n3A_947 : vector<128x128xf32>
    %add3A_953 = arith.constant 5632 : i32
    %add3A_954 = vector.broadcast %add3A_953 : i32 to vector<128x128xi32>
    %add3A_955 = arith.addi %iota3A, %add3A_954 : vector<128x128xi32>
    %ne3A_956 = vector.broadcast %broadcast_in_dim3A_420 : vector<128x1xi32> to vector<128x128xi32>
    %ne3A_957 = arith.cmpi ne, %add3A_955, %ne3A_956 : vector<128x128xi32>
    %and3A_958 = arith.andi %lt3A_952, %ne3A_957 : vector<128x128xi1>
    %select_n3A_959 = arith.select %and3A_958, %slice3A_951, %select_n3A_947 : vector<128x128xi1>, vector<128x128xf32>
    %jit3A_960 = arith.constant 44 : i32
    %broadcast_in_dim3A_961 = vector.broadcast %jit3A_960 : i32 to vector<128x128xi32>
    %select_n3A_962 = arith.select %and3A_958, %broadcast_in_dim3A_961, %select_n3A_950 : vector<128x128xi1>, vector<128x128xi32>
    %slice3A_963 = vector.extract_strided_slice %add3A_23 {offsets = [0, 5760], sizes = [128, 128], strides = [1, 1]} : vector<128x8192xf32> to vector<128x128xf32>
    %lt3A_964 = arith.cmpf olt, %slice3A_963, %select_n3A_959 : vector<128x128xf32>
    %add3A_965 = arith.constant 5760 : i32
    %add3A_966 = vector.broadcast %add3A_965 : i32 to vector<128x128xi32>
    %add3A_967 = arith.addi %iota3A, %add3A_966 : vector<128x128xi32>
    %ne3A_968 = vector.broadcast %broadcast_in_dim3A_420 : vector<128x1xi32> to vector<128x128xi32>
    %ne3A_969 = arith.cmpi ne, %add3A_967, %ne3A_968 : vector<128x128xi32>
    %and3A_970 = arith.andi %lt3A_964, %ne3A_969 : vector<128x128xi1>
    %select_n3A_971 = arith.select %and3A_970, %slice3A_963, %select_n3A_959 : vector<128x128xi1>, vector<128x128xf32>
    %jit3A_972 = arith.constant 45 : i32
    %broadcast_in_dim3A_973 = vector.broadcast %jit3A_972 : i32 to vector<128x128xi32>
    %select_n3A_974 = arith.select %and3A_970, %broadcast_in_dim3A_973, %select_n3A_962 : vector<128x128xi1>, vector<128x128xi32>
    %slice3A_975 = vector.extract_strided_slice %add3A_23 {offsets = [0, 5888], sizes = [128, 128], strides = [1, 1]} : vector<128x8192xf32> to vector<128x128xf32>
    %lt3A_976 = arith.cmpf olt, %slice3A_975, %select_n3A_971 : vector<128x128xf32>
    %add3A_977 = arith.constant 5888 : i32
    %add3A_978 = vector.broadcast %add3A_977 : i32 to vector<128x128xi32>
    %add3A_979 = arith.addi %iota3A, %add3A_978 : vector<128x128xi32>
    %ne3A_980 = vector.broadcast %broadcast_in_dim3A_420 : vector<128x1xi32> to vector<128x128xi32>
    %ne3A_981 = arith.cmpi ne, %add3A_979, %ne3A_980 : vector<128x128xi32>
    %and3A_982 = arith.andi %lt3A_976, %ne3A_981 : vector<128x128xi1>
    %select_n3A_983 = arith.select %and3A_982, %slice3A_975, %select_n3A_971 : vector<128x128xi1>, vector<128x128xf32>
    %jit3A_984 = arith.constant 46 : i32
    %broadcast_in_dim3A_985 = vector.broadcast %jit3A_984 : i32 to vector<128x128xi32>
    %select_n3A_986 = arith.select %and3A_982, %broadcast_in_dim3A_985, %select_n3A_974 : vector<128x128xi1>, vector<128x128xi32>
    %slice3A_987 = vector.extract_strided_slice %add3A_23 {offsets = [0, 6016], sizes = [128, 128], strides = [1, 1]} : vector<128x8192xf32> to vector<128x128xf32>
    %lt3A_988 = arith.cmpf olt, %slice3A_987, %select_n3A_983 : vector<128x128xf32>
    %add3A_989 = arith.constant 6016 : i32
    %add3A_990 = vector.broadcast %add3A_989 : i32 to vector<128x128xi32>
    %add3A_991 = arith.addi %iota3A, %add3A_990 : vector<128x128xi32>
    %ne3A_992 = vector.broadcast %broadcast_in_dim3A_420 : vector<128x1xi32> to vector<128x128xi32>
    %ne3A_993 = arith.cmpi ne, %add3A_991, %ne3A_992 : vector<128x128xi32>
    %and3A_994 = arith.andi %lt3A_988, %ne3A_993 : vector<128x128xi1>
    %select_n3A_995 = arith.select %and3A_994, %slice3A_987, %select_n3A_983 : vector<128x128xi1>, vector<128x128xf32>
    %jit3A_996 = arith.constant 47 : i32
    %broadcast_in_dim3A_997 = vector.broadcast %jit3A_996 : i32 to vector<128x128xi32>
    %select_n3A_998 = arith.select %and3A_994, %broadcast_in_dim3A_997, %select_n3A_986 : vector<128x128xi1>, vector<128x128xi32>
    %slice3A_999 = vector.extract_strided_slice %add3A_23 {offsets = [0, 6144], sizes = [128, 128], strides = [1, 1]} : vector<128x8192xf32> to vector<128x128xf32>
    %lt3A_1000 = arith.cmpf olt, %slice3A_999, %select_n3A_995 : vector<128x128xf32>
    %add3A_1001 = arith.constant 6144 : i32
    %add3A_1002 = vector.broadcast %add3A_1001 : i32 to vector<128x128xi32>
    %add3A_1003 = arith.addi %iota3A, %add3A_1002 : vector<128x128xi32>
    %ne3A_1004 = vector.broadcast %broadcast_in_dim3A_420 : vector<128x1xi32> to vector<128x128xi32>
    %ne3A_1005 = arith.cmpi ne, %add3A_1003, %ne3A_1004 : vector<128x128xi32>
    %and3A_1006 = arith.andi %lt3A_1000, %ne3A_1005 : vector<128x128xi1>
    %select_n3A_1007 = arith.select %and3A_1006, %slice3A_999, %select_n3A_995 : vector<128x128xi1>, vector<128x128xf32>
    %jit3A_1008 = arith.constant 48 : i32
    %broadcast_in_dim3A_1009 = vector.broadcast %jit3A_1008 : i32 to vector<128x128xi32>
    %select_n3A_1010 = arith.select %and3A_1006, %broadcast_in_dim3A_1009, %select_n3A_998 : vector<128x128xi1>, vector<128x128xi32>
    %slice3A_1011 = vector.extract_strided_slice %add3A_23 {offsets = [0, 6272], sizes = [128, 128], strides = [1, 1]} : vector<128x8192xf32> to vector<128x128xf32>
    %lt3A_1012 = arith.cmpf olt, %slice3A_1011, %select_n3A_1007 : vector<128x128xf32>
    %add3A_1013 = arith.constant 6272 : i32
    %add3A_1014 = vector.broadcast %add3A_1013 : i32 to vector<128x128xi32>
    %add3A_1015 = arith.addi %iota3A, %add3A_1014 : vector<128x128xi32>
    %ne3A_1016 = vector.broadcast %broadcast_in_dim3A_420 : vector<128x1xi32> to vector<128x128xi32>
    %ne3A_1017 = arith.cmpi ne, %add3A_1015, %ne3A_1016 : vector<128x128xi32>
    %and3A_1018 = arith.andi %lt3A_1012, %ne3A_1017 : vector<128x128xi1>
    %select_n3A_1019 = arith.select %and3A_1018, %slice3A_1011, %select_n3A_1007 : vector<128x128xi1>, vector<128x128xf32>
    %jit3A_1020 = arith.constant 49 : i32
    %broadcast_in_dim3A_1021 = vector.broadcast %jit3A_1020 : i32 to vector<128x128xi32>
    %select_n3A_1022 = arith.select %and3A_1018, %broadcast_in_dim3A_1021, %select_n3A_1010 : vector<128x128xi1>, vector<128x128xi32>
    %slice3A_1023 = vector.extract_strided_slice %add3A_23 {offsets = [0, 6400], sizes = [128, 128], strides = [1, 1]} : vector<128x8192xf32> to vector<128x128xf32>
    %lt3A_1024 = arith.cmpf olt, %slice3A_1023, %select_n3A_1019 : vector<128x128xf32>
    %add3A_1025 = arith.constant 6400 : i32
    %add3A_1026 = vector.broadcast %add3A_1025 : i32 to vector<128x128xi32>
    %add3A_1027 = arith.addi %iota3A, %add3A_1026 : vector<128x128xi32>
    %ne3A_1028 = vector.broadcast %broadcast_in_dim3A_420 : vector<128x1xi32> to vector<128x128xi32>
    %ne3A_1029 = arith.cmpi ne, %add3A_1027, %ne3A_1028 : vector<128x128xi32>
    %and3A_1030 = arith.andi %lt3A_1024, %ne3A_1029 : vector<128x128xi1>
    %select_n3A_1031 = arith.select %and3A_1030, %slice3A_1023, %select_n3A_1019 : vector<128x128xi1>, vector<128x128xf32>
    %jit3A_1032 = arith.constant 50 : i32
    %broadcast_in_dim3A_1033 = vector.broadcast %jit3A_1032 : i32 to vector<128x128xi32>
    %select_n3A_1034 = arith.select %and3A_1030, %broadcast_in_dim3A_1033, %select_n3A_1022 : vector<128x128xi1>, vector<128x128xi32>
    %slice3A_1035 = vector.extract_strided_slice %add3A_23 {offsets = [0, 6528], sizes = [128, 128], strides = [1, 1]} : vector<128x8192xf32> to vector<128x128xf32>
    %lt3A_1036 = arith.cmpf olt, %slice3A_1035, %select_n3A_1031 : vector<128x128xf32>
    %add3A_1037 = arith.constant 6528 : i32
    %add3A_1038 = vector.broadcast %add3A_1037 : i32 to vector<128x128xi32>
    %add3A_1039 = arith.addi %iota3A, %add3A_1038 : vector<128x128xi32>
    %ne3A_1040 = vector.broadcast %broadcast_in_dim3A_420 : vector<128x1xi32> to vector<128x128xi32>
    %ne3A_1041 = arith.cmpi ne, %add3A_1039, %ne3A_1040 : vector<128x128xi32>
    %and3A_1042 = arith.andi %lt3A_1036, %ne3A_1041 : vector<128x128xi1>
    %select_n3A_1043 = arith.select %and3A_1042, %slice3A_1035, %select_n3A_1031 : vector<128x128xi1>, vector<128x128xf32>
    %jit3A_1044 = arith.constant 51 : i32
    %broadcast_in_dim3A_1045 = vector.broadcast %jit3A_1044 : i32 to vector<128x128xi32>
    %select_n3A_1046 = arith.select %and3A_1042, %broadcast_in_dim3A_1045, %select_n3A_1034 : vector<128x128xi1>, vector<128x128xi32>
    %slice3A_1047 = vector.extract_strided_slice %add3A_23 {offsets = [0, 6656], sizes = [128, 128], strides = [1, 1]} : vector<128x8192xf32> to vector<128x128xf32>
    %lt3A_1048 = arith.cmpf olt, %slice3A_1047, %select_n3A_1043 : vector<128x128xf32>
    %add3A_1049 = arith.constant 6656 : i32
    %add3A_1050 = vector.broadcast %add3A_1049 : i32 to vector<128x128xi32>
    %add3A_1051 = arith.addi %iota3A, %add3A_1050 : vector<128x128xi32>
    %ne3A_1052 = vector.broadcast %broadcast_in_dim3A_420 : vector<128x1xi32> to vector<128x128xi32>
    %ne3A_1053 = arith.cmpi ne, %add3A_1051, %ne3A_1052 : vector<128x128xi32>
    %and3A_1054 = arith.andi %lt3A_1048, %ne3A_1053 : vector<128x128xi1>
    %select_n3A_1055 = arith.select %and3A_1054, %slice3A_1047, %select_n3A_1043 : vector<128x128xi1>, vector<128x128xf32>
    %jit3A_1056 = arith.constant 52 : i32
    %broadcast_in_dim3A_1057 = vector.broadcast %jit3A_1056 : i32 to vector<128x128xi32>
    %select_n3A_1058 = arith.select %and3A_1054, %broadcast_in_dim3A_1057, %select_n3A_1046 : vector<128x128xi1>, vector<128x128xi32>
    %slice3A_1059 = vector.extract_strided_slice %add3A_23 {offsets = [0, 6784], sizes = [128, 128], strides = [1, 1]} : vector<128x8192xf32> to vector<128x128xf32>
    %lt3A_1060 = arith.cmpf olt, %slice3A_1059, %select_n3A_1055 : vector<128x128xf32>
    %add3A_1061 = arith.constant 6784 : i32
    %add3A_1062 = vector.broadcast %add3A_1061 : i32 to vector<128x128xi32>
    %add3A_1063 = arith.addi %iota3A, %add3A_1062 : vector<128x128xi32>
    %ne3A_1064 = vector.broadcast %broadcast_in_dim3A_420 : vector<128x1xi32> to vector<128x128xi32>
    %ne3A_1065 = arith.cmpi ne, %add3A_1063, %ne3A_1064 : vector<128x128xi32>
    %and3A_1066 = arith.andi %lt3A_1060, %ne3A_1065 : vector<128x128xi1>
    %select_n3A_1067 = arith.select %and3A_1066, %slice3A_1059, %select_n3A_1055 : vector<128x128xi1>, vector<128x128xf32>
    %jit3A_1068 = arith.constant 53 : i32
    %broadcast_in_dim3A_1069 = vector.broadcast %jit3A_1068 : i32 to vector<128x128xi32>
    %select_n3A_1070 = arith.select %and3A_1066, %broadcast_in_dim3A_1069, %select_n3A_1058 : vector<128x128xi1>, vector<128x128xi32>
    %slice3A_1071 = vector.extract_strided_slice %add3A_23 {offsets = [0, 6912], sizes = [128, 128], strides = [1, 1]} : vector<128x8192xf32> to vector<128x128xf32>
    %lt3A_1072 = arith.cmpf olt, %slice3A_1071, %select_n3A_1067 : vector<128x128xf32>
    %add3A_1073 = arith.constant 6912 : i32
    %add3A_1074 = vector.broadcast %add3A_1073 : i32 to vector<128x128xi32>
    %add3A_1075 = arith.addi %iota3A, %add3A_1074 : vector<128x128xi32>
    %ne3A_1076 = vector.broadcast %broadcast_in_dim3A_420 : vector<128x1xi32> to vector<128x128xi32>
    %ne3A_1077 = arith.cmpi ne, %add3A_1075, %ne3A_1076 : vector<128x128xi32>
    %and3A_1078 = arith.andi %lt3A_1072, %ne3A_1077 : vector<128x128xi1>
    %select_n3A_1079 = arith.select %and3A_1078, %slice3A_1071, %select_n3A_1067 : vector<128x128xi1>, vector<128x128xf32>
    %jit3A_1080 = arith.constant 54 : i32
    %broadcast_in_dim3A_1081 = vector.broadcast %jit3A_1080 : i32 to vector<128x128xi32>
    %select_n3A_1082 = arith.select %and3A_1078, %broadcast_in_dim3A_1081, %select_n3A_1070 : vector<128x128xi1>, vector<128x128xi32>
    %slice3A_1083 = vector.extract_strided_slice %add3A_23 {offsets = [0, 7040], sizes = [128, 128], strides = [1, 1]} : vector<128x8192xf32> to vector<128x128xf32>
    %lt3A_1084 = arith.cmpf olt, %slice3A_1083, %select_n3A_1079 : vector<128x128xf32>
    %add3A_1085 = arith.constant 7040 : i32
    %add3A_1086 = vector.broadcast %add3A_1085 : i32 to vector<128x128xi32>
    %add3A_1087 = arith.addi %iota3A, %add3A_1086 : vector<128x128xi32>
    %ne3A_1088 = vector.broadcast %broadcast_in_dim3A_420 : vector<128x1xi32> to vector<128x128xi32>
    %ne3A_1089 = arith.cmpi ne, %add3A_1087, %ne3A_1088 : vector<128x128xi32>
    %and3A_1090 = arith.andi %lt3A_1084, %ne3A_1089 : vector<128x128xi1>
    %select_n3A_1091 = arith.select %and3A_1090, %slice3A_1083, %select_n3A_1079 : vector<128x128xi1>, vector<128x128xf32>
    %jit3A_1092 = arith.constant 55 : i32
    %broadcast_in_dim3A_1093 = vector.broadcast %jit3A_1092 : i32 to vector<128x128xi32>
    %select_n3A_1094 = arith.select %and3A_1090, %broadcast_in_dim3A_1093, %select_n3A_1082 : vector<128x128xi1>, vector<128x128xi32>
    %slice3A_1095 = vector.extract_strided_slice %add3A_23 {offsets = [0, 7168], sizes = [128, 128], strides = [1, 1]} : vector<128x8192xf32> to vector<128x128xf32>
    %lt3A_1096 = arith.cmpf olt, %slice3A_1095, %select_n3A_1091 : vector<128x128xf32>
    %add3A_1097 = arith.constant 7168 : i32
    %add3A_1098 = vector.broadcast %add3A_1097 : i32 to vector<128x128xi32>
    %add3A_1099 = arith.addi %iota3A, %add3A_1098 : vector<128x128xi32>
    %ne3A_1100 = vector.broadcast %broadcast_in_dim3A_420 : vector<128x1xi32> to vector<128x128xi32>
    %ne3A_1101 = arith.cmpi ne, %add3A_1099, %ne3A_1100 : vector<128x128xi32>
    %and3A_1102 = arith.andi %lt3A_1096, %ne3A_1101 : vector<128x128xi1>
    %select_n3A_1103 = arith.select %and3A_1102, %slice3A_1095, %select_n3A_1091 : vector<128x128xi1>, vector<128x128xf32>
    %jit3A_1104 = arith.constant 56 : i32
    %broadcast_in_dim3A_1105 = vector.broadcast %jit3A_1104 : i32 to vector<128x128xi32>
    %select_n3A_1106 = arith.select %and3A_1102, %broadcast_in_dim3A_1105, %select_n3A_1094 : vector<128x128xi1>, vector<128x128xi32>
    %slice3A_1107 = vector.extract_strided_slice %add3A_23 {offsets = [0, 7296], sizes = [128, 128], strides = [1, 1]} : vector<128x8192xf32> to vector<128x128xf32>
    %lt3A_1108 = arith.cmpf olt, %slice3A_1107, %select_n3A_1103 : vector<128x128xf32>
    %add3A_1109 = arith.constant 7296 : i32
    %add3A_1110 = vector.broadcast %add3A_1109 : i32 to vector<128x128xi32>
    %add3A_1111 = arith.addi %iota3A, %add3A_1110 : vector<128x128xi32>
    %ne3A_1112 = vector.broadcast %broadcast_in_dim3A_420 : vector<128x1xi32> to vector<128x128xi32>
    %ne3A_1113 = arith.cmpi ne, %add3A_1111, %ne3A_1112 : vector<128x128xi32>
    %and3A_1114 = arith.andi %lt3A_1108, %ne3A_1113 : vector<128x128xi1>
    %select_n3A_1115 = arith.select %and3A_1114, %slice3A_1107, %select_n3A_1103 : vector<128x128xi1>, vector<128x128xf32>
    %jit3A_1116 = arith.constant 57 : i32
    %broadcast_in_dim3A_1117 = vector.broadcast %jit3A_1116 : i32 to vector<128x128xi32>
    %select_n3A_1118 = arith.select %and3A_1114, %broadcast_in_dim3A_1117, %select_n3A_1106 : vector<128x128xi1>, vector<128x128xi32>
    %slice3A_1119 = vector.extract_strided_slice %add3A_23 {offsets = [0, 7424], sizes = [128, 128], strides = [1, 1]} : vector<128x8192xf32> to vector<128x128xf32>
    %lt3A_1120 = arith.cmpf olt, %slice3A_1119, %select_n3A_1115 : vector<128x128xf32>
    %add3A_1121 = arith.constant 7424 : i32
    %add3A_1122 = vector.broadcast %add3A_1121 : i32 to vector<128x128xi32>
    %add3A_1123 = arith.addi %iota3A, %add3A_1122 : vector<128x128xi32>
    %ne3A_1124 = vector.broadcast %broadcast_in_dim3A_420 : vector<128x1xi32> to vector<128x128xi32>
    %ne3A_1125 = arith.cmpi ne, %add3A_1123, %ne3A_1124 : vector<128x128xi32>
    %and3A_1126 = arith.andi %lt3A_1120, %ne3A_1125 : vector<128x128xi1>
    %select_n3A_1127 = arith.select %and3A_1126, %slice3A_1119, %select_n3A_1115 : vector<128x128xi1>, vector<128x128xf32>
    %jit3A_1128 = arith.constant 58 : i32
    %broadcast_in_dim3A_1129 = vector.broadcast %jit3A_1128 : i32 to vector<128x128xi32>
    %select_n3A_1130 = arith.select %and3A_1126, %broadcast_in_dim3A_1129, %select_n3A_1118 : vector<128x128xi1>, vector<128x128xi32>
    %slice3A_1131 = vector.extract_strided_slice %add3A_23 {offsets = [0, 7552], sizes = [128, 128], strides = [1, 1]} : vector<128x8192xf32> to vector<128x128xf32>
    %lt3A_1132 = arith.cmpf olt, %slice3A_1131, %select_n3A_1127 : vector<128x128xf32>
    %add3A_1133 = arith.constant 7552 : i32
    %add3A_1134 = vector.broadcast %add3A_1133 : i32 to vector<128x128xi32>
    %add3A_1135 = arith.addi %iota3A, %add3A_1134 : vector<128x128xi32>
    %ne3A_1136 = vector.broadcast %broadcast_in_dim3A_420 : vector<128x1xi32> to vector<128x128xi32>
    %ne3A_1137 = arith.cmpi ne, %add3A_1135, %ne3A_1136 : vector<128x128xi32>
    %and3A_1138 = arith.andi %lt3A_1132, %ne3A_1137 : vector<128x128xi1>
    %select_n3A_1139 = arith.select %and3A_1138, %slice3A_1131, %select_n3A_1127 : vector<128x128xi1>, vector<128x128xf32>
    %jit3A_1140 = arith.constant 59 : i32
    %broadcast_in_dim3A_1141 = vector.broadcast %jit3A_1140 : i32 to vector<128x128xi32>
    %select_n3A_1142 = arith.select %and3A_1138, %broadcast_in_dim3A_1141, %select_n3A_1130 : vector<128x128xi1>, vector<128x128xi32>
    %slice3A_1143 = vector.extract_strided_slice %add3A_23 {offsets = [0, 7680], sizes = [128, 128], strides = [1, 1]} : vector<128x8192xf32> to vector<128x128xf32>
    %lt3A_1144 = arith.cmpf olt, %slice3A_1143, %select_n3A_1139 : vector<128x128xf32>
    %add3A_1145 = arith.constant 7680 : i32
    %add3A_1146 = vector.broadcast %add3A_1145 : i32 to vector<128x128xi32>
    %add3A_1147 = arith.addi %iota3A, %add3A_1146 : vector<128x128xi32>
    %ne3A_1148 = vector.broadcast %broadcast_in_dim3A_420 : vector<128x1xi32> to vector<128x128xi32>
    %ne3A_1149 = arith.cmpi ne, %add3A_1147, %ne3A_1148 : vector<128x128xi32>
    %and3A_1150 = arith.andi %lt3A_1144, %ne3A_1149 : vector<128x128xi1>
    %select_n3A_1151 = arith.select %and3A_1150, %slice3A_1143, %select_n3A_1139 : vector<128x128xi1>, vector<128x128xf32>
    %jit3A_1152 = arith.constant 60 : i32
    %broadcast_in_dim3A_1153 = vector.broadcast %jit3A_1152 : i32 to vector<128x128xi32>
    %select_n3A_1154 = arith.select %and3A_1150, %broadcast_in_dim3A_1153, %select_n3A_1142 : vector<128x128xi1>, vector<128x128xi32>
    %slice3A_1155 = vector.extract_strided_slice %add3A_23 {offsets = [0, 7808], sizes = [128, 128], strides = [1, 1]} : vector<128x8192xf32> to vector<128x128xf32>
    %lt3A_1156 = arith.cmpf olt, %slice3A_1155, %select_n3A_1151 : vector<128x128xf32>
    %add3A_1157 = arith.constant 7808 : i32
    %add3A_1158 = vector.broadcast %add3A_1157 : i32 to vector<128x128xi32>
    %add3A_1159 = arith.addi %iota3A, %add3A_1158 : vector<128x128xi32>
    %ne3A_1160 = vector.broadcast %broadcast_in_dim3A_420 : vector<128x1xi32> to vector<128x128xi32>
    %ne3A_1161 = arith.cmpi ne, %add3A_1159, %ne3A_1160 : vector<128x128xi32>
    %and3A_1162 = arith.andi %lt3A_1156, %ne3A_1161 : vector<128x128xi1>
    %select_n3A_1163 = arith.select %and3A_1162, %slice3A_1155, %select_n3A_1151 : vector<128x128xi1>, vector<128x128xf32>
    %jit3A_1164 = arith.constant 61 : i32
    %broadcast_in_dim3A_1165 = vector.broadcast %jit3A_1164 : i32 to vector<128x128xi32>
    %select_n3A_1166 = arith.select %and3A_1162, %broadcast_in_dim3A_1165, %select_n3A_1154 : vector<128x128xi1>, vector<128x128xi32>
    %slice3A_1167 = vector.extract_strided_slice %add3A_23 {offsets = [0, 7936], sizes = [128, 128], strides = [1, 1]} : vector<128x8192xf32> to vector<128x128xf32>
    %lt3A_1168 = arith.cmpf olt, %slice3A_1167, %select_n3A_1163 : vector<128x128xf32>
    %add3A_1169 = arith.constant 7936 : i32
    %add3A_1170 = vector.broadcast %add3A_1169 : i32 to vector<128x128xi32>
    %add3A_1171 = arith.addi %iota3A, %add3A_1170 : vector<128x128xi32>
    %ne3A_1172 = vector.broadcast %broadcast_in_dim3A_420 : vector<128x1xi32> to vector<128x128xi32>
    %ne3A_1173 = arith.cmpi ne, %add3A_1171, %ne3A_1172 : vector<128x128xi32>
    %and3A_1174 = arith.andi %lt3A_1168, %ne3A_1173 : vector<128x128xi1>
    %select_n3A_1175 = arith.select %and3A_1174, %slice3A_1167, %select_n3A_1163 : vector<128x128xi1>, vector<128x128xf32>
    %jit3A_1176 = arith.constant 62 : i32
    %broadcast_in_dim3A_1177 = vector.broadcast %jit3A_1176 : i32 to vector<128x128xi32>
    %select_n3A_1178 = arith.select %and3A_1174, %broadcast_in_dim3A_1177, %select_n3A_1166 : vector<128x128xi1>, vector<128x128xi32>
    %slice3A_1179 = vector.extract_strided_slice %add3A_23 {offsets = [0, 8064], sizes = [128, 128], strides = [1, 1]} : vector<128x8192xf32> to vector<128x128xf32>
    %lt3A_1180 = arith.cmpf olt, %slice3A_1179, %select_n3A_1175 : vector<128x128xf32>
    %add3A_1181 = arith.constant 8064 : i32
    %add3A_1182 = vector.broadcast %add3A_1181 : i32 to vector<128x128xi32>
    %add3A_1183 = arith.addi %iota3A, %add3A_1182 : vector<128x128xi32>
    %ne3A_1184 = vector.broadcast %broadcast_in_dim3A_420 : vector<128x1xi32> to vector<128x128xi32>
    %ne3A_1185 = arith.cmpi ne, %add3A_1183, %ne3A_1184 : vector<128x128xi32>
    %and3A_1186 = arith.andi %lt3A_1180, %ne3A_1185 : vector<128x128xi1>
    %select_n3A_1187 = arith.select %and3A_1186, %slice3A_1179, %select_n3A_1175 : vector<128x128xi1>, vector<128x128xf32>
    %jit3A_1188 = arith.constant 63 : i32
    %broadcast_in_dim3A_1189 = vector.broadcast %jit3A_1188 : i32 to vector<128x128xi32>
    %select_n3A_1190 = arith.select %and3A_1186, %broadcast_in_dim3A_1189, %select_n3A_1178 : vector<128x128xi1>, vector<128x128xi32>
    %reduce_min3A_1191 = arith.constant dense<0x7F800000> : vector<128xf32>
    %reduce_min3A_1192 = vector.multi_reduction <minimumf>, %select_n3A_1187, %reduce_min3A_1191 [1] : vector<128x128xf32> to vector<128xf32>
    %broadcast_in_dim3A_1193 = vector.shape_cast %reduce_min3A_1192 : vector<128xf32> to vector<128x1xf32>
    %mul3A_1194 = arith.constant 128 : i32
    %mul3A_1195 = vector.broadcast %mul3A_1194 : i32 to vector<128x128xi32>
    %mul3A_1196 = arith.muli %select_n3A_1190, %mul3A_1195 : vector<128x128xi32>
    %add3A_1197 = arith.addi %mul3A_1196, %iota3A : vector<128x128xi32>
    %eq3A_1198 = vector.broadcast %broadcast_in_dim3A_1193 : vector<128x1xf32> to vector<128x128xf32>
    %eq3A_1199 = arith.cmpf oeq, %select_n3A_1187, %eq3A_1198 : vector<128x128xf32>
    %jit3A_1200 = arith.constant 1073741824 : i32
    %broadcast_in_dim3A_1201 = vector.broadcast %jit3A_1200 : i32 to vector<128x128xi32>
    %select_n3A_1202 = arith.select %eq3A_1199, %add3A_1197, %broadcast_in_dim3A_1201 : vector<128x128xi1>, vector<128x128xi32>
    %reduce_min3A_1203 = arith.constant dense<2147483647> : vector<128xi32>
    %reduce_min3A_1204 = vector.multi_reduction <minsi>, %select_n3A_1202, %reduce_min3A_1203 [1] : vector<128x128xi32> to vector<128xi32>
    %broadcast_in_dim3A_1205 = vector.shape_cast %reduce_min3A_1204 : vector<128xi32> to vector<128x1xi32>
    %broadcast_in_dim3A_1206 = arith.constant 0x7F800000 : f32
    %broadcast_in_dim3A_1207 = vector.broadcast %broadcast_in_dim3A_1206 : f32 to vector<128x128xf32>
    %broadcast_in_dim3A_1208 = arith.constant 0 : i32
    %broadcast_in_dim3A_1209 = vector.broadcast %broadcast_in_dim3A_1208 : i32 to vector<128x128xi32>
    %slice3A_1210 = vector.extract_strided_slice %add3A_23 {offsets = [0, 0], sizes = [128, 128], strides = [1, 1]} : vector<128x8192xf32> to vector<128x128xf32>
    %lt3A_1211 = arith.cmpf olt, %slice3A_1210, %broadcast_in_dim3A_1207 : vector<128x128xf32>
    %add3A_1212 = arith.constant 0 : i32
    %add3A_1213 = vector.broadcast %add3A_1212 : i32 to vector<128x128xi32>
    %add3A_1214 = arith.addi %iota3A, %add3A_1213 : vector<128x128xi32>
    %ne3A_1215 = vector.broadcast %broadcast_in_dim3A_420 : vector<128x1xi32> to vector<128x128xi32>
    %ne3A_1216 = arith.cmpi ne, %add3A_1214, %ne3A_1215 : vector<128x128xi32>
    %and3A_1217 = arith.andi %lt3A_1211, %ne3A_1216 : vector<128x128xi1>
    %ne3A_1218 = vector.broadcast %broadcast_in_dim3A_1205 : vector<128x1xi32> to vector<128x128xi32>
    %ne3A_1219 = arith.cmpi ne, %add3A_1214, %ne3A_1218 : vector<128x128xi32>
    %and3A_1220 = arith.andi %and3A_1217, %ne3A_1219 : vector<128x128xi1>
    %select_n3A_1221 = arith.select %and3A_1220, %slice3A_1210, %broadcast_in_dim3A_1207 : vector<128x128xi1>, vector<128x128xf32>
    %jit3A_1222 = arith.constant 0 : i32
    %broadcast_in_dim3A_1223 = vector.broadcast %jit3A_1222 : i32 to vector<128x128xi32>
    %select_n3A_1224 = arith.select %and3A_1220, %broadcast_in_dim3A_1223, %broadcast_in_dim3A_1209 : vector<128x128xi1>, vector<128x128xi32>
    %slice3A_1225 = vector.extract_strided_slice %add3A_23 {offsets = [0, 128], sizes = [128, 128], strides = [1, 1]} : vector<128x8192xf32> to vector<128x128xf32>
    %lt3A_1226 = arith.cmpf olt, %slice3A_1225, %select_n3A_1221 : vector<128x128xf32>
    %add3A_1227 = arith.constant 128 : i32
    %add3A_1228 = vector.broadcast %add3A_1227 : i32 to vector<128x128xi32>
    %add3A_1229 = arith.addi %iota3A, %add3A_1228 : vector<128x128xi32>
    %ne3A_1230 = vector.broadcast %broadcast_in_dim3A_420 : vector<128x1xi32> to vector<128x128xi32>
    %ne3A_1231 = arith.cmpi ne, %add3A_1229, %ne3A_1230 : vector<128x128xi32>
    %and3A_1232 = arith.andi %lt3A_1226, %ne3A_1231 : vector<128x128xi1>
    %ne3A_1233 = vector.broadcast %broadcast_in_dim3A_1205 : vector<128x1xi32> to vector<128x128xi32>
    %ne3A_1234 = arith.cmpi ne, %add3A_1229, %ne3A_1233 : vector<128x128xi32>
    %and3A_1235 = arith.andi %and3A_1232, %ne3A_1234 : vector<128x128xi1>
    %select_n3A_1236 = arith.select %and3A_1235, %slice3A_1225, %select_n3A_1221 : vector<128x128xi1>, vector<128x128xf32>
    %jit3A_1237 = arith.constant 1 : i32
    %broadcast_in_dim3A_1238 = vector.broadcast %jit3A_1237 : i32 to vector<128x128xi32>
    %select_n3A_1239 = arith.select %and3A_1235, %broadcast_in_dim3A_1238, %select_n3A_1224 : vector<128x128xi1>, vector<128x128xi32>
    %slice3A_1240 = vector.extract_strided_slice %add3A_23 {offsets = [0, 256], sizes = [128, 128], strides = [1, 1]} : vector<128x8192xf32> to vector<128x128xf32>
    %lt3A_1241 = arith.cmpf olt, %slice3A_1240, %select_n3A_1236 : vector<128x128xf32>
    %add3A_1242 = arith.constant 256 : i32
    %add3A_1243 = vector.broadcast %add3A_1242 : i32 to vector<128x128xi32>
    %add3A_1244 = arith.addi %iota3A, %add3A_1243 : vector<128x128xi32>
    %ne3A_1245 = vector.broadcast %broadcast_in_dim3A_420 : vector<128x1xi32> to vector<128x128xi32>
    %ne3A_1246 = arith.cmpi ne, %add3A_1244, %ne3A_1245 : vector<128x128xi32>
    %and3A_1247 = arith.andi %lt3A_1241, %ne3A_1246 : vector<128x128xi1>
    %ne3A_1248 = vector.broadcast %broadcast_in_dim3A_1205 : vector<128x1xi32> to vector<128x128xi32>
    %ne3A_1249 = arith.cmpi ne, %add3A_1244, %ne3A_1248 : vector<128x128xi32>
    %and3A_1250 = arith.andi %and3A_1247, %ne3A_1249 : vector<128x128xi1>
    %select_n3A_1251 = arith.select %and3A_1250, %slice3A_1240, %select_n3A_1236 : vector<128x128xi1>, vector<128x128xf32>
    %jit3A_1252 = arith.constant 2 : i32
    %broadcast_in_dim3A_1253 = vector.broadcast %jit3A_1252 : i32 to vector<128x128xi32>
    %select_n3A_1254 = arith.select %and3A_1250, %broadcast_in_dim3A_1253, %select_n3A_1239 : vector<128x128xi1>, vector<128x128xi32>
    %slice3A_1255 = vector.extract_strided_slice %add3A_23 {offsets = [0, 384], sizes = [128, 128], strides = [1, 1]} : vector<128x8192xf32> to vector<128x128xf32>
    %lt3A_1256 = arith.cmpf olt, %slice3A_1255, %select_n3A_1251 : vector<128x128xf32>
    %add3A_1257 = arith.constant 384 : i32
    %add3A_1258 = vector.broadcast %add3A_1257 : i32 to vector<128x128xi32>
    %add3A_1259 = arith.addi %iota3A, %add3A_1258 : vector<128x128xi32>
    %ne3A_1260 = vector.broadcast %broadcast_in_dim3A_420 : vector<128x1xi32> to vector<128x128xi32>
    %ne3A_1261 = arith.cmpi ne, %add3A_1259, %ne3A_1260 : vector<128x128xi32>
    %and3A_1262 = arith.andi %lt3A_1256, %ne3A_1261 : vector<128x128xi1>
    %ne3A_1263 = vector.broadcast %broadcast_in_dim3A_1205 : vector<128x1xi32> to vector<128x128xi32>
    %ne3A_1264 = arith.cmpi ne, %add3A_1259, %ne3A_1263 : vector<128x128xi32>
    %and3A_1265 = arith.andi %and3A_1262, %ne3A_1264 : vector<128x128xi1>
    %select_n3A_1266 = arith.select %and3A_1265, %slice3A_1255, %select_n3A_1251 : vector<128x128xi1>, vector<128x128xf32>
    %jit3A_1267 = arith.constant 3 : i32
    %broadcast_in_dim3A_1268 = vector.broadcast %jit3A_1267 : i32 to vector<128x128xi32>
    %select_n3A_1269 = arith.select %and3A_1265, %broadcast_in_dim3A_1268, %select_n3A_1254 : vector<128x128xi1>, vector<128x128xi32>
    %slice3A_1270 = vector.extract_strided_slice %add3A_23 {offsets = [0, 512], sizes = [128, 128], strides = [1, 1]} : vector<128x8192xf32> to vector<128x128xf32>
    %lt3A_1271 = arith.cmpf olt, %slice3A_1270, %select_n3A_1266 : vector<128x128xf32>
    %add3A_1272 = arith.constant 512 : i32
    %add3A_1273 = vector.broadcast %add3A_1272 : i32 to vector<128x128xi32>
    %add3A_1274 = arith.addi %iota3A, %add3A_1273 : vector<128x128xi32>
    %ne3A_1275 = vector.broadcast %broadcast_in_dim3A_420 : vector<128x1xi32> to vector<128x128xi32>
    %ne3A_1276 = arith.cmpi ne, %add3A_1274, %ne3A_1275 : vector<128x128xi32>
    %and3A_1277 = arith.andi %lt3A_1271, %ne3A_1276 : vector<128x128xi1>
    %ne3A_1278 = vector.broadcast %broadcast_in_dim3A_1205 : vector<128x1xi32> to vector<128x128xi32>
    %ne3A_1279 = arith.cmpi ne, %add3A_1274, %ne3A_1278 : vector<128x128xi32>
    %and3A_1280 = arith.andi %and3A_1277, %ne3A_1279 : vector<128x128xi1>
    %select_n3A_1281 = arith.select %and3A_1280, %slice3A_1270, %select_n3A_1266 : vector<128x128xi1>, vector<128x128xf32>
    %jit3A_1282 = arith.constant 4 : i32
    %broadcast_in_dim3A_1283 = vector.broadcast %jit3A_1282 : i32 to vector<128x128xi32>
    %select_n3A_1284 = arith.select %and3A_1280, %broadcast_in_dim3A_1283, %select_n3A_1269 : vector<128x128xi1>, vector<128x128xi32>
    %slice3A_1285 = vector.extract_strided_slice %add3A_23 {offsets = [0, 640], sizes = [128, 128], strides = [1, 1]} : vector<128x8192xf32> to vector<128x128xf32>
    %lt3A_1286 = arith.cmpf olt, %slice3A_1285, %select_n3A_1281 : vector<128x128xf32>
    %add3A_1287 = arith.constant 640 : i32
    %add3A_1288 = vector.broadcast %add3A_1287 : i32 to vector<128x128xi32>
    %add3A_1289 = arith.addi %iota3A, %add3A_1288 : vector<128x128xi32>
    %ne3A_1290 = vector.broadcast %broadcast_in_dim3A_420 : vector<128x1xi32> to vector<128x128xi32>
    %ne3A_1291 = arith.cmpi ne, %add3A_1289, %ne3A_1290 : vector<128x128xi32>
    %and3A_1292 = arith.andi %lt3A_1286, %ne3A_1291 : vector<128x128xi1>
    %ne3A_1293 = vector.broadcast %broadcast_in_dim3A_1205 : vector<128x1xi32> to vector<128x128xi32>
    %ne3A_1294 = arith.cmpi ne, %add3A_1289, %ne3A_1293 : vector<128x128xi32>
    %and3A_1295 = arith.andi %and3A_1292, %ne3A_1294 : vector<128x128xi1>
    %select_n3A_1296 = arith.select %and3A_1295, %slice3A_1285, %select_n3A_1281 : vector<128x128xi1>, vector<128x128xf32>
    %jit3A_1297 = arith.constant 5 : i32
    %broadcast_in_dim3A_1298 = vector.broadcast %jit3A_1297 : i32 to vector<128x128xi32>
    %select_n3A_1299 = arith.select %and3A_1295, %broadcast_in_dim3A_1298, %select_n3A_1284 : vector<128x128xi1>, vector<128x128xi32>
    %slice3A_1300 = vector.extract_strided_slice %add3A_23 {offsets = [0, 768], sizes = [128, 128], strides = [1, 1]} : vector<128x8192xf32> to vector<128x128xf32>
    %lt3A_1301 = arith.cmpf olt, %slice3A_1300, %select_n3A_1296 : vector<128x128xf32>
    %add3A_1302 = arith.constant 768 : i32
    %add3A_1303 = vector.broadcast %add3A_1302 : i32 to vector<128x128xi32>
    %add3A_1304 = arith.addi %iota3A, %add3A_1303 : vector<128x128xi32>
    %ne3A_1305 = vector.broadcast %broadcast_in_dim3A_420 : vector<128x1xi32> to vector<128x128xi32>
    %ne3A_1306 = arith.cmpi ne, %add3A_1304, %ne3A_1305 : vector<128x128xi32>
    %and3A_1307 = arith.andi %lt3A_1301, %ne3A_1306 : vector<128x128xi1>
    %ne3A_1308 = vector.broadcast %broadcast_in_dim3A_1205 : vector<128x1xi32> to vector<128x128xi32>
    %ne3A_1309 = arith.cmpi ne, %add3A_1304, %ne3A_1308 : vector<128x128xi32>
    %and3A_1310 = arith.andi %and3A_1307, %ne3A_1309 : vector<128x128xi1>
    %select_n3A_1311 = arith.select %and3A_1310, %slice3A_1300, %select_n3A_1296 : vector<128x128xi1>, vector<128x128xf32>
    %jit3A_1312 = arith.constant 6 : i32
    %broadcast_in_dim3A_1313 = vector.broadcast %jit3A_1312 : i32 to vector<128x128xi32>
    %select_n3A_1314 = arith.select %and3A_1310, %broadcast_in_dim3A_1313, %select_n3A_1299 : vector<128x128xi1>, vector<128x128xi32>
    %slice3A_1315 = vector.extract_strided_slice %add3A_23 {offsets = [0, 896], sizes = [128, 128], strides = [1, 1]} : vector<128x8192xf32> to vector<128x128xf32>
    %lt3A_1316 = arith.cmpf olt, %slice3A_1315, %select_n3A_1311 : vector<128x128xf32>
    %add3A_1317 = arith.constant 896 : i32
    %add3A_1318 = vector.broadcast %add3A_1317 : i32 to vector<128x128xi32>
    %add3A_1319 = arith.addi %iota3A, %add3A_1318 : vector<128x128xi32>
    %ne3A_1320 = vector.broadcast %broadcast_in_dim3A_420 : vector<128x1xi32> to vector<128x128xi32>
    %ne3A_1321 = arith.cmpi ne, %add3A_1319, %ne3A_1320 : vector<128x128xi32>
    %and3A_1322 = arith.andi %lt3A_1316, %ne3A_1321 : vector<128x128xi1>
    %ne3A_1323 = vector.broadcast %broadcast_in_dim3A_1205 : vector<128x1xi32> to vector<128x128xi32>
    %ne3A_1324 = arith.cmpi ne, %add3A_1319, %ne3A_1323 : vector<128x128xi32>
    %and3A_1325 = arith.andi %and3A_1322, %ne3A_1324 : vector<128x128xi1>
    %select_n3A_1326 = arith.select %and3A_1325, %slice3A_1315, %select_n3A_1311 : vector<128x128xi1>, vector<128x128xf32>
    %jit3A_1327 = arith.constant 7 : i32
    %broadcast_in_dim3A_1328 = vector.broadcast %jit3A_1327 : i32 to vector<128x128xi32>
    %select_n3A_1329 = arith.select %and3A_1325, %broadcast_in_dim3A_1328, %select_n3A_1314 : vector<128x128xi1>, vector<128x128xi32>
    %slice3A_1330 = vector.extract_strided_slice %add3A_23 {offsets = [0, 1024], sizes = [128, 128], strides = [1, 1]} : vector<128x8192xf32> to vector<128x128xf32>
    %lt3A_1331 = arith.cmpf olt, %slice3A_1330, %select_n3A_1326 : vector<128x128xf32>
    %add3A_1332 = arith.constant 1024 : i32
    %add3A_1333 = vector.broadcast %add3A_1332 : i32 to vector<128x128xi32>
    %add3A_1334 = arith.addi %iota3A, %add3A_1333 : vector<128x128xi32>
    %ne3A_1335 = vector.broadcast %broadcast_in_dim3A_420 : vector<128x1xi32> to vector<128x128xi32>
    %ne3A_1336 = arith.cmpi ne, %add3A_1334, %ne3A_1335 : vector<128x128xi32>
    %and3A_1337 = arith.andi %lt3A_1331, %ne3A_1336 : vector<128x128xi1>
    %ne3A_1338 = vector.broadcast %broadcast_in_dim3A_1205 : vector<128x1xi32> to vector<128x128xi32>
    %ne3A_1339 = arith.cmpi ne, %add3A_1334, %ne3A_1338 : vector<128x128xi32>
    %and3A_1340 = arith.andi %and3A_1337, %ne3A_1339 : vector<128x128xi1>
    %select_n3A_1341 = arith.select %and3A_1340, %slice3A_1330, %select_n3A_1326 : vector<128x128xi1>, vector<128x128xf32>
    %jit3A_1342 = arith.constant 8 : i32
    %broadcast_in_dim3A_1343 = vector.broadcast %jit3A_1342 : i32 to vector<128x128xi32>
    %select_n3A_1344 = arith.select %and3A_1340, %broadcast_in_dim3A_1343, %select_n3A_1329 : vector<128x128xi1>, vector<128x128xi32>
    %slice3A_1345 = vector.extract_strided_slice %add3A_23 {offsets = [0, 1152], sizes = [128, 128], strides = [1, 1]} : vector<128x8192xf32> to vector<128x128xf32>
    %lt3A_1346 = arith.cmpf olt, %slice3A_1345, %select_n3A_1341 : vector<128x128xf32>
    %add3A_1347 = arith.constant 1152 : i32
    %add3A_1348 = vector.broadcast %add3A_1347 : i32 to vector<128x128xi32>
    %add3A_1349 = arith.addi %iota3A, %add3A_1348 : vector<128x128xi32>
    %ne3A_1350 = vector.broadcast %broadcast_in_dim3A_420 : vector<128x1xi32> to vector<128x128xi32>
    %ne3A_1351 = arith.cmpi ne, %add3A_1349, %ne3A_1350 : vector<128x128xi32>
    %and3A_1352 = arith.andi %lt3A_1346, %ne3A_1351 : vector<128x128xi1>
    %ne3A_1353 = vector.broadcast %broadcast_in_dim3A_1205 : vector<128x1xi32> to vector<128x128xi32>
    %ne3A_1354 = arith.cmpi ne, %add3A_1349, %ne3A_1353 : vector<128x128xi32>
    %and3A_1355 = arith.andi %and3A_1352, %ne3A_1354 : vector<128x128xi1>
    %select_n3A_1356 = arith.select %and3A_1355, %slice3A_1345, %select_n3A_1341 : vector<128x128xi1>, vector<128x128xf32>
    %jit3A_1357 = arith.constant 9 : i32
    %broadcast_in_dim3A_1358 = vector.broadcast %jit3A_1357 : i32 to vector<128x128xi32>
    %select_n3A_1359 = arith.select %and3A_1355, %broadcast_in_dim3A_1358, %select_n3A_1344 : vector<128x128xi1>, vector<128x128xi32>
    %slice3A_1360 = vector.extract_strided_slice %add3A_23 {offsets = [0, 1280], sizes = [128, 128], strides = [1, 1]} : vector<128x8192xf32> to vector<128x128xf32>
    %lt3A_1361 = arith.cmpf olt, %slice3A_1360, %select_n3A_1356 : vector<128x128xf32>
    %add3A_1362 = arith.constant 1280 : i32
    %add3A_1363 = vector.broadcast %add3A_1362 : i32 to vector<128x128xi32>
    %add3A_1364 = arith.addi %iota3A, %add3A_1363 : vector<128x128xi32>
    %ne3A_1365 = vector.broadcast %broadcast_in_dim3A_420 : vector<128x1xi32> to vector<128x128xi32>
    %ne3A_1366 = arith.cmpi ne, %add3A_1364, %ne3A_1365 : vector<128x128xi32>
    %and3A_1367 = arith.andi %lt3A_1361, %ne3A_1366 : vector<128x128xi1>
    %ne3A_1368 = vector.broadcast %broadcast_in_dim3A_1205 : vector<128x1xi32> to vector<128x128xi32>
    %ne3A_1369 = arith.cmpi ne, %add3A_1364, %ne3A_1368 : vector<128x128xi32>
    %and3A_1370 = arith.andi %and3A_1367, %ne3A_1369 : vector<128x128xi1>
    %select_n3A_1371 = arith.select %and3A_1370, %slice3A_1360, %select_n3A_1356 : vector<128x128xi1>, vector<128x128xf32>
    %jit3A_1372 = arith.constant 10 : i32
    %broadcast_in_dim3A_1373 = vector.broadcast %jit3A_1372 : i32 to vector<128x128xi32>
    %select_n3A_1374 = arith.select %and3A_1370, %broadcast_in_dim3A_1373, %select_n3A_1359 : vector<128x128xi1>, vector<128x128xi32>
    %slice3A_1375 = vector.extract_strided_slice %add3A_23 {offsets = [0, 1408], sizes = [128, 128], strides = [1, 1]} : vector<128x8192xf32> to vector<128x128xf32>
    %lt3A_1376 = arith.cmpf olt, %slice3A_1375, %select_n3A_1371 : vector<128x128xf32>
    %add3A_1377 = arith.constant 1408 : i32
    %add3A_1378 = vector.broadcast %add3A_1377 : i32 to vector<128x128xi32>
    %add3A_1379 = arith.addi %iota3A, %add3A_1378 : vector<128x128xi32>
    %ne3A_1380 = vector.broadcast %broadcast_in_dim3A_420 : vector<128x1xi32> to vector<128x128xi32>
    %ne3A_1381 = arith.cmpi ne, %add3A_1379, %ne3A_1380 : vector<128x128xi32>
    %and3A_1382 = arith.andi %lt3A_1376, %ne3A_1381 : vector<128x128xi1>
    %ne3A_1383 = vector.broadcast %broadcast_in_dim3A_1205 : vector<128x1xi32> to vector<128x128xi32>
    %ne3A_1384 = arith.cmpi ne, %add3A_1379, %ne3A_1383 : vector<128x128xi32>
    %and3A_1385 = arith.andi %and3A_1382, %ne3A_1384 : vector<128x128xi1>
    %select_n3A_1386 = arith.select %and3A_1385, %slice3A_1375, %select_n3A_1371 : vector<128x128xi1>, vector<128x128xf32>
    %jit3A_1387 = arith.constant 11 : i32
    %broadcast_in_dim3A_1388 = vector.broadcast %jit3A_1387 : i32 to vector<128x128xi32>
    %select_n3A_1389 = arith.select %and3A_1385, %broadcast_in_dim3A_1388, %select_n3A_1374 : vector<128x128xi1>, vector<128x128xi32>
    %slice3A_1390 = vector.extract_strided_slice %add3A_23 {offsets = [0, 1536], sizes = [128, 128], strides = [1, 1]} : vector<128x8192xf32> to vector<128x128xf32>
    %lt3A_1391 = arith.cmpf olt, %slice3A_1390, %select_n3A_1386 : vector<128x128xf32>
    %add3A_1392 = arith.constant 1536 : i32
    %add3A_1393 = vector.broadcast %add3A_1392 : i32 to vector<128x128xi32>
    %add3A_1394 = arith.addi %iota3A, %add3A_1393 : vector<128x128xi32>
    %ne3A_1395 = vector.broadcast %broadcast_in_dim3A_420 : vector<128x1xi32> to vector<128x128xi32>
    %ne3A_1396 = arith.cmpi ne, %add3A_1394, %ne3A_1395 : vector<128x128xi32>
    %and3A_1397 = arith.andi %lt3A_1391, %ne3A_1396 : vector<128x128xi1>
    %ne3A_1398 = vector.broadcast %broadcast_in_dim3A_1205 : vector<128x1xi32> to vector<128x128xi32>
    %ne3A_1399 = arith.cmpi ne, %add3A_1394, %ne3A_1398 : vector<128x128xi32>
    %and3A_1400 = arith.andi %and3A_1397, %ne3A_1399 : vector<128x128xi1>
    %select_n3A_1401 = arith.select %and3A_1400, %slice3A_1390, %select_n3A_1386 : vector<128x128xi1>, vector<128x128xf32>
    %jit3A_1402 = arith.constant 12 : i32
    %broadcast_in_dim3A_1403 = vector.broadcast %jit3A_1402 : i32 to vector<128x128xi32>
    %select_n3A_1404 = arith.select %and3A_1400, %broadcast_in_dim3A_1403, %select_n3A_1389 : vector<128x128xi1>, vector<128x128xi32>
    %slice3A_1405 = vector.extract_strided_slice %add3A_23 {offsets = [0, 1664], sizes = [128, 128], strides = [1, 1]} : vector<128x8192xf32> to vector<128x128xf32>
    %lt3A_1406 = arith.cmpf olt, %slice3A_1405, %select_n3A_1401 : vector<128x128xf32>
    %add3A_1407 = arith.constant 1664 : i32
    %add3A_1408 = vector.broadcast %add3A_1407 : i32 to vector<128x128xi32>
    %add3A_1409 = arith.addi %iota3A, %add3A_1408 : vector<128x128xi32>
    %ne3A_1410 = vector.broadcast %broadcast_in_dim3A_420 : vector<128x1xi32> to vector<128x128xi32>
    %ne3A_1411 = arith.cmpi ne, %add3A_1409, %ne3A_1410 : vector<128x128xi32>
    %and3A_1412 = arith.andi %lt3A_1406, %ne3A_1411 : vector<128x128xi1>
    %ne3A_1413 = vector.broadcast %broadcast_in_dim3A_1205 : vector<128x1xi32> to vector<128x128xi32>
    %ne3A_1414 = arith.cmpi ne, %add3A_1409, %ne3A_1413 : vector<128x128xi32>
    %and3A_1415 = arith.andi %and3A_1412, %ne3A_1414 : vector<128x128xi1>
    %select_n3A_1416 = arith.select %and3A_1415, %slice3A_1405, %select_n3A_1401 : vector<128x128xi1>, vector<128x128xf32>
    %jit3A_1417 = arith.constant 13 : i32
    %broadcast_in_dim3A_1418 = vector.broadcast %jit3A_1417 : i32 to vector<128x128xi32>
    %select_n3A_1419 = arith.select %and3A_1415, %broadcast_in_dim3A_1418, %select_n3A_1404 : vector<128x128xi1>, vector<128x128xi32>
    %slice3A_1420 = vector.extract_strided_slice %add3A_23 {offsets = [0, 1792], sizes = [128, 128], strides = [1, 1]} : vector<128x8192xf32> to vector<128x128xf32>
    %lt3A_1421 = arith.cmpf olt, %slice3A_1420, %select_n3A_1416 : vector<128x128xf32>
    %add3A_1422 = arith.constant 1792 : i32
    %add3A_1423 = vector.broadcast %add3A_1422 : i32 to vector<128x128xi32>
    %add3A_1424 = arith.addi %iota3A, %add3A_1423 : vector<128x128xi32>
    %ne3A_1425 = vector.broadcast %broadcast_in_dim3A_420 : vector<128x1xi32> to vector<128x128xi32>
    %ne3A_1426 = arith.cmpi ne, %add3A_1424, %ne3A_1425 : vector<128x128xi32>
    %and3A_1427 = arith.andi %lt3A_1421, %ne3A_1426 : vector<128x128xi1>
    %ne3A_1428 = vector.broadcast %broadcast_in_dim3A_1205 : vector<128x1xi32> to vector<128x128xi32>
    %ne3A_1429 = arith.cmpi ne, %add3A_1424, %ne3A_1428 : vector<128x128xi32>
    %and3A_1430 = arith.andi %and3A_1427, %ne3A_1429 : vector<128x128xi1>
    %select_n3A_1431 = arith.select %and3A_1430, %slice3A_1420, %select_n3A_1416 : vector<128x128xi1>, vector<128x128xf32>
    %jit3A_1432 = arith.constant 14 : i32
    %broadcast_in_dim3A_1433 = vector.broadcast %jit3A_1432 : i32 to vector<128x128xi32>
    %select_n3A_1434 = arith.select %and3A_1430, %broadcast_in_dim3A_1433, %select_n3A_1419 : vector<128x128xi1>, vector<128x128xi32>
    %slice3A_1435 = vector.extract_strided_slice %add3A_23 {offsets = [0, 1920], sizes = [128, 128], strides = [1, 1]} : vector<128x8192xf32> to vector<128x128xf32>
    %lt3A_1436 = arith.cmpf olt, %slice3A_1435, %select_n3A_1431 : vector<128x128xf32>
    %add3A_1437 = arith.constant 1920 : i32
    %add3A_1438 = vector.broadcast %add3A_1437 : i32 to vector<128x128xi32>
    %add3A_1439 = arith.addi %iota3A, %add3A_1438 : vector<128x128xi32>
    %ne3A_1440 = vector.broadcast %broadcast_in_dim3A_420 : vector<128x1xi32> to vector<128x128xi32>
    %ne3A_1441 = arith.cmpi ne, %add3A_1439, %ne3A_1440 : vector<128x128xi32>
    %and3A_1442 = arith.andi %lt3A_1436, %ne3A_1441 : vector<128x128xi1>
    %ne3A_1443 = vector.broadcast %broadcast_in_dim3A_1205 : vector<128x1xi32> to vector<128x128xi32>
    %ne3A_1444 = arith.cmpi ne, %add3A_1439, %ne3A_1443 : vector<128x128xi32>
    %and3A_1445 = arith.andi %and3A_1442, %ne3A_1444 : vector<128x128xi1>
    %select_n3A_1446 = arith.select %and3A_1445, %slice3A_1435, %select_n3A_1431 : vector<128x128xi1>, vector<128x128xf32>
    %jit3A_1447 = arith.constant 15 : i32
    %broadcast_in_dim3A_1448 = vector.broadcast %jit3A_1447 : i32 to vector<128x128xi32>
    %select_n3A_1449 = arith.select %and3A_1445, %broadcast_in_dim3A_1448, %select_n3A_1434 : vector<128x128xi1>, vector<128x128xi32>
    %slice3A_1450 = vector.extract_strided_slice %add3A_23 {offsets = [0, 2048], sizes = [128, 128], strides = [1, 1]} : vector<128x8192xf32> to vector<128x128xf32>
    %lt3A_1451 = arith.cmpf olt, %slice3A_1450, %select_n3A_1446 : vector<128x128xf32>
    %add3A_1452 = arith.constant 2048 : i32
    %add3A_1453 = vector.broadcast %add3A_1452 : i32 to vector<128x128xi32>
    %add3A_1454 = arith.addi %iota3A, %add3A_1453 : vector<128x128xi32>
    %ne3A_1455 = vector.broadcast %broadcast_in_dim3A_420 : vector<128x1xi32> to vector<128x128xi32>
    %ne3A_1456 = arith.cmpi ne, %add3A_1454, %ne3A_1455 : vector<128x128xi32>
    %and3A_1457 = arith.andi %lt3A_1451, %ne3A_1456 : vector<128x128xi1>
    %ne3A_1458 = vector.broadcast %broadcast_in_dim3A_1205 : vector<128x1xi32> to vector<128x128xi32>
    %ne3A_1459 = arith.cmpi ne, %add3A_1454, %ne3A_1458 : vector<128x128xi32>
    %and3A_1460 = arith.andi %and3A_1457, %ne3A_1459 : vector<128x128xi1>
    %select_n3A_1461 = arith.select %and3A_1460, %slice3A_1450, %select_n3A_1446 : vector<128x128xi1>, vector<128x128xf32>
    %jit3A_1462 = arith.constant 16 : i32
    %broadcast_in_dim3A_1463 = vector.broadcast %jit3A_1462 : i32 to vector<128x128xi32>
    %select_n3A_1464 = arith.select %and3A_1460, %broadcast_in_dim3A_1463, %select_n3A_1449 : vector<128x128xi1>, vector<128x128xi32>
    %slice3A_1465 = vector.extract_strided_slice %add3A_23 {offsets = [0, 2176], sizes = [128, 128], strides = [1, 1]} : vector<128x8192xf32> to vector<128x128xf32>
    %lt3A_1466 = arith.cmpf olt, %slice3A_1465, %select_n3A_1461 : vector<128x128xf32>
    %add3A_1467 = arith.constant 2176 : i32
    %add3A_1468 = vector.broadcast %add3A_1467 : i32 to vector<128x128xi32>
    %add3A_1469 = arith.addi %iota3A, %add3A_1468 : vector<128x128xi32>
    %ne3A_1470 = vector.broadcast %broadcast_in_dim3A_420 : vector<128x1xi32> to vector<128x128xi32>
    %ne3A_1471 = arith.cmpi ne, %add3A_1469, %ne3A_1470 : vector<128x128xi32>
    %and3A_1472 = arith.andi %lt3A_1466, %ne3A_1471 : vector<128x128xi1>
    %ne3A_1473 = vector.broadcast %broadcast_in_dim3A_1205 : vector<128x1xi32> to vector<128x128xi32>
    %ne3A_1474 = arith.cmpi ne, %add3A_1469, %ne3A_1473 : vector<128x128xi32>
    %and3A_1475 = arith.andi %and3A_1472, %ne3A_1474 : vector<128x128xi1>
    %select_n3A_1476 = arith.select %and3A_1475, %slice3A_1465, %select_n3A_1461 : vector<128x128xi1>, vector<128x128xf32>
    %jit3A_1477 = arith.constant 17 : i32
    %broadcast_in_dim3A_1478 = vector.broadcast %jit3A_1477 : i32 to vector<128x128xi32>
    %select_n3A_1479 = arith.select %and3A_1475, %broadcast_in_dim3A_1478, %select_n3A_1464 : vector<128x128xi1>, vector<128x128xi32>
    %slice3A_1480 = vector.extract_strided_slice %add3A_23 {offsets = [0, 2304], sizes = [128, 128], strides = [1, 1]} : vector<128x8192xf32> to vector<128x128xf32>
    %lt3A_1481 = arith.cmpf olt, %slice3A_1480, %select_n3A_1476 : vector<128x128xf32>
    %add3A_1482 = arith.constant 2304 : i32
    %add3A_1483 = vector.broadcast %add3A_1482 : i32 to vector<128x128xi32>
    %add3A_1484 = arith.addi %iota3A, %add3A_1483 : vector<128x128xi32>
    %ne3A_1485 = vector.broadcast %broadcast_in_dim3A_420 : vector<128x1xi32> to vector<128x128xi32>
    %ne3A_1486 = arith.cmpi ne, %add3A_1484, %ne3A_1485 : vector<128x128xi32>
    %and3A_1487 = arith.andi %lt3A_1481, %ne3A_1486 : vector<128x128xi1>
    %ne3A_1488 = vector.broadcast %broadcast_in_dim3A_1205 : vector<128x1xi32> to vector<128x128xi32>
    %ne3A_1489 = arith.cmpi ne, %add3A_1484, %ne3A_1488 : vector<128x128xi32>
    %and3A_1490 = arith.andi %and3A_1487, %ne3A_1489 : vector<128x128xi1>
    %select_n3A_1491 = arith.select %and3A_1490, %slice3A_1480, %select_n3A_1476 : vector<128x128xi1>, vector<128x128xf32>
    %jit3A_1492 = arith.constant 18 : i32
    %broadcast_in_dim3A_1493 = vector.broadcast %jit3A_1492 : i32 to vector<128x128xi32>
    %select_n3A_1494 = arith.select %and3A_1490, %broadcast_in_dim3A_1493, %select_n3A_1479 : vector<128x128xi1>, vector<128x128xi32>
    %slice3A_1495 = vector.extract_strided_slice %add3A_23 {offsets = [0, 2432], sizes = [128, 128], strides = [1, 1]} : vector<128x8192xf32> to vector<128x128xf32>
    %lt3A_1496 = arith.cmpf olt, %slice3A_1495, %select_n3A_1491 : vector<128x128xf32>
    %add3A_1497 = arith.constant 2432 : i32
    %add3A_1498 = vector.broadcast %add3A_1497 : i32 to vector<128x128xi32>
    %add3A_1499 = arith.addi %iota3A, %add3A_1498 : vector<128x128xi32>
    %ne3A_1500 = vector.broadcast %broadcast_in_dim3A_420 : vector<128x1xi32> to vector<128x128xi32>
    %ne3A_1501 = arith.cmpi ne, %add3A_1499, %ne3A_1500 : vector<128x128xi32>
    %and3A_1502 = arith.andi %lt3A_1496, %ne3A_1501 : vector<128x128xi1>
    %ne3A_1503 = vector.broadcast %broadcast_in_dim3A_1205 : vector<128x1xi32> to vector<128x128xi32>
    %ne3A_1504 = arith.cmpi ne, %add3A_1499, %ne3A_1503 : vector<128x128xi32>
    %and3A_1505 = arith.andi %and3A_1502, %ne3A_1504 : vector<128x128xi1>
    %select_n3A_1506 = arith.select %and3A_1505, %slice3A_1495, %select_n3A_1491 : vector<128x128xi1>, vector<128x128xf32>
    %jit3A_1507 = arith.constant 19 : i32
    %broadcast_in_dim3A_1508 = vector.broadcast %jit3A_1507 : i32 to vector<128x128xi32>
    %select_n3A_1509 = arith.select %and3A_1505, %broadcast_in_dim3A_1508, %select_n3A_1494 : vector<128x128xi1>, vector<128x128xi32>
    %slice3A_1510 = vector.extract_strided_slice %add3A_23 {offsets = [0, 2560], sizes = [128, 128], strides = [1, 1]} : vector<128x8192xf32> to vector<128x128xf32>
    %lt3A_1511 = arith.cmpf olt, %slice3A_1510, %select_n3A_1506 : vector<128x128xf32>
    %add3A_1512 = arith.constant 2560 : i32
    %add3A_1513 = vector.broadcast %add3A_1512 : i32 to vector<128x128xi32>
    %add3A_1514 = arith.addi %iota3A, %add3A_1513 : vector<128x128xi32>
    %ne3A_1515 = vector.broadcast %broadcast_in_dim3A_420 : vector<128x1xi32> to vector<128x128xi32>
    %ne3A_1516 = arith.cmpi ne, %add3A_1514, %ne3A_1515 : vector<128x128xi32>
    %and3A_1517 = arith.andi %lt3A_1511, %ne3A_1516 : vector<128x128xi1>
    %ne3A_1518 = vector.broadcast %broadcast_in_dim3A_1205 : vector<128x1xi32> to vector<128x128xi32>
    %ne3A_1519 = arith.cmpi ne, %add3A_1514, %ne3A_1518 : vector<128x128xi32>
    %and3A_1520 = arith.andi %and3A_1517, %ne3A_1519 : vector<128x128xi1>
    %select_n3A_1521 = arith.select %and3A_1520, %slice3A_1510, %select_n3A_1506 : vector<128x128xi1>, vector<128x128xf32>
    %jit3A_1522 = arith.constant 20 : i32
    %broadcast_in_dim3A_1523 = vector.broadcast %jit3A_1522 : i32 to vector<128x128xi32>
    %select_n3A_1524 = arith.select %and3A_1520, %broadcast_in_dim3A_1523, %select_n3A_1509 : vector<128x128xi1>, vector<128x128xi32>
    %slice3A_1525 = vector.extract_strided_slice %add3A_23 {offsets = [0, 2688], sizes = [128, 128], strides = [1, 1]} : vector<128x8192xf32> to vector<128x128xf32>
    %lt3A_1526 = arith.cmpf olt, %slice3A_1525, %select_n3A_1521 : vector<128x128xf32>
    %add3A_1527 = arith.constant 2688 : i32
    %add3A_1528 = vector.broadcast %add3A_1527 : i32 to vector<128x128xi32>
    %add3A_1529 = arith.addi %iota3A, %add3A_1528 : vector<128x128xi32>
    %ne3A_1530 = vector.broadcast %broadcast_in_dim3A_420 : vector<128x1xi32> to vector<128x128xi32>
    %ne3A_1531 = arith.cmpi ne, %add3A_1529, %ne3A_1530 : vector<128x128xi32>
    %and3A_1532 = arith.andi %lt3A_1526, %ne3A_1531 : vector<128x128xi1>
    %ne3A_1533 = vector.broadcast %broadcast_in_dim3A_1205 : vector<128x1xi32> to vector<128x128xi32>
    %ne3A_1534 = arith.cmpi ne, %add3A_1529, %ne3A_1533 : vector<128x128xi32>
    %and3A_1535 = arith.andi %and3A_1532, %ne3A_1534 : vector<128x128xi1>
    %select_n3A_1536 = arith.select %and3A_1535, %slice3A_1525, %select_n3A_1521 : vector<128x128xi1>, vector<128x128xf32>
    %jit3A_1537 = arith.constant 21 : i32
    %broadcast_in_dim3A_1538 = vector.broadcast %jit3A_1537 : i32 to vector<128x128xi32>
    %select_n3A_1539 = arith.select %and3A_1535, %broadcast_in_dim3A_1538, %select_n3A_1524 : vector<128x128xi1>, vector<128x128xi32>
    %slice3A_1540 = vector.extract_strided_slice %add3A_23 {offsets = [0, 2816], sizes = [128, 128], strides = [1, 1]} : vector<128x8192xf32> to vector<128x128xf32>
    %lt3A_1541 = arith.cmpf olt, %slice3A_1540, %select_n3A_1536 : vector<128x128xf32>
    %add3A_1542 = arith.constant 2816 : i32
    %add3A_1543 = vector.broadcast %add3A_1542 : i32 to vector<128x128xi32>
    %add3A_1544 = arith.addi %iota3A, %add3A_1543 : vector<128x128xi32>
    %ne3A_1545 = vector.broadcast %broadcast_in_dim3A_420 : vector<128x1xi32> to vector<128x128xi32>
    %ne3A_1546 = arith.cmpi ne, %add3A_1544, %ne3A_1545 : vector<128x128xi32>
    %and3A_1547 = arith.andi %lt3A_1541, %ne3A_1546 : vector<128x128xi1>
    %ne3A_1548 = vector.broadcast %broadcast_in_dim3A_1205 : vector<128x1xi32> to vector<128x128xi32>
    %ne3A_1549 = arith.cmpi ne, %add3A_1544, %ne3A_1548 : vector<128x128xi32>
    %and3A_1550 = arith.andi %and3A_1547, %ne3A_1549 : vector<128x128xi1>
    %select_n3A_1551 = arith.select %and3A_1550, %slice3A_1540, %select_n3A_1536 : vector<128x128xi1>, vector<128x128xf32>
    %jit3A_1552 = arith.constant 22 : i32
    %broadcast_in_dim3A_1553 = vector.broadcast %jit3A_1552 : i32 to vector<128x128xi32>
    %select_n3A_1554 = arith.select %and3A_1550, %broadcast_in_dim3A_1553, %select_n3A_1539 : vector<128x128xi1>, vector<128x128xi32>
    %slice3A_1555 = vector.extract_strided_slice %add3A_23 {offsets = [0, 2944], sizes = [128, 128], strides = [1, 1]} : vector<128x8192xf32> to vector<128x128xf32>
    %lt3A_1556 = arith.cmpf olt, %slice3A_1555, %select_n3A_1551 : vector<128x128xf32>
    %add3A_1557 = arith.constant 2944 : i32
    %add3A_1558 = vector.broadcast %add3A_1557 : i32 to vector<128x128xi32>
    %add3A_1559 = arith.addi %iota3A, %add3A_1558 : vector<128x128xi32>
    %ne3A_1560 = vector.broadcast %broadcast_in_dim3A_420 : vector<128x1xi32> to vector<128x128xi32>
    %ne3A_1561 = arith.cmpi ne, %add3A_1559, %ne3A_1560 : vector<128x128xi32>
    %and3A_1562 = arith.andi %lt3A_1556, %ne3A_1561 : vector<128x128xi1>
    %ne3A_1563 = vector.broadcast %broadcast_in_dim3A_1205 : vector<128x1xi32> to vector<128x128xi32>
    %ne3A_1564 = arith.cmpi ne, %add3A_1559, %ne3A_1563 : vector<128x128xi32>
    %and3A_1565 = arith.andi %and3A_1562, %ne3A_1564 : vector<128x128xi1>
    %select_n3A_1566 = arith.select %and3A_1565, %slice3A_1555, %select_n3A_1551 : vector<128x128xi1>, vector<128x128xf32>
    %jit3A_1567 = arith.constant 23 : i32
    %broadcast_in_dim3A_1568 = vector.broadcast %jit3A_1567 : i32 to vector<128x128xi32>
    %select_n3A_1569 = arith.select %and3A_1565, %broadcast_in_dim3A_1568, %select_n3A_1554 : vector<128x128xi1>, vector<128x128xi32>
    %slice3A_1570 = vector.extract_strided_slice %add3A_23 {offsets = [0, 3072], sizes = [128, 128], strides = [1, 1]} : vector<128x8192xf32> to vector<128x128xf32>
    %lt3A_1571 = arith.cmpf olt, %slice3A_1570, %select_n3A_1566 : vector<128x128xf32>
    %add3A_1572 = arith.constant 3072 : i32
    %add3A_1573 = vector.broadcast %add3A_1572 : i32 to vector<128x128xi32>
    %add3A_1574 = arith.addi %iota3A, %add3A_1573 : vector<128x128xi32>
    %ne3A_1575 = vector.broadcast %broadcast_in_dim3A_420 : vector<128x1xi32> to vector<128x128xi32>
    %ne3A_1576 = arith.cmpi ne, %add3A_1574, %ne3A_1575 : vector<128x128xi32>
    %and3A_1577 = arith.andi %lt3A_1571, %ne3A_1576 : vector<128x128xi1>
    %ne3A_1578 = vector.broadcast %broadcast_in_dim3A_1205 : vector<128x1xi32> to vector<128x128xi32>
    %ne3A_1579 = arith.cmpi ne, %add3A_1574, %ne3A_1578 : vector<128x128xi32>
    %and3A_1580 = arith.andi %and3A_1577, %ne3A_1579 : vector<128x128xi1>
    %select_n3A_1581 = arith.select %and3A_1580, %slice3A_1570, %select_n3A_1566 : vector<128x128xi1>, vector<128x128xf32>
    %jit3A_1582 = arith.constant 24 : i32
    %broadcast_in_dim3A_1583 = vector.broadcast %jit3A_1582 : i32 to vector<128x128xi32>
    %select_n3A_1584 = arith.select %and3A_1580, %broadcast_in_dim3A_1583, %select_n3A_1569 : vector<128x128xi1>, vector<128x128xi32>
    %slice3A_1585 = vector.extract_strided_slice %add3A_23 {offsets = [0, 3200], sizes = [128, 128], strides = [1, 1]} : vector<128x8192xf32> to vector<128x128xf32>
    %lt3A_1586 = arith.cmpf olt, %slice3A_1585, %select_n3A_1581 : vector<128x128xf32>
    %add3A_1587 = arith.constant 3200 : i32
    %add3A_1588 = vector.broadcast %add3A_1587 : i32 to vector<128x128xi32>
    %add3A_1589 = arith.addi %iota3A, %add3A_1588 : vector<128x128xi32>
    %ne3A_1590 = vector.broadcast %broadcast_in_dim3A_420 : vector<128x1xi32> to vector<128x128xi32>
    %ne3A_1591 = arith.cmpi ne, %add3A_1589, %ne3A_1590 : vector<128x128xi32>
    %and3A_1592 = arith.andi %lt3A_1586, %ne3A_1591 : vector<128x128xi1>
    %ne3A_1593 = vector.broadcast %broadcast_in_dim3A_1205 : vector<128x1xi32> to vector<128x128xi32>
    %ne3A_1594 = arith.cmpi ne, %add3A_1589, %ne3A_1593 : vector<128x128xi32>
    %and3A_1595 = arith.andi %and3A_1592, %ne3A_1594 : vector<128x128xi1>
    %select_n3A_1596 = arith.select %and3A_1595, %slice3A_1585, %select_n3A_1581 : vector<128x128xi1>, vector<128x128xf32>
    %jit3A_1597 = arith.constant 25 : i32
    %broadcast_in_dim3A_1598 = vector.broadcast %jit3A_1597 : i32 to vector<128x128xi32>
    %select_n3A_1599 = arith.select %and3A_1595, %broadcast_in_dim3A_1598, %select_n3A_1584 : vector<128x128xi1>, vector<128x128xi32>
    %slice3A_1600 = vector.extract_strided_slice %add3A_23 {offsets = [0, 3328], sizes = [128, 128], strides = [1, 1]} : vector<128x8192xf32> to vector<128x128xf32>
    %lt3A_1601 = arith.cmpf olt, %slice3A_1600, %select_n3A_1596 : vector<128x128xf32>
    %add3A_1602 = arith.constant 3328 : i32
    %add3A_1603 = vector.broadcast %add3A_1602 : i32 to vector<128x128xi32>
    %add3A_1604 = arith.addi %iota3A, %add3A_1603 : vector<128x128xi32>
    %ne3A_1605 = vector.broadcast %broadcast_in_dim3A_420 : vector<128x1xi32> to vector<128x128xi32>
    %ne3A_1606 = arith.cmpi ne, %add3A_1604, %ne3A_1605 : vector<128x128xi32>
    %and3A_1607 = arith.andi %lt3A_1601, %ne3A_1606 : vector<128x128xi1>
    %ne3A_1608 = vector.broadcast %broadcast_in_dim3A_1205 : vector<128x1xi32> to vector<128x128xi32>
    %ne3A_1609 = arith.cmpi ne, %add3A_1604, %ne3A_1608 : vector<128x128xi32>
    %and3A_1610 = arith.andi %and3A_1607, %ne3A_1609 : vector<128x128xi1>
    %select_n3A_1611 = arith.select %and3A_1610, %slice3A_1600, %select_n3A_1596 : vector<128x128xi1>, vector<128x128xf32>
    %jit3A_1612 = arith.constant 26 : i32
    %broadcast_in_dim3A_1613 = vector.broadcast %jit3A_1612 : i32 to vector<128x128xi32>
    %select_n3A_1614 = arith.select %and3A_1610, %broadcast_in_dim3A_1613, %select_n3A_1599 : vector<128x128xi1>, vector<128x128xi32>
    %slice3A_1615 = vector.extract_strided_slice %add3A_23 {offsets = [0, 3456], sizes = [128, 128], strides = [1, 1]} : vector<128x8192xf32> to vector<128x128xf32>
    %lt3A_1616 = arith.cmpf olt, %slice3A_1615, %select_n3A_1611 : vector<128x128xf32>
    %add3A_1617 = arith.constant 3456 : i32
    %add3A_1618 = vector.broadcast %add3A_1617 : i32 to vector<128x128xi32>
    %add3A_1619 = arith.addi %iota3A, %add3A_1618 : vector<128x128xi32>
    %ne3A_1620 = vector.broadcast %broadcast_in_dim3A_420 : vector<128x1xi32> to vector<128x128xi32>
    %ne3A_1621 = arith.cmpi ne, %add3A_1619, %ne3A_1620 : vector<128x128xi32>
    %and3A_1622 = arith.andi %lt3A_1616, %ne3A_1621 : vector<128x128xi1>
    %ne3A_1623 = vector.broadcast %broadcast_in_dim3A_1205 : vector<128x1xi32> to vector<128x128xi32>
    %ne3A_1624 = arith.cmpi ne, %add3A_1619, %ne3A_1623 : vector<128x128xi32>
    %and3A_1625 = arith.andi %and3A_1622, %ne3A_1624 : vector<128x128xi1>
    %select_n3A_1626 = arith.select %and3A_1625, %slice3A_1615, %select_n3A_1611 : vector<128x128xi1>, vector<128x128xf32>
    %jit3A_1627 = arith.constant 27 : i32
    %broadcast_in_dim3A_1628 = vector.broadcast %jit3A_1627 : i32 to vector<128x128xi32>
    %select_n3A_1629 = arith.select %and3A_1625, %broadcast_in_dim3A_1628, %select_n3A_1614 : vector<128x128xi1>, vector<128x128xi32>
    %slice3A_1630 = vector.extract_strided_slice %add3A_23 {offsets = [0, 3584], sizes = [128, 128], strides = [1, 1]} : vector<128x8192xf32> to vector<128x128xf32>
    %lt3A_1631 = arith.cmpf olt, %slice3A_1630, %select_n3A_1626 : vector<128x128xf32>
    %add3A_1632 = arith.constant 3584 : i32
    %add3A_1633 = vector.broadcast %add3A_1632 : i32 to vector<128x128xi32>
    %add3A_1634 = arith.addi %iota3A, %add3A_1633 : vector<128x128xi32>
    %ne3A_1635 = vector.broadcast %broadcast_in_dim3A_420 : vector<128x1xi32> to vector<128x128xi32>
    %ne3A_1636 = arith.cmpi ne, %add3A_1634, %ne3A_1635 : vector<128x128xi32>
    %and3A_1637 = arith.andi %lt3A_1631, %ne3A_1636 : vector<128x128xi1>
    %ne3A_1638 = vector.broadcast %broadcast_in_dim3A_1205 : vector<128x1xi32> to vector<128x128xi32>
    %ne3A_1639 = arith.cmpi ne, %add3A_1634, %ne3A_1638 : vector<128x128xi32>
    %and3A_1640 = arith.andi %and3A_1637, %ne3A_1639 : vector<128x128xi1>
    %select_n3A_1641 = arith.select %and3A_1640, %slice3A_1630, %select_n3A_1626 : vector<128x128xi1>, vector<128x128xf32>
    %jit3A_1642 = arith.constant 28 : i32
    %broadcast_in_dim3A_1643 = vector.broadcast %jit3A_1642 : i32 to vector<128x128xi32>
    %select_n3A_1644 = arith.select %and3A_1640, %broadcast_in_dim3A_1643, %select_n3A_1629 : vector<128x128xi1>, vector<128x128xi32>
    %slice3A_1645 = vector.extract_strided_slice %add3A_23 {offsets = [0, 3712], sizes = [128, 128], strides = [1, 1]} : vector<128x8192xf32> to vector<128x128xf32>
    %lt3A_1646 = arith.cmpf olt, %slice3A_1645, %select_n3A_1641 : vector<128x128xf32>
    %add3A_1647 = arith.constant 3712 : i32
    %add3A_1648 = vector.broadcast %add3A_1647 : i32 to vector<128x128xi32>
    %add3A_1649 = arith.addi %iota3A, %add3A_1648 : vector<128x128xi32>
    %ne3A_1650 = vector.broadcast %broadcast_in_dim3A_420 : vector<128x1xi32> to vector<128x128xi32>
    %ne3A_1651 = arith.cmpi ne, %add3A_1649, %ne3A_1650 : vector<128x128xi32>
    %and3A_1652 = arith.andi %lt3A_1646, %ne3A_1651 : vector<128x128xi1>
    %ne3A_1653 = vector.broadcast %broadcast_in_dim3A_1205 : vector<128x1xi32> to vector<128x128xi32>
    %ne3A_1654 = arith.cmpi ne, %add3A_1649, %ne3A_1653 : vector<128x128xi32>
    %and3A_1655 = arith.andi %and3A_1652, %ne3A_1654 : vector<128x128xi1>
    %select_n3A_1656 = arith.select %and3A_1655, %slice3A_1645, %select_n3A_1641 : vector<128x128xi1>, vector<128x128xf32>
    %jit3A_1657 = arith.constant 29 : i32
    %broadcast_in_dim3A_1658 = vector.broadcast %jit3A_1657 : i32 to vector<128x128xi32>
    %select_n3A_1659 = arith.select %and3A_1655, %broadcast_in_dim3A_1658, %select_n3A_1644 : vector<128x128xi1>, vector<128x128xi32>
    %slice3A_1660 = vector.extract_strided_slice %add3A_23 {offsets = [0, 3840], sizes = [128, 128], strides = [1, 1]} : vector<128x8192xf32> to vector<128x128xf32>
    %lt3A_1661 = arith.cmpf olt, %slice3A_1660, %select_n3A_1656 : vector<128x128xf32>
    %add3A_1662 = arith.constant 3840 : i32
    %add3A_1663 = vector.broadcast %add3A_1662 : i32 to vector<128x128xi32>
    %add3A_1664 = arith.addi %iota3A, %add3A_1663 : vector<128x128xi32>
    %ne3A_1665 = vector.broadcast %broadcast_in_dim3A_420 : vector<128x1xi32> to vector<128x128xi32>
    %ne3A_1666 = arith.cmpi ne, %add3A_1664, %ne3A_1665 : vector<128x128xi32>
    %and3A_1667 = arith.andi %lt3A_1661, %ne3A_1666 : vector<128x128xi1>
    %ne3A_1668 = vector.broadcast %broadcast_in_dim3A_1205 : vector<128x1xi32> to vector<128x128xi32>
    %ne3A_1669 = arith.cmpi ne, %add3A_1664, %ne3A_1668 : vector<128x128xi32>
    %and3A_1670 = arith.andi %and3A_1667, %ne3A_1669 : vector<128x128xi1>
    %select_n3A_1671 = arith.select %and3A_1670, %slice3A_1660, %select_n3A_1656 : vector<128x128xi1>, vector<128x128xf32>
    %jit3A_1672 = arith.constant 30 : i32
    %broadcast_in_dim3A_1673 = vector.broadcast %jit3A_1672 : i32 to vector<128x128xi32>
    %select_n3A_1674 = arith.select %and3A_1670, %broadcast_in_dim3A_1673, %select_n3A_1659 : vector<128x128xi1>, vector<128x128xi32>
    %slice3A_1675 = vector.extract_strided_slice %add3A_23 {offsets = [0, 3968], sizes = [128, 128], strides = [1, 1]} : vector<128x8192xf32> to vector<128x128xf32>
    %lt3A_1676 = arith.cmpf olt, %slice3A_1675, %select_n3A_1671 : vector<128x128xf32>
    %add3A_1677 = arith.constant 3968 : i32
    %add3A_1678 = vector.broadcast %add3A_1677 : i32 to vector<128x128xi32>
    %add3A_1679 = arith.addi %iota3A, %add3A_1678 : vector<128x128xi32>
    %ne3A_1680 = vector.broadcast %broadcast_in_dim3A_420 : vector<128x1xi32> to vector<128x128xi32>
    %ne3A_1681 = arith.cmpi ne, %add3A_1679, %ne3A_1680 : vector<128x128xi32>
    %and3A_1682 = arith.andi %lt3A_1676, %ne3A_1681 : vector<128x128xi1>
    %ne3A_1683 = vector.broadcast %broadcast_in_dim3A_1205 : vector<128x1xi32> to vector<128x128xi32>
    %ne3A_1684 = arith.cmpi ne, %add3A_1679, %ne3A_1683 : vector<128x128xi32>
    %and3A_1685 = arith.andi %and3A_1682, %ne3A_1684 : vector<128x128xi1>
    %select_n3A_1686 = arith.select %and3A_1685, %slice3A_1675, %select_n3A_1671 : vector<128x128xi1>, vector<128x128xf32>
    %jit3A_1687 = arith.constant 31 : i32
    %broadcast_in_dim3A_1688 = vector.broadcast %jit3A_1687 : i32 to vector<128x128xi32>
    %select_n3A_1689 = arith.select %and3A_1685, %broadcast_in_dim3A_1688, %select_n3A_1674 : vector<128x128xi1>, vector<128x128xi32>
    %slice3A_1690 = vector.extract_strided_slice %add3A_23 {offsets = [0, 4096], sizes = [128, 128], strides = [1, 1]} : vector<128x8192xf32> to vector<128x128xf32>
    %lt3A_1691 = arith.cmpf olt, %slice3A_1690, %select_n3A_1686 : vector<128x128xf32>
    %add3A_1692 = arith.constant 4096 : i32
    %add3A_1693 = vector.broadcast %add3A_1692 : i32 to vector<128x128xi32>
    %add3A_1694 = arith.addi %iota3A, %add3A_1693 : vector<128x128xi32>
    %ne3A_1695 = vector.broadcast %broadcast_in_dim3A_420 : vector<128x1xi32> to vector<128x128xi32>
    %ne3A_1696 = arith.cmpi ne, %add3A_1694, %ne3A_1695 : vector<128x128xi32>
    %and3A_1697 = arith.andi %lt3A_1691, %ne3A_1696 : vector<128x128xi1>
    %ne3A_1698 = vector.broadcast %broadcast_in_dim3A_1205 : vector<128x1xi32> to vector<128x128xi32>
    %ne3A_1699 = arith.cmpi ne, %add3A_1694, %ne3A_1698 : vector<128x128xi32>
    %and3A_1700 = arith.andi %and3A_1697, %ne3A_1699 : vector<128x128xi1>
    %select_n3A_1701 = arith.select %and3A_1700, %slice3A_1690, %select_n3A_1686 : vector<128x128xi1>, vector<128x128xf32>
    %jit3A_1702 = arith.constant 32 : i32
    %broadcast_in_dim3A_1703 = vector.broadcast %jit3A_1702 : i32 to vector<128x128xi32>
    %select_n3A_1704 = arith.select %and3A_1700, %broadcast_in_dim3A_1703, %select_n3A_1689 : vector<128x128xi1>, vector<128x128xi32>
    %slice3A_1705 = vector.extract_strided_slice %add3A_23 {offsets = [0, 4224], sizes = [128, 128], strides = [1, 1]} : vector<128x8192xf32> to vector<128x128xf32>
    %lt3A_1706 = arith.cmpf olt, %slice3A_1705, %select_n3A_1701 : vector<128x128xf32>
    %add3A_1707 = arith.constant 4224 : i32
    %add3A_1708 = vector.broadcast %add3A_1707 : i32 to vector<128x128xi32>
    %add3A_1709 = arith.addi %iota3A, %add3A_1708 : vector<128x128xi32>
    %ne3A_1710 = vector.broadcast %broadcast_in_dim3A_420 : vector<128x1xi32> to vector<128x128xi32>
    %ne3A_1711 = arith.cmpi ne, %add3A_1709, %ne3A_1710 : vector<128x128xi32>
    %and3A_1712 = arith.andi %lt3A_1706, %ne3A_1711 : vector<128x128xi1>
    %ne3A_1713 = vector.broadcast %broadcast_in_dim3A_1205 : vector<128x1xi32> to vector<128x128xi32>
    %ne3A_1714 = arith.cmpi ne, %add3A_1709, %ne3A_1713 : vector<128x128xi32>
    %and3A_1715 = arith.andi %and3A_1712, %ne3A_1714 : vector<128x128xi1>
    %select_n3A_1716 = arith.select %and3A_1715, %slice3A_1705, %select_n3A_1701 : vector<128x128xi1>, vector<128x128xf32>
    %jit3A_1717 = arith.constant 33 : i32
    %broadcast_in_dim3A_1718 = vector.broadcast %jit3A_1717 : i32 to vector<128x128xi32>
    %select_n3A_1719 = arith.select %and3A_1715, %broadcast_in_dim3A_1718, %select_n3A_1704 : vector<128x128xi1>, vector<128x128xi32>
    %slice3A_1720 = vector.extract_strided_slice %add3A_23 {offsets = [0, 4352], sizes = [128, 128], strides = [1, 1]} : vector<128x8192xf32> to vector<128x128xf32>
    %lt3A_1721 = arith.cmpf olt, %slice3A_1720, %select_n3A_1716 : vector<128x128xf32>
    %add3A_1722 = arith.constant 4352 : i32
    %add3A_1723 = vector.broadcast %add3A_1722 : i32 to vector<128x128xi32>
    %add3A_1724 = arith.addi %iota3A, %add3A_1723 : vector<128x128xi32>
    %ne3A_1725 = vector.broadcast %broadcast_in_dim3A_420 : vector<128x1xi32> to vector<128x128xi32>
    %ne3A_1726 = arith.cmpi ne, %add3A_1724, %ne3A_1725 : vector<128x128xi32>
    %and3A_1727 = arith.andi %lt3A_1721, %ne3A_1726 : vector<128x128xi1>
    %ne3A_1728 = vector.broadcast %broadcast_in_dim3A_1205 : vector<128x1xi32> to vector<128x128xi32>
    %ne3A_1729 = arith.cmpi ne, %add3A_1724, %ne3A_1728 : vector<128x128xi32>
    %and3A_1730 = arith.andi %and3A_1727, %ne3A_1729 : vector<128x128xi1>
    %select_n3A_1731 = arith.select %and3A_1730, %slice3A_1720, %select_n3A_1716 : vector<128x128xi1>, vector<128x128xf32>
    %jit3A_1732 = arith.constant 34 : i32
    %broadcast_in_dim3A_1733 = vector.broadcast %jit3A_1732 : i32 to vector<128x128xi32>
    %select_n3A_1734 = arith.select %and3A_1730, %broadcast_in_dim3A_1733, %select_n3A_1719 : vector<128x128xi1>, vector<128x128xi32>
    %slice3A_1735 = vector.extract_strided_slice %add3A_23 {offsets = [0, 4480], sizes = [128, 128], strides = [1, 1]} : vector<128x8192xf32> to vector<128x128xf32>
    %lt3A_1736 = arith.cmpf olt, %slice3A_1735, %select_n3A_1731 : vector<128x128xf32>
    %add3A_1737 = arith.constant 4480 : i32
    %add3A_1738 = vector.broadcast %add3A_1737 : i32 to vector<128x128xi32>
    %add3A_1739 = arith.addi %iota3A, %add3A_1738 : vector<128x128xi32>
    %ne3A_1740 = vector.broadcast %broadcast_in_dim3A_420 : vector<128x1xi32> to vector<128x128xi32>
    %ne3A_1741 = arith.cmpi ne, %add3A_1739, %ne3A_1740 : vector<128x128xi32>
    %and3A_1742 = arith.andi %lt3A_1736, %ne3A_1741 : vector<128x128xi1>
    %ne3A_1743 = vector.broadcast %broadcast_in_dim3A_1205 : vector<128x1xi32> to vector<128x128xi32>
    %ne3A_1744 = arith.cmpi ne, %add3A_1739, %ne3A_1743 : vector<128x128xi32>
    %and3A_1745 = arith.andi %and3A_1742, %ne3A_1744 : vector<128x128xi1>
    %select_n3A_1746 = arith.select %and3A_1745, %slice3A_1735, %select_n3A_1731 : vector<128x128xi1>, vector<128x128xf32>
    %jit3A_1747 = arith.constant 35 : i32
    %broadcast_in_dim3A_1748 = vector.broadcast %jit3A_1747 : i32 to vector<128x128xi32>
    %select_n3A_1749 = arith.select %and3A_1745, %broadcast_in_dim3A_1748, %select_n3A_1734 : vector<128x128xi1>, vector<128x128xi32>
    %slice3A_1750 = vector.extract_strided_slice %add3A_23 {offsets = [0, 4608], sizes = [128, 128], strides = [1, 1]} : vector<128x8192xf32> to vector<128x128xf32>
    %lt3A_1751 = arith.cmpf olt, %slice3A_1750, %select_n3A_1746 : vector<128x128xf32>
    %add3A_1752 = arith.constant 4608 : i32
    %add3A_1753 = vector.broadcast %add3A_1752 : i32 to vector<128x128xi32>
    %add3A_1754 = arith.addi %iota3A, %add3A_1753 : vector<128x128xi32>
    %ne3A_1755 = vector.broadcast %broadcast_in_dim3A_420 : vector<128x1xi32> to vector<128x128xi32>
    %ne3A_1756 = arith.cmpi ne, %add3A_1754, %ne3A_1755 : vector<128x128xi32>
    %and3A_1757 = arith.andi %lt3A_1751, %ne3A_1756 : vector<128x128xi1>
    %ne3A_1758 = vector.broadcast %broadcast_in_dim3A_1205 : vector<128x1xi32> to vector<128x128xi32>
    %ne3A_1759 = arith.cmpi ne, %add3A_1754, %ne3A_1758 : vector<128x128xi32>
    %and3A_1760 = arith.andi %and3A_1757, %ne3A_1759 : vector<128x128xi1>
    %select_n3A_1761 = arith.select %and3A_1760, %slice3A_1750, %select_n3A_1746 : vector<128x128xi1>, vector<128x128xf32>
    %jit3A_1762 = arith.constant 36 : i32
    %broadcast_in_dim3A_1763 = vector.broadcast %jit3A_1762 : i32 to vector<128x128xi32>
    %select_n3A_1764 = arith.select %and3A_1760, %broadcast_in_dim3A_1763, %select_n3A_1749 : vector<128x128xi1>, vector<128x128xi32>
    %slice3A_1765 = vector.extract_strided_slice %add3A_23 {offsets = [0, 4736], sizes = [128, 128], strides = [1, 1]} : vector<128x8192xf32> to vector<128x128xf32>
    %lt3A_1766 = arith.cmpf olt, %slice3A_1765, %select_n3A_1761 : vector<128x128xf32>
    %add3A_1767 = arith.constant 4736 : i32
    %add3A_1768 = vector.broadcast %add3A_1767 : i32 to vector<128x128xi32>
    %add3A_1769 = arith.addi %iota3A, %add3A_1768 : vector<128x128xi32>
    %ne3A_1770 = vector.broadcast %broadcast_in_dim3A_420 : vector<128x1xi32> to vector<128x128xi32>
    %ne3A_1771 = arith.cmpi ne, %add3A_1769, %ne3A_1770 : vector<128x128xi32>
    %and3A_1772 = arith.andi %lt3A_1766, %ne3A_1771 : vector<128x128xi1>
    %ne3A_1773 = vector.broadcast %broadcast_in_dim3A_1205 : vector<128x1xi32> to vector<128x128xi32>
    %ne3A_1774 = arith.cmpi ne, %add3A_1769, %ne3A_1773 : vector<128x128xi32>
    %and3A_1775 = arith.andi %and3A_1772, %ne3A_1774 : vector<128x128xi1>
    %select_n3A_1776 = arith.select %and3A_1775, %slice3A_1765, %select_n3A_1761 : vector<128x128xi1>, vector<128x128xf32>
    %jit3A_1777 = arith.constant 37 : i32
    %broadcast_in_dim3A_1778 = vector.broadcast %jit3A_1777 : i32 to vector<128x128xi32>
    %select_n3A_1779 = arith.select %and3A_1775, %broadcast_in_dim3A_1778, %select_n3A_1764 : vector<128x128xi1>, vector<128x128xi32>
    %slice3A_1780 = vector.extract_strided_slice %add3A_23 {offsets = [0, 4864], sizes = [128, 128], strides = [1, 1]} : vector<128x8192xf32> to vector<128x128xf32>
    %lt3A_1781 = arith.cmpf olt, %slice3A_1780, %select_n3A_1776 : vector<128x128xf32>
    %add3A_1782 = arith.constant 4864 : i32
    %add3A_1783 = vector.broadcast %add3A_1782 : i32 to vector<128x128xi32>
    %add3A_1784 = arith.addi %iota3A, %add3A_1783 : vector<128x128xi32>
    %ne3A_1785 = vector.broadcast %broadcast_in_dim3A_420 : vector<128x1xi32> to vector<128x128xi32>
    %ne3A_1786 = arith.cmpi ne, %add3A_1784, %ne3A_1785 : vector<128x128xi32>
    %and3A_1787 = arith.andi %lt3A_1781, %ne3A_1786 : vector<128x128xi1>
    %ne3A_1788 = vector.broadcast %broadcast_in_dim3A_1205 : vector<128x1xi32> to vector<128x128xi32>
    %ne3A_1789 = arith.cmpi ne, %add3A_1784, %ne3A_1788 : vector<128x128xi32>
    %and3A_1790 = arith.andi %and3A_1787, %ne3A_1789 : vector<128x128xi1>
    %select_n3A_1791 = arith.select %and3A_1790, %slice3A_1780, %select_n3A_1776 : vector<128x128xi1>, vector<128x128xf32>
    %jit3A_1792 = arith.constant 38 : i32
    %broadcast_in_dim3A_1793 = vector.broadcast %jit3A_1792 : i32 to vector<128x128xi32>
    %select_n3A_1794 = arith.select %and3A_1790, %broadcast_in_dim3A_1793, %select_n3A_1779 : vector<128x128xi1>, vector<128x128xi32>
    %slice3A_1795 = vector.extract_strided_slice %add3A_23 {offsets = [0, 4992], sizes = [128, 128], strides = [1, 1]} : vector<128x8192xf32> to vector<128x128xf32>
    %lt3A_1796 = arith.cmpf olt, %slice3A_1795, %select_n3A_1791 : vector<128x128xf32>
    %add3A_1797 = arith.constant 4992 : i32
    %add3A_1798 = vector.broadcast %add3A_1797 : i32 to vector<128x128xi32>
    %add3A_1799 = arith.addi %iota3A, %add3A_1798 : vector<128x128xi32>
    %ne3A_1800 = vector.broadcast %broadcast_in_dim3A_420 : vector<128x1xi32> to vector<128x128xi32>
    %ne3A_1801 = arith.cmpi ne, %add3A_1799, %ne3A_1800 : vector<128x128xi32>
    %and3A_1802 = arith.andi %lt3A_1796, %ne3A_1801 : vector<128x128xi1>
    %ne3A_1803 = vector.broadcast %broadcast_in_dim3A_1205 : vector<128x1xi32> to vector<128x128xi32>
    %ne3A_1804 = arith.cmpi ne, %add3A_1799, %ne3A_1803 : vector<128x128xi32>
    %and3A_1805 = arith.andi %and3A_1802, %ne3A_1804 : vector<128x128xi1>
    %select_n3A_1806 = arith.select %and3A_1805, %slice3A_1795, %select_n3A_1791 : vector<128x128xi1>, vector<128x128xf32>
    %jit3A_1807 = arith.constant 39 : i32
    %broadcast_in_dim3A_1808 = vector.broadcast %jit3A_1807 : i32 to vector<128x128xi32>
    %select_n3A_1809 = arith.select %and3A_1805, %broadcast_in_dim3A_1808, %select_n3A_1794 : vector<128x128xi1>, vector<128x128xi32>
    %slice3A_1810 = vector.extract_strided_slice %add3A_23 {offsets = [0, 5120], sizes = [128, 128], strides = [1, 1]} : vector<128x8192xf32> to vector<128x128xf32>
    %lt3A_1811 = arith.cmpf olt, %slice3A_1810, %select_n3A_1806 : vector<128x128xf32>
    %add3A_1812 = arith.constant 5120 : i32
    %add3A_1813 = vector.broadcast %add3A_1812 : i32 to vector<128x128xi32>
    %add3A_1814 = arith.addi %iota3A, %add3A_1813 : vector<128x128xi32>
    %ne3A_1815 = vector.broadcast %broadcast_in_dim3A_420 : vector<128x1xi32> to vector<128x128xi32>
    %ne3A_1816 = arith.cmpi ne, %add3A_1814, %ne3A_1815 : vector<128x128xi32>
    %and3A_1817 = arith.andi %lt3A_1811, %ne3A_1816 : vector<128x128xi1>
    %ne3A_1818 = vector.broadcast %broadcast_in_dim3A_1205 : vector<128x1xi32> to vector<128x128xi32>
    %ne3A_1819 = arith.cmpi ne, %add3A_1814, %ne3A_1818 : vector<128x128xi32>
    %and3A_1820 = arith.andi %and3A_1817, %ne3A_1819 : vector<128x128xi1>
    %select_n3A_1821 = arith.select %and3A_1820, %slice3A_1810, %select_n3A_1806 : vector<128x128xi1>, vector<128x128xf32>
    %jit3A_1822 = arith.constant 40 : i32
    %broadcast_in_dim3A_1823 = vector.broadcast %jit3A_1822 : i32 to vector<128x128xi32>
    %select_n3A_1824 = arith.select %and3A_1820, %broadcast_in_dim3A_1823, %select_n3A_1809 : vector<128x128xi1>, vector<128x128xi32>
    %slice3A_1825 = vector.extract_strided_slice %add3A_23 {offsets = [0, 5248], sizes = [128, 128], strides = [1, 1]} : vector<128x8192xf32> to vector<128x128xf32>
    %lt3A_1826 = arith.cmpf olt, %slice3A_1825, %select_n3A_1821 : vector<128x128xf32>
    %add3A_1827 = arith.constant 5248 : i32
    %add3A_1828 = vector.broadcast %add3A_1827 : i32 to vector<128x128xi32>
    %add3A_1829 = arith.addi %iota3A, %add3A_1828 : vector<128x128xi32>
    %ne3A_1830 = vector.broadcast %broadcast_in_dim3A_420 : vector<128x1xi32> to vector<128x128xi32>
    %ne3A_1831 = arith.cmpi ne, %add3A_1829, %ne3A_1830 : vector<128x128xi32>
    %and3A_1832 = arith.andi %lt3A_1826, %ne3A_1831 : vector<128x128xi1>
    %ne3A_1833 = vector.broadcast %broadcast_in_dim3A_1205 : vector<128x1xi32> to vector<128x128xi32>
    %ne3A_1834 = arith.cmpi ne, %add3A_1829, %ne3A_1833 : vector<128x128xi32>
    %and3A_1835 = arith.andi %and3A_1832, %ne3A_1834 : vector<128x128xi1>
    %select_n3A_1836 = arith.select %and3A_1835, %slice3A_1825, %select_n3A_1821 : vector<128x128xi1>, vector<128x128xf32>
    %jit3A_1837 = arith.constant 41 : i32
    %broadcast_in_dim3A_1838 = vector.broadcast %jit3A_1837 : i32 to vector<128x128xi32>
    %select_n3A_1839 = arith.select %and3A_1835, %broadcast_in_dim3A_1838, %select_n3A_1824 : vector<128x128xi1>, vector<128x128xi32>
    %slice3A_1840 = vector.extract_strided_slice %add3A_23 {offsets = [0, 5376], sizes = [128, 128], strides = [1, 1]} : vector<128x8192xf32> to vector<128x128xf32>
    %lt3A_1841 = arith.cmpf olt, %slice3A_1840, %select_n3A_1836 : vector<128x128xf32>
    %add3A_1842 = arith.constant 5376 : i32
    %add3A_1843 = vector.broadcast %add3A_1842 : i32 to vector<128x128xi32>
    %add3A_1844 = arith.addi %iota3A, %add3A_1843 : vector<128x128xi32>
    %ne3A_1845 = vector.broadcast %broadcast_in_dim3A_420 : vector<128x1xi32> to vector<128x128xi32>
    %ne3A_1846 = arith.cmpi ne, %add3A_1844, %ne3A_1845 : vector<128x128xi32>
    %and3A_1847 = arith.andi %lt3A_1841, %ne3A_1846 : vector<128x128xi1>
    %ne3A_1848 = vector.broadcast %broadcast_in_dim3A_1205 : vector<128x1xi32> to vector<128x128xi32>
    %ne3A_1849 = arith.cmpi ne, %add3A_1844, %ne3A_1848 : vector<128x128xi32>
    %and3A_1850 = arith.andi %and3A_1847, %ne3A_1849 : vector<128x128xi1>
    %select_n3A_1851 = arith.select %and3A_1850, %slice3A_1840, %select_n3A_1836 : vector<128x128xi1>, vector<128x128xf32>
    %jit3A_1852 = arith.constant 42 : i32
    %broadcast_in_dim3A_1853 = vector.broadcast %jit3A_1852 : i32 to vector<128x128xi32>
    %select_n3A_1854 = arith.select %and3A_1850, %broadcast_in_dim3A_1853, %select_n3A_1839 : vector<128x128xi1>, vector<128x128xi32>
    %slice3A_1855 = vector.extract_strided_slice %add3A_23 {offsets = [0, 5504], sizes = [128, 128], strides = [1, 1]} : vector<128x8192xf32> to vector<128x128xf32>
    %lt3A_1856 = arith.cmpf olt, %slice3A_1855, %select_n3A_1851 : vector<128x128xf32>
    %add3A_1857 = arith.constant 5504 : i32
    %add3A_1858 = vector.broadcast %add3A_1857 : i32 to vector<128x128xi32>
    %add3A_1859 = arith.addi %iota3A, %add3A_1858 : vector<128x128xi32>
    %ne3A_1860 = vector.broadcast %broadcast_in_dim3A_420 : vector<128x1xi32> to vector<128x128xi32>
    %ne3A_1861 = arith.cmpi ne, %add3A_1859, %ne3A_1860 : vector<128x128xi32>
    %and3A_1862 = arith.andi %lt3A_1856, %ne3A_1861 : vector<128x128xi1>
    %ne3A_1863 = vector.broadcast %broadcast_in_dim3A_1205 : vector<128x1xi32> to vector<128x128xi32>
    %ne3A_1864 = arith.cmpi ne, %add3A_1859, %ne3A_1863 : vector<128x128xi32>
    %and3A_1865 = arith.andi %and3A_1862, %ne3A_1864 : vector<128x128xi1>
    %select_n3A_1866 = arith.select %and3A_1865, %slice3A_1855, %select_n3A_1851 : vector<128x128xi1>, vector<128x128xf32>
    %jit3A_1867 = arith.constant 43 : i32
    %broadcast_in_dim3A_1868 = vector.broadcast %jit3A_1867 : i32 to vector<128x128xi32>
    %select_n3A_1869 = arith.select %and3A_1865, %broadcast_in_dim3A_1868, %select_n3A_1854 : vector<128x128xi1>, vector<128x128xi32>
    %slice3A_1870 = vector.extract_strided_slice %add3A_23 {offsets = [0, 5632], sizes = [128, 128], strides = [1, 1]} : vector<128x8192xf32> to vector<128x128xf32>
    %lt3A_1871 = arith.cmpf olt, %slice3A_1870, %select_n3A_1866 : vector<128x128xf32>
    %add3A_1872 = arith.constant 5632 : i32
    %add3A_1873 = vector.broadcast %add3A_1872 : i32 to vector<128x128xi32>
    %add3A_1874 = arith.addi %iota3A, %add3A_1873 : vector<128x128xi32>
    %ne3A_1875 = vector.broadcast %broadcast_in_dim3A_420 : vector<128x1xi32> to vector<128x128xi32>
    %ne3A_1876 = arith.cmpi ne, %add3A_1874, %ne3A_1875 : vector<128x128xi32>
    %and3A_1877 = arith.andi %lt3A_1871, %ne3A_1876 : vector<128x128xi1>
    %ne3A_1878 = vector.broadcast %broadcast_in_dim3A_1205 : vector<128x1xi32> to vector<128x128xi32>
    %ne3A_1879 = arith.cmpi ne, %add3A_1874, %ne3A_1878 : vector<128x128xi32>
    %and3A_1880 = arith.andi %and3A_1877, %ne3A_1879 : vector<128x128xi1>
    %select_n3A_1881 = arith.select %and3A_1880, %slice3A_1870, %select_n3A_1866 : vector<128x128xi1>, vector<128x128xf32>
    %jit3A_1882 = arith.constant 44 : i32
    %broadcast_in_dim3A_1883 = vector.broadcast %jit3A_1882 : i32 to vector<128x128xi32>
    %select_n3A_1884 = arith.select %and3A_1880, %broadcast_in_dim3A_1883, %select_n3A_1869 : vector<128x128xi1>, vector<128x128xi32>
    %slice3A_1885 = vector.extract_strided_slice %add3A_23 {offsets = [0, 5760], sizes = [128, 128], strides = [1, 1]} : vector<128x8192xf32> to vector<128x128xf32>
    %lt3A_1886 = arith.cmpf olt, %slice3A_1885, %select_n3A_1881 : vector<128x128xf32>
    %add3A_1887 = arith.constant 5760 : i32
    %add3A_1888 = vector.broadcast %add3A_1887 : i32 to vector<128x128xi32>
    %add3A_1889 = arith.addi %iota3A, %add3A_1888 : vector<128x128xi32>
    %ne3A_1890 = vector.broadcast %broadcast_in_dim3A_420 : vector<128x1xi32> to vector<128x128xi32>
    %ne3A_1891 = arith.cmpi ne, %add3A_1889, %ne3A_1890 : vector<128x128xi32>
    %and3A_1892 = arith.andi %lt3A_1886, %ne3A_1891 : vector<128x128xi1>
    %ne3A_1893 = vector.broadcast %broadcast_in_dim3A_1205 : vector<128x1xi32> to vector<128x128xi32>
    %ne3A_1894 = arith.cmpi ne, %add3A_1889, %ne3A_1893 : vector<128x128xi32>
    %and3A_1895 = arith.andi %and3A_1892, %ne3A_1894 : vector<128x128xi1>
    %select_n3A_1896 = arith.select %and3A_1895, %slice3A_1885, %select_n3A_1881 : vector<128x128xi1>, vector<128x128xf32>
    %jit3A_1897 = arith.constant 45 : i32
    %broadcast_in_dim3A_1898 = vector.broadcast %jit3A_1897 : i32 to vector<128x128xi32>
    %select_n3A_1899 = arith.select %and3A_1895, %broadcast_in_dim3A_1898, %select_n3A_1884 : vector<128x128xi1>, vector<128x128xi32>
    %slice3A_1900 = vector.extract_strided_slice %add3A_23 {offsets = [0, 5888], sizes = [128, 128], strides = [1, 1]} : vector<128x8192xf32> to vector<128x128xf32>
    %lt3A_1901 = arith.cmpf olt, %slice3A_1900, %select_n3A_1896 : vector<128x128xf32>
    %add3A_1902 = arith.constant 5888 : i32
    %add3A_1903 = vector.broadcast %add3A_1902 : i32 to vector<128x128xi32>
    %add3A_1904 = arith.addi %iota3A, %add3A_1903 : vector<128x128xi32>
    %ne3A_1905 = vector.broadcast %broadcast_in_dim3A_420 : vector<128x1xi32> to vector<128x128xi32>
    %ne3A_1906 = arith.cmpi ne, %add3A_1904, %ne3A_1905 : vector<128x128xi32>
    %and3A_1907 = arith.andi %lt3A_1901, %ne3A_1906 : vector<128x128xi1>
    %ne3A_1908 = vector.broadcast %broadcast_in_dim3A_1205 : vector<128x1xi32> to vector<128x128xi32>
    %ne3A_1909 = arith.cmpi ne, %add3A_1904, %ne3A_1908 : vector<128x128xi32>
    %and3A_1910 = arith.andi %and3A_1907, %ne3A_1909 : vector<128x128xi1>
    %select_n3A_1911 = arith.select %and3A_1910, %slice3A_1900, %select_n3A_1896 : vector<128x128xi1>, vector<128x128xf32>
    %jit3A_1912 = arith.constant 46 : i32
    %broadcast_in_dim3A_1913 = vector.broadcast %jit3A_1912 : i32 to vector<128x128xi32>
    %select_n3A_1914 = arith.select %and3A_1910, %broadcast_in_dim3A_1913, %select_n3A_1899 : vector<128x128xi1>, vector<128x128xi32>
    %slice3A_1915 = vector.extract_strided_slice %add3A_23 {offsets = [0, 6016], sizes = [128, 128], strides = [1, 1]} : vector<128x8192xf32> to vector<128x128xf32>
    %lt3A_1916 = arith.cmpf olt, %slice3A_1915, %select_n3A_1911 : vector<128x128xf32>
    %add3A_1917 = arith.constant 6016 : i32
    %add3A_1918 = vector.broadcast %add3A_1917 : i32 to vector<128x128xi32>
    %add3A_1919 = arith.addi %iota3A, %add3A_1918 : vector<128x128xi32>
    %ne3A_1920 = vector.broadcast %broadcast_in_dim3A_420 : vector<128x1xi32> to vector<128x128xi32>
    %ne3A_1921 = arith.cmpi ne, %add3A_1919, %ne3A_1920 : vector<128x128xi32>
    %and3A_1922 = arith.andi %lt3A_1916, %ne3A_1921 : vector<128x128xi1>
    %ne3A_1923 = vector.broadcast %broadcast_in_dim3A_1205 : vector<128x1xi32> to vector<128x128xi32>
    %ne3A_1924 = arith.cmpi ne, %add3A_1919, %ne3A_1923 : vector<128x128xi32>
    %and3A_1925 = arith.andi %and3A_1922, %ne3A_1924 : vector<128x128xi1>
    %select_n3A_1926 = arith.select %and3A_1925, %slice3A_1915, %select_n3A_1911 : vector<128x128xi1>, vector<128x128xf32>
    %jit3A_1927 = arith.constant 47 : i32
    %broadcast_in_dim3A_1928 = vector.broadcast %jit3A_1927 : i32 to vector<128x128xi32>
    %select_n3A_1929 = arith.select %and3A_1925, %broadcast_in_dim3A_1928, %select_n3A_1914 : vector<128x128xi1>, vector<128x128xi32>
    %slice3A_1930 = vector.extract_strided_slice %add3A_23 {offsets = [0, 6144], sizes = [128, 128], strides = [1, 1]} : vector<128x8192xf32> to vector<128x128xf32>
    %lt3A_1931 = arith.cmpf olt, %slice3A_1930, %select_n3A_1926 : vector<128x128xf32>
    %add3A_1932 = arith.constant 6144 : i32
    %add3A_1933 = vector.broadcast %add3A_1932 : i32 to vector<128x128xi32>
    %add3A_1934 = arith.addi %iota3A, %add3A_1933 : vector<128x128xi32>
    %ne3A_1935 = vector.broadcast %broadcast_in_dim3A_420 : vector<128x1xi32> to vector<128x128xi32>
    %ne3A_1936 = arith.cmpi ne, %add3A_1934, %ne3A_1935 : vector<128x128xi32>
    %and3A_1937 = arith.andi %lt3A_1931, %ne3A_1936 : vector<128x128xi1>
    %ne3A_1938 = vector.broadcast %broadcast_in_dim3A_1205 : vector<128x1xi32> to vector<128x128xi32>
    %ne3A_1939 = arith.cmpi ne, %add3A_1934, %ne3A_1938 : vector<128x128xi32>
    %and3A_1940 = arith.andi %and3A_1937, %ne3A_1939 : vector<128x128xi1>
    %select_n3A_1941 = arith.select %and3A_1940, %slice3A_1930, %select_n3A_1926 : vector<128x128xi1>, vector<128x128xf32>
    %jit3A_1942 = arith.constant 48 : i32
    %broadcast_in_dim3A_1943 = vector.broadcast %jit3A_1942 : i32 to vector<128x128xi32>
    %select_n3A_1944 = arith.select %and3A_1940, %broadcast_in_dim3A_1943, %select_n3A_1929 : vector<128x128xi1>, vector<128x128xi32>
    %slice3A_1945 = vector.extract_strided_slice %add3A_23 {offsets = [0, 6272], sizes = [128, 128], strides = [1, 1]} : vector<128x8192xf32> to vector<128x128xf32>
    %lt3A_1946 = arith.cmpf olt, %slice3A_1945, %select_n3A_1941 : vector<128x128xf32>
    %add3A_1947 = arith.constant 6272 : i32
    %add3A_1948 = vector.broadcast %add3A_1947 : i32 to vector<128x128xi32>
    %add3A_1949 = arith.addi %iota3A, %add3A_1948 : vector<128x128xi32>
    %ne3A_1950 = vector.broadcast %broadcast_in_dim3A_420 : vector<128x1xi32> to vector<128x128xi32>
    %ne3A_1951 = arith.cmpi ne, %add3A_1949, %ne3A_1950 : vector<128x128xi32>
    %and3A_1952 = arith.andi %lt3A_1946, %ne3A_1951 : vector<128x128xi1>
    %ne3A_1953 = vector.broadcast %broadcast_in_dim3A_1205 : vector<128x1xi32> to vector<128x128xi32>
    %ne3A_1954 = arith.cmpi ne, %add3A_1949, %ne3A_1953 : vector<128x128xi32>
    %and3A_1955 = arith.andi %and3A_1952, %ne3A_1954 : vector<128x128xi1>
    %select_n3A_1956 = arith.select %and3A_1955, %slice3A_1945, %select_n3A_1941 : vector<128x128xi1>, vector<128x128xf32>
    %jit3A_1957 = arith.constant 49 : i32
    %broadcast_in_dim3A_1958 = vector.broadcast %jit3A_1957 : i32 to vector<128x128xi32>
    %select_n3A_1959 = arith.select %and3A_1955, %broadcast_in_dim3A_1958, %select_n3A_1944 : vector<128x128xi1>, vector<128x128xi32>
    %slice3A_1960 = vector.extract_strided_slice %add3A_23 {offsets = [0, 6400], sizes = [128, 128], strides = [1, 1]} : vector<128x8192xf32> to vector<128x128xf32>
    %lt3A_1961 = arith.cmpf olt, %slice3A_1960, %select_n3A_1956 : vector<128x128xf32>
    %add3A_1962 = arith.constant 6400 : i32
    %add3A_1963 = vector.broadcast %add3A_1962 : i32 to vector<128x128xi32>
    %add3A_1964 = arith.addi %iota3A, %add3A_1963 : vector<128x128xi32>
    %ne3A_1965 = vector.broadcast %broadcast_in_dim3A_420 : vector<128x1xi32> to vector<128x128xi32>
    %ne3A_1966 = arith.cmpi ne, %add3A_1964, %ne3A_1965 : vector<128x128xi32>
    %and3A_1967 = arith.andi %lt3A_1961, %ne3A_1966 : vector<128x128xi1>
    %ne3A_1968 = vector.broadcast %broadcast_in_dim3A_1205 : vector<128x1xi32> to vector<128x128xi32>
    %ne3A_1969 = arith.cmpi ne, %add3A_1964, %ne3A_1968 : vector<128x128xi32>
    %and3A_1970 = arith.andi %and3A_1967, %ne3A_1969 : vector<128x128xi1>
    %select_n3A_1971 = arith.select %and3A_1970, %slice3A_1960, %select_n3A_1956 : vector<128x128xi1>, vector<128x128xf32>
    %jit3A_1972 = arith.constant 50 : i32
    %broadcast_in_dim3A_1973 = vector.broadcast %jit3A_1972 : i32 to vector<128x128xi32>
    %select_n3A_1974 = arith.select %and3A_1970, %broadcast_in_dim3A_1973, %select_n3A_1959 : vector<128x128xi1>, vector<128x128xi32>
    %slice3A_1975 = vector.extract_strided_slice %add3A_23 {offsets = [0, 6528], sizes = [128, 128], strides = [1, 1]} : vector<128x8192xf32> to vector<128x128xf32>
    %lt3A_1976 = arith.cmpf olt, %slice3A_1975, %select_n3A_1971 : vector<128x128xf32>
    %add3A_1977 = arith.constant 6528 : i32
    %add3A_1978 = vector.broadcast %add3A_1977 : i32 to vector<128x128xi32>
    %add3A_1979 = arith.addi %iota3A, %add3A_1978 : vector<128x128xi32>
    %ne3A_1980 = vector.broadcast %broadcast_in_dim3A_420 : vector<128x1xi32> to vector<128x128xi32>
    %ne3A_1981 = arith.cmpi ne, %add3A_1979, %ne3A_1980 : vector<128x128xi32>
    %and3A_1982 = arith.andi %lt3A_1976, %ne3A_1981 : vector<128x128xi1>
    %ne3A_1983 = vector.broadcast %broadcast_in_dim3A_1205 : vector<128x1xi32> to vector<128x128xi32>
    %ne3A_1984 = arith.cmpi ne, %add3A_1979, %ne3A_1983 : vector<128x128xi32>
    %and3A_1985 = arith.andi %and3A_1982, %ne3A_1984 : vector<128x128xi1>
    %select_n3A_1986 = arith.select %and3A_1985, %slice3A_1975, %select_n3A_1971 : vector<128x128xi1>, vector<128x128xf32>
    %jit3A_1987 = arith.constant 51 : i32
    %broadcast_in_dim3A_1988 = vector.broadcast %jit3A_1987 : i32 to vector<128x128xi32>
    %select_n3A_1989 = arith.select %and3A_1985, %broadcast_in_dim3A_1988, %select_n3A_1974 : vector<128x128xi1>, vector<128x128xi32>
    %slice3A_1990 = vector.extract_strided_slice %add3A_23 {offsets = [0, 6656], sizes = [128, 128], strides = [1, 1]} : vector<128x8192xf32> to vector<128x128xf32>
    %lt3A_1991 = arith.cmpf olt, %slice3A_1990, %select_n3A_1986 : vector<128x128xf32>
    %add3A_1992 = arith.constant 6656 : i32
    %add3A_1993 = vector.broadcast %add3A_1992 : i32 to vector<128x128xi32>
    %add3A_1994 = arith.addi %iota3A, %add3A_1993 : vector<128x128xi32>
    %ne3A_1995 = vector.broadcast %broadcast_in_dim3A_420 : vector<128x1xi32> to vector<128x128xi32>
    %ne3A_1996 = arith.cmpi ne, %add3A_1994, %ne3A_1995 : vector<128x128xi32>
    %and3A_1997 = arith.andi %lt3A_1991, %ne3A_1996 : vector<128x128xi1>
    %ne3A_1998 = vector.broadcast %broadcast_in_dim3A_1205 : vector<128x1xi32> to vector<128x128xi32>
    %ne3A_1999 = arith.cmpi ne, %add3A_1994, %ne3A_1998 : vector<128x128xi32>
    %and3A_2000 = arith.andi %and3A_1997, %ne3A_1999 : vector<128x128xi1>
    %select_n3A_2001 = arith.select %and3A_2000, %slice3A_1990, %select_n3A_1986 : vector<128x128xi1>, vector<128x128xf32>
    %jit3A_2002 = arith.constant 52 : i32
    %broadcast_in_dim3A_2003 = vector.broadcast %jit3A_2002 : i32 to vector<128x128xi32>
    %select_n3A_2004 = arith.select %and3A_2000, %broadcast_in_dim3A_2003, %select_n3A_1989 : vector<128x128xi1>, vector<128x128xi32>
    %slice3A_2005 = vector.extract_strided_slice %add3A_23 {offsets = [0, 6784], sizes = [128, 128], strides = [1, 1]} : vector<128x8192xf32> to vector<128x128xf32>
    %lt3A_2006 = arith.cmpf olt, %slice3A_2005, %select_n3A_2001 : vector<128x128xf32>
    %add3A_2007 = arith.constant 6784 : i32
    %add3A_2008 = vector.broadcast %add3A_2007 : i32 to vector<128x128xi32>
    %add3A_2009 = arith.addi %iota3A, %add3A_2008 : vector<128x128xi32>
    %ne3A_2010 = vector.broadcast %broadcast_in_dim3A_420 : vector<128x1xi32> to vector<128x128xi32>
    %ne3A_2011 = arith.cmpi ne, %add3A_2009, %ne3A_2010 : vector<128x128xi32>
    %and3A_2012 = arith.andi %lt3A_2006, %ne3A_2011 : vector<128x128xi1>
    %ne3A_2013 = vector.broadcast %broadcast_in_dim3A_1205 : vector<128x1xi32> to vector<128x128xi32>
    %ne3A_2014 = arith.cmpi ne, %add3A_2009, %ne3A_2013 : vector<128x128xi32>
    %and3A_2015 = arith.andi %and3A_2012, %ne3A_2014 : vector<128x128xi1>
    %select_n3A_2016 = arith.select %and3A_2015, %slice3A_2005, %select_n3A_2001 : vector<128x128xi1>, vector<128x128xf32>
    %jit3A_2017 = arith.constant 53 : i32
    %broadcast_in_dim3A_2018 = vector.broadcast %jit3A_2017 : i32 to vector<128x128xi32>
    %select_n3A_2019 = arith.select %and3A_2015, %broadcast_in_dim3A_2018, %select_n3A_2004 : vector<128x128xi1>, vector<128x128xi32>
    %slice3A_2020 = vector.extract_strided_slice %add3A_23 {offsets = [0, 6912], sizes = [128, 128], strides = [1, 1]} : vector<128x8192xf32> to vector<128x128xf32>
    %lt3A_2021 = arith.cmpf olt, %slice3A_2020, %select_n3A_2016 : vector<128x128xf32>
    %add3A_2022 = arith.constant 6912 : i32
    %add3A_2023 = vector.broadcast %add3A_2022 : i32 to vector<128x128xi32>
    %add3A_2024 = arith.addi %iota3A, %add3A_2023 : vector<128x128xi32>
    %ne3A_2025 = vector.broadcast %broadcast_in_dim3A_420 : vector<128x1xi32> to vector<128x128xi32>
    %ne3A_2026 = arith.cmpi ne, %add3A_2024, %ne3A_2025 : vector<128x128xi32>
    %and3A_2027 = arith.andi %lt3A_2021, %ne3A_2026 : vector<128x128xi1>
    %ne3A_2028 = vector.broadcast %broadcast_in_dim3A_1205 : vector<128x1xi32> to vector<128x128xi32>
    %ne3A_2029 = arith.cmpi ne, %add3A_2024, %ne3A_2028 : vector<128x128xi32>
    %and3A_2030 = arith.andi %and3A_2027, %ne3A_2029 : vector<128x128xi1>
    %select_n3A_2031 = arith.select %and3A_2030, %slice3A_2020, %select_n3A_2016 : vector<128x128xi1>, vector<128x128xf32>
    %jit3A_2032 = arith.constant 54 : i32
    %broadcast_in_dim3A_2033 = vector.broadcast %jit3A_2032 : i32 to vector<128x128xi32>
    %select_n3A_2034 = arith.select %and3A_2030, %broadcast_in_dim3A_2033, %select_n3A_2019 : vector<128x128xi1>, vector<128x128xi32>
    %slice3A_2035 = vector.extract_strided_slice %add3A_23 {offsets = [0, 7040], sizes = [128, 128], strides = [1, 1]} : vector<128x8192xf32> to vector<128x128xf32>
    %lt3A_2036 = arith.cmpf olt, %slice3A_2035, %select_n3A_2031 : vector<128x128xf32>
    %add3A_2037 = arith.constant 7040 : i32
    %add3A_2038 = vector.broadcast %add3A_2037 : i32 to vector<128x128xi32>
    %add3A_2039 = arith.addi %iota3A, %add3A_2038 : vector<128x128xi32>
    %ne3A_2040 = vector.broadcast %broadcast_in_dim3A_420 : vector<128x1xi32> to vector<128x128xi32>
    %ne3A_2041 = arith.cmpi ne, %add3A_2039, %ne3A_2040 : vector<128x128xi32>
    %and3A_2042 = arith.andi %lt3A_2036, %ne3A_2041 : vector<128x128xi1>
    %ne3A_2043 = vector.broadcast %broadcast_in_dim3A_1205 : vector<128x1xi32> to vector<128x128xi32>
    %ne3A_2044 = arith.cmpi ne, %add3A_2039, %ne3A_2043 : vector<128x128xi32>
    %and3A_2045 = arith.andi %and3A_2042, %ne3A_2044 : vector<128x128xi1>
    %select_n3A_2046 = arith.select %and3A_2045, %slice3A_2035, %select_n3A_2031 : vector<128x128xi1>, vector<128x128xf32>
    %jit3A_2047 = arith.constant 55 : i32
    %broadcast_in_dim3A_2048 = vector.broadcast %jit3A_2047 : i32 to vector<128x128xi32>
    %select_n3A_2049 = arith.select %and3A_2045, %broadcast_in_dim3A_2048, %select_n3A_2034 : vector<128x128xi1>, vector<128x128xi32>
    %slice3A_2050 = vector.extract_strided_slice %add3A_23 {offsets = [0, 7168], sizes = [128, 128], strides = [1, 1]} : vector<128x8192xf32> to vector<128x128xf32>
    %lt3A_2051 = arith.cmpf olt, %slice3A_2050, %select_n3A_2046 : vector<128x128xf32>
    %add3A_2052 = arith.constant 7168 : i32
    %add3A_2053 = vector.broadcast %add3A_2052 : i32 to vector<128x128xi32>
    %add3A_2054 = arith.addi %iota3A, %add3A_2053 : vector<128x128xi32>
    %ne3A_2055 = vector.broadcast %broadcast_in_dim3A_420 : vector<128x1xi32> to vector<128x128xi32>
    %ne3A_2056 = arith.cmpi ne, %add3A_2054, %ne3A_2055 : vector<128x128xi32>
    %and3A_2057 = arith.andi %lt3A_2051, %ne3A_2056 : vector<128x128xi1>
    %ne3A_2058 = vector.broadcast %broadcast_in_dim3A_1205 : vector<128x1xi32> to vector<128x128xi32>
    %ne3A_2059 = arith.cmpi ne, %add3A_2054, %ne3A_2058 : vector<128x128xi32>
    %and3A_2060 = arith.andi %and3A_2057, %ne3A_2059 : vector<128x128xi1>
    %select_n3A_2061 = arith.select %and3A_2060, %slice3A_2050, %select_n3A_2046 : vector<128x128xi1>, vector<128x128xf32>
    %jit3A_2062 = arith.constant 56 : i32
    %broadcast_in_dim3A_2063 = vector.broadcast %jit3A_2062 : i32 to vector<128x128xi32>
    %select_n3A_2064 = arith.select %and3A_2060, %broadcast_in_dim3A_2063, %select_n3A_2049 : vector<128x128xi1>, vector<128x128xi32>
    %slice3A_2065 = vector.extract_strided_slice %add3A_23 {offsets = [0, 7296], sizes = [128, 128], strides = [1, 1]} : vector<128x8192xf32> to vector<128x128xf32>
    %lt3A_2066 = arith.cmpf olt, %slice3A_2065, %select_n3A_2061 : vector<128x128xf32>
    %add3A_2067 = arith.constant 7296 : i32
    %add3A_2068 = vector.broadcast %add3A_2067 : i32 to vector<128x128xi32>
    %add3A_2069 = arith.addi %iota3A, %add3A_2068 : vector<128x128xi32>
    %ne3A_2070 = vector.broadcast %broadcast_in_dim3A_420 : vector<128x1xi32> to vector<128x128xi32>
    %ne3A_2071 = arith.cmpi ne, %add3A_2069, %ne3A_2070 : vector<128x128xi32>
    %and3A_2072 = arith.andi %lt3A_2066, %ne3A_2071 : vector<128x128xi1>
    %ne3A_2073 = vector.broadcast %broadcast_in_dim3A_1205 : vector<128x1xi32> to vector<128x128xi32>
    %ne3A_2074 = arith.cmpi ne, %add3A_2069, %ne3A_2073 : vector<128x128xi32>
    %and3A_2075 = arith.andi %and3A_2072, %ne3A_2074 : vector<128x128xi1>
    %select_n3A_2076 = arith.select %and3A_2075, %slice3A_2065, %select_n3A_2061 : vector<128x128xi1>, vector<128x128xf32>
    %jit3A_2077 = arith.constant 57 : i32
    %broadcast_in_dim3A_2078 = vector.broadcast %jit3A_2077 : i32 to vector<128x128xi32>
    %select_n3A_2079 = arith.select %and3A_2075, %broadcast_in_dim3A_2078, %select_n3A_2064 : vector<128x128xi1>, vector<128x128xi32>
    %slice3A_2080 = vector.extract_strided_slice %add3A_23 {offsets = [0, 7424], sizes = [128, 128], strides = [1, 1]} : vector<128x8192xf32> to vector<128x128xf32>
    %lt3A_2081 = arith.cmpf olt, %slice3A_2080, %select_n3A_2076 : vector<128x128xf32>
    %add3A_2082 = arith.constant 7424 : i32
    %add3A_2083 = vector.broadcast %add3A_2082 : i32 to vector<128x128xi32>
    %add3A_2084 = arith.addi %iota3A, %add3A_2083 : vector<128x128xi32>
    %ne3A_2085 = vector.broadcast %broadcast_in_dim3A_420 : vector<128x1xi32> to vector<128x128xi32>
    %ne3A_2086 = arith.cmpi ne, %add3A_2084, %ne3A_2085 : vector<128x128xi32>
    %and3A_2087 = arith.andi %lt3A_2081, %ne3A_2086 : vector<128x128xi1>
    %ne3A_2088 = vector.broadcast %broadcast_in_dim3A_1205 : vector<128x1xi32> to vector<128x128xi32>
    %ne3A_2089 = arith.cmpi ne, %add3A_2084, %ne3A_2088 : vector<128x128xi32>
    %and3A_2090 = arith.andi %and3A_2087, %ne3A_2089 : vector<128x128xi1>
    %select_n3A_2091 = arith.select %and3A_2090, %slice3A_2080, %select_n3A_2076 : vector<128x128xi1>, vector<128x128xf32>
    %jit3A_2092 = arith.constant 58 : i32
    %broadcast_in_dim3A_2093 = vector.broadcast %jit3A_2092 : i32 to vector<128x128xi32>
    %select_n3A_2094 = arith.select %and3A_2090, %broadcast_in_dim3A_2093, %select_n3A_2079 : vector<128x128xi1>, vector<128x128xi32>
    %slice3A_2095 = vector.extract_strided_slice %add3A_23 {offsets = [0, 7552], sizes = [128, 128], strides = [1, 1]} : vector<128x8192xf32> to vector<128x128xf32>
    %lt3A_2096 = arith.cmpf olt, %slice3A_2095, %select_n3A_2091 : vector<128x128xf32>
    %add3A_2097 = arith.constant 7552 : i32
    %add3A_2098 = vector.broadcast %add3A_2097 : i32 to vector<128x128xi32>
    %add3A_2099 = arith.addi %iota3A, %add3A_2098 : vector<128x128xi32>
    %ne3A_2100 = vector.broadcast %broadcast_in_dim3A_420 : vector<128x1xi32> to vector<128x128xi32>
    %ne3A_2101 = arith.cmpi ne, %add3A_2099, %ne3A_2100 : vector<128x128xi32>
    %and3A_2102 = arith.andi %lt3A_2096, %ne3A_2101 : vector<128x128xi1>
    %ne3A_2103 = vector.broadcast %broadcast_in_dim3A_1205 : vector<128x1xi32> to vector<128x128xi32>
    %ne3A_2104 = arith.cmpi ne, %add3A_2099, %ne3A_2103 : vector<128x128xi32>
    %and3A_2105 = arith.andi %and3A_2102, %ne3A_2104 : vector<128x128xi1>
    %select_n3A_2106 = arith.select %and3A_2105, %slice3A_2095, %select_n3A_2091 : vector<128x128xi1>, vector<128x128xf32>
    %jit3A_2107 = arith.constant 59 : i32
    %broadcast_in_dim3A_2108 = vector.broadcast %jit3A_2107 : i32 to vector<128x128xi32>
    %select_n3A_2109 = arith.select %and3A_2105, %broadcast_in_dim3A_2108, %select_n3A_2094 : vector<128x128xi1>, vector<128x128xi32>
    %slice3A_2110 = vector.extract_strided_slice %add3A_23 {offsets = [0, 7680], sizes = [128, 128], strides = [1, 1]} : vector<128x8192xf32> to vector<128x128xf32>
    %lt3A_2111 = arith.cmpf olt, %slice3A_2110, %select_n3A_2106 : vector<128x128xf32>
    %add3A_2112 = arith.constant 7680 : i32
    %add3A_2113 = vector.broadcast %add3A_2112 : i32 to vector<128x128xi32>
    %add3A_2114 = arith.addi %iota3A, %add3A_2113 : vector<128x128xi32>
    %ne3A_2115 = vector.broadcast %broadcast_in_dim3A_420 : vector<128x1xi32> to vector<128x128xi32>
    %ne3A_2116 = arith.cmpi ne, %add3A_2114, %ne3A_2115 : vector<128x128xi32>
    %and3A_2117 = arith.andi %lt3A_2111, %ne3A_2116 : vector<128x128xi1>
    %ne3A_2118 = vector.broadcast %broadcast_in_dim3A_1205 : vector<128x1xi32> to vector<128x128xi32>
    %ne3A_2119 = arith.cmpi ne, %add3A_2114, %ne3A_2118 : vector<128x128xi32>
    %and3A_2120 = arith.andi %and3A_2117, %ne3A_2119 : vector<128x128xi1>
    %select_n3A_2121 = arith.select %and3A_2120, %slice3A_2110, %select_n3A_2106 : vector<128x128xi1>, vector<128x128xf32>
    %jit3A_2122 = arith.constant 60 : i32
    %broadcast_in_dim3A_2123 = vector.broadcast %jit3A_2122 : i32 to vector<128x128xi32>
    %select_n3A_2124 = arith.select %and3A_2120, %broadcast_in_dim3A_2123, %select_n3A_2109 : vector<128x128xi1>, vector<128x128xi32>
    %slice3A_2125 = vector.extract_strided_slice %add3A_23 {offsets = [0, 7808], sizes = [128, 128], strides = [1, 1]} : vector<128x8192xf32> to vector<128x128xf32>
    %lt3A_2126 = arith.cmpf olt, %slice3A_2125, %select_n3A_2121 : vector<128x128xf32>
    %add3A_2127 = arith.constant 7808 : i32
    %add3A_2128 = vector.broadcast %add3A_2127 : i32 to vector<128x128xi32>
    %add3A_2129 = arith.addi %iota3A, %add3A_2128 : vector<128x128xi32>
    %ne3A_2130 = vector.broadcast %broadcast_in_dim3A_420 : vector<128x1xi32> to vector<128x128xi32>
    %ne3A_2131 = arith.cmpi ne, %add3A_2129, %ne3A_2130 : vector<128x128xi32>
    %and3A_2132 = arith.andi %lt3A_2126, %ne3A_2131 : vector<128x128xi1>
    %ne3A_2133 = vector.broadcast %broadcast_in_dim3A_1205 : vector<128x1xi32> to vector<128x128xi32>
    %ne3A_2134 = arith.cmpi ne, %add3A_2129, %ne3A_2133 : vector<128x128xi32>
    %and3A_2135 = arith.andi %and3A_2132, %ne3A_2134 : vector<128x128xi1>
    %select_n3A_2136 = arith.select %and3A_2135, %slice3A_2125, %select_n3A_2121 : vector<128x128xi1>, vector<128x128xf32>
    %jit3A_2137 = arith.constant 61 : i32
    %broadcast_in_dim3A_2138 = vector.broadcast %jit3A_2137 : i32 to vector<128x128xi32>
    %select_n3A_2139 = arith.select %and3A_2135, %broadcast_in_dim3A_2138, %select_n3A_2124 : vector<128x128xi1>, vector<128x128xi32>
    %slice3A_2140 = vector.extract_strided_slice %add3A_23 {offsets = [0, 7936], sizes = [128, 128], strides = [1, 1]} : vector<128x8192xf32> to vector<128x128xf32>
    %lt3A_2141 = arith.cmpf olt, %slice3A_2140, %select_n3A_2136 : vector<128x128xf32>
    %add3A_2142 = arith.constant 7936 : i32
    %add3A_2143 = vector.broadcast %add3A_2142 : i32 to vector<128x128xi32>
    %add3A_2144 = arith.addi %iota3A, %add3A_2143 : vector<128x128xi32>
    %ne3A_2145 = vector.broadcast %broadcast_in_dim3A_420 : vector<128x1xi32> to vector<128x128xi32>
    %ne3A_2146 = arith.cmpi ne, %add3A_2144, %ne3A_2145 : vector<128x128xi32>
    %and3A_2147 = arith.andi %lt3A_2141, %ne3A_2146 : vector<128x128xi1>
    %ne3A_2148 = vector.broadcast %broadcast_in_dim3A_1205 : vector<128x1xi32> to vector<128x128xi32>
    %ne3A_2149 = arith.cmpi ne, %add3A_2144, %ne3A_2148 : vector<128x128xi32>
    %and3A_2150 = arith.andi %and3A_2147, %ne3A_2149 : vector<128x128xi1>
    %select_n3A_2151 = arith.select %and3A_2150, %slice3A_2140, %select_n3A_2136 : vector<128x128xi1>, vector<128x128xf32>
    %jit3A_2152 = arith.constant 62 : i32
    %broadcast_in_dim3A_2153 = vector.broadcast %jit3A_2152 : i32 to vector<128x128xi32>
    %select_n3A_2154 = arith.select %and3A_2150, %broadcast_in_dim3A_2153, %select_n3A_2139 : vector<128x128xi1>, vector<128x128xi32>
    %slice3A_2155 = vector.extract_strided_slice %add3A_23 {offsets = [0, 8064], sizes = [128, 128], strides = [1, 1]} : vector<128x8192xf32> to vector<128x128xf32>
    %lt3A_2156 = arith.cmpf olt, %slice3A_2155, %select_n3A_2151 : vector<128x128xf32>
    %add3A_2157 = arith.constant 8064 : i32
    %add3A_2158 = vector.broadcast %add3A_2157 : i32 to vector<128x128xi32>
    %add3A_2159 = arith.addi %iota3A, %add3A_2158 : vector<128x128xi32>
    %ne3A_2160 = vector.broadcast %broadcast_in_dim3A_420 : vector<128x1xi32> to vector<128x128xi32>
    %ne3A_2161 = arith.cmpi ne, %add3A_2159, %ne3A_2160 : vector<128x128xi32>
    %and3A_2162 = arith.andi %lt3A_2156, %ne3A_2161 : vector<128x128xi1>
    %ne3A_2163 = vector.broadcast %broadcast_in_dim3A_1205 : vector<128x1xi32> to vector<128x128xi32>
    %ne3A_2164 = arith.cmpi ne, %add3A_2159, %ne3A_2163 : vector<128x128xi32>
    %and3A_2165 = arith.andi %and3A_2162, %ne3A_2164 : vector<128x128xi1>
    %select_n3A_2166 = arith.select %and3A_2165, %slice3A_2155, %select_n3A_2151 : vector<128x128xi1>, vector<128x128xf32>
    %jit3A_2167 = arith.constant 63 : i32
    %broadcast_in_dim3A_2168 = vector.broadcast %jit3A_2167 : i32 to vector<128x128xi32>
    %select_n3A_2169 = arith.select %and3A_2165, %broadcast_in_dim3A_2168, %select_n3A_2154 : vector<128x128xi1>, vector<128x128xi32>
    %reduce_min3A_2170 = arith.constant dense<0x7F800000> : vector<128xf32>
    %reduce_min3A_2171 = vector.multi_reduction <minimumf>, %select_n3A_2166, %reduce_min3A_2170 [1] : vector<128x128xf32> to vector<128xf32>
    %broadcast_in_dim3A_2172 = vector.shape_cast %reduce_min3A_2171 : vector<128xf32> to vector<128x1xf32>
    %mul3A_2173 = arith.constant 128 : i32
    %mul3A_2174 = vector.broadcast %mul3A_2173 : i32 to vector<128x128xi32>
    %mul3A_2175 = arith.muli %select_n3A_2169, %mul3A_2174 : vector<128x128xi32>
    %add3A_2176 = arith.addi %mul3A_2175, %iota3A : vector<128x128xi32>
    %eq3A_2177 = vector.broadcast %broadcast_in_dim3A_2172 : vector<128x1xf32> to vector<128x128xf32>
    %eq3A_2178 = arith.cmpf oeq, %select_n3A_2166, %eq3A_2177 : vector<128x128xf32>
    %jit3A_2179 = arith.constant 1073741824 : i32
    %broadcast_in_dim3A_2180 = vector.broadcast %jit3A_2179 : i32 to vector<128x128xi32>
    %select_n3A_2181 = arith.select %eq3A_2178, %add3A_2176, %broadcast_in_dim3A_2180 : vector<128x128xi1>, vector<128x128xi32>
    %reduce_min3A_2182 = arith.constant dense<2147483647> : vector<128xi32>
    %reduce_min3A_2183 = vector.multi_reduction <minsi>, %select_n3A_2181, %reduce_min3A_2182 [1] : vector<128x128xi32> to vector<128xi32>
    %broadcast_in_dim3A_2184 = vector.shape_cast %reduce_min3A_2183 : vector<128xi32> to vector<128x1xi32>
    %add3A_2185 = arith.constant 9.99999996E-13 : f32
    %add3A_2186 = vector.broadcast %add3A_2185 : f32 to vector<128x1xf32>
    %add3A_2187 = arith.addf %broadcast_in_dim3A_409, %add3A_2186 : vector<128x1xf32>
    %sqrt3A = math.sqrt %add3A_2187 : vector<128x1xf32>
    %add3A_2188 = arith.constant 9.99999996E-13 : f32
    %add3A_2189 = vector.broadcast %add3A_2188 : f32 to vector<128x1xf32>
    %add3A_2190 = arith.addf %broadcast_in_dim3A_1193, %add3A_2189 : vector<128x1xf32>
    %sqrt3A_2191 = math.sqrt %add3A_2190 : vector<128x1xf32>
    %add3A_2192 = arith.constant 9.99999996E-13 : f32
    %add3A_2193 = vector.broadcast %add3A_2192 : f32 to vector<128x1xf32>
    %add3A_2194 = arith.addf %broadcast_in_dim3A_2172, %add3A_2193 : vector<128x1xf32>
    %sqrt3A_2195 = math.sqrt %add3A_2194 : vector<128x1xf32>
    %add3A_2196 = arith.constant 9.99999993E-9 : f32
    %add3A_2197 = vector.broadcast %add3A_2196 : f32 to vector<128x1xf32>
    %add3A_2198 = arith.addf %sqrt3A, %add3A_2197 : vector<128x1xf32>
    %div3A = arith.constant 1.000000e+00 : f32
    %div3A_2199 = vector.broadcast %div3A : f32 to vector<128x1xf32>
    %div3A_2200 = arith.divf %div3A_2199, %add3A_2198 : vector<128x1xf32>
    %add3A_2201 = arith.constant 9.99999993E-9 : f32
    %add3A_2202 = vector.broadcast %add3A_2201 : f32 to vector<128x1xf32>
    %add3A_2203 = arith.addf %sqrt3A_2191, %add3A_2202 : vector<128x1xf32>
    %div3A_2204 = arith.constant 1.000000e+00 : f32
    %div3A_2205 = vector.broadcast %div3A_2204 : f32 to vector<128x1xf32>
    %div3A_2206 = arith.divf %div3A_2205, %add3A_2203 : vector<128x1xf32>
    %add3A_2207 = arith.constant 9.99999993E-9 : f32
    %add3A_2208 = vector.broadcast %add3A_2207 : f32 to vector<128x1xf32>
    %add3A_2209 = arith.addf %sqrt3A_2195, %add3A_2208 : vector<128x1xf32>
    %div3A_2210 = arith.constant 1.000000e+00 : f32
    %div3A_2211 = vector.broadcast %div3A_2210 : f32 to vector<128x1xf32>
    %div3A_2212 = arith.divf %div3A_2211, %add3A_2209 : vector<128x1xf32>
    %add3A_2213 = arith.addf %div3A_2200, %div3A_2206 : vector<128x1xf32>
    %add3A_2214 = arith.addf %add3A_2213, %div3A_2212 : vector<128x1xf32>
    %concatenate3A = tpu.concatenate %broadcast_in_dim3A_420, %broadcast_in_dim3A_1205, %broadcast_in_dim3A_2184 in 1 : vector<128x1xi32>, vector<128x1xi32>, vector<128x1xi32> -> vector<128x3xi32>
    %swap3A = arith.constant 0 : index
    %swap3A_2215 = arith.constant 0 : index
    %swap3A_2216 = vector.load %arg5[%swap3A, %swap3A_2215] : memref<128x3xi32, #tpu.memory_space<vmem>>, vector<128x3xi32>
    tpu.vector_store %arg5[%swap3A, %swap3A_2215], %concatenate3A {strides = array<i32>} : memref<128x3xi32, #tpu.memory_space<vmem>>, vector<128x3xi32>,
    %div3A_2217 = arith.divf %div3A_2200, %add3A_2214 : vector<128x1xf32>
    %swap3A_2218 = arith.constant 0 : index
    %swap3A_2219 = arith.constant 0 : index
    %swap3A_2220 = vector.load %arg6[%swap3A_2218, %swap3A_2219] : memref<128x1xf32, #tpu.memory_space<vmem>>, vector<128x1xf32>
    tpu.vector_store %arg6[%swap3A_2218, %swap3A_2219], %div3A_2217 {strides = array<i32>} : memref<128x1xf32, #tpu.memory_space<vmem>>, vector<128x1xf32>,
    %div3A_2221 = arith.divf %div3A_2206, %add3A_2214 : vector<128x1xf32>
    %swap3A_2222 = arith.constant 0 : index
    %swap3A_2223 = arith.constant 0 : index
    %swap3A_2224 = vector.load %arg7[%swap3A_2222, %swap3A_2223] : memref<128x1xf32, #tpu.memory_space<vmem>>, vector<128x1xf32>
    tpu.vector_store %arg7[%swap3A_2222, %swap3A_2223], %div3A_2221 {strides = array<i32>} : memref<128x1xf32, #tpu.memory_space<vmem>>, vector<128x1xf32>,
    %div3A_2225 = arith.divf %div3A_2212, %add3A_2214 : vector<128x1xf32>
    %swap3A_2226 = arith.constant 0 : index
    %swap3A_2227 = arith.constant 0 : index
    %swap3A_2228 = vector.load %arg8[%swap3A_2226, %swap3A_2227] : memref<128x1xf32, #tpu.memory_space<vmem>>, vector<128x1xf32>
    tpu.vector_store %arg8[%swap3A_2226, %swap3A_2227], %div3A_2225 {strides = array<i32>} : memref<128x1xf32, #tpu.memory_space<vmem>>, vector<128x1xf32>,
    %slice3A_2229 = vector.extract_strided_slice %get3A_1 {offsets = [0, 0], sizes = [128, 1], strides = [1, 1]} : vector<128x3xf32> to vector<128x1xf32>
    %slice3A_2230 = vector.extract_strided_slice %get3A_1 {offsets = [0, 1], sizes = [128, 1], strides = [1, 1]} : vector<128x3xf32> to vector<128x1xf32>
    %slice3A_2231 = vector.extract_strided_slice %get3A_1 {offsets = [0, 2], sizes = [128, 1], strides = [1, 1]} : vector<128x3xf32> to vector<128x1xf32>
    %get3A_2232 = arith.constant 0 : index
    %get3A_2233 = arith.constant 0 : index
    %get3A_2234 = vector.load %arg3[%get3A_2232, %get3A_2233] : memref<8x2048xf32, #tpu.memory_space<vmem>>, vector<1x2048xf32>
    %get3A_2235 = arith.constant 1 : index
    %get3A_2236 = arith.constant 0 : index
    %get3A_2237 = vector.load %arg3[%get3A_2235, %get3A_2236] : memref<8x2048xf32, #tpu.memory_space<vmem>>, vector<1x2048xf32>
    %get3A_2238 = arith.constant 2 : index
    %get3A_2239 = arith.constant 0 : index
    %get3A_2240 = vector.load %arg3[%get3A_2238, %get3A_2239] : memref<8x2048xf32, #tpu.memory_space<vmem>>, vector<1x2048xf32>
    %sub3A_2241 = vector.broadcast %slice3A_2229 : vector<128x1xf32> to vector<128x2048xf32>
    %sub3A_2242 = vector.broadcast %get3A_2234 : vector<1x2048xf32> to vector<128x2048xf32>
    %sub3A_2243 = arith.subf %sub3A_2241, %sub3A_2242 : vector<128x2048xf32>
    %sub3A_2244 = vector.broadcast %slice3A_2230 : vector<128x1xf32> to vector<128x2048xf32>
    %sub3A_2245 = vector.broadcast %get3A_2237 : vector<1x2048xf32> to vector<128x2048xf32>
    %sub3A_2246 = arith.subf %sub3A_2244, %sub3A_2245 : vector<128x2048xf32>
    %sub3A_2247 = vector.broadcast %slice3A_2231 : vector<128x1xf32> to vector<128x2048xf32>
    %sub3A_2248 = vector.broadcast %get3A_2240 : vector<1x2048xf32> to vector<128x2048xf32>
    %sub3A_2249 = arith.subf %sub3A_2247, %sub3A_2248 : vector<128x2048xf32>
    %mul3A_2250 = arith.mulf %sub3A_2243, %sub3A_2243 : vector<128x2048xf32>
    %mul3A_2251 = arith.mulf %sub3A_2246, %sub3A_2246 : vector<128x2048xf32>
    %add3A_2252 = arith.addf %mul3A_2250, %mul3A_2251 : vector<128x2048xf32>
    %mul3A_2253 = arith.mulf %sub3A_2249, %sub3A_2249 : vector<128x2048xf32>
    %add3A_2254 = arith.addf %add3A_2252, %mul3A_2253 : vector<128x2048xf32>
    %iota3A_2255 = tpu.iota {dimensions = array<i32: 1>} : vector<128x128xi32>
    %broadcast_in_dim3A_2256 = arith.constant 0x7F800000 : f32
    %broadcast_in_dim3A_2257 = vector.broadcast %broadcast_in_dim3A_2256 : f32 to vector<128x128xf32>
    %broadcast_in_dim3A_2258 = arith.constant 0 : i32
    %broadcast_in_dim3A_2259 = vector.broadcast %broadcast_in_dim3A_2258 : i32 to vector<128x128xi32>
    %slice3A_2260 = vector.extract_strided_slice %add3A_2254 {offsets = [0, 0], sizes = [128, 128], strides = [1, 1]} : vector<128x2048xf32> to vector<128x128xf32>
    %lt3A_2261 = arith.cmpf olt, %slice3A_2260, %broadcast_in_dim3A_2257 : vector<128x128xf32>
    %select_n3A_2262 = arith.select %lt3A_2261, %slice3A_2260, %broadcast_in_dim3A_2257 : vector<128x128xi1>, vector<128x128xf32>
    %jit3A_2263 = arith.constant 0 : i32
    %broadcast_in_dim3A_2264 = vector.broadcast %jit3A_2263 : i32 to vector<128x128xi32>
    %select_n3A_2265 = arith.select %lt3A_2261, %broadcast_in_dim3A_2264, %broadcast_in_dim3A_2259 : vector<128x128xi1>, vector<128x128xi32>
    %slice3A_2266 = vector.extract_strided_slice %add3A_2254 {offsets = [0, 128], sizes = [128, 128], strides = [1, 1]} : vector<128x2048xf32> to vector<128x128xf32>
    %lt3A_2267 = arith.cmpf olt, %slice3A_2266, %select_n3A_2262 : vector<128x128xf32>
    %select_n3A_2268 = arith.select %lt3A_2267, %slice3A_2266, %select_n3A_2262 : vector<128x128xi1>, vector<128x128xf32>
    %jit3A_2269 = arith.constant 1 : i32
    %broadcast_in_dim3A_2270 = vector.broadcast %jit3A_2269 : i32 to vector<128x128xi32>
    %select_n3A_2271 = arith.select %lt3A_2267, %broadcast_in_dim3A_2270, %select_n3A_2265 : vector<128x128xi1>, vector<128x128xi32>
    %slice3A_2272 = vector.extract_strided_slice %add3A_2254 {offsets = [0, 256], sizes = [128, 128], strides = [1, 1]} : vector<128x2048xf32> to vector<128x128xf32>
    %lt3A_2273 = arith.cmpf olt, %slice3A_2272, %select_n3A_2268 : vector<128x128xf32>
    %select_n3A_2274 = arith.select %lt3A_2273, %slice3A_2272, %select_n3A_2268 : vector<128x128xi1>, vector<128x128xf32>
    %jit3A_2275 = arith.constant 2 : i32
    %broadcast_in_dim3A_2276 = vector.broadcast %jit3A_2275 : i32 to vector<128x128xi32>
    %select_n3A_2277 = arith.select %lt3A_2273, %broadcast_in_dim3A_2276, %select_n3A_2271 : vector<128x128xi1>, vector<128x128xi32>
    %slice3A_2278 = vector.extract_strided_slice %add3A_2254 {offsets = [0, 384], sizes = [128, 128], strides = [1, 1]} : vector<128x2048xf32> to vector<128x128xf32>
    %lt3A_2279 = arith.cmpf olt, %slice3A_2278, %select_n3A_2274 : vector<128x128xf32>
    %select_n3A_2280 = arith.select %lt3A_2279, %slice3A_2278, %select_n3A_2274 : vector<128x128xi1>, vector<128x128xf32>
    %jit3A_2281 = arith.constant 3 : i32
    %broadcast_in_dim3A_2282 = vector.broadcast %jit3A_2281 : i32 to vector<128x128xi32>
    %select_n3A_2283 = arith.select %lt3A_2279, %broadcast_in_dim3A_2282, %select_n3A_2277 : vector<128x128xi1>, vector<128x128xi32>
    %slice3A_2284 = vector.extract_strided_slice %add3A_2254 {offsets = [0, 512], sizes = [128, 128], strides = [1, 1]} : vector<128x2048xf32> to vector<128x128xf32>
    %lt3A_2285 = arith.cmpf olt, %slice3A_2284, %select_n3A_2280 : vector<128x128xf32>
    %select_n3A_2286 = arith.select %lt3A_2285, %slice3A_2284, %select_n3A_2280 : vector<128x128xi1>, vector<128x128xf32>
    %jit3A_2287 = arith.constant 4 : i32
    %broadcast_in_dim3A_2288 = vector.broadcast %jit3A_2287 : i32 to vector<128x128xi32>
    %select_n3A_2289 = arith.select %lt3A_2285, %broadcast_in_dim3A_2288, %select_n3A_2283 : vector<128x128xi1>, vector<128x128xi32>
    %slice3A_2290 = vector.extract_strided_slice %add3A_2254 {offsets = [0, 640], sizes = [128, 128], strides = [1, 1]} : vector<128x2048xf32> to vector<128x128xf32>
    %lt3A_2291 = arith.cmpf olt, %slice3A_2290, %select_n3A_2286 : vector<128x128xf32>
    %select_n3A_2292 = arith.select %lt3A_2291, %slice3A_2290, %select_n3A_2286 : vector<128x128xi1>, vector<128x128xf32>
    %jit3A_2293 = arith.constant 5 : i32
    %broadcast_in_dim3A_2294 = vector.broadcast %jit3A_2293 : i32 to vector<128x128xi32>
    %select_n3A_2295 = arith.select %lt3A_2291, %broadcast_in_dim3A_2294, %select_n3A_2289 : vector<128x128xi1>, vector<128x128xi32>
    %slice3A_2296 = vector.extract_strided_slice %add3A_2254 {offsets = [0, 768], sizes = [128, 128], strides = [1, 1]} : vector<128x2048xf32> to vector<128x128xf32>
    %lt3A_2297 = arith.cmpf olt, %slice3A_2296, %select_n3A_2292 : vector<128x128xf32>
    %select_n3A_2298 = arith.select %lt3A_2297, %slice3A_2296, %select_n3A_2292 : vector<128x128xi1>, vector<128x128xf32>
    %jit3A_2299 = arith.constant 6 : i32
    %broadcast_in_dim3A_2300 = vector.broadcast %jit3A_2299 : i32 to vector<128x128xi32>
    %select_n3A_2301 = arith.select %lt3A_2297, %broadcast_in_dim3A_2300, %select_n3A_2295 : vector<128x128xi1>, vector<128x128xi32>
    %slice3A_2302 = vector.extract_strided_slice %add3A_2254 {offsets = [0, 896], sizes = [128, 128], strides = [1, 1]} : vector<128x2048xf32> to vector<128x128xf32>
    %lt3A_2303 = arith.cmpf olt, %slice3A_2302, %select_n3A_2298 : vector<128x128xf32>
    %select_n3A_2304 = arith.select %lt3A_2303, %slice3A_2302, %select_n3A_2298 : vector<128x128xi1>, vector<128x128xf32>
    %jit3A_2305 = arith.constant 7 : i32
    %broadcast_in_dim3A_2306 = vector.broadcast %jit3A_2305 : i32 to vector<128x128xi32>
    %select_n3A_2307 = arith.select %lt3A_2303, %broadcast_in_dim3A_2306, %select_n3A_2301 : vector<128x128xi1>, vector<128x128xi32>
    %slice3A_2308 = vector.extract_strided_slice %add3A_2254 {offsets = [0, 1024], sizes = [128, 128], strides = [1, 1]} : vector<128x2048xf32> to vector<128x128xf32>
    %lt3A_2309 = arith.cmpf olt, %slice3A_2308, %select_n3A_2304 : vector<128x128xf32>
    %select_n3A_2310 = arith.select %lt3A_2309, %slice3A_2308, %select_n3A_2304 : vector<128x128xi1>, vector<128x128xf32>
    %jit3A_2311 = arith.constant 8 : i32
    %broadcast_in_dim3A_2312 = vector.broadcast %jit3A_2311 : i32 to vector<128x128xi32>
    %select_n3A_2313 = arith.select %lt3A_2309, %broadcast_in_dim3A_2312, %select_n3A_2307 : vector<128x128xi1>, vector<128x128xi32>
    %slice3A_2314 = vector.extract_strided_slice %add3A_2254 {offsets = [0, 1152], sizes = [128, 128], strides = [1, 1]} : vector<128x2048xf32> to vector<128x128xf32>
    %lt3A_2315 = arith.cmpf olt, %slice3A_2314, %select_n3A_2310 : vector<128x128xf32>
    %select_n3A_2316 = arith.select %lt3A_2315, %slice3A_2314, %select_n3A_2310 : vector<128x128xi1>, vector<128x128xf32>
    %jit3A_2317 = arith.constant 9 : i32
    %broadcast_in_dim3A_2318 = vector.broadcast %jit3A_2317 : i32 to vector<128x128xi32>
    %select_n3A_2319 = arith.select %lt3A_2315, %broadcast_in_dim3A_2318, %select_n3A_2313 : vector<128x128xi1>, vector<128x128xi32>
    %slice3A_2320 = vector.extract_strided_slice %add3A_2254 {offsets = [0, 1280], sizes = [128, 128], strides = [1, 1]} : vector<128x2048xf32> to vector<128x128xf32>
    %lt3A_2321 = arith.cmpf olt, %slice3A_2320, %select_n3A_2316 : vector<128x128xf32>
    %select_n3A_2322 = arith.select %lt3A_2321, %slice3A_2320, %select_n3A_2316 : vector<128x128xi1>, vector<128x128xf32>
    %jit3A_2323 = arith.constant 10 : i32
    %broadcast_in_dim3A_2324 = vector.broadcast %jit3A_2323 : i32 to vector<128x128xi32>
    %select_n3A_2325 = arith.select %lt3A_2321, %broadcast_in_dim3A_2324, %select_n3A_2319 : vector<128x128xi1>, vector<128x128xi32>
    %slice3A_2326 = vector.extract_strided_slice %add3A_2254 {offsets = [0, 1408], sizes = [128, 128], strides = [1, 1]} : vector<128x2048xf32> to vector<128x128xf32>
    %lt3A_2327 = arith.cmpf olt, %slice3A_2326, %select_n3A_2322 : vector<128x128xf32>
    %select_n3A_2328 = arith.select %lt3A_2327, %slice3A_2326, %select_n3A_2322 : vector<128x128xi1>, vector<128x128xf32>
    %jit3A_2329 = arith.constant 11 : i32
    %broadcast_in_dim3A_2330 = vector.broadcast %jit3A_2329 : i32 to vector<128x128xi32>
    %select_n3A_2331 = arith.select %lt3A_2327, %broadcast_in_dim3A_2330, %select_n3A_2325 : vector<128x128xi1>, vector<128x128xi32>
    %slice3A_2332 = vector.extract_strided_slice %add3A_2254 {offsets = [0, 1536], sizes = [128, 128], strides = [1, 1]} : vector<128x2048xf32> to vector<128x128xf32>
    %lt3A_2333 = arith.cmpf olt, %slice3A_2332, %select_n3A_2328 : vector<128x128xf32>
    %select_n3A_2334 = arith.select %lt3A_2333, %slice3A_2332, %select_n3A_2328 : vector<128x128xi1>, vector<128x128xf32>
    %jit3A_2335 = arith.constant 12 : i32
    %broadcast_in_dim3A_2336 = vector.broadcast %jit3A_2335 : i32 to vector<128x128xi32>
    %select_n3A_2337 = arith.select %lt3A_2333, %broadcast_in_dim3A_2336, %select_n3A_2331 : vector<128x128xi1>, vector<128x128xi32>
    %slice3A_2338 = vector.extract_strided_slice %add3A_2254 {offsets = [0, 1664], sizes = [128, 128], strides = [1, 1]} : vector<128x2048xf32> to vector<128x128xf32>
    %lt3A_2339 = arith.cmpf olt, %slice3A_2338, %select_n3A_2334 : vector<128x128xf32>
    %select_n3A_2340 = arith.select %lt3A_2339, %slice3A_2338, %select_n3A_2334 : vector<128x128xi1>, vector<128x128xf32>
    %jit3A_2341 = arith.constant 13 : i32
    %broadcast_in_dim3A_2342 = vector.broadcast %jit3A_2341 : i32 to vector<128x128xi32>
    %select_n3A_2343 = arith.select %lt3A_2339, %broadcast_in_dim3A_2342, %select_n3A_2337 : vector<128x128xi1>, vector<128x128xi32>
    %slice3A_2344 = vector.extract_strided_slice %add3A_2254 {offsets = [0, 1792], sizes = [128, 128], strides = [1, 1]} : vector<128x2048xf32> to vector<128x128xf32>
    %lt3A_2345 = arith.cmpf olt, %slice3A_2344, %select_n3A_2340 : vector<128x128xf32>
    %select_n3A_2346 = arith.select %lt3A_2345, %slice3A_2344, %select_n3A_2340 : vector<128x128xi1>, vector<128x128xf32>
    %jit3A_2347 = arith.constant 14 : i32
    %broadcast_in_dim3A_2348 = vector.broadcast %jit3A_2347 : i32 to vector<128x128xi32>
    %select_n3A_2349 = arith.select %lt3A_2345, %broadcast_in_dim3A_2348, %select_n3A_2343 : vector<128x128xi1>, vector<128x128xi32>
    %slice3A_2350 = vector.extract_strided_slice %add3A_2254 {offsets = [0, 1920], sizes = [128, 128], strides = [1, 1]} : vector<128x2048xf32> to vector<128x128xf32>
    %lt3A_2351 = arith.cmpf olt, %slice3A_2350, %select_n3A_2346 : vector<128x128xf32>
    %select_n3A_2352 = arith.select %lt3A_2351, %slice3A_2350, %select_n3A_2346 : vector<128x128xi1>, vector<128x128xf32>
    %jit3A_2353 = arith.constant 15 : i32
    %broadcast_in_dim3A_2354 = vector.broadcast %jit3A_2353 : i32 to vector<128x128xi32>
    %select_n3A_2355 = arith.select %lt3A_2351, %broadcast_in_dim3A_2354, %select_n3A_2349 : vector<128x128xi1>, vector<128x128xi32>
    %reduce_min3A_2356 = arith.constant dense<0x7F800000> : vector<128xf32>
    %reduce_min3A_2357 = vector.multi_reduction <minimumf>, %select_n3A_2352, %reduce_min3A_2356 [1] : vector<128x128xf32> to vector<128xf32>
    %broadcast_in_dim3A_2358 = vector.shape_cast %reduce_min3A_2357 : vector<128xf32> to vector<128x1xf32>
    %mul3A_2359 = arith.constant 128 : i32
    %mul3A_2360 = vector.broadcast %mul3A_2359 : i32 to vector<128x128xi32>
    %mul3A_2361 = arith.muli %select_n3A_2355, %mul3A_2360 : vector<128x128xi32>
    %add3A_2362 = arith.addi %mul3A_2361, %iota3A_2255 : vector<128x128xi32>
    %eq3A_2363 = vector.broadcast %broadcast_in_dim3A_2358 : vector<128x1xf32> to vector<128x128xf32>
    %eq3A_2364 = arith.cmpf oeq, %select_n3A_2352, %eq3A_2363 : vector<128x128xf32>
    %jit3A_2365 = arith.constant 1073741824 : i32
    %broadcast_in_dim3A_2366 = vector.broadcast %jit3A_2365 : i32 to vector<128x128xi32>
    %select_n3A_2367 = arith.select %eq3A_2364, %add3A_2362, %broadcast_in_dim3A_2366 : vector<128x128xi1>, vector<128x128xi32>
    %reduce_min3A_2368 = arith.constant dense<2147483647> : vector<128xi32>
    %reduce_min3A_2369 = vector.multi_reduction <minsi>, %select_n3A_2367, %reduce_min3A_2368 [1] : vector<128x128xi32> to vector<128xi32>
    %broadcast_in_dim3A_2370 = vector.shape_cast %reduce_min3A_2369 : vector<128xi32> to vector<128x1xi32>
    %broadcast_in_dim3A_2371 = arith.constant 0x7F800000 : f32
    %broadcast_in_dim3A_2372 = vector.broadcast %broadcast_in_dim3A_2371 : f32 to vector<128x128xf32>
    %broadcast_in_dim3A_2373 = arith.constant 0 : i32
    %broadcast_in_dim3A_2374 = vector.broadcast %broadcast_in_dim3A_2373 : i32 to vector<128x128xi32>
    %slice3A_2375 = vector.extract_strided_slice %add3A_2254 {offsets = [0, 0], sizes = [128, 128], strides = [1, 1]} : vector<128x2048xf32> to vector<128x128xf32>
    %lt3A_2376 = arith.cmpf olt, %slice3A_2375, %broadcast_in_dim3A_2372 : vector<128x128xf32>
    %add3A_2377 = arith.constant 0 : i32
    %add3A_2378 = vector.broadcast %add3A_2377 : i32 to vector<128x128xi32>
    %add3A_2379 = arith.addi %iota3A_2255, %add3A_2378 : vector<128x128xi32>
    %ne3A_2380 = vector.broadcast %broadcast_in_dim3A_2370 : vector<128x1xi32> to vector<128x128xi32>
    %ne3A_2381 = arith.cmpi ne, %add3A_2379, %ne3A_2380 : vector<128x128xi32>
    %and3A_2382 = arith.andi %lt3A_2376, %ne3A_2381 : vector<128x128xi1>
    %select_n3A_2383 = arith.select %and3A_2382, %slice3A_2375, %broadcast_in_dim3A_2372 : vector<128x128xi1>, vector<128x128xf32>
    %jit3A_2384 = arith.constant 0 : i32
    %broadcast_in_dim3A_2385 = vector.broadcast %jit3A_2384 : i32 to vector<128x128xi32>
    %select_n3A_2386 = arith.select %and3A_2382, %broadcast_in_dim3A_2385, %broadcast_in_dim3A_2374 : vector<128x128xi1>, vector<128x128xi32>
    %slice3A_2387 = vector.extract_strided_slice %add3A_2254 {offsets = [0, 128], sizes = [128, 128], strides = [1, 1]} : vector<128x2048xf32> to vector<128x128xf32>
    %lt3A_2388 = arith.cmpf olt, %slice3A_2387, %select_n3A_2383 : vector<128x128xf32>
    %add3A_2389 = arith.constant 128 : i32
    %add3A_2390 = vector.broadcast %add3A_2389 : i32 to vector<128x128xi32>
    %add3A_2391 = arith.addi %iota3A_2255, %add3A_2390 : vector<128x128xi32>
    %ne3A_2392 = vector.broadcast %broadcast_in_dim3A_2370 : vector<128x1xi32> to vector<128x128xi32>
    %ne3A_2393 = arith.cmpi ne, %add3A_2391, %ne3A_2392 : vector<128x128xi32>
    %and3A_2394 = arith.andi %lt3A_2388, %ne3A_2393 : vector<128x128xi1>
    %select_n3A_2395 = arith.select %and3A_2394, %slice3A_2387, %select_n3A_2383 : vector<128x128xi1>, vector<128x128xf32>
    %jit3A_2396 = arith.constant 1 : i32
    %broadcast_in_dim3A_2397 = vector.broadcast %jit3A_2396 : i32 to vector<128x128xi32>
    %select_n3A_2398 = arith.select %and3A_2394, %broadcast_in_dim3A_2397, %select_n3A_2386 : vector<128x128xi1>, vector<128x128xi32>
    %slice3A_2399 = vector.extract_strided_slice %add3A_2254 {offsets = [0, 256], sizes = [128, 128], strides = [1, 1]} : vector<128x2048xf32> to vector<128x128xf32>
    %lt3A_2400 = arith.cmpf olt, %slice3A_2399, %select_n3A_2395 : vector<128x128xf32>
    %add3A_2401 = arith.constant 256 : i32
    %add3A_2402 = vector.broadcast %add3A_2401 : i32 to vector<128x128xi32>
    %add3A_2403 = arith.addi %iota3A_2255, %add3A_2402 : vector<128x128xi32>
    %ne3A_2404 = vector.broadcast %broadcast_in_dim3A_2370 : vector<128x1xi32> to vector<128x128xi32>
    %ne3A_2405 = arith.cmpi ne, %add3A_2403, %ne3A_2404 : vector<128x128xi32>
    %and3A_2406 = arith.andi %lt3A_2400, %ne3A_2405 : vector<128x128xi1>
    %select_n3A_2407 = arith.select %and3A_2406, %slice3A_2399, %select_n3A_2395 : vector<128x128xi1>, vector<128x128xf32>
    %jit3A_2408 = arith.constant 2 : i32
    %broadcast_in_dim3A_2409 = vector.broadcast %jit3A_2408 : i32 to vector<128x128xi32>
    %select_n3A_2410 = arith.select %and3A_2406, %broadcast_in_dim3A_2409, %select_n3A_2398 : vector<128x128xi1>, vector<128x128xi32>
    %slice3A_2411 = vector.extract_strided_slice %add3A_2254 {offsets = [0, 384], sizes = [128, 128], strides = [1, 1]} : vector<128x2048xf32> to vector<128x128xf32>
    %lt3A_2412 = arith.cmpf olt, %slice3A_2411, %select_n3A_2407 : vector<128x128xf32>
    %add3A_2413 = arith.constant 384 : i32
    %add3A_2414 = vector.broadcast %add3A_2413 : i32 to vector<128x128xi32>
    %add3A_2415 = arith.addi %iota3A_2255, %add3A_2414 : vector<128x128xi32>
    %ne3A_2416 = vector.broadcast %broadcast_in_dim3A_2370 : vector<128x1xi32> to vector<128x128xi32>
    %ne3A_2417 = arith.cmpi ne, %add3A_2415, %ne3A_2416 : vector<128x128xi32>
    %and3A_2418 = arith.andi %lt3A_2412, %ne3A_2417 : vector<128x128xi1>
    %select_n3A_2419 = arith.select %and3A_2418, %slice3A_2411, %select_n3A_2407 : vector<128x128xi1>, vector<128x128xf32>
    %jit3A_2420 = arith.constant 3 : i32
    %broadcast_in_dim3A_2421 = vector.broadcast %jit3A_2420 : i32 to vector<128x128xi32>
    %select_n3A_2422 = arith.select %and3A_2418, %broadcast_in_dim3A_2421, %select_n3A_2410 : vector<128x128xi1>, vector<128x128xi32>
    %slice3A_2423 = vector.extract_strided_slice %add3A_2254 {offsets = [0, 512], sizes = [128, 128], strides = [1, 1]} : vector<128x2048xf32> to vector<128x128xf32>
    %lt3A_2424 = arith.cmpf olt, %slice3A_2423, %select_n3A_2419 : vector<128x128xf32>
    %add3A_2425 = arith.constant 512 : i32
    %add3A_2426 = vector.broadcast %add3A_2425 : i32 to vector<128x128xi32>
    %add3A_2427 = arith.addi %iota3A_2255, %add3A_2426 : vector<128x128xi32>
    %ne3A_2428 = vector.broadcast %broadcast_in_dim3A_2370 : vector<128x1xi32> to vector<128x128xi32>
    %ne3A_2429 = arith.cmpi ne, %add3A_2427, %ne3A_2428 : vector<128x128xi32>
    %and3A_2430 = arith.andi %lt3A_2424, %ne3A_2429 : vector<128x128xi1>
    %select_n3A_2431 = arith.select %and3A_2430, %slice3A_2423, %select_n3A_2419 : vector<128x128xi1>, vector<128x128xf32>
    %jit3A_2432 = arith.constant 4 : i32
    %broadcast_in_dim3A_2433 = vector.broadcast %jit3A_2432 : i32 to vector<128x128xi32>
    %select_n3A_2434 = arith.select %and3A_2430, %broadcast_in_dim3A_2433, %select_n3A_2422 : vector<128x128xi1>, vector<128x128xi32>
    %slice3A_2435 = vector.extract_strided_slice %add3A_2254 {offsets = [0, 640], sizes = [128, 128], strides = [1, 1]} : vector<128x2048xf32> to vector<128x128xf32>
    %lt3A_2436 = arith.cmpf olt, %slice3A_2435, %select_n3A_2431 : vector<128x128xf32>
    %add3A_2437 = arith.constant 640 : i32
    %add3A_2438 = vector.broadcast %add3A_2437 : i32 to vector<128x128xi32>
    %add3A_2439 = arith.addi %iota3A_2255, %add3A_2438 : vector<128x128xi32>
    %ne3A_2440 = vector.broadcast %broadcast_in_dim3A_2370 : vector<128x1xi32> to vector<128x128xi32>
    %ne3A_2441 = arith.cmpi ne, %add3A_2439, %ne3A_2440 : vector<128x128xi32>
    %and3A_2442 = arith.andi %lt3A_2436, %ne3A_2441 : vector<128x128xi1>
    %select_n3A_2443 = arith.select %and3A_2442, %slice3A_2435, %select_n3A_2431 : vector<128x128xi1>, vector<128x128xf32>
    %jit3A_2444 = arith.constant 5 : i32
    %broadcast_in_dim3A_2445 = vector.broadcast %jit3A_2444 : i32 to vector<128x128xi32>
    %select_n3A_2446 = arith.select %and3A_2442, %broadcast_in_dim3A_2445, %select_n3A_2434 : vector<128x128xi1>, vector<128x128xi32>
    %slice3A_2447 = vector.extract_strided_slice %add3A_2254 {offsets = [0, 768], sizes = [128, 128], strides = [1, 1]} : vector<128x2048xf32> to vector<128x128xf32>
    %lt3A_2448 = arith.cmpf olt, %slice3A_2447, %select_n3A_2443 : vector<128x128xf32>
    %add3A_2449 = arith.constant 768 : i32
    %add3A_2450 = vector.broadcast %add3A_2449 : i32 to vector<128x128xi32>
    %add3A_2451 = arith.addi %iota3A_2255, %add3A_2450 : vector<128x128xi32>
    %ne3A_2452 = vector.broadcast %broadcast_in_dim3A_2370 : vector<128x1xi32> to vector<128x128xi32>
    %ne3A_2453 = arith.cmpi ne, %add3A_2451, %ne3A_2452 : vector<128x128xi32>
    %and3A_2454 = arith.andi %lt3A_2448, %ne3A_2453 : vector<128x128xi1>
    %select_n3A_2455 = arith.select %and3A_2454, %slice3A_2447, %select_n3A_2443 : vector<128x128xi1>, vector<128x128xf32>
    %jit3A_2456 = arith.constant 6 : i32
    %broadcast_in_dim3A_2457 = vector.broadcast %jit3A_2456 : i32 to vector<128x128xi32>
    %select_n3A_2458 = arith.select %and3A_2454, %broadcast_in_dim3A_2457, %select_n3A_2446 : vector<128x128xi1>, vector<128x128xi32>
    %slice3A_2459 = vector.extract_strided_slice %add3A_2254 {offsets = [0, 896], sizes = [128, 128], strides = [1, 1]} : vector<128x2048xf32> to vector<128x128xf32>
    %lt3A_2460 = arith.cmpf olt, %slice3A_2459, %select_n3A_2455 : vector<128x128xf32>
    %add3A_2461 = arith.constant 896 : i32
    %add3A_2462 = vector.broadcast %add3A_2461 : i32 to vector<128x128xi32>
    %add3A_2463 = arith.addi %iota3A_2255, %add3A_2462 : vector<128x128xi32>
    %ne3A_2464 = vector.broadcast %broadcast_in_dim3A_2370 : vector<128x1xi32> to vector<128x128xi32>
    %ne3A_2465 = arith.cmpi ne, %add3A_2463, %ne3A_2464 : vector<128x128xi32>
    %and3A_2466 = arith.andi %lt3A_2460, %ne3A_2465 : vector<128x128xi1>
    %select_n3A_2467 = arith.select %and3A_2466, %slice3A_2459, %select_n3A_2455 : vector<128x128xi1>, vector<128x128xf32>
    %jit3A_2468 = arith.constant 7 : i32
    %broadcast_in_dim3A_2469 = vector.broadcast %jit3A_2468 : i32 to vector<128x128xi32>
    %select_n3A_2470 = arith.select %and3A_2466, %broadcast_in_dim3A_2469, %select_n3A_2458 : vector<128x128xi1>, vector<128x128xi32>
    %slice3A_2471 = vector.extract_strided_slice %add3A_2254 {offsets = [0, 1024], sizes = [128, 128], strides = [1, 1]} : vector<128x2048xf32> to vector<128x128xf32>
    %lt3A_2472 = arith.cmpf olt, %slice3A_2471, %select_n3A_2467 : vector<128x128xf32>
    %add3A_2473 = arith.constant 1024 : i32
    %add3A_2474 = vector.broadcast %add3A_2473 : i32 to vector<128x128xi32>
    %add3A_2475 = arith.addi %iota3A_2255, %add3A_2474 : vector<128x128xi32>
    %ne3A_2476 = vector.broadcast %broadcast_in_dim3A_2370 : vector<128x1xi32> to vector<128x128xi32>
    %ne3A_2477 = arith.cmpi ne, %add3A_2475, %ne3A_2476 : vector<128x128xi32>
    %and3A_2478 = arith.andi %lt3A_2472, %ne3A_2477 : vector<128x128xi1>
    %select_n3A_2479 = arith.select %and3A_2478, %slice3A_2471, %select_n3A_2467 : vector<128x128xi1>, vector<128x128xf32>
    %jit3A_2480 = arith.constant 8 : i32
    %broadcast_in_dim3A_2481 = vector.broadcast %jit3A_2480 : i32 to vector<128x128xi32>
    %select_n3A_2482 = arith.select %and3A_2478, %broadcast_in_dim3A_2481, %select_n3A_2470 : vector<128x128xi1>, vector<128x128xi32>
    %slice3A_2483 = vector.extract_strided_slice %add3A_2254 {offsets = [0, 1152], sizes = [128, 128], strides = [1, 1]} : vector<128x2048xf32> to vector<128x128xf32>
    %lt3A_2484 = arith.cmpf olt, %slice3A_2483, %select_n3A_2479 : vector<128x128xf32>
    %add3A_2485 = arith.constant 1152 : i32
    %add3A_2486 = vector.broadcast %add3A_2485 : i32 to vector<128x128xi32>
    %add3A_2487 = arith.addi %iota3A_2255, %add3A_2486 : vector<128x128xi32>
    %ne3A_2488 = vector.broadcast %broadcast_in_dim3A_2370 : vector<128x1xi32> to vector<128x128xi32>
    %ne3A_2489 = arith.cmpi ne, %add3A_2487, %ne3A_2488 : vector<128x128xi32>
    %and3A_2490 = arith.andi %lt3A_2484, %ne3A_2489 : vector<128x128xi1>
    %select_n3A_2491 = arith.select %and3A_2490, %slice3A_2483, %select_n3A_2479 : vector<128x128xi1>, vector<128x128xf32>
    %jit3A_2492 = arith.constant 9 : i32
    %broadcast_in_dim3A_2493 = vector.broadcast %jit3A_2492 : i32 to vector<128x128xi32>
    %select_n3A_2494 = arith.select %and3A_2490, %broadcast_in_dim3A_2493, %select_n3A_2482 : vector<128x128xi1>, vector<128x128xi32>
    %slice3A_2495 = vector.extract_strided_slice %add3A_2254 {offsets = [0, 1280], sizes = [128, 128], strides = [1, 1]} : vector<128x2048xf32> to vector<128x128xf32>
    %lt3A_2496 = arith.cmpf olt, %slice3A_2495, %select_n3A_2491 : vector<128x128xf32>
    %add3A_2497 = arith.constant 1280 : i32
    %add3A_2498 = vector.broadcast %add3A_2497 : i32 to vector<128x128xi32>
    %add3A_2499 = arith.addi %iota3A_2255, %add3A_2498 : vector<128x128xi32>
    %ne3A_2500 = vector.broadcast %broadcast_in_dim3A_2370 : vector<128x1xi32> to vector<128x128xi32>
    %ne3A_2501 = arith.cmpi ne, %add3A_2499, %ne3A_2500 : vector<128x128xi32>
    %and3A_2502 = arith.andi %lt3A_2496, %ne3A_2501 : vector<128x128xi1>
    %select_n3A_2503 = arith.select %and3A_2502, %slice3A_2495, %select_n3A_2491 : vector<128x128xi1>, vector<128x128xf32>
    %jit3A_2504 = arith.constant 10 : i32
    %broadcast_in_dim3A_2505 = vector.broadcast %jit3A_2504 : i32 to vector<128x128xi32>
    %select_n3A_2506 = arith.select %and3A_2502, %broadcast_in_dim3A_2505, %select_n3A_2494 : vector<128x128xi1>, vector<128x128xi32>
    %slice3A_2507 = vector.extract_strided_slice %add3A_2254 {offsets = [0, 1408], sizes = [128, 128], strides = [1, 1]} : vector<128x2048xf32> to vector<128x128xf32>
    %lt3A_2508 = arith.cmpf olt, %slice3A_2507, %select_n3A_2503 : vector<128x128xf32>
    %add3A_2509 = arith.constant 1408 : i32
    %add3A_2510 = vector.broadcast %add3A_2509 : i32 to vector<128x128xi32>
    %add3A_2511 = arith.addi %iota3A_2255, %add3A_2510 : vector<128x128xi32>
    %ne3A_2512 = vector.broadcast %broadcast_in_dim3A_2370 : vector<128x1xi32> to vector<128x128xi32>
    %ne3A_2513 = arith.cmpi ne, %add3A_2511, %ne3A_2512 : vector<128x128xi32>
    %and3A_2514 = arith.andi %lt3A_2508, %ne3A_2513 : vector<128x128xi1>
    %select_n3A_2515 = arith.select %and3A_2514, %slice3A_2507, %select_n3A_2503 : vector<128x128xi1>, vector<128x128xf32>
    %jit3A_2516 = arith.constant 11 : i32
    %broadcast_in_dim3A_2517 = vector.broadcast %jit3A_2516 : i32 to vector<128x128xi32>
    %select_n3A_2518 = arith.select %and3A_2514, %broadcast_in_dim3A_2517, %select_n3A_2506 : vector<128x128xi1>, vector<128x128xi32>
    %slice3A_2519 = vector.extract_strided_slice %add3A_2254 {offsets = [0, 1536], sizes = [128, 128], strides = [1, 1]} : vector<128x2048xf32> to vector<128x128xf32>
    %lt3A_2520 = arith.cmpf olt, %slice3A_2519, %select_n3A_2515 : vector<128x128xf32>
    %add3A_2521 = arith.constant 1536 : i32
    %add3A_2522 = vector.broadcast %add3A_2521 : i32 to vector<128x128xi32>
    %add3A_2523 = arith.addi %iota3A_2255, %add3A_2522 : vector<128x128xi32>
    %ne3A_2524 = vector.broadcast %broadcast_in_dim3A_2370 : vector<128x1xi32> to vector<128x128xi32>
    %ne3A_2525 = arith.cmpi ne, %add3A_2523, %ne3A_2524 : vector<128x128xi32>
    %and3A_2526 = arith.andi %lt3A_2520, %ne3A_2525 : vector<128x128xi1>
    %select_n3A_2527 = arith.select %and3A_2526, %slice3A_2519, %select_n3A_2515 : vector<128x128xi1>, vector<128x128xf32>
    %jit3A_2528 = arith.constant 12 : i32
    %broadcast_in_dim3A_2529 = vector.broadcast %jit3A_2528 : i32 to vector<128x128xi32>
    %select_n3A_2530 = arith.select %and3A_2526, %broadcast_in_dim3A_2529, %select_n3A_2518 : vector<128x128xi1>, vector<128x128xi32>
    %slice3A_2531 = vector.extract_strided_slice %add3A_2254 {offsets = [0, 1664], sizes = [128, 128], strides = [1, 1]} : vector<128x2048xf32> to vector<128x128xf32>
    %lt3A_2532 = arith.cmpf olt, %slice3A_2531, %select_n3A_2527 : vector<128x128xf32>
    %add3A_2533 = arith.constant 1664 : i32
    %add3A_2534 = vector.broadcast %add3A_2533 : i32 to vector<128x128xi32>
    %add3A_2535 = arith.addi %iota3A_2255, %add3A_2534 : vector<128x128xi32>
    %ne3A_2536 = vector.broadcast %broadcast_in_dim3A_2370 : vector<128x1xi32> to vector<128x128xi32>
    %ne3A_2537 = arith.cmpi ne, %add3A_2535, %ne3A_2536 : vector<128x128xi32>
    %and3A_2538 = arith.andi %lt3A_2532, %ne3A_2537 : vector<128x128xi1>
    %select_n3A_2539 = arith.select %and3A_2538, %slice3A_2531, %select_n3A_2527 : vector<128x128xi1>, vector<128x128xf32>
    %jit3A_2540 = arith.constant 13 : i32
    %broadcast_in_dim3A_2541 = vector.broadcast %jit3A_2540 : i32 to vector<128x128xi32>
    %select_n3A_2542 = arith.select %and3A_2538, %broadcast_in_dim3A_2541, %select_n3A_2530 : vector<128x128xi1>, vector<128x128xi32>
    %slice3A_2543 = vector.extract_strided_slice %add3A_2254 {offsets = [0, 1792], sizes = [128, 128], strides = [1, 1]} : vector<128x2048xf32> to vector<128x128xf32>
    %lt3A_2544 = arith.cmpf olt, %slice3A_2543, %select_n3A_2539 : vector<128x128xf32>
    %add3A_2545 = arith.constant 1792 : i32
    %add3A_2546 = vector.broadcast %add3A_2545 : i32 to vector<128x128xi32>
    %add3A_2547 = arith.addi %iota3A_2255, %add3A_2546 : vector<128x128xi32>
    %ne3A_2548 = vector.broadcast %broadcast_in_dim3A_2370 : vector<128x1xi32> to vector<128x128xi32>
    %ne3A_2549 = arith.cmpi ne, %add3A_2547, %ne3A_2548 : vector<128x128xi32>
    %and3A_2550 = arith.andi %lt3A_2544, %ne3A_2549 : vector<128x128xi1>
    %select_n3A_2551 = arith.select %and3A_2550, %slice3A_2543, %select_n3A_2539 : vector<128x128xi1>, vector<128x128xf32>
    %jit3A_2552 = arith.constant 14 : i32
    %broadcast_in_dim3A_2553 = vector.broadcast %jit3A_2552 : i32 to vector<128x128xi32>
    %select_n3A_2554 = arith.select %and3A_2550, %broadcast_in_dim3A_2553, %select_n3A_2542 : vector<128x128xi1>, vector<128x128xi32>
    %slice3A_2555 = vector.extract_strided_slice %add3A_2254 {offsets = [0, 1920], sizes = [128, 128], strides = [1, 1]} : vector<128x2048xf32> to vector<128x128xf32>
    %lt3A_2556 = arith.cmpf olt, %slice3A_2555, %select_n3A_2551 : vector<128x128xf32>
    %add3A_2557 = arith.constant 1920 : i32
    %add3A_2558 = vector.broadcast %add3A_2557 : i32 to vector<128x128xi32>
    %add3A_2559 = arith.addi %iota3A_2255, %add3A_2558 : vector<128x128xi32>
    %ne3A_2560 = vector.broadcast %broadcast_in_dim3A_2370 : vector<128x1xi32> to vector<128x128xi32>
    %ne3A_2561 = arith.cmpi ne, %add3A_2559, %ne3A_2560 : vector<128x128xi32>
    %and3A_2562 = arith.andi %lt3A_2556, %ne3A_2561 : vector<128x128xi1>
    %select_n3A_2563 = arith.select %and3A_2562, %slice3A_2555, %select_n3A_2551 : vector<128x128xi1>, vector<128x128xf32>
    %jit3A_2564 = arith.constant 15 : i32
    %broadcast_in_dim3A_2565 = vector.broadcast %jit3A_2564 : i32 to vector<128x128xi32>
    %select_n3A_2566 = arith.select %and3A_2562, %broadcast_in_dim3A_2565, %select_n3A_2554 : vector<128x128xi1>, vector<128x128xi32>
    %reduce_min3A_2567 = arith.constant dense<0x7F800000> : vector<128xf32>
    %reduce_min3A_2568 = vector.multi_reduction <minimumf>, %select_n3A_2563, %reduce_min3A_2567 [1] : vector<128x128xf32> to vector<128xf32>
    %broadcast_in_dim3A_2569 = vector.shape_cast %reduce_min3A_2568 : vector<128xf32> to vector<128x1xf32>
    %mul3A_2570 = arith.constant 128 : i32
    %mul3A_2571 = vector.broadcast %mul3A_2570 : i32 to vector<128x128xi32>
    %mul3A_2572 = arith.muli %select_n3A_2566, %mul3A_2571 : vector<128x128xi32>
    %add3A_2573 = arith.addi %mul3A_2572, %iota3A_2255 : vector<128x128xi32>
    %eq3A_2574 = vector.broadcast %broadcast_in_dim3A_2569 : vector<128x1xf32> to vector<128x128xf32>
    %eq3A_2575 = arith.cmpf oeq, %select_n3A_2563, %eq3A_2574 : vector<128x128xf32>
    %jit3A_2576 = arith.constant 1073741824 : i32
    %broadcast_in_dim3A_2577 = vector.broadcast %jit3A_2576 : i32 to vector<128x128xi32>
    %select_n3A_2578 = arith.select %eq3A_2575, %add3A_2573, %broadcast_in_dim3A_2577 : vector<128x128xi1>, vector<128x128xi32>
    %reduce_min3A_2579 = arith.constant dense<2147483647> : vector<128xi32>
    %reduce_min3A_2580 = vector.multi_reduction <minsi>, %select_n3A_2578, %reduce_min3A_2579 [1] : vector<128x128xi32> to vector<128xi32>
    %broadcast_in_dim3A_2581 = vector.shape_cast %reduce_min3A_2580 : vector<128xi32> to vector<128x1xi32>
    %broadcast_in_dim3A_2582 = arith.constant 0x7F800000 : f32
    %broadcast_in_dim3A_2583 = vector.broadcast %broadcast_in_dim3A_2582 : f32 to vector<128x128xf32>
    %broadcast_in_dim3A_2584 = arith.constant 0 : i32
    %broadcast_in_dim3A_2585 = vector.broadcast %broadcast_in_dim3A_2584 : i32 to vector<128x128xi32>
    %slice3A_2586 = vector.extract_strided_slice %add3A_2254 {offsets = [0, 0], sizes = [128, 128], strides = [1, 1]} : vector<128x2048xf32> to vector<128x128xf32>
    %lt3A_2587 = arith.cmpf olt, %slice3A_2586, %broadcast_in_dim3A_2583 : vector<128x128xf32>
    %add3A_2588 = arith.constant 0 : i32
    %add3A_2589 = vector.broadcast %add3A_2588 : i32 to vector<128x128xi32>
    %add3A_2590 = arith.addi %iota3A_2255, %add3A_2589 : vector<128x128xi32>
    %ne3A_2591 = vector.broadcast %broadcast_in_dim3A_2370 : vector<128x1xi32> to vector<128x128xi32>
    %ne3A_2592 = arith.cmpi ne, %add3A_2590, %ne3A_2591 : vector<128x128xi32>
    %and3A_2593 = arith.andi %lt3A_2587, %ne3A_2592 : vector<128x128xi1>
    %ne3A_2594 = vector.broadcast %broadcast_in_dim3A_2581 : vector<128x1xi32> to vector<128x128xi32>
    %ne3A_2595 = arith.cmpi ne, %add3A_2590, %ne3A_2594 : vector<128x128xi32>
    %and3A_2596 = arith.andi %and3A_2593, %ne3A_2595 : vector<128x128xi1>
    %select_n3A_2597 = arith.select %and3A_2596, %slice3A_2586, %broadcast_in_dim3A_2583 : vector<128x128xi1>, vector<128x128xf32>
    %jit3A_2598 = arith.constant 0 : i32
    %broadcast_in_dim3A_2599 = vector.broadcast %jit3A_2598 : i32 to vector<128x128xi32>
    %select_n3A_2600 = arith.select %and3A_2596, %broadcast_in_dim3A_2599, %broadcast_in_dim3A_2585 : vector<128x128xi1>, vector<128x128xi32>
    %slice3A_2601 = vector.extract_strided_slice %add3A_2254 {offsets = [0, 128], sizes = [128, 128], strides = [1, 1]} : vector<128x2048xf32> to vector<128x128xf32>
    %lt3A_2602 = arith.cmpf olt, %slice3A_2601, %select_n3A_2597 : vector<128x128xf32>
    %add3A_2603 = arith.constant 128 : i32
    %add3A_2604 = vector.broadcast %add3A_2603 : i32 to vector<128x128xi32>
    %add3A_2605 = arith.addi %iota3A_2255, %add3A_2604 : vector<128x128xi32>
    %ne3A_2606 = vector.broadcast %broadcast_in_dim3A_2370 : vector<128x1xi32> to vector<128x128xi32>
    %ne3A_2607 = arith.cmpi ne, %add3A_2605, %ne3A_2606 : vector<128x128xi32>
    %and3A_2608 = arith.andi %lt3A_2602, %ne3A_2607 : vector<128x128xi1>
    %ne3A_2609 = vector.broadcast %broadcast_in_dim3A_2581 : vector<128x1xi32> to vector<128x128xi32>
    %ne3A_2610 = arith.cmpi ne, %add3A_2605, %ne3A_2609 : vector<128x128xi32>
    %and3A_2611 = arith.andi %and3A_2608, %ne3A_2610 : vector<128x128xi1>
    %select_n3A_2612 = arith.select %and3A_2611, %slice3A_2601, %select_n3A_2597 : vector<128x128xi1>, vector<128x128xf32>
    %jit3A_2613 = arith.constant 1 : i32
    %broadcast_in_dim3A_2614 = vector.broadcast %jit3A_2613 : i32 to vector<128x128xi32>
    %select_n3A_2615 = arith.select %and3A_2611, %broadcast_in_dim3A_2614, %select_n3A_2600 : vector<128x128xi1>, vector<128x128xi32>
    %slice3A_2616 = vector.extract_strided_slice %add3A_2254 {offsets = [0, 256], sizes = [128, 128], strides = [1, 1]} : vector<128x2048xf32> to vector<128x128xf32>
    %lt3A_2617 = arith.cmpf olt, %slice3A_2616, %select_n3A_2612 : vector<128x128xf32>
    %add3A_2618 = arith.constant 256 : i32
    %add3A_2619 = vector.broadcast %add3A_2618 : i32 to vector<128x128xi32>
    %add3A_2620 = arith.addi %iota3A_2255, %add3A_2619 : vector<128x128xi32>
    %ne3A_2621 = vector.broadcast %broadcast_in_dim3A_2370 : vector<128x1xi32> to vector<128x128xi32>
    %ne3A_2622 = arith.cmpi ne, %add3A_2620, %ne3A_2621 : vector<128x128xi32>
    %and3A_2623 = arith.andi %lt3A_2617, %ne3A_2622 : vector<128x128xi1>
    %ne3A_2624 = vector.broadcast %broadcast_in_dim3A_2581 : vector<128x1xi32> to vector<128x128xi32>
    %ne3A_2625 = arith.cmpi ne, %add3A_2620, %ne3A_2624 : vector<128x128xi32>
    %and3A_2626 = arith.andi %and3A_2623, %ne3A_2625 : vector<128x128xi1>
    %select_n3A_2627 = arith.select %and3A_2626, %slice3A_2616, %select_n3A_2612 : vector<128x128xi1>, vector<128x128xf32>
    %jit3A_2628 = arith.constant 2 : i32
    %broadcast_in_dim3A_2629 = vector.broadcast %jit3A_2628 : i32 to vector<128x128xi32>
    %select_n3A_2630 = arith.select %and3A_2626, %broadcast_in_dim3A_2629, %select_n3A_2615 : vector<128x128xi1>, vector<128x128xi32>
    %slice3A_2631 = vector.extract_strided_slice %add3A_2254 {offsets = [0, 384], sizes = [128, 128], strides = [1, 1]} : vector<128x2048xf32> to vector<128x128xf32>
    %lt3A_2632 = arith.cmpf olt, %slice3A_2631, %select_n3A_2627 : vector<128x128xf32>
    %add3A_2633 = arith.constant 384 : i32
    %add3A_2634 = vector.broadcast %add3A_2633 : i32 to vector<128x128xi32>
    %add3A_2635 = arith.addi %iota3A_2255, %add3A_2634 : vector<128x128xi32>
    %ne3A_2636 = vector.broadcast %broadcast_in_dim3A_2370 : vector<128x1xi32> to vector<128x128xi32>
    %ne3A_2637 = arith.cmpi ne, %add3A_2635, %ne3A_2636 : vector<128x128xi32>
    %and3A_2638 = arith.andi %lt3A_2632, %ne3A_2637 : vector<128x128xi1>
    %ne3A_2639 = vector.broadcast %broadcast_in_dim3A_2581 : vector<128x1xi32> to vector<128x128xi32>
    %ne3A_2640 = arith.cmpi ne, %add3A_2635, %ne3A_2639 : vector<128x128xi32>
    %and3A_2641 = arith.andi %and3A_2638, %ne3A_2640 : vector<128x128xi1>
    %select_n3A_2642 = arith.select %and3A_2641, %slice3A_2631, %select_n3A_2627 : vector<128x128xi1>, vector<128x128xf32>
    %jit3A_2643 = arith.constant 3 : i32
    %broadcast_in_dim3A_2644 = vector.broadcast %jit3A_2643 : i32 to vector<128x128xi32>
    %select_n3A_2645 = arith.select %and3A_2641, %broadcast_in_dim3A_2644, %select_n3A_2630 : vector<128x128xi1>, vector<128x128xi32>
    %slice3A_2646 = vector.extract_strided_slice %add3A_2254 {offsets = [0, 512], sizes = [128, 128], strides = [1, 1]} : vector<128x2048xf32> to vector<128x128xf32>
    %lt3A_2647 = arith.cmpf olt, %slice3A_2646, %select_n3A_2642 : vector<128x128xf32>
    %add3A_2648 = arith.constant 512 : i32
    %add3A_2649 = vector.broadcast %add3A_2648 : i32 to vector<128x128xi32>
    %add3A_2650 = arith.addi %iota3A_2255, %add3A_2649 : vector<128x128xi32>
    %ne3A_2651 = vector.broadcast %broadcast_in_dim3A_2370 : vector<128x1xi32> to vector<128x128xi32>
    %ne3A_2652 = arith.cmpi ne, %add3A_2650, %ne3A_2651 : vector<128x128xi32>
    %and3A_2653 = arith.andi %lt3A_2647, %ne3A_2652 : vector<128x128xi1>
    %ne3A_2654 = vector.broadcast %broadcast_in_dim3A_2581 : vector<128x1xi32> to vector<128x128xi32>
    %ne3A_2655 = arith.cmpi ne, %add3A_2650, %ne3A_2654 : vector<128x128xi32>
    %and3A_2656 = arith.andi %and3A_2653, %ne3A_2655 : vector<128x128xi1>
    %select_n3A_2657 = arith.select %and3A_2656, %slice3A_2646, %select_n3A_2642 : vector<128x128xi1>, vector<128x128xf32>
    %jit3A_2658 = arith.constant 4 : i32
    %broadcast_in_dim3A_2659 = vector.broadcast %jit3A_2658 : i32 to vector<128x128xi32>
    %select_n3A_2660 = arith.select %and3A_2656, %broadcast_in_dim3A_2659, %select_n3A_2645 : vector<128x128xi1>, vector<128x128xi32>
    %slice3A_2661 = vector.extract_strided_slice %add3A_2254 {offsets = [0, 640], sizes = [128, 128], strides = [1, 1]} : vector<128x2048xf32> to vector<128x128xf32>
    %lt3A_2662 = arith.cmpf olt, %slice3A_2661, %select_n3A_2657 : vector<128x128xf32>
    %add3A_2663 = arith.constant 640 : i32
    %add3A_2664 = vector.broadcast %add3A_2663 : i32 to vector<128x128xi32>
    %add3A_2665 = arith.addi %iota3A_2255, %add3A_2664 : vector<128x128xi32>
    %ne3A_2666 = vector.broadcast %broadcast_in_dim3A_2370 : vector<128x1xi32> to vector<128x128xi32>
    %ne3A_2667 = arith.cmpi ne, %add3A_2665, %ne3A_2666 : vector<128x128xi32>
    %and3A_2668 = arith.andi %lt3A_2662, %ne3A_2667 : vector<128x128xi1>
    %ne3A_2669 = vector.broadcast %broadcast_in_dim3A_2581 : vector<128x1xi32> to vector<128x128xi32>
    %ne3A_2670 = arith.cmpi ne, %add3A_2665, %ne3A_2669 : vector<128x128xi32>
    %and3A_2671 = arith.andi %and3A_2668, %ne3A_2670 : vector<128x128xi1>
    %select_n3A_2672 = arith.select %and3A_2671, %slice3A_2661, %select_n3A_2657 : vector<128x128xi1>, vector<128x128xf32>
    %jit3A_2673 = arith.constant 5 : i32
    %broadcast_in_dim3A_2674 = vector.broadcast %jit3A_2673 : i32 to vector<128x128xi32>
    %select_n3A_2675 = arith.select %and3A_2671, %broadcast_in_dim3A_2674, %select_n3A_2660 : vector<128x128xi1>, vector<128x128xi32>
    %slice3A_2676 = vector.extract_strided_slice %add3A_2254 {offsets = [0, 768], sizes = [128, 128], strides = [1, 1]} : vector<128x2048xf32> to vector<128x128xf32>
    %lt3A_2677 = arith.cmpf olt, %slice3A_2676, %select_n3A_2672 : vector<128x128xf32>
    %add3A_2678 = arith.constant 768 : i32
    %add3A_2679 = vector.broadcast %add3A_2678 : i32 to vector<128x128xi32>
    %add3A_2680 = arith.addi %iota3A_2255, %add3A_2679 : vector<128x128xi32>
    %ne3A_2681 = vector.broadcast %broadcast_in_dim3A_2370 : vector<128x1xi32> to vector<128x128xi32>
    %ne3A_2682 = arith.cmpi ne, %add3A_2680, %ne3A_2681 : vector<128x128xi32>
    %and3A_2683 = arith.andi %lt3A_2677, %ne3A_2682 : vector<128x128xi1>
    %ne3A_2684 = vector.broadcast %broadcast_in_dim3A_2581 : vector<128x1xi32> to vector<128x128xi32>
    %ne3A_2685 = arith.cmpi ne, %add3A_2680, %ne3A_2684 : vector<128x128xi32>
    %and3A_2686 = arith.andi %and3A_2683, %ne3A_2685 : vector<128x128xi1>
    %select_n3A_2687 = arith.select %and3A_2686, %slice3A_2676, %select_n3A_2672 : vector<128x128xi1>, vector<128x128xf32>
    %jit3A_2688 = arith.constant 6 : i32
    %broadcast_in_dim3A_2689 = vector.broadcast %jit3A_2688 : i32 to vector<128x128xi32>
    %select_n3A_2690 = arith.select %and3A_2686, %broadcast_in_dim3A_2689, %select_n3A_2675 : vector<128x128xi1>, vector<128x128xi32>
    %slice3A_2691 = vector.extract_strided_slice %add3A_2254 {offsets = [0, 896], sizes = [128, 128], strides = [1, 1]} : vector<128x2048xf32> to vector<128x128xf32>
    %lt3A_2692 = arith.cmpf olt, %slice3A_2691, %select_n3A_2687 : vector<128x128xf32>
    %add3A_2693 = arith.constant 896 : i32
    %add3A_2694 = vector.broadcast %add3A_2693 : i32 to vector<128x128xi32>
    %add3A_2695 = arith.addi %iota3A_2255, %add3A_2694 : vector<128x128xi32>
    %ne3A_2696 = vector.broadcast %broadcast_in_dim3A_2370 : vector<128x1xi32> to vector<128x128xi32>
    %ne3A_2697 = arith.cmpi ne, %add3A_2695, %ne3A_2696 : vector<128x128xi32>
    %and3A_2698 = arith.andi %lt3A_2692, %ne3A_2697 : vector<128x128xi1>
    %ne3A_2699 = vector.broadcast %broadcast_in_dim3A_2581 : vector<128x1xi32> to vector<128x128xi32>
    %ne3A_2700 = arith.cmpi ne, %add3A_2695, %ne3A_2699 : vector<128x128xi32>
    %and3A_2701 = arith.andi %and3A_2698, %ne3A_2700 : vector<128x128xi1>
    %select_n3A_2702 = arith.select %and3A_2701, %slice3A_2691, %select_n3A_2687 : vector<128x128xi1>, vector<128x128xf32>
    %jit3A_2703 = arith.constant 7 : i32
    %broadcast_in_dim3A_2704 = vector.broadcast %jit3A_2703 : i32 to vector<128x128xi32>
    %select_n3A_2705 = arith.select %and3A_2701, %broadcast_in_dim3A_2704, %select_n3A_2690 : vector<128x128xi1>, vector<128x128xi32>
    %slice3A_2706 = vector.extract_strided_slice %add3A_2254 {offsets = [0, 1024], sizes = [128, 128], strides = [1, 1]} : vector<128x2048xf32> to vector<128x128xf32>
    %lt3A_2707 = arith.cmpf olt, %slice3A_2706, %select_n3A_2702 : vector<128x128xf32>
    %add3A_2708 = arith.constant 1024 : i32
    %add3A_2709 = vector.broadcast %add3A_2708 : i32 to vector<128x128xi32>
    %add3A_2710 = arith.addi %iota3A_2255, %add3A_2709 : vector<128x128xi32>
    %ne3A_2711 = vector.broadcast %broadcast_in_dim3A_2370 : vector<128x1xi32> to vector<128x128xi32>
    %ne3A_2712 = arith.cmpi ne, %add3A_2710, %ne3A_2711 : vector<128x128xi32>
    %and3A_2713 = arith.andi %lt3A_2707, %ne3A_2712 : vector<128x128xi1>
    %ne3A_2714 = vector.broadcast %broadcast_in_dim3A_2581 : vector<128x1xi32> to vector<128x128xi32>
    %ne3A_2715 = arith.cmpi ne, %add3A_2710, %ne3A_2714 : vector<128x128xi32>
    %and3A_2716 = arith.andi %and3A_2713, %ne3A_2715 : vector<128x128xi1>
    %select_n3A_2717 = arith.select %and3A_2716, %slice3A_2706, %select_n3A_2702 : vector<128x128xi1>, vector<128x128xf32>
    %jit3A_2718 = arith.constant 8 : i32
    %broadcast_in_dim3A_2719 = vector.broadcast %jit3A_2718 : i32 to vector<128x128xi32>
    %select_n3A_2720 = arith.select %and3A_2716, %broadcast_in_dim3A_2719, %select_n3A_2705 : vector<128x128xi1>, vector<128x128xi32>
    %slice3A_2721 = vector.extract_strided_slice %add3A_2254 {offsets = [0, 1152], sizes = [128, 128], strides = [1, 1]} : vector<128x2048xf32> to vector<128x128xf32>
    %lt3A_2722 = arith.cmpf olt, %slice3A_2721, %select_n3A_2717 : vector<128x128xf32>
    %add3A_2723 = arith.constant 1152 : i32
    %add3A_2724 = vector.broadcast %add3A_2723 : i32 to vector<128x128xi32>
    %add3A_2725 = arith.addi %iota3A_2255, %add3A_2724 : vector<128x128xi32>
    %ne3A_2726 = vector.broadcast %broadcast_in_dim3A_2370 : vector<128x1xi32> to vector<128x128xi32>
    %ne3A_2727 = arith.cmpi ne, %add3A_2725, %ne3A_2726 : vector<128x128xi32>
    %and3A_2728 = arith.andi %lt3A_2722, %ne3A_2727 : vector<128x128xi1>
    %ne3A_2729 = vector.broadcast %broadcast_in_dim3A_2581 : vector<128x1xi32> to vector<128x128xi32>
    %ne3A_2730 = arith.cmpi ne, %add3A_2725, %ne3A_2729 : vector<128x128xi32>
    %and3A_2731 = arith.andi %and3A_2728, %ne3A_2730 : vector<128x128xi1>
    %select_n3A_2732 = arith.select %and3A_2731, %slice3A_2721, %select_n3A_2717 : vector<128x128xi1>, vector<128x128xf32>
    %jit3A_2733 = arith.constant 9 : i32
    %broadcast_in_dim3A_2734 = vector.broadcast %jit3A_2733 : i32 to vector<128x128xi32>
    %select_n3A_2735 = arith.select %and3A_2731, %broadcast_in_dim3A_2734, %select_n3A_2720 : vector<128x128xi1>, vector<128x128xi32>
    %slice3A_2736 = vector.extract_strided_slice %add3A_2254 {offsets = [0, 1280], sizes = [128, 128], strides = [1, 1]} : vector<128x2048xf32> to vector<128x128xf32>
    %lt3A_2737 = arith.cmpf olt, %slice3A_2736, %select_n3A_2732 : vector<128x128xf32>
    %add3A_2738 = arith.constant 1280 : i32
    %add3A_2739 = vector.broadcast %add3A_2738 : i32 to vector<128x128xi32>
    %add3A_2740 = arith.addi %iota3A_2255, %add3A_2739 : vector<128x128xi32>
    %ne3A_2741 = vector.broadcast %broadcast_in_dim3A_2370 : vector<128x1xi32> to vector<128x128xi32>
    %ne3A_2742 = arith.cmpi ne, %add3A_2740, %ne3A_2741 : vector<128x128xi32>
    %and3A_2743 = arith.andi %lt3A_2737, %ne3A_2742 : vector<128x128xi1>
    %ne3A_2744 = vector.broadcast %broadcast_in_dim3A_2581 : vector<128x1xi32> to vector<128x128xi32>
    %ne3A_2745 = arith.cmpi ne, %add3A_2740, %ne3A_2744 : vector<128x128xi32>
    %and3A_2746 = arith.andi %and3A_2743, %ne3A_2745 : vector<128x128xi1>
    %select_n3A_2747 = arith.select %and3A_2746, %slice3A_2736, %select_n3A_2732 : vector<128x128xi1>, vector<128x128xf32>
    %jit3A_2748 = arith.constant 10 : i32
    %broadcast_in_dim3A_2749 = vector.broadcast %jit3A_2748 : i32 to vector<128x128xi32>
    %select_n3A_2750 = arith.select %and3A_2746, %broadcast_in_dim3A_2749, %select_n3A_2735 : vector<128x128xi1>, vector<128x128xi32>
    %slice3A_2751 = vector.extract_strided_slice %add3A_2254 {offsets = [0, 1408], sizes = [128, 128], strides = [1, 1]} : vector<128x2048xf32> to vector<128x128xf32>
    %lt3A_2752 = arith.cmpf olt, %slice3A_2751, %select_n3A_2747 : vector<128x128xf32>
    %add3A_2753 = arith.constant 1408 : i32
    %add3A_2754 = vector.broadcast %add3A_2753 : i32 to vector<128x128xi32>
    %add3A_2755 = arith.addi %iota3A_2255, %add3A_2754 : vector<128x128xi32>
    %ne3A_2756 = vector.broadcast %broadcast_in_dim3A_2370 : vector<128x1xi32> to vector<128x128xi32>
    %ne3A_2757 = arith.cmpi ne, %add3A_2755, %ne3A_2756 : vector<128x128xi32>
    %and3A_2758 = arith.andi %lt3A_2752, %ne3A_2757 : vector<128x128xi1>
    %ne3A_2759 = vector.broadcast %broadcast_in_dim3A_2581 : vector<128x1xi32> to vector<128x128xi32>
    %ne3A_2760 = arith.cmpi ne, %add3A_2755, %ne3A_2759 : vector<128x128xi32>
    %and3A_2761 = arith.andi %and3A_2758, %ne3A_2760 : vector<128x128xi1>
    %select_n3A_2762 = arith.select %and3A_2761, %slice3A_2751, %select_n3A_2747 : vector<128x128xi1>, vector<128x128xf32>
    %jit3A_2763 = arith.constant 11 : i32
    %broadcast_in_dim3A_2764 = vector.broadcast %jit3A_2763 : i32 to vector<128x128xi32>
    %select_n3A_2765 = arith.select %and3A_2761, %broadcast_in_dim3A_2764, %select_n3A_2750 : vector<128x128xi1>, vector<128x128xi32>
    %slice3A_2766 = vector.extract_strided_slice %add3A_2254 {offsets = [0, 1536], sizes = [128, 128], strides = [1, 1]} : vector<128x2048xf32> to vector<128x128xf32>
    %lt3A_2767 = arith.cmpf olt, %slice3A_2766, %select_n3A_2762 : vector<128x128xf32>
    %add3A_2768 = arith.constant 1536 : i32
    %add3A_2769 = vector.broadcast %add3A_2768 : i32 to vector<128x128xi32>
    %add3A_2770 = arith.addi %iota3A_2255, %add3A_2769 : vector<128x128xi32>
    %ne3A_2771 = vector.broadcast %broadcast_in_dim3A_2370 : vector<128x1xi32> to vector<128x128xi32>
    %ne3A_2772 = arith.cmpi ne, %add3A_2770, %ne3A_2771 : vector<128x128xi32>
    %and3A_2773 = arith.andi %lt3A_2767, %ne3A_2772 : vector<128x128xi1>
    %ne3A_2774 = vector.broadcast %broadcast_in_dim3A_2581 : vector<128x1xi32> to vector<128x128xi32>
    %ne3A_2775 = arith.cmpi ne, %add3A_2770, %ne3A_2774 : vector<128x128xi32>
    %and3A_2776 = arith.andi %and3A_2773, %ne3A_2775 : vector<128x128xi1>
    %select_n3A_2777 = arith.select %and3A_2776, %slice3A_2766, %select_n3A_2762 : vector<128x128xi1>, vector<128x128xf32>
    %jit3A_2778 = arith.constant 12 : i32
    %broadcast_in_dim3A_2779 = vector.broadcast %jit3A_2778 : i32 to vector<128x128xi32>
    %select_n3A_2780 = arith.select %and3A_2776, %broadcast_in_dim3A_2779, %select_n3A_2765 : vector<128x128xi1>, vector<128x128xi32>
    %slice3A_2781 = vector.extract_strided_slice %add3A_2254 {offsets = [0, 1664], sizes = [128, 128], strides = [1, 1]} : vector<128x2048xf32> to vector<128x128xf32>
    %lt3A_2782 = arith.cmpf olt, %slice3A_2781, %select_n3A_2777 : vector<128x128xf32>
    %add3A_2783 = arith.constant 1664 : i32
    %add3A_2784 = vector.broadcast %add3A_2783 : i32 to vector<128x128xi32>
    %add3A_2785 = arith.addi %iota3A_2255, %add3A_2784 : vector<128x128xi32>
    %ne3A_2786 = vector.broadcast %broadcast_in_dim3A_2370 : vector<128x1xi32> to vector<128x128xi32>
    %ne3A_2787 = arith.cmpi ne, %add3A_2785, %ne3A_2786 : vector<128x128xi32>
    %and3A_2788 = arith.andi %lt3A_2782, %ne3A_2787 : vector<128x128xi1>
    %ne3A_2789 = vector.broadcast %broadcast_in_dim3A_2581 : vector<128x1xi32> to vector<128x128xi32>
    %ne3A_2790 = arith.cmpi ne, %add3A_2785, %ne3A_2789 : vector<128x128xi32>
    %and3A_2791 = arith.andi %and3A_2788, %ne3A_2790 : vector<128x128xi1>
    %select_n3A_2792 = arith.select %and3A_2791, %slice3A_2781, %select_n3A_2777 : vector<128x128xi1>, vector<128x128xf32>
    %jit3A_2793 = arith.constant 13 : i32
    %broadcast_in_dim3A_2794 = vector.broadcast %jit3A_2793 : i32 to vector<128x128xi32>
    %select_n3A_2795 = arith.select %and3A_2791, %broadcast_in_dim3A_2794, %select_n3A_2780 : vector<128x128xi1>, vector<128x128xi32>
    %slice3A_2796 = vector.extract_strided_slice %add3A_2254 {offsets = [0, 1792], sizes = [128, 128], strides = [1, 1]} : vector<128x2048xf32> to vector<128x128xf32>
    %lt3A_2797 = arith.cmpf olt, %slice3A_2796, %select_n3A_2792 : vector<128x128xf32>
    %add3A_2798 = arith.constant 1792 : i32
    %add3A_2799 = vector.broadcast %add3A_2798 : i32 to vector<128x128xi32>
    %add3A_2800 = arith.addi %iota3A_2255, %add3A_2799 : vector<128x128xi32>
    %ne3A_2801 = vector.broadcast %broadcast_in_dim3A_2370 : vector<128x1xi32> to vector<128x128xi32>
    %ne3A_2802 = arith.cmpi ne, %add3A_2800, %ne3A_2801 : vector<128x128xi32>
    %and3A_2803 = arith.andi %lt3A_2797, %ne3A_2802 : vector<128x128xi1>
    %ne3A_2804 = vector.broadcast %broadcast_in_dim3A_2581 : vector<128x1xi32> to vector<128x128xi32>
    %ne3A_2805 = arith.cmpi ne, %add3A_2800, %ne3A_2804 : vector<128x128xi32>
    %and3A_2806 = arith.andi %and3A_2803, %ne3A_2805 : vector<128x128xi1>
    %select_n3A_2807 = arith.select %and3A_2806, %slice3A_2796, %select_n3A_2792 : vector<128x128xi1>, vector<128x128xf32>
    %jit3A_2808 = arith.constant 14 : i32
    %broadcast_in_dim3A_2809 = vector.broadcast %jit3A_2808 : i32 to vector<128x128xi32>
    %select_n3A_2810 = arith.select %and3A_2806, %broadcast_in_dim3A_2809, %select_n3A_2795 : vector<128x128xi1>, vector<128x128xi32>
    %slice3A_2811 = vector.extract_strided_slice %add3A_2254 {offsets = [0, 1920], sizes = [128, 128], strides = [1, 1]} : vector<128x2048xf32> to vector<128x128xf32>
    %lt3A_2812 = arith.cmpf olt, %slice3A_2811, %select_n3A_2807 : vector<128x128xf32>
    %add3A_2813 = arith.constant 1920 : i32
    %add3A_2814 = vector.broadcast %add3A_2813 : i32 to vector<128x128xi32>
    %add3A_2815 = arith.addi %iota3A_2255, %add3A_2814 : vector<128x128xi32>
    %ne3A_2816 = vector.broadcast %broadcast_in_dim3A_2370 : vector<128x1xi32> to vector<128x128xi32>
    %ne3A_2817 = arith.cmpi ne, %add3A_2815, %ne3A_2816 : vector<128x128xi32>
    %and3A_2818 = arith.andi %lt3A_2812, %ne3A_2817 : vector<128x128xi1>
    %ne3A_2819 = vector.broadcast %broadcast_in_dim3A_2581 : vector<128x1xi32> to vector<128x128xi32>
    %ne3A_2820 = arith.cmpi ne, %add3A_2815, %ne3A_2819 : vector<128x128xi32>
    %and3A_2821 = arith.andi %and3A_2818, %ne3A_2820 : vector<128x128xi1>
    %select_n3A_2822 = arith.select %and3A_2821, %slice3A_2811, %select_n3A_2807 : vector<128x128xi1>, vector<128x128xf32>
    %jit3A_2823 = arith.constant 15 : i32
    %broadcast_in_dim3A_2824 = vector.broadcast %jit3A_2823 : i32 to vector<128x128xi32>
    %select_n3A_2825 = arith.select %and3A_2821, %broadcast_in_dim3A_2824, %select_n3A_2810 : vector<128x128xi1>, vector<128x128xi32>
    %reduce_min3A_2826 = arith.constant dense<0x7F800000> : vector<128xf32>
    %reduce_min3A_2827 = vector.multi_reduction <minimumf>, %select_n3A_2822, %reduce_min3A_2826 [1] : vector<128x128xf32> to vector<128xf32>
    %broadcast_in_dim3A_2828 = vector.shape_cast %reduce_min3A_2827 : vector<128xf32> to vector<128x1xf32>
    %mul3A_2829 = arith.constant 128 : i32
    %mul3A_2830 = vector.broadcast %mul3A_2829 : i32 to vector<128x128xi32>
    %mul3A_2831 = arith.muli %select_n3A_2825, %mul3A_2830 : vector<128x128xi32>
    %add3A_2832 = arith.addi %mul3A_2831, %iota3A_2255 : vector<128x128xi32>
    %eq3A_2833 = vector.broadcast %broadcast_in_dim3A_2828 : vector<128x1xf32> to vector<128x128xf32>
    %eq3A_2834 = arith.cmpf oeq, %select_n3A_2822, %eq3A_2833 : vector<128x128xf32>
    %jit3A_2835 = arith.constant 1073741824 : i32
    %broadcast_in_dim3A_2836 = vector.broadcast %jit3A_2835 : i32 to vector<128x128xi32>
    %select_n3A_2837 = arith.select %eq3A_2834, %add3A_2832, %broadcast_in_dim3A_2836 : vector<128x128xi1>, vector<128x128xi32>
    %reduce_min3A_2838 = arith.constant dense<2147483647> : vector<128xi32>
    %reduce_min3A_2839 = vector.multi_reduction <minsi>, %select_n3A_2837, %reduce_min3A_2838 [1] : vector<128x128xi32> to vector<128xi32>
    %broadcast_in_dim3A_2840 = vector.shape_cast %reduce_min3A_2839 : vector<128xi32> to vector<128x1xi32>
    %add3A_2841 = arith.constant 9.99999996E-13 : f32
    %add3A_2842 = vector.broadcast %add3A_2841 : f32 to vector<128x1xf32>
    %add3A_2843 = arith.addf %broadcast_in_dim3A_2358, %add3A_2842 : vector<128x1xf32>
    %sqrt3A_2844 = math.sqrt %add3A_2843 : vector<128x1xf32>
    %add3A_2845 = arith.constant 9.99999996E-13 : f32
    %add3A_2846 = vector.broadcast %add3A_2845 : f32 to vector<128x1xf32>
    %add3A_2847 = arith.addf %broadcast_in_dim3A_2569, %add3A_2846 : vector<128x1xf32>
    %sqrt3A_2848 = math.sqrt %add3A_2847 : vector<128x1xf32>
    %add3A_2849 = arith.constant 9.99999996E-13 : f32
    %add3A_2850 = vector.broadcast %add3A_2849 : f32 to vector<128x1xf32>
    %add3A_2851 = arith.addf %broadcast_in_dim3A_2828, %add3A_2850 : vector<128x1xf32>
    %sqrt3A_2852 = math.sqrt %add3A_2851 : vector<128x1xf32>
    %add3A_2853 = arith.constant 9.99999993E-9 : f32
    %add3A_2854 = vector.broadcast %add3A_2853 : f32 to vector<128x1xf32>
    %add3A_2855 = arith.addf %sqrt3A_2844, %add3A_2854 : vector<128x1xf32>
    %div3A_2856 = arith.constant 1.000000e+00 : f32
    %div3A_2857 = vector.broadcast %div3A_2856 : f32 to vector<128x1xf32>
    %div3A_2858 = arith.divf %div3A_2857, %add3A_2855 : vector<128x1xf32>
    %add3A_2859 = arith.constant 9.99999993E-9 : f32
    %add3A_2860 = vector.broadcast %add3A_2859 : f32 to vector<128x1xf32>
    %add3A_2861 = arith.addf %sqrt3A_2848, %add3A_2860 : vector<128x1xf32>
    %div3A_2862 = arith.constant 1.000000e+00 : f32
    %div3A_2863 = vector.broadcast %div3A_2862 : f32 to vector<128x1xf32>
    %div3A_2864 = arith.divf %div3A_2863, %add3A_2861 : vector<128x1xf32>
    %add3A_2865 = arith.constant 9.99999993E-9 : f32
    %add3A_2866 = vector.broadcast %add3A_2865 : f32 to vector<128x1xf32>
    %add3A_2867 = arith.addf %sqrt3A_2852, %add3A_2866 : vector<128x1xf32>
    %div3A_2868 = arith.constant 1.000000e+00 : f32
    %div3A_2869 = vector.broadcast %div3A_2868 : f32 to vector<128x1xf32>
    %div3A_2870 = arith.divf %div3A_2869, %add3A_2867 : vector<128x1xf32>
    %add3A_2871 = arith.addf %div3A_2858, %div3A_2864 : vector<128x1xf32>
    %add3A_2872 = arith.addf %add3A_2871, %div3A_2870 : vector<128x1xf32>
    %concatenate3A_2873 = tpu.concatenate %broadcast_in_dim3A_2370, %broadcast_in_dim3A_2581, %broadcast_in_dim3A_2840 in 1 : vector<128x1xi32>, vector<128x1xi32>, vector<128x1xi32> -> vector<128x3xi32>
    %swap3A_2874 = arith.constant 0 : index
    %swap3A_2875 = arith.constant 0 : index
    %swap3A_2876 = vector.load %arg9[%swap3A_2874, %swap3A_2875] : memref<128x3xi32, #tpu.memory_space<vmem>>, vector<128x3xi32>
    tpu.vector_store %arg9[%swap3A_2874, %swap3A_2875], %concatenate3A_2873 {strides = array<i32>} : memref<128x3xi32, #tpu.memory_space<vmem>>, vector<128x3xi32>,
    %div3A_2877 = arith.divf %div3A_2858, %add3A_2872 : vector<128x1xf32>
    %swap3A_2878 = arith.constant 0 : index
    %swap3A_2879 = arith.constant 0 : index
    %swap3A_2880 = vector.load %arg10[%swap3A_2878, %swap3A_2879] : memref<128x1xf32, #tpu.memory_space<vmem>>, vector<128x1xf32>
    tpu.vector_store %arg10[%swap3A_2878, %swap3A_2879], %div3A_2877 {strides = array<i32>} : memref<128x1xf32, #tpu.memory_space<vmem>>, vector<128x1xf32>,
    %div3A_2881 = arith.divf %div3A_2864, %add3A_2872 : vector<128x1xf32>
    %swap3A_2882 = arith.constant 0 : index
    %swap3A_2883 = arith.constant 0 : index
    %swap3A_2884 = vector.load %arg11[%swap3A_2882, %swap3A_2883] : memref<128x1xf32, #tpu.memory_space<vmem>>, vector<128x1xf32>
    tpu.vector_store %arg11[%swap3A_2882, %swap3A_2883], %div3A_2881 {strides = array<i32>} : memref<128x1xf32, #tpu.memory_space<vmem>>, vector<128x1xf32>,
    %div3A_2885 = arith.divf %div3A_2870, %add3A_2872 : vector<128x1xf32>
    %swap3A_2886 = arith.constant 0 : index
    %swap3A_2887 = arith.constant 0 : index
    %swap3A_2888 = vector.load %arg12[%swap3A_2886, %swap3A_2887] : memref<128x1xf32, #tpu.memory_space<vmem>>, vector<128x1xf32>
    tpu.vector_store %arg12[%swap3A_2886, %swap3A_2887], %div3A_2885 {strides = array<i32>} : memref<128x1xf32, #tpu.memory_space<vmem>>, vector<128x1xf32>,
    %slice3A_2889 = vector.extract_strided_slice %get3A_1 {offsets = [0, 0], sizes = [128, 1], strides = [1, 1]} : vector<128x3xf32> to vector<128x1xf32>
    %slice3A_2890 = vector.extract_strided_slice %get3A_1 {offsets = [0, 1], sizes = [128, 1], strides = [1, 1]} : vector<128x3xf32> to vector<128x1xf32>
    %slice3A_2891 = vector.extract_strided_slice %get3A_1 {offsets = [0, 2], sizes = [128, 1], strides = [1, 1]} : vector<128x3xf32> to vector<128x1xf32>
    %get3A_2892 = arith.constant 0 : index
    %get3A_2893 = arith.constant 0 : index
    %get3A_2894 = vector.load %arg4[%get3A_2892, %get3A_2893] : memref<8x512xf32, #tpu.memory_space<vmem>>, vector<1x512xf32>
    %get3A_2895 = arith.constant 1 : index
    %get3A_2896 = arith.constant 0 : index
    %get3A_2897 = vector.load %arg4[%get3A_2895, %get3A_2896] : memref<8x512xf32, #tpu.memory_space<vmem>>, vector<1x512xf32>
    %get3A_2898 = arith.constant 2 : index
    %get3A_2899 = arith.constant 0 : index
    %get3A_2900 = vector.load %arg4[%get3A_2898, %get3A_2899] : memref<8x512xf32, #tpu.memory_space<vmem>>, vector<1x512xf32>
    %sub3A_2901 = vector.broadcast %slice3A_2889 : vector<128x1xf32> to vector<128x512xf32>
    %sub3A_2902 = vector.broadcast %get3A_2894 : vector<1x512xf32> to vector<128x512xf32>
    %sub3A_2903 = arith.subf %sub3A_2901, %sub3A_2902 : vector<128x512xf32>
    %sub3A_2904 = vector.broadcast %slice3A_2890 : vector<128x1xf32> to vector<128x512xf32>
    %sub3A_2905 = vector.broadcast %get3A_2897 : vector<1x512xf32> to vector<128x512xf32>
    %sub3A_2906 = arith.subf %sub3A_2904, %sub3A_2905 : vector<128x512xf32>
    %sub3A_2907 = vector.broadcast %slice3A_2891 : vector<128x1xf32> to vector<128x512xf32>
    %sub3A_2908 = vector.broadcast %get3A_2900 : vector<1x512xf32> to vector<128x512xf32>
    %sub3A_2909 = arith.subf %sub3A_2907, %sub3A_2908 : vector<128x512xf32>
    %mul3A_2910 = arith.mulf %sub3A_2903, %sub3A_2903 : vector<128x512xf32>
    %mul3A_2911 = arith.mulf %sub3A_2906, %sub3A_2906 : vector<128x512xf32>
    %add3A_2912 = arith.addf %mul3A_2910, %mul3A_2911 : vector<128x512xf32>
    %mul3A_2913 = arith.mulf %sub3A_2909, %sub3A_2909 : vector<128x512xf32>
    %add3A_2914 = arith.addf %add3A_2912, %mul3A_2913 : vector<128x512xf32>
    %iota3A_2915 = tpu.iota {dimensions = array<i32: 1>} : vector<128x128xi32>
    %broadcast_in_dim3A_2916 = arith.constant 0x7F800000 : f32
    %broadcast_in_dim3A_2917 = vector.broadcast %broadcast_in_dim3A_2916 : f32 to vector<128x128xf32>
    %broadcast_in_dim3A_2918 = arith.constant 0 : i32
    %broadcast_in_dim3A_2919 = vector.broadcast %broadcast_in_dim3A_2918 : i32 to vector<128x128xi32>
    %slice3A_2920 = vector.extract_strided_slice %add3A_2914 {offsets = [0, 0], sizes = [128, 128], strides = [1, 1]} : vector<128x512xf32> to vector<128x128xf32>
    %lt3A_2921 = arith.cmpf olt, %slice3A_2920, %broadcast_in_dim3A_2917 : vector<128x128xf32>
    %select_n3A_2922 = arith.select %lt3A_2921, %slice3A_2920, %broadcast_in_dim3A_2917 : vector<128x128xi1>, vector<128x128xf32>
    %jit3A_2923 = arith.constant 0 : i32
    %broadcast_in_dim3A_2924 = vector.broadcast %jit3A_2923 : i32 to vector<128x128xi32>
    %select_n3A_2925 = arith.select %lt3A_2921, %broadcast_in_dim3A_2924, %broadcast_in_dim3A_2919 : vector<128x128xi1>, vector<128x128xi32>
    %slice3A_2926 = vector.extract_strided_slice %add3A_2914 {offsets = [0, 128], sizes = [128, 128], strides = [1, 1]} : vector<128x512xf32> to vector<128x128xf32>
    %lt3A_2927 = arith.cmpf olt, %slice3A_2926, %select_n3A_2922 : vector<128x128xf32>
    %select_n3A_2928 = arith.select %lt3A_2927, %slice3A_2926, %select_n3A_2922 : vector<128x128xi1>, vector<128x128xf32>
    %jit3A_2929 = arith.constant 1 : i32
    %broadcast_in_dim3A_2930 = vector.broadcast %jit3A_2929 : i32 to vector<128x128xi32>
    %select_n3A_2931 = arith.select %lt3A_2927, %broadcast_in_dim3A_2930, %select_n3A_2925 : vector<128x128xi1>, vector<128x128xi32>
    %slice3A_2932 = vector.extract_strided_slice %add3A_2914 {offsets = [0, 256], sizes = [128, 128], strides = [1, 1]} : vector<128x512xf32> to vector<128x128xf32>
    %lt3A_2933 = arith.cmpf olt, %slice3A_2932, %select_n3A_2928 : vector<128x128xf32>
    %select_n3A_2934 = arith.select %lt3A_2933, %slice3A_2932, %select_n3A_2928 : vector<128x128xi1>, vector<128x128xf32>
    %jit3A_2935 = arith.constant 2 : i32
    %broadcast_in_dim3A_2936 = vector.broadcast %jit3A_2935 : i32 to vector<128x128xi32>
    %select_n3A_2937 = arith.select %lt3A_2933, %broadcast_in_dim3A_2936, %select_n3A_2931 : vector<128x128xi1>, vector<128x128xi32>
    %slice3A_2938 = vector.extract_strided_slice %add3A_2914 {offsets = [0, 384], sizes = [128, 128], strides = [1, 1]} : vector<128x512xf32> to vector<128x128xf32>
    %lt3A_2939 = arith.cmpf olt, %slice3A_2938, %select_n3A_2934 : vector<128x128xf32>
    %select_n3A_2940 = arith.select %lt3A_2939, %slice3A_2938, %select_n3A_2934 : vector<128x128xi1>, vector<128x128xf32>
    %jit3A_2941 = arith.constant 3 : i32
    %broadcast_in_dim3A_2942 = vector.broadcast %jit3A_2941 : i32 to vector<128x128xi32>
    %select_n3A_2943 = arith.select %lt3A_2939, %broadcast_in_dim3A_2942, %select_n3A_2937 : vector<128x128xi1>, vector<128x128xi32>
    %reduce_min3A_2944 = arith.constant dense<0x7F800000> : vector<128xf32>
    %reduce_min3A_2945 = vector.multi_reduction <minimumf>, %select_n3A_2940, %reduce_min3A_2944 [1] : vector<128x128xf32> to vector<128xf32>
    %broadcast_in_dim3A_2946 = vector.shape_cast %reduce_min3A_2945 : vector<128xf32> to vector<128x1xf32>
    %mul3A_2947 = arith.constant 128 : i32
    %mul3A_2948 = vector.broadcast %mul3A_2947 : i32 to vector<128x128xi32>
    %mul3A_2949 = arith.muli %select_n3A_2943, %mul3A_2948 : vector<128x128xi32>
    %add3A_2950 = arith.addi %mul3A_2949, %iota3A_2915 : vector<128x128xi32>
    %eq3A_2951 = vector.broadcast %broadcast_in_dim3A_2946 : vector<128x1xf32> to vector<128x128xf32>
    %eq3A_2952 = arith.cmpf oeq, %select_n3A_2940, %eq3A_2951 : vector<128x128xf32>
    %jit3A_2953 = arith.constant 1073741824 : i32
    %broadcast_in_dim3A_2954 = vector.broadcast %jit3A_2953 : i32 to vector<128x128xi32>
    %select_n3A_2955 = arith.select %eq3A_2952, %add3A_2950, %broadcast_in_dim3A_2954 : vector<128x128xi1>, vector<128x128xi32>
    %reduce_min3A_2956 = arith.constant dense<2147483647> : vector<128xi32>
    %reduce_min3A_2957 = vector.multi_reduction <minsi>, %select_n3A_2955, %reduce_min3A_2956 [1] : vector<128x128xi32> to vector<128xi32>
    %broadcast_in_dim3A_2958 = vector.shape_cast %reduce_min3A_2957 : vector<128xi32> to vector<128x1xi32>
    %broadcast_in_dim3A_2959 = arith.constant 0x7F800000 : f32
    %broadcast_in_dim3A_2960 = vector.broadcast %broadcast_in_dim3A_2959 : f32 to vector<128x128xf32>
    %broadcast_in_dim3A_2961 = arith.constant 0 : i32
    %broadcast_in_dim3A_2962 = vector.broadcast %broadcast_in_dim3A_2961 : i32 to vector<128x128xi32>
    %slice3A_2963 = vector.extract_strided_slice %add3A_2914 {offsets = [0, 0], sizes = [128, 128], strides = [1, 1]} : vector<128x512xf32> to vector<128x128xf32>
    %lt3A_2964 = arith.cmpf olt, %slice3A_2963, %broadcast_in_dim3A_2960 : vector<128x128xf32>
    %add3A_2965 = arith.constant 0 : i32
    %add3A_2966 = vector.broadcast %add3A_2965 : i32 to vector<128x128xi32>
    %add3A_2967 = arith.addi %iota3A_2915, %add3A_2966 : vector<128x128xi32>
    %ne3A_2968 = vector.broadcast %broadcast_in_dim3A_2958 : vector<128x1xi32> to vector<128x128xi32>
    %ne3A_2969 = arith.cmpi ne, %add3A_2967, %ne3A_2968 : vector<128x128xi32>
    %and3A_2970 = arith.andi %lt3A_2964, %ne3A_2969 : vector<128x128xi1>
    %select_n3A_2971 = arith.select %and3A_2970, %slice3A_2963, %broadcast_in_dim3A_2960 : vector<128x128xi1>, vector<128x128xf32>
    %jit3A_2972 = arith.constant 0 : i32
    %broadcast_in_dim3A_2973 = vector.broadcast %jit3A_2972 : i32 to vector<128x128xi32>
    %select_n3A_2974 = arith.select %and3A_2970, %broadcast_in_dim3A_2973, %broadcast_in_dim3A_2962 : vector<128x128xi1>, vector<128x128xi32>
    %slice3A_2975 = vector.extract_strided_slice %add3A_2914 {offsets = [0, 128], sizes = [128, 128], strides = [1, 1]} : vector<128x512xf32> to vector<128x128xf32>
    %lt3A_2976 = arith.cmpf olt, %slice3A_2975, %select_n3A_2971 : vector<128x128xf32>
    %add3A_2977 = arith.constant 128 : i32
    %add3A_2978 = vector.broadcast %add3A_2977 : i32 to vector<128x128xi32>
    %add3A_2979 = arith.addi %iota3A_2915, %add3A_2978 : vector<128x128xi32>
    %ne3A_2980 = vector.broadcast %broadcast_in_dim3A_2958 : vector<128x1xi32> to vector<128x128xi32>
    %ne3A_2981 = arith.cmpi ne, %add3A_2979, %ne3A_2980 : vector<128x128xi32>
    %and3A_2982 = arith.andi %lt3A_2976, %ne3A_2981 : vector<128x128xi1>
    %select_n3A_2983 = arith.select %and3A_2982, %slice3A_2975, %select_n3A_2971 : vector<128x128xi1>, vector<128x128xf32>
    %jit3A_2984 = arith.constant 1 : i32
    %broadcast_in_dim3A_2985 = vector.broadcast %jit3A_2984 : i32 to vector<128x128xi32>
    %select_n3A_2986 = arith.select %and3A_2982, %broadcast_in_dim3A_2985, %select_n3A_2974 : vector<128x128xi1>, vector<128x128xi32>
    %slice3A_2987 = vector.extract_strided_slice %add3A_2914 {offsets = [0, 256], sizes = [128, 128], strides = [1, 1]} : vector<128x512xf32> to vector<128x128xf32>
    %lt3A_2988 = arith.cmpf olt, %slice3A_2987, %select_n3A_2983 : vector<128x128xf32>
    %add3A_2989 = arith.constant 256 : i32
    %add3A_2990 = vector.broadcast %add3A_2989 : i32 to vector<128x128xi32>
    %add3A_2991 = arith.addi %iota3A_2915, %add3A_2990 : vector<128x128xi32>
    %ne3A_2992 = vector.broadcast %broadcast_in_dim3A_2958 : vector<128x1xi32> to vector<128x128xi32>
    %ne3A_2993 = arith.cmpi ne, %add3A_2991, %ne3A_2992 : vector<128x128xi32>
    %and3A_2994 = arith.andi %lt3A_2988, %ne3A_2993 : vector<128x128xi1>
    %select_n3A_2995 = arith.select %and3A_2994, %slice3A_2987, %select_n3A_2983 : vector<128x128xi1>, vector<128x128xf32>
    %jit3A_2996 = arith.constant 2 : i32
    %broadcast_in_dim3A_2997 = vector.broadcast %jit3A_2996 : i32 to vector<128x128xi32>
    %select_n3A_2998 = arith.select %and3A_2994, %broadcast_in_dim3A_2997, %select_n3A_2986 : vector<128x128xi1>, vector<128x128xi32>
    %slice3A_2999 = vector.extract_strided_slice %add3A_2914 {offsets = [0, 384], sizes = [128, 128], strides = [1, 1]} : vector<128x512xf32> to vector<128x128xf32>
    %lt3A_3000 = arith.cmpf olt, %slice3A_2999, %select_n3A_2995 : vector<128x128xf32>
    %add3A_3001 = arith.constant 384 : i32
    %add3A_3002 = vector.broadcast %add3A_3001 : i32 to vector<128x128xi32>
    %add3A_3003 = arith.addi %iota3A_2915, %add3A_3002 : vector<128x128xi32>
    %ne3A_3004 = vector.broadcast %broadcast_in_dim3A_2958 : vector<128x1xi32> to vector<128x128xi32>
    %ne3A_3005 = arith.cmpi ne, %add3A_3003, %ne3A_3004 : vector<128x128xi32>
    %and3A_3006 = arith.andi %lt3A_3000, %ne3A_3005 : vector<128x128xi1>
    %select_n3A_3007 = arith.select %and3A_3006, %slice3A_2999, %select_n3A_2995 : vector<128x128xi1>, vector<128x128xf32>
    %jit3A_3008 = arith.constant 3 : i32
    %broadcast_in_dim3A_3009 = vector.broadcast %jit3A_3008 : i32 to vector<128x128xi32>
    %select_n3A_3010 = arith.select %and3A_3006, %broadcast_in_dim3A_3009, %select_n3A_2998 : vector<128x128xi1>, vector<128x128xi32>
    %reduce_min3A_3011 = arith.constant dense<0x7F800000> : vector<128xf32>
    %reduce_min3A_3012 = vector.multi_reduction <minimumf>, %select_n3A_3007, %reduce_min3A_3011 [1] : vector<128x128xf32> to vector<128xf32>
    %broadcast_in_dim3A_3013 = vector.shape_cast %reduce_min3A_3012 : vector<128xf32> to vector<128x1xf32>
    %mul3A_3014 = arith.constant 128 : i32
    %mul3A_3015 = vector.broadcast %mul3A_3014 : i32 to vector<128x128xi32>
    %mul3A_3016 = arith.muli %select_n3A_3010, %mul3A_3015 : vector<128x128xi32>
    %add3A_3017 = arith.addi %mul3A_3016, %iota3A_2915 : vector<128x128xi32>
    %eq3A_3018 = vector.broadcast %broadcast_in_dim3A_3013 : vector<128x1xf32> to vector<128x128xf32>
    %eq3A_3019 = arith.cmpf oeq, %select_n3A_3007, %eq3A_3018 : vector<128x128xf32>
    %jit3A_3020 = arith.constant 1073741824 : i32
    %broadcast_in_dim3A_3021 = vector.broadcast %jit3A_3020 : i32 to vector<128x128xi32>
    %select_n3A_3022 = arith.select %eq3A_3019, %add3A_3017, %broadcast_in_dim3A_3021 : vector<128x128xi1>, vector<128x128xi32>
    %reduce_min3A_3023 = arith.constant dense<2147483647> : vector<128xi32>
    %reduce_min3A_3024 = vector.multi_reduction <minsi>, %select_n3A_3022, %reduce_min3A_3023 [1] : vector<128x128xi32> to vector<128xi32>
    %broadcast_in_dim3A_3025 = vector.shape_cast %reduce_min3A_3024 : vector<128xi32> to vector<128x1xi32>
    %broadcast_in_dim3A_3026 = arith.constant 0x7F800000 : f32
    %broadcast_in_dim3A_3027 = vector.broadcast %broadcast_in_dim3A_3026 : f32 to vector<128x128xf32>
    %broadcast_in_dim3A_3028 = arith.constant 0 : i32
    %broadcast_in_dim3A_3029 = vector.broadcast %broadcast_in_dim3A_3028 : i32 to vector<128x128xi32>
    %slice3A_3030 = vector.extract_strided_slice %add3A_2914 {offsets = [0, 0], sizes = [128, 128], strides = [1, 1]} : vector<128x512xf32> to vector<128x128xf32>
    %lt3A_3031 = arith.cmpf olt, %slice3A_3030, %broadcast_in_dim3A_3027 : vector<128x128xf32>
    %add3A_3032 = arith.constant 0 : i32
    %add3A_3033 = vector.broadcast %add3A_3032 : i32 to vector<128x128xi32>
    %add3A_3034 = arith.addi %iota3A_2915, %add3A_3033 : vector<128x128xi32>
    %ne3A_3035 = vector.broadcast %broadcast_in_dim3A_2958 : vector<128x1xi32> to vector<128x128xi32>
    %ne3A_3036 = arith.cmpi ne, %add3A_3034, %ne3A_3035 : vector<128x128xi32>
    %and3A_3037 = arith.andi %lt3A_3031, %ne3A_3036 : vector<128x128xi1>
    %ne3A_3038 = vector.broadcast %broadcast_in_dim3A_3025 : vector<128x1xi32> to vector<128x128xi32>
    %ne3A_3039 = arith.cmpi ne, %add3A_3034, %ne3A_3038 : vector<128x128xi32>
    %and3A_3040 = arith.andi %and3A_3037, %ne3A_3039 : vector<128x128xi1>
    %select_n3A_3041 = arith.select %and3A_3040, %slice3A_3030, %broadcast_in_dim3A_3027 : vector<128x128xi1>, vector<128x128xf32>
    %jit3A_3042 = arith.constant 0 : i32
    %broadcast_in_dim3A_3043 = vector.broadcast %jit3A_3042 : i32 to vector<128x128xi32>
    %select_n3A_3044 = arith.select %and3A_3040, %broadcast_in_dim3A_3043, %broadcast_in_dim3A_3029 : vector<128x128xi1>, vector<128x128xi32>
    %slice3A_3045 = vector.extract_strided_slice %add3A_2914 {offsets = [0, 128], sizes = [128, 128], strides = [1, 1]} : vector<128x512xf32> to vector<128x128xf32>
    %lt3A_3046 = arith.cmpf olt, %slice3A_3045, %select_n3A_3041 : vector<128x128xf32>
    %add3A_3047 = arith.constant 128 : i32
    %add3A_3048 = vector.broadcast %add3A_3047 : i32 to vector<128x128xi32>
    %add3A_3049 = arith.addi %iota3A_2915, %add3A_3048 : vector<128x128xi32>
    %ne3A_3050 = vector.broadcast %broadcast_in_dim3A_2958 : vector<128x1xi32> to vector<128x128xi32>
    %ne3A_3051 = arith.cmpi ne, %add3A_3049, %ne3A_3050 : vector<128x128xi32>
    %and3A_3052 = arith.andi %lt3A_3046, %ne3A_3051 : vector<128x128xi1>
    %ne3A_3053 = vector.broadcast %broadcast_in_dim3A_3025 : vector<128x1xi32> to vector<128x128xi32>
    %ne3A_3054 = arith.cmpi ne, %add3A_3049, %ne3A_3053 : vector<128x128xi32>
    %and3A_3055 = arith.andi %and3A_3052, %ne3A_3054 : vector<128x128xi1>
    %select_n3A_3056 = arith.select %and3A_3055, %slice3A_3045, %select_n3A_3041 : vector<128x128xi1>, vector<128x128xf32>
    %jit3A_3057 = arith.constant 1 : i32
    %broadcast_in_dim3A_3058 = vector.broadcast %jit3A_3057 : i32 to vector<128x128xi32>
    %select_n3A_3059 = arith.select %and3A_3055, %broadcast_in_dim3A_3058, %select_n3A_3044 : vector<128x128xi1>, vector<128x128xi32>
    %slice3A_3060 = vector.extract_strided_slice %add3A_2914 {offsets = [0, 256], sizes = [128, 128], strides = [1, 1]} : vector<128x512xf32> to vector<128x128xf32>
    %lt3A_3061 = arith.cmpf olt, %slice3A_3060, %select_n3A_3056 : vector<128x128xf32>
    %add3A_3062 = arith.constant 256 : i32
    %add3A_3063 = vector.broadcast %add3A_3062 : i32 to vector<128x128xi32>
    %add3A_3064 = arith.addi %iota3A_2915, %add3A_3063 : vector<128x128xi32>
    %ne3A_3065 = vector.broadcast %broadcast_in_dim3A_2958 : vector<128x1xi32> to vector<128x128xi32>
    %ne3A_3066 = arith.cmpi ne, %add3A_3064, %ne3A_3065 : vector<128x128xi32>
    %and3A_3067 = arith.andi %lt3A_3061, %ne3A_3066 : vector<128x128xi1>
    %ne3A_3068 = vector.broadcast %broadcast_in_dim3A_3025 : vector<128x1xi32> to vector<128x128xi32>
    %ne3A_3069 = arith.cmpi ne, %add3A_3064, %ne3A_3068 : vector<128x128xi32>
    %and3A_3070 = arith.andi %and3A_3067, %ne3A_3069 : vector<128x128xi1>
    %select_n3A_3071 = arith.select %and3A_3070, %slice3A_3060, %select_n3A_3056 : vector<128x128xi1>, vector<128x128xf32>
    %jit3A_3072 = arith.constant 2 : i32
    %broadcast_in_dim3A_3073 = vector.broadcast %jit3A_3072 : i32 to vector<128x128xi32>
    %select_n3A_3074 = arith.select %and3A_3070, %broadcast_in_dim3A_3073, %select_n3A_3059 : vector<128x128xi1>, vector<128x128xi32>
    %slice3A_3075 = vector.extract_strided_slice %add3A_2914 {offsets = [0, 384], sizes = [128, 128], strides = [1, 1]} : vector<128x512xf32> to vector<128x128xf32>
    %lt3A_3076 = arith.cmpf olt, %slice3A_3075, %select_n3A_3071 : vector<128x128xf32>
    %add3A_3077 = arith.constant 384 : i32
    %add3A_3078 = vector.broadcast %add3A_3077 : i32 to vector<128x128xi32>
    %add3A_3079 = arith.addi %iota3A_2915, %add3A_3078 : vector<128x128xi32>
    %ne3A_3080 = vector.broadcast %broadcast_in_dim3A_2958 : vector<128x1xi32> to vector<128x128xi32>
    %ne3A_3081 = arith.cmpi ne, %add3A_3079, %ne3A_3080 : vector<128x128xi32>
    %and3A_3082 = arith.andi %lt3A_3076, %ne3A_3081 : vector<128x128xi1>
    %ne3A_3083 = vector.broadcast %broadcast_in_dim3A_3025 : vector<128x1xi32> to vector<128x128xi32>
    %ne3A_3084 = arith.cmpi ne, %add3A_3079, %ne3A_3083 : vector<128x128xi32>
    %and3A_3085 = arith.andi %and3A_3082, %ne3A_3084 : vector<128x128xi1>
    %select_n3A_3086 = arith.select %and3A_3085, %slice3A_3075, %select_n3A_3071 : vector<128x128xi1>, vector<128x128xf32>
    %jit3A_3087 = arith.constant 3 : i32
    %broadcast_in_dim3A_3088 = vector.broadcast %jit3A_3087 : i32 to vector<128x128xi32>
    %select_n3A_3089 = arith.select %and3A_3085, %broadcast_in_dim3A_3088, %select_n3A_3074 : vector<128x128xi1>, vector<128x128xi32>
    %reduce_min3A_3090 = arith.constant dense<0x7F800000> : vector<128xf32>
    %reduce_min3A_3091 = vector.multi_reduction <minimumf>, %select_n3A_3086, %reduce_min3A_3090 [1] : vector<128x128xf32> to vector<128xf32>
    %broadcast_in_dim3A_3092 = vector.shape_cast %reduce_min3A_3091 : vector<128xf32> to vector<128x1xf32>
    %mul3A_3093 = arith.constant 128 : i32
    %mul3A_3094 = vector.broadcast %mul3A_3093 : i32 to vector<128x128xi32>
    %mul3A_3095 = arith.muli %select_n3A_3089, %mul3A_3094 : vector<128x128xi32>
    %add3A_3096 = arith.addi %mul3A_3095, %iota3A_2915 : vector<128x128xi32>
    %eq3A_3097 = vector.broadcast %broadcast_in_dim3A_3092 : vector<128x1xf32> to vector<128x128xf32>
    %eq3A_3098 = arith.cmpf oeq, %select_n3A_3086, %eq3A_3097 : vector<128x128xf32>
    %jit3A_3099 = arith.constant 1073741824 : i32
    %broadcast_in_dim3A_3100 = vector.broadcast %jit3A_3099 : i32 to vector<128x128xi32>
    %select_n3A_3101 = arith.select %eq3A_3098, %add3A_3096, %broadcast_in_dim3A_3100 : vector<128x128xi1>, vector<128x128xi32>
    %reduce_min3A_3102 = arith.constant dense<2147483647> : vector<128xi32>
    %reduce_min3A_3103 = vector.multi_reduction <minsi>, %select_n3A_3101, %reduce_min3A_3102 [1] : vector<128x128xi32> to vector<128xi32>
    %broadcast_in_dim3A_3104 = vector.shape_cast %reduce_min3A_3103 : vector<128xi32> to vector<128x1xi32>
    %add3A_3105 = arith.constant 9.99999996E-13 : f32
    %add3A_3106 = vector.broadcast %add3A_3105 : f32 to vector<128x1xf32>
    %add3A_3107 = arith.addf %broadcast_in_dim3A_2946, %add3A_3106 : vector<128x1xf32>
    %sqrt3A_3108 = math.sqrt %add3A_3107 : vector<128x1xf32>
    %add3A_3109 = arith.constant 9.99999996E-13 : f32
    %add3A_3110 = vector.broadcast %add3A_3109 : f32 to vector<128x1xf32>
    %add3A_3111 = arith.addf %broadcast_in_dim3A_3013, %add3A_3110 : vector<128x1xf32>
    %sqrt3A_3112 = math.sqrt %add3A_3111 : vector<128x1xf32>
    %add3A_3113 = arith.constant 9.99999996E-13 : f32
    %add3A_3114 = vector.broadcast %add3A_3113 : f32 to vector<128x1xf32>
    %add3A_3115 = arith.addf %broadcast_in_dim3A_3092, %add3A_3114 : vector<128x1xf32>
    %sqrt3A_3116 = math.sqrt %add3A_3115 : vector<128x1xf32>
    %add3A_3117 = arith.constant 9.99999993E-9 : f32
    %add3A_3118 = vector.broadcast %add3A_3117 : f32 to vector<128x1xf32>
    %add3A_3119 = arith.addf %sqrt3A_3108, %add3A_3118 : vector<128x1xf32>
    %div3A_3120 = arith.constant 1.000000e+00 : f32
    %div3A_3121 = vector.broadcast %div3A_3120 : f32 to vector<128x1xf32>
    %div3A_3122 = arith.divf %div3A_3121, %add3A_3119 : vector<128x1xf32>
    %add3A_3123 = arith.constant 9.99999993E-9 : f32
    %add3A_3124 = vector.broadcast %add3A_3123 : f32 to vector<128x1xf32>
    %add3A_3125 = arith.addf %sqrt3A_3112, %add3A_3124 : vector<128x1xf32>
    %div3A_3126 = arith.constant 1.000000e+00 : f32
    %div3A_3127 = vector.broadcast %div3A_3126 : f32 to vector<128x1xf32>
    %div3A_3128 = arith.divf %div3A_3127, %add3A_3125 : vector<128x1xf32>
    %add3A_3129 = arith.constant 9.99999993E-9 : f32
    %add3A_3130 = vector.broadcast %add3A_3129 : f32 to vector<128x1xf32>
    %add3A_3131 = arith.addf %sqrt3A_3116, %add3A_3130 : vector<128x1xf32>
    %div3A_3132 = arith.constant 1.000000e+00 : f32
    %div3A_3133 = vector.broadcast %div3A_3132 : f32 to vector<128x1xf32>
    %div3A_3134 = arith.divf %div3A_3133, %add3A_3131 : vector<128x1xf32>
    %add3A_3135 = arith.addf %div3A_3122, %div3A_3128 : vector<128x1xf32>
    %add3A_3136 = arith.addf %add3A_3135, %div3A_3134 : vector<128x1xf32>
    %concatenate3A_3137 = tpu.concatenate %broadcast_in_dim3A_2958, %broadcast_in_dim3A_3025, %broadcast_in_dim3A_3104 in 1 : vector<128x1xi32>, vector<128x1xi32>, vector<128x1xi32> -> vector<128x3xi32>
    %swap3A_3138 = arith.constant 0 : index
    %swap3A_3139 = arith.constant 0 : index
    %swap3A_3140 = vector.load %arg13[%swap3A_3138, %swap3A_3139] : memref<128x3xi32, #tpu.memory_space<vmem>>, vector<128x3xi32>
    tpu.vector_store %arg13[%swap3A_3138, %swap3A_3139], %concatenate3A_3137 {strides = array<i32>} : memref<128x3xi32, #tpu.memory_space<vmem>>, vector<128x3xi32>,
    %div3A_3141 = arith.divf %div3A_3122, %add3A_3136 : vector<128x1xf32>
    %swap3A_3142 = arith.constant 0 : index
    %swap3A_3143 = arith.constant 0 : index
    %swap3A_3144 = vector.load %arg14[%swap3A_3142, %swap3A_3143] : memref<128x1xf32, #tpu.memory_space<vmem>>, vector<128x1xf32>
    tpu.vector_store %arg14[%swap3A_3142, %swap3A_3143], %div3A_3141 {strides = array<i32>} : memref<128x1xf32, #tpu.memory_space<vmem>>, vector<128x1xf32>,
    %div3A_3145 = arith.divf %div3A_3128, %add3A_3136 : vector<128x1xf32>
    %swap3A_3146 = arith.constant 0 : index
    %swap3A_3147 = arith.constant 0 : index
    %swap3A_3148 = vector.load %arg15[%swap3A_3146, %swap3A_3147] : memref<128x1xf32, #tpu.memory_space<vmem>>, vector<128x1xf32>
    tpu.vector_store %arg15[%swap3A_3146, %swap3A_3147], %div3A_3145 {strides = array<i32>} : memref<128x1xf32, #tpu.memory_space<vmem>>, vector<128x1xf32>,
    %div3A_3149 = arith.divf %div3A_3134, %add3A_3136 : vector<128x1xf32>
    %swap3A_3150 = arith.constant 0 : index
    %swap3A_3151 = arith.constant 0 : index
    %swap3A_3152 = vector.load %arg16[%swap3A_3150, %swap3A_3151] : memref<128x1xf32, #tpu.memory_space<vmem>>, vector<128x1xf32>
    tpu.vector_store %arg16[%swap3A_3150, %swap3A_3151], %div3A_3149 {strides = array<i32>} : memref<128x1xf32, #tpu.memory_space<vmem>>, vector<128x1xf32>,
    return
  }
  func.func @transform_0(%arg0: i32) -> (i32, i32) {
    %c0_i32 = arith.constant 0 : i32
    %c0_i32_0 = arith.constant 0 : i32
    return %arg0, %c0_i32 : i32, i32
  }
  func.func @transform_1(%arg0: i32) -> (i32, i32) {
    %c0_i32 = arith.constant 0 : i32
    %c0_i32_0 = arith.constant 0 : i32
    %c0_i32_1 = arith.constant 0 : i32
    return %c0_i32, %c0_i32_0 : i32, i32
  }
  func.func @transform_2(%arg0: i32) -> (i32, i32) {
    %c0_i32 = arith.constant 0 : i32
    %c0_i32_0 = arith.constant 0 : i32
    %c0_i32_1 = arith.constant 0 : i32
    return %c0_i32, %c0_i32_0 : i32, i32
  }
  func.func @transform_3(%arg0: i32) -> (i32, i32) {
    %c0_i32 = arith.constant 0 : i32
    %c0_i32_0 = arith.constant 0 : i32
    %c0_i32_1 = arith.constant 0 : i32
    return %c0_i32, %c0_i32_0 : i32, i32
  }
  func.func @transform_4(%arg0: i32) -> (i32, i32) {
    %c0_i32 = arith.constant 0 : i32
    %c0_i32_0 = arith.constant 0 : i32
    return %arg0, %c0_i32 : i32, i32
  }
  func.func @transform_5(%arg0: i32) -> (i32, i32) {
    %c0_i32 = arith.constant 0 : i32
    %c0_i32_0 = arith.constant 0 : i32
    return %arg0, %c0_i32 : i32, i32
  }
  func.func @transform_6(%arg0: i32) -> (i32, i32) {
    %c0_i32 = arith.constant 0 : i32
    %c0_i32_0 = arith.constant 0 : i32
    return %arg0, %c0_i32 : i32, i32
  }
  func.func @transform_7(%arg0: i32) -> (i32, i32) {
    %c0_i32 = arith.constant 0 : i32
    %c0_i32_0 = arith.constant 0 : i32
    return %arg0, %c0_i32 : i32, i32
  }
  func.func @transform_8(%arg0: i32) -> (i32, i32) {
    %c0_i32 = arith.constant 0 : i32
    %c0_i32_0 = arith.constant 0 : i32
    return %arg0, %c0_i32 : i32, i32
  }
  func.func @transform_9(%arg0: i32) -> (i32, i32) {
    %c0_i32 = arith.constant 0 : i32
    %c0_i32_0 = arith.constant 0 : i32
    return %arg0, %c0_i32 : i32, i32
  }
  func.func @transform_10(%arg0: i32) -> (i32, i32) {
    %c0_i32 = arith.constant 0 : i32
    %c0_i32_0 = arith.constant 0 : i32
    return %arg0, %c0_i32 : i32, i32
  }
  func.func @transform_11(%arg0: i32) -> (i32, i32) {
    %c0_i32 = arith.constant 0 : i32
    %c0_i32_0 = arith.constant 0 : i32
    return %arg0, %c0_i32 : i32, i32
  }
  func.func @transform_12(%arg0: i32) -> (i32, i32) {
    %c0_i32 = arith.constant 0 : i32
    %c0_i32_0 = arith.constant 0 : i32
    return %arg0, %c0_i32 : i32, i32
  }
  func.func @transform_13(%arg0: i32) -> (i32, i32) {
    %c0_i32 = arith.constant 0 : i32
    %c0_i32_0 = arith.constant 0 : i32
    return %arg0, %c0_i32 : i32, i32
  }
  func.func @transform_14(%arg0: i32) -> (i32, i32) {
    %c0_i32 = arith.constant 0 : i32
    %c0_i32_0 = arith.constant 0 : i32
    return %arg0, %c0_i32 : i32, i32
  }
  func.func @transform_15(%arg0: i32) -> (i32, i32) {
    %c0_i32 = arith.constant 0 : i32
    %c0_i32_0 = arith.constant 0 : i32
    return %arg0, %c0_i32 : i32, i32
  }
}

module attributes {stable_mosaic.version = 14 : i64} {
  func.func @_head_body(%arg0: i32, %arg1: memref<2048x96xf32, #tpu.memory_space<vmem>>, %arg2: memref<2048x96xf32, #tpu.memory_space<vmem>>, %arg3: memref<2048x96xf32, #tpu.memory_space<vmem>>, %arg4: memref<2048x1xf32, #tpu.memory_space<vmem>>, %arg5: memref<2048x1xf32, #tpu.memory_space<vmem>>, %arg6: memref<2048x1xf32, #tpu.memory_space<vmem>>, %arg7: memref<2048x1xf32, #tpu.memory_space<vmem>>, %arg8: memref<2048x1xf32, #tpu.memory_space<vmem>>, %arg9: memref<2048x1xf32, #tpu.memory_space<vmem>>, %arg10: memref<2048x1xf32, #tpu.memory_space<vmem>>, %arg11: memref<2048x1xf32, #tpu.memory_space<vmem>>, %arg12: memref<2048x1xf32, #tpu.memory_space<vmem>>, %arg13: memref<32x64xf32, #tpu.memory_space<vmem>>, %arg14: memref<32x64xf32, #tpu.memory_space<vmem>>, %arg15: memref<32x64xf32, #tpu.memory_space<vmem>>, %arg16: memref<64x1xf32, #tpu.memory_space<vmem>>, %arg17: memref<64x3xf32, #tpu.memory_space<vmem>>, %arg18: memref<2048x1xf32, #tpu.memory_space<vmem>>, %arg19: memref<2048x3xf32, #tpu.memory_space<vmem>>) attributes {dimension_semantics = [#tpu.dimension_semantics<arbitrary>], iteration_bounds = array<i64: 8>, scalar_prefetch = 0 : i64, scratch_operands = 0 : i64, tpu.core_type = #tpu.core_type<tc>, window_params = [{transform_indices = @transform_0, window_bounds = array<i64: 2048, 96>}, {transform_indices = @transform_1, window_bounds = array<i64: 2048, 96>}, {transform_indices = @transform_2, window_bounds = array<i64: 2048, 96>}, {transform_indices = @transform_3, window_bounds = array<i64: 2048, 1>}, {transform_indices = @transform_4, window_bounds = array<i64: 2048, 1>}, {transform_indices = @transform_5, window_bounds = array<i64: 2048, 1>}, {transform_indices = @transform_6, window_bounds = array<i64: 2048, 1>}, {transform_indices = @transform_7, window_bounds = array<i64: 2048, 1>}, {transform_indices = @transform_8, window_bounds = array<i64: 2048, 1>}, {transform_indices = @transform_9, window_bounds = array<i64: 2048, 1>}, {transform_indices = @transform_10, window_bounds = array<i64: 2048, 1>}, {transform_indices = @transform_11, window_bounds = array<i64: 2048, 1>}, {pipeline_mode = #tpu.pipeline_mode<synchronous>, transform_indices = @transform_12, window_bounds = array<i64: 32, 64>}, {pipeline_mode = #tpu.pipeline_mode<synchronous>, transform_indices = @transform_13, window_bounds = array<i64: 32, 64>}, {pipeline_mode = #tpu.pipeline_mode<synchronous>, transform_indices = @transform_14, window_bounds = array<i64: 32, 64>}, {pipeline_mode = #tpu.pipeline_mode<synchronous>, transform_indices = @transform_15, window_bounds = array<i64: 64, 1>}, {pipeline_mode = #tpu.pipeline_mode<synchronous>, transform_indices = @transform_16, window_bounds = array<i64: 64, 3>}, {transform_indices = @transform_17, window_bounds = array<i64: 2048, 1>}, {transform_indices = @transform_18, window_bounds = array<i64: 2048, 3>}]} {
    %get3A = arith.constant 0 : index
    %get3A_0 = arith.constant 0 : index
    %get3A_1 = vector.load %arg1[%get3A, %get3A_0] : memref<2048x96xf32, #tpu.memory_space<vmem>>, vector<2048x96xf32>
    %get3A_2 = arith.constant 0 : index
    %get3A_3 = arith.constant 0 : index
    %get3A_4 = vector.load %arg4[%get3A_2, %get3A_3] : memref<2048x1xf32, #tpu.memory_space<vmem>>, vector<2048x1xf32>
    %slice3A = vector.extract_strided_slice %get3A_1 {offsets = [0, 0], sizes = [2048, 32], strides = [1, 1]} : vector<2048x96xf32> to vector<2048x32xf32>
    %mul3A = vector.broadcast %get3A_4 : vector<2048x1xf32> to vector<2048x32xf32>
    %mul3A_5 = arith.mulf %mul3A, %slice3A : vector<2048x32xf32>
    %get3A_6 = arith.constant 0 : index
    %get3A_7 = arith.constant 0 : index
    %get3A_8 = vector.load %arg5[%get3A_6, %get3A_7] : memref<2048x1xf32, #tpu.memory_space<vmem>>, vector<2048x1xf32>
    %slice3A_9 = vector.extract_strided_slice %get3A_1 {offsets = [0, 32], sizes = [2048, 32], strides = [1, 1]} : vector<2048x96xf32> to vector<2048x32xf32>
    %mul3A_10 = vector.broadcast %get3A_8 : vector<2048x1xf32> to vector<2048x32xf32>
    %mul3A_11 = arith.mulf %mul3A_10, %slice3A_9 : vector<2048x32xf32>
    %add3A = arith.addf %mul3A_5, %mul3A_11 : vector<2048x32xf32>
    %get3A_12 = arith.constant 0 : index
    %get3A_13 = arith.constant 0 : index
    %get3A_14 = vector.load %arg6[%get3A_12, %get3A_13] : memref<2048x1xf32, #tpu.memory_space<vmem>>, vector<2048x1xf32>
    %slice3A_15 = vector.extract_strided_slice %get3A_1 {offsets = [0, 64], sizes = [2048, 32], strides = [1, 1]} : vector<2048x96xf32> to vector<2048x32xf32>
    %mul3A_16 = vector.broadcast %get3A_14 : vector<2048x1xf32> to vector<2048x32xf32>
    %mul3A_17 = arith.mulf %mul3A_16, %slice3A_15 : vector<2048x32xf32>
    %add3A_18 = arith.addf %add3A, %mul3A_17 : vector<2048x32xf32>
    %get3A_19 = arith.constant 0 : index
    %get3A_20 = arith.constant 0 : index
    %get3A_21 = vector.load %arg13[%get3A_19, %get3A_20] : memref<32x64xf32, #tpu.memory_space<vmem>>, vector<32x64xf32>
    %dot_general3A = arith.constant dense<0.000000e+00> : vector<2048x64xf32>
    %dot_general3A_22 = tpu.matmul %add3A_18, %get3A_21, %dot_general3A {dimension_numbers = #tpu.dot_dimension_numbers<[1], [0], [0], [1], [0, 0, 1, 1], [], []>, precision = #tpu.contract_precision<fp32>, transpose_lhs_hint = false} : vector<2048x32xf32>, vector<32x64xf32>, vector<2048x64xf32> -> vector<2048x64xf32>
    %get3A_23 = arith.constant 0 : index
    %get3A_24 = arith.constant 0 : index
    %get3A_25 = vector.load %arg2[%get3A_23, %get3A_24] : memref<2048x96xf32, #tpu.memory_space<vmem>>, vector<2048x96xf32>
    %get3A_26 = arith.constant 0 : index
    %get3A_27 = arith.constant 0 : index
    %get3A_28 = vector.load %arg7[%get3A_26, %get3A_27] : memref<2048x1xf32, #tpu.memory_space<vmem>>, vector<2048x1xf32>
    %slice3A_29 = vector.extract_strided_slice %get3A_25 {offsets = [0, 0], sizes = [2048, 32], strides = [1, 1]} : vector<2048x96xf32> to vector<2048x32xf32>
    %mul3A_30 = vector.broadcast %get3A_28 : vector<2048x1xf32> to vector<2048x32xf32>
    %mul3A_31 = arith.mulf %mul3A_30, %slice3A_29 : vector<2048x32xf32>
    %get3A_32 = arith.constant 0 : index
    %get3A_33 = arith.constant 0 : index
    %get3A_34 = vector.load %arg8[%get3A_32, %get3A_33] : memref<2048x1xf32, #tpu.memory_space<vmem>>, vector<2048x1xf32>
    %slice3A_35 = vector.extract_strided_slice %get3A_25 {offsets = [0, 32], sizes = [2048, 32], strides = [1, 1]} : vector<2048x96xf32> to vector<2048x32xf32>
    %mul3A_36 = vector.broadcast %get3A_34 : vector<2048x1xf32> to vector<2048x32xf32>
    %mul3A_37 = arith.mulf %mul3A_36, %slice3A_35 : vector<2048x32xf32>
    %add3A_38 = arith.addf %mul3A_31, %mul3A_37 : vector<2048x32xf32>
    %get3A_39 = arith.constant 0 : index
    %get3A_40 = arith.constant 0 : index
    %get3A_41 = vector.load %arg9[%get3A_39, %get3A_40] : memref<2048x1xf32, #tpu.memory_space<vmem>>, vector<2048x1xf32>
    %slice3A_42 = vector.extract_strided_slice %get3A_25 {offsets = [0, 64], sizes = [2048, 32], strides = [1, 1]} : vector<2048x96xf32> to vector<2048x32xf32>
    %mul3A_43 = vector.broadcast %get3A_41 : vector<2048x1xf32> to vector<2048x32xf32>
    %mul3A_44 = arith.mulf %mul3A_43, %slice3A_42 : vector<2048x32xf32>
    %add3A_45 = arith.addf %add3A_38, %mul3A_44 : vector<2048x32xf32>
    %get3A_46 = arith.constant 0 : index
    %get3A_47 = arith.constant 0 : index
    %get3A_48 = vector.load %arg14[%get3A_46, %get3A_47] : memref<32x64xf32, #tpu.memory_space<vmem>>, vector<32x64xf32>
    %dot_general3A_49 = arith.constant dense<0.000000e+00> : vector<2048x64xf32>
    %dot_general3A_50 = tpu.matmul %add3A_45, %get3A_48, %dot_general3A_49 {dimension_numbers = #tpu.dot_dimension_numbers<[1], [0], [0], [1], [0, 0, 1, 1], [], []>, precision = #tpu.contract_precision<fp32>, transpose_lhs_hint = false} : vector<2048x32xf32>, vector<32x64xf32>, vector<2048x64xf32> -> vector<2048x64xf32>
    %add3A_51 = arith.addf %dot_general3A_22, %dot_general3A_50 : vector<2048x64xf32>
    %get3A_52 = arith.constant 0 : index
    %get3A_53 = arith.constant 0 : index
    %get3A_54 = vector.load %arg3[%get3A_52, %get3A_53] : memref<2048x96xf32, #tpu.memory_space<vmem>>, vector<2048x96xf32>
    %get3A_55 = arith.constant 0 : index
    %get3A_56 = arith.constant 0 : index
    %get3A_57 = vector.load %arg10[%get3A_55, %get3A_56] : memref<2048x1xf32, #tpu.memory_space<vmem>>, vector<2048x1xf32>
    %slice3A_58 = vector.extract_strided_slice %get3A_54 {offsets = [0, 0], sizes = [2048, 32], strides = [1, 1]} : vector<2048x96xf32> to vector<2048x32xf32>
    %mul3A_59 = vector.broadcast %get3A_57 : vector<2048x1xf32> to vector<2048x32xf32>
    %mul3A_60 = arith.mulf %mul3A_59, %slice3A_58 : vector<2048x32xf32>
    %get3A_61 = arith.constant 0 : index
    %get3A_62 = arith.constant 0 : index
    %get3A_63 = vector.load %arg11[%get3A_61, %get3A_62] : memref<2048x1xf32, #tpu.memory_space<vmem>>, vector<2048x1xf32>
    %slice3A_64 = vector.extract_strided_slice %get3A_54 {offsets = [0, 32], sizes = [2048, 32], strides = [1, 1]} : vector<2048x96xf32> to vector<2048x32xf32>
    %mul3A_65 = vector.broadcast %get3A_63 : vector<2048x1xf32> to vector<2048x32xf32>
    %mul3A_66 = arith.mulf %mul3A_65, %slice3A_64 : vector<2048x32xf32>
    %add3A_67 = arith.addf %mul3A_60, %mul3A_66 : vector<2048x32xf32>
    %get3A_68 = arith.constant 0 : index
    %get3A_69 = arith.constant 0 : index
    %get3A_70 = vector.load %arg12[%get3A_68, %get3A_69] : memref<2048x1xf32, #tpu.memory_space<vmem>>, vector<2048x1xf32>
    %slice3A_71 = vector.extract_strided_slice %get3A_54 {offsets = [0, 64], sizes = [2048, 32], strides = [1, 1]} : vector<2048x96xf32> to vector<2048x32xf32>
    %mul3A_72 = vector.broadcast %get3A_70 : vector<2048x1xf32> to vector<2048x32xf32>
    %mul3A_73 = arith.mulf %mul3A_72, %slice3A_71 : vector<2048x32xf32>
    %add3A_74 = arith.addf %add3A_67, %mul3A_73 : vector<2048x32xf32>
    %get3A_75 = arith.constant 0 : index
    %get3A_76 = arith.constant 0 : index
    %get3A_77 = vector.load %arg15[%get3A_75, %get3A_76] : memref<32x64xf32, #tpu.memory_space<vmem>>, vector<32x64xf32>
    %dot_general3A_78 = arith.constant dense<0.000000e+00> : vector<2048x64xf32>
    %dot_general3A_79 = tpu.matmul %add3A_74, %get3A_77, %dot_general3A_78 {dimension_numbers = #tpu.dot_dimension_numbers<[1], [0], [0], [1], [0, 0, 1, 1], [], []>, precision = #tpu.contract_precision<fp32>, transpose_lhs_hint = false} : vector<2048x32xf32>, vector<32x64xf32>, vector<2048x64xf32> -> vector<2048x64xf32>
    %add3A_80 = arith.addf %add3A_51, %dot_general3A_79 : vector<2048x64xf32>
    %get3A_81 = arith.constant 0 : index
    %get3A_82 = arith.constant 0 : index
    %get3A_83 = vector.load %arg16[%get3A_81, %get3A_82] : memref<64x1xf32, #tpu.memory_space<vmem>>, vector<64x1xf32>
    %dot_general3A_84 = arith.constant dense<0.000000e+00> : vector<2048x1xf32>
    %dot_general3A_85 = tpu.matmul %add3A_80, %get3A_83, %dot_general3A_84 {dimension_numbers = #tpu.dot_dimension_numbers<[1], [0], [0], [1], [0, 0, 1, 1], [], []>, precision = #tpu.contract_precision<fp32>, transpose_lhs_hint = false} : vector<2048x64xf32>, vector<64x1xf32>, vector<2048x1xf32> -> vector<2048x1xf32>
    %swap3A = arith.constant 0 : index
    %swap3A_86 = arith.constant 0 : index
    %swap3A_87 = vector.load %arg18[%swap3A, %swap3A_86] : memref<2048x1xf32, #tpu.memory_space<vmem>>, vector<2048x1xf32>
    tpu.vector_store %arg18[%swap3A, %swap3A_86], %dot_general3A_85 {strides = array<i32>} : memref<2048x1xf32, #tpu.memory_space<vmem>>, vector<2048x1xf32>,
    %get3A_88 = arith.constant 0 : index
    %get3A_89 = arith.constant 0 : index
    %get3A_90 = vector.load %arg17[%get3A_88, %get3A_89] : memref<64x3xf32, #tpu.memory_space<vmem>>, vector<64x3xf32>
    %dot_general3A_91 = arith.constant dense<0.000000e+00> : vector<2048x3xf32>
    %dot_general3A_92 = tpu.matmul %add3A_80, %get3A_90, %dot_general3A_91 {dimension_numbers = #tpu.dot_dimension_numbers<[1], [0], [0], [1], [0, 0, 1, 1], [], []>, precision = #tpu.contract_precision<fp32>, transpose_lhs_hint = false} : vector<2048x64xf32>, vector<64x3xf32>, vector<2048x3xf32> -> vector<2048x3xf32>
    %swap3A_93 = arith.constant 0 : index
    %swap3A_94 = arith.constant 0 : index
    %swap3A_95 = vector.load %arg19[%swap3A_93, %swap3A_94] : memref<2048x3xf32, #tpu.memory_space<vmem>>, vector<2048x3xf32>
    tpu.vector_store %arg19[%swap3A_93, %swap3A_94], %dot_general3A_92 {strides = array<i32>} : memref<2048x3xf32, #tpu.memory_space<vmem>>, vector<2048x3xf32>,
    return
  }
  func.func @transform_0(%arg0: i32) -> (i32, i32) {
    %c0_i32 = arith.constant 0 : i32
    %c0_i32_0 = arith.constant 0 : i32
    return %arg0, %c0_i32 : i32, i32
  }
  func.func @transform_1(%arg0: i32) -> (i32, i32) {
    %c0_i32 = arith.constant 0 : i32
    %c0_i32_0 = arith.constant 0 : i32
    return %arg0, %c0_i32 : i32, i32
  }
  func.func @transform_2(%arg0: i32) -> (i32, i32) {
    %c0_i32 = arith.constant 0 : i32
    %c0_i32_0 = arith.constant 0 : i32
    return %arg0, %c0_i32 : i32, i32
  }
  func.func @transform_3(%arg0: i32) -> (i32, i32) {
    %c0_i32 = arith.constant 0 : i32
    %c0_i32_0 = arith.constant 0 : i32
    return %arg0, %c0_i32 : i32, i32
  }
  func.func @transform_4(%arg0: i32) -> (i32, i32) {
    %c0_i32 = arith.constant 0 : i32
    %c0_i32_0 = arith.constant 0 : i32
    return %arg0, %c0_i32 : i32, i32
  }
  func.func @transform_5(%arg0: i32) -> (i32, i32) {
    %c0_i32 = arith.constant 0 : i32
    %c0_i32_0 = arith.constant 0 : i32
    return %arg0, %c0_i32 : i32, i32
  }
  func.func @transform_6(%arg0: i32) -> (i32, i32) {
    %c0_i32 = arith.constant 0 : i32
    %c0_i32_0 = arith.constant 0 : i32
    return %arg0, %c0_i32 : i32, i32
  }
  func.func @transform_7(%arg0: i32) -> (i32, i32) {
    %c0_i32 = arith.constant 0 : i32
    %c0_i32_0 = arith.constant 0 : i32
    return %arg0, %c0_i32 : i32, i32
  }
  func.func @transform_8(%arg0: i32) -> (i32, i32) {
    %c0_i32 = arith.constant 0 : i32
    %c0_i32_0 = arith.constant 0 : i32
    return %arg0, %c0_i32 : i32, i32
  }
  func.func @transform_9(%arg0: i32) -> (i32, i32) {
    %c0_i32 = arith.constant 0 : i32
    %c0_i32_0 = arith.constant 0 : i32
    return %arg0, %c0_i32 : i32, i32
  }
  func.func @transform_10(%arg0: i32) -> (i32, i32) {
    %c0_i32 = arith.constant 0 : i32
    %c0_i32_0 = arith.constant 0 : i32
    return %arg0, %c0_i32 : i32, i32
  }
  func.func @transform_11(%arg0: i32) -> (i32, i32) {
    %c0_i32 = arith.constant 0 : i32
    %c0_i32_0 = arith.constant 0 : i32
    return %arg0, %c0_i32 : i32, i32
  }
  func.func @transform_12(%arg0: i32) -> (i32, i32) {
    %c0_i32 = arith.constant 0 : i32
    %c0_i32_0 = arith.constant 0 : i32
    %c0_i32_1 = arith.constant 0 : i32
    return %c0_i32, %c0_i32_0 : i32, i32
  }
  func.func @transform_13(%arg0: i32) -> (i32, i32) {
    %c0_i32 = arith.constant 0 : i32
    %c0_i32_0 = arith.constant 0 : i32
    %c0_i32_1 = arith.constant 0 : i32
    return %c0_i32, %c0_i32_0 : i32, i32
  }
  func.func @transform_14(%arg0: i32) -> (i32, i32) {
    %c0_i32 = arith.constant 0 : i32
    %c0_i32_0 = arith.constant 0 : i32
    %c0_i32_1 = arith.constant 0 : i32
    return %c0_i32, %c0_i32_0 : i32, i32
  }
  func.func @transform_15(%arg0: i32) -> (i32, i32) {
    %c0_i32 = arith.constant 0 : i32
    %c0_i32_0 = arith.constant 0 : i32
    %c0_i32_1 = arith.constant 0 : i32
    return %c0_i32, %c0_i32_0 : i32, i32
  }
  func.func @transform_16(%arg0: i32) -> (i32, i32) {
    %c0_i32 = arith.constant 0 : i32
    %c0_i32_0 = arith.constant 0 : i32
    %c0_i32_1 = arith.constant 0 : i32
    return %c0_i32, %c0_i32_0 : i32, i32
  }
  func.func @transform_17(%arg0: i32) -> (i32, i32) {
    %c0_i32 = arith.constant 0 : i32
    %c0_i32_0 = arith.constant 0 : i32
    return %arg0, %c0_i32 : i32, i32
  }
  func.func @transform_18(%arg0: i32) -> (i32, i32) {
    %c0_i32 = arith.constant 0 : i32
    %c0_i32_0 = arith.constant 0 : i32
    return %arg0, %c0_i32 : i32, i32
  }
}

</mosaic_0001>

<sc_bundles>
// kernel: kernel.5.cloned.1.call-start
scs
__scs_entry_jumppad:
0x0: {  	(pc) =	sbr.rel $0x88, $3  }
0x1: {  	(tag) =	ssettag $0x0;
	lr =	simm.s32 $0x1  }
0x2: {  	[smem:$0x3F96] =	sst lr;
	_ =	strace $0xD0000000  }
0x3: {  	_ = 	snop  }
0x4: {  	_ = 	snop  }
0x5: {  	_ = 	snop  }
0x6: {  	_ = 	snop  }
0x7: {  	_ = 	snop  }
__scs_overlays_trampoline_lowered:
0x8: {  	[smem:$0x3FA5] =	sst s0  }
0x9: {  	[smem:$0x3FA6] =	sst s1  }
0xa: {  	[smem:$0x3FA7] =	sst s2  }
0xb: {  	[smem:$0x3FA8] =	sst s3  }
0xc: {  	[smem:$0x3FA9] =	sst s4  }
0xd: {  	[smem:$0x3FAA] =	sst s5  }
0xe: {  	[smem:$0x3FAB] =	sst s6  }
0xf: {  	[smem:$0x3FAC] =	sst s7  }
0x10: {  	[smem:$0x3FAD] =	sst s8  }
0x11: {  	[smem:$0x3FAE] =	sst s9;
	s0 =	simm.s32 @!p0 $0x0  }
0x12: {  	s1 =	sld [smem:$0x3F94];
	s0 =	simm.s32 @p0 $0x1  }
0x13: {  	[smem:$0x3FAF] =	sst s0;
	s0 =	simm.s32 @!p1 $0x0  }
0x14: {  	s2 =	sld [smem:$0x3F93];
	s0 =	simm.s32 @p1 $0x1  }
0x15: {  	[smem:$0x3FB0] =	sst s0;
	s0 =	simm.s32 @!p2 $0x0  }
0x16: {  	s3 =	sld [smem:$0x3FDB];
	s0 =	simm.s32 @p2 $0x1  }
0x17: {  	s4 =	simm.s32 $0x1BF5;
	[smem:$0x3FB2] =	sst s0  }
0x18: {  	s0 =	sld [smem:$0x3F95];
	_ =	swait.ge [sflag:s4], $0x0  }
0x19: {  	s7 =	sld [smem:$0x3F96]  }
0x1a: {  	s8 =	sadd.s32 $0xFFFFE003, lr  }
0x1b: {  	s9 =	sadd.s32 $0xFFFFFEF7, lr;
	s5 =	simm.s32 $0xFFFFFFFF;
	p2 =	slt.u32 s8, $0xFFFFF086  }
0x1c: {  	p1 =	slt.u32 s9, $0xF7A;
	s5 =	simm.s32 @!p2 $0x0  }
0x1d: {  	s5 =	simm.s32 @p1 $0x1;
	p0 =	seq.s32 s7, s2  }
0x1e: {  	s7 =	smul.u32 @!p0 $0xF7A, s2;
	p2 =	seq.s32 @!p0 s5, $0x0  }
0x1f: {  	s9 =	smul.u32 $0xF7A, s1;
	s8 =	simm.s32 @!p0 $0x1BF5;
	p2 =	por !p2, p0  }
0x20: {  	[sflag:s8] =	ssyncset.s32 @!p0 $0xFFFFF086;
	s6 =	sadd.s32 @!p0 s3, s7;
	s7 =	simm.s32 @!p0 $0x108  }
0x21: {  	s3 =	sadd.s32 s3, s9;
	s6 =	sadd.s32 @!p0 $0x88, s6;
	s7 =	simm.s32 @p2 $0x1082  }
0x22: {  	[simem:s7], [sflag:s8] =	dma.local @!p0 [hbm:s6], $0xF7A  }
0x23: {  	s9 =	sor.u32 $0xD0000000, s2;
	s6 =	simm.s32 $0x108;
	_ =	swait.ge @!p0 [sflag:s8], $0x0  }
0x24: {  	s3 =	sadd.s32 $0x88, s3;
	s6 =	simm.s32 @!p1 $0x1082;
	[sflag:s4] =	ssyncset.s32 $0xFFFFF086  }
0x25: {  	[simem:s6], [sflag:s4] =	dma.local [hbm:s3], $0xF7A  }
0x26: {  	[smem:$0x3F96] =	sst s1;
	(tag) =	ssettag s2;
	_ =	strace s9  }
0x27: {  	s1 =	sld [smem:$0x3FA6]  }
0x28: {  	s2 =	sld [smem:$0x3FA7]  }
0x29: {  	s4 =	sld [smem:$0x3FA9]  }
0x2a: {  	p0 =	seq.s32 s5, $0x0;
	s5 =	sld [smem:$0x3FAA]  }
0x2b: {  	s6 =	sld [smem:$0x3FAB]  }
0x2c: {  	s7 =	sld [smem:$0x3FAC]  }
0x2d: {  	s3 =	simm.s32 $0x108;
	s8 =	sld [smem:$0x3FAD]  }
0x2e: {  	s3 =	simm.s32 @!p0 $0x1082;
	s9 =	sld [smem:$0x3FAE]  }
0x2f: {  	lr =	sadd.s32 s0, s3;
	s0 =	sld [smem:$0x3FA5]  }
0x30: {  	s3 =	sld [smem:$0x3FA8]  }
0x31: {  	[smem:$0x3FB1] =	sst s10  }
0x32: {  	s10 =	sld [smem:$0x3FAF];
	_ =	sdelay $0x3  }
0x33: {  	p0 =	seq.s32 s10, $0x1;
	s10 =	sld [smem:$0x3FB1];
	_ =	sdelay $0x3  }
0x34: {  	[smem:$0x3FB1] =	sst s10  }
0x35: {  	s10 =	sld [smem:$0x3FB0];
	_ =	sdelay $0x3  }
0x36: {  	p1 =	seq.s32 s10, $0x1;
	s10 =	sld [smem:$0x3FB1];
	_ =	sdelay $0x3  }
0x37: {  	[smem:$0x3FB1] =	sst s10  }
0x38: {  	s10 =	sld [smem:$0x3FB2]  }
0x39: {  	_ = 	snop;
	(pc) =	sbr.ind lr, $3  }
0x3a: {  	_ = 	snop  }
0x3b: {  	_ = 	snop  }
0x3c: {  	p2 =	seq.s32 s10, $0x1;
	s10 =	sld [smem:$0x3FB1]  }
0x3d: {  	_ =	shalt  }
0x3e: {  	_ =	shalt  }
0x3f: {  	_ =	shalt  }
0x40: {  	_ =	shalt  }
0x41: {  	_ =	shalt  }
0x42: {  	_ =	shalt  }
0x43: {  	_ =	shalt  }
0x44: {  	_ =	shalt  }
0x45: {  	_ =	shalt  }
0x46: {  	_ =	shalt  }
0x47: {  	_ =	shalt  }
0x48: {  	_ =	shalt  }
0x49: {  	_ =	shalt  }
0x4a: {  	_ =	shalt  }
0x4b: {  	_ =	shalt  }
0x4c: {  	_ =	shalt  }
0x4d: {  	_ =	shalt  }
0x4e: {  	_ =	shalt  }
0x4f: {  	_ =	shalt  }
0x50: {  	_ =	shalt  }
0x51: {  	_ =	shalt  }
0x52: {  	_ =	shalt  }
0x53: {  	_ =	shalt  }
0x54: {  	_ =	shalt  }
0x55: {  	_ =	shalt  }
0x56: {  	_ =	shalt  }
0x57: {  	_ =	shalt  }
0x58: {  	_ =	shalt  }
0x59: {  	_ =	shalt  }
0x5a: {  	_ =	shalt  }
0x5b: {  	_ =	shalt  }
0x5c: {  	_ =	shalt  }
0x5d: {  	_ =	shalt  }
0x5e: {  	_ =	shalt  }
0x5f: {  	_ =	shalt  }
0x60: {  	_ =	shalt  }
0x61: {  	_ =	shalt  }
0x62: {  	_ =	shalt  }
0x63: {  	_ =	shalt  }
0x64: {  	_ =	shalt  }
0x65: {  	_ =	shalt  }
0x66: {  	_ =	shalt  }
0x67: {  	_ =	shalt  }
0x68: {  	_ =	shalt  }
0x69: {  	_ =	shalt  }
0x6a: {  	_ =	shalt  }
0x6b: {  	_ =	shalt  }
0x6c: {  	_ =	shalt  }
0x6d: {  	_ =	shalt  }
0x6e: {  	_ =	shalt  }
0x6f: {  	_ =	shalt  }
0x70: {  	_ =	shalt  }
0x71: {  	_ =	shalt  }
0x72: {  	_ =	shalt  }
0x73: {  	_ =	shalt  }
0x74: {  	_ =	shalt  }
0x75: {  	_ =	shalt  }
0x76: {  	_ =	shalt  }
0x77: {  	_ =	shalt  }
0x78: {  	_ =	shalt  }
0x79: {  	_ =	shalt  }
0x7a: {  	_ =	shalt  }
0x7b: {  	_ =	shalt  }
0x7c: {  	_ =	shalt  }
0x7d: {  	_ =	shalt  }
0x7e: {  	_ =	shalt  }
0x7f: {  	_ =	shalt  }
0x80: {  	_ =	shalt  }
0x81: {  	_ =	shalt  }
0x82: {  	_ =	shalt  }
0x83: {  	_ =	shalt  }
0x84: {  	_ =	shalt  }
0x85: {  	_ =	shalt  }
0x86: {  	_ =	shalt  }
0x87: {  	_ =	shalt  }
.Lfunc_end0:
.L_simem_size_0:
called_computation.1_lowered:
.L_overlay_start_0:
0x88: {  	s2 =	sld [smem:$0x3FD9]  }
0x89: {  	s3 =	sld [smem:$0x3FFE];
	_ =	sdelay $0x1  }
0x8a: {  	s1 =	srdreg.scid  }
0x8b: {  	s0 =	sand.u32 $0x1, s1  }
0x8c: {  	s14 =	sshll.u32 s0, $0xA;
	s2 =	sadd.s32 s3, s2  }
0x8d: {  	s2 =	sadd.s32 s2, s14  }
0x8e: {  	[smem:$0x3FBD] =	sst s2  }
0x8f: {  	_ = 	snop  }
0x90: {  	s2 =	sld [smem:$0x3FD0];
	_ =	sdelay $0x2  }
0x91: {  	s15 =	simm.s32 $0xB;
	s4 =	simm.s32 $0x10  }
0x92: {  	[smem:s4], [sflag:s15] =	dma.local [hbm:s2], $0x1  }
0x93: {  	_ =	swait.eq [sflag:s15], $0x1  }
0x94: {  	[sflag:s15] =	ssyncset.done $0x0  }
0x95: {  	s16 =	sld [smem:$0x10];
	[sflag:s15] =	ssyncadd.s32 $0xFFFFFFFF  }
0x96: {  	s17 =	sld [smem:$0x11];
	(tm) =	ssettm $0x1  }
0x97: {  	s18 =	sld [smem:$0x3FFB];
	_ =	sdelay $0x3  }
0x98: {  	_ =	strace s18  }
0x99: {  	s4 =	sld [smem:$0x3FFC];
	_ =	sdelay $0x3  }
0x9a: {  	_ =	strace s4  }
0x9b: {  	s4 =	sld [smem:$0x3FFD];
	_ =	sdelay $0x3  }
0x9c: {  	_ =	strace s4  }
0x9d: {  	_ =	strace $0x8FFFFFFF  }
0x9e: {  	s19 =	sld [smem:$0x3FDB];
	_ =	sdelay $0x1  }
0x9f: {  	s5 =	simm.s32 $_scs_section_size  }
0xa0: {  	s6 =	simm.s32 $_size__tile_overlayer_lowered;
	s7 =	simm.s32 $_tile_overlayer_lowered  }
0xa1: {  	s22 =	simm.s32 $0x1BFF;
	s21 =	sshll.u32 s7, $0x1;
	s4 =	sadd.s32 s5, s19  }
0xa2: {  	s8 =	simm.s32 $0x0;
	s20 =	sshll.u32 s6, $0x1;
	s6 =	sadd.s32 s21, s4  }
0xa3: {  	[timem:s8], [sflag:s22] =	dma.local [hbm:s6], s20  }
0xa4: {  	_ =	swait.ge [sflag:s22], s20  }
0xa5: {  	s5 =	ssub.s32 $0x0, s20;
	[sflag:s22] =	ssyncset.done $0x0  }
0xa6: {  	[sflag:s22] =	ssyncadd.s32 s5;
	_ =	sdelay $0x1  }
0xa7: {  	s23 =	simm.s32 $0x1B8B  }
0xa8: {  	_ =	swait.ge [sflag:s23], $0x1  }
0xa9: {  	[sflag:s23] =	ssyncset.done $0x0  }
0xaa: {  	s25 =	simm.s32 $0x1B8E;
	s24 =	sld [smem:$0x3FFE];
	[sflag:s23] =	ssyncadd.s32 $0xFFFFFFFF  }
0xab: {  	s26 =	simm.s32 $execute0_lowered;
	[smem:$0x3FD2] =	sst s25  }
0xac: {  	s6 =	sshll.u32 s26, $0x1;
	_ =	strace $0x80000046;
	[dreg:$0x1] =	wrdreg $0xFFFFFFFF  }
0xad: {  	s28 =	simm.s32 $_size_execute0_lowered;
	s4 =	sadd.s32 s4, s6;
	[dreg:$0x0] =	wrdreg $0x0  }
0xae: {  	s6 =	sshll.u32 s28, $0x1;
	[dreg:$0x2] =	wrdreg s4  }
0xaf: {  	[dreg:$0x3] =	wrdreg s6  }
0xb0: {  	[dreg:$0x4] =	wrdreg $0xC0  }
0xb1: {  	_ =	task [dreg:s8], $0x5FFFF  }
0xb2: {  	[dreg:$0x1] =	wrdreg $0xFFFFFFFF  }
0xb3: {  	[dreg:$0x0] =	wrdreg $0x60  }
0xb4: {  	[dreg:$0x2] =	wrdreg s24  }
0xb5: {  	[dreg:$0x3] =	wrdreg s17  }
0xb6: {  	[dreg:$0x4] =	wrdreg s16  }
0xb7: {  	[dreg:$0x5] =	wrdreg $0xA  }
0xb8: {  	_ =	task.clear_ibuf [dreg:s8], $0x6FFFF;
	_ =	strace $0x90000046  }
0xb9: {  	s29 =	simm.s32 $0xA;
	_ =	strace $0x80000048  }
0xba: {  	_ =	swait.ge [sflag:s29], $0x1  }
0xbb: {  	[sflag:s29] =	ssyncadd.s32 $0xFFFFFFFF  }
0xbc: {  	_ =	strace $0x90000048  }
0xbd: {  	_ =	sfence  }
0xbe: {  	s30 =	sld [smem:$0x0];
	_ =	sdelay $0x2  }
0xbf: {  	s31 =	sshll.u32 s1, $0xD;
	s1 =	sshrl.u32 s1, $0x2  }
0xc0: {  	s3 =	sand.u32 $0x4000, s31;
	s1 =	sadd.s32 s1, s30  }
0xc1: {  	s0 =	sor.u32 s3, s0;
	s1 =	sshll.u32 s1, $0x11  }
0xc2: {  	s0 =	sor.u32 s1, s0  }
0xc3: {  	s0 =	sadd.s32 $0x8F2B, s0  }
0xc4: {  	[sflag:s0] =	ssyncadd.remote.s32 $0x1  }
0xc5: {  	_ =	sfence.sel $0xFFFF  }
0xc6: {  	[dreg:$0x0] =	wrdreg $0xFFFFFFFF;
	(pc) =	sbr.abs _section_cstart, $3  }
0xc7: {  	[dreg:$0x1] =	wrdreg $0xFFFFFFFF  }
0xc8: {  	_ =	task.clear_ibuf [dreg:s8], $0x2FFFF;
	_ =	strace $0x9FFFFFFF  }
0xc9: {  	(tm) =	ssettm $0x7FFFFFFF  }
tec
execute0_lowered:
.L_overlay_start_1:
0x0: {  	(tag) =	ssettag $0x1  }
0x1: {  	s1 =	rddreg [dreg:$0x0]  }
0x2: {  	s0 =	srdreg.scid;
	s30 =	rddreg [dreg:$0x1]  }
0x3: {  	s2 =	stileid.u32;
	s5 =	rddreg [dreg:$0x2]  }
0x4: {  	s7 =	simm.s32 $0x80;
	s8 =	simm.s32 $0x1600;
	s9 =	simm.s32 $0x100  }
0x5: {  	s10 =	simm.s32 $0x2600;
	s11 =	simm.s32 $0x180;
	s12 =	simm.s32 $0x3600  }
0x6: {  	s13 =	simm.s32 $0x200;
	s14 =	simm.s32 $0x4600;
	s15 =	simm.s32 $0x280  }
0x7: {  	s16 =	simm.s32 $0x5600;
	s17 =	simm.s32 $0x300;
	s18 =	simm.s32 $0x6600  }
0x8: {  	s19 =	simm.s32 $0x380;
	s20 =	simm.s32 $0x7600;
	s21 =	simm.s32 $0x400  }
0x9: {  	s22 =	simm.s32 $0x8600;
	s0 =	sand.u32 $0x1, s0;
	s2 =	sshll.u32 s2, $0x1  }
0xa: {  	p0 =	por $0x0, $0x0;
	s28 =	simm.s32 $0x580;
	s3 =	sor.u32 s0, s2  }
0xb: {  	s29 =	simm.s32 $0xB600;
	s31 =	sadd.s32 $0x5C00, s1;
	s4 =	smul.u32 $0xC0, s3  }
0xc: {  	s2 =	simm.s32 $0x0;
	s0 =	ssub.s32 $0x2, s0;
	s3 =	smul.u32 $0x1800, s3  }
0xd: {  	[smem:$0x7FF] =	sst s2;
	s26 =	sshrl.u32 s0, $0x1;
	s4 =	sadd.s32 s4, s1  }
0xe: {  	_ =	strace $0x80000047;
	s3 =	sadd.s32 s3, s1;
	s6 =	sadd.s32 $0x4400, s4  }
0xf: {  	s0 =	ssub.s32 s0, s26;
	s23 =	sadd.s32 $0xDC00, s3;
	[dreg:$0x4] =	wrdreg s6  }
0x10: {  	s0 =	smax.u32 s0, $0x1;
	s24 =	sadd.s32 $0x2C00, s4;
	[dreg:$0x5] =	wrdreg s23  }
0x11: {  	s25 =	sadd.s32 $0x3DC00, s3;
	p1 =	sne.s32 s0, $0x1;
	[dreg:$0x6] =	wrdreg s24  }
.Ltmp0:
0x12: {  	s4 =	sadd.s32 $0x2C2C00, s4;
	[dreg:$0x7] =	wrdreg s25;
	(pc) =	sbr.rel @!p1 .LBB2_3-.Ltmp0, $4  }
0x13: {  	s26 =	simm.s32 $0xA600;
	s3 =	sadd.s32 $0x2C4400, s3;
	[dreg:$0x8] =	wrdreg s4  }
0x14: {  	s1 =	sadd.s32 $0xFFFFFFFF, s0;
	[dreg:$0x9] =	wrdreg s3;
	s3 =	simm.s32 $0x2  }
0x15: {  	s4 =	simm.s32 $0x600;
	s23 =	simm.s32 $0x480;
	s24 =	simm.s32 $0x9600  }
0x16: {  	s25 =	simm.s32 $0x500;
	s6 =	simm.s32 $0x1;
	s0 =	rddreg [dreg:$0x4]  }
0x17: {  	[tilespmem:s2], [sflag:$0x2] =	stream.linear.gather [hbm4b:s0+s2], $0x600, $0x38;
	[tilespmem:$0xC600] =	vst v63  }
0x18: {  	_ =	swait.ge [sflag:s3], $0x600  }
0x19: {  	[sflag:s3] =	ssyncset.done $0x0  }
0x1a: {  	[sflag:s3] =	ssyncadd.s32 $0xFFFFFA00  }
0x1b: {  	[tilespmem:s4], [sflag:$0x1] =	stream.indirect.gather [hbm4b:s31+s7], $0x20, s2, s7, $0xb8;
	[tilespmem:$0xC600] =	vst v63  }
0x1c: {  	_ = 	snop  }
0x1d: {  	[tilespmem:s8], [sflag:$0x1] =	stream.indirect.gather [hbm4b:s31+s7], $0x20, s7, s7, $0xb8;
	[tilespmem:$0xC600] =	vst v63  }
0x1e: {  	_ = 	snop  }
0x1f: {  	[tilespmem:s10], [sflag:$0x1] =	stream.indirect.gather [hbm4b:s31+s7], $0x20, s9, s7, $0xb8;
	[tilespmem:$0xC600] =	vst v63  }
0x20: {  	_ = 	snop  }
0x21: {  	[tilespmem:s12], [sflag:$0x1] =	stream.indirect.gather [hbm4b:s31+s7], $0x20, s11, s7, $0xb8;
	[tilespmem:$0xC600] =	vst v63  }
0x22: {  	_ = 	snop  }
0x23: {  	[tilespmem:s14], [sflag:$0x1] =	stream.indirect.gather [hbm4b:s31+s7], $0x20, s13, s7, $0xb8;
	[tilespmem:$0xC600] =	vst v63  }
0x24: {  	_ = 	snop  }
0x25: {  	[tilespmem:s16], [sflag:$0x1] =	stream.indirect.gather [hbm4b:s31+s7], $0x20, s15, s7, $0xb8;
	[tilespmem:$0xC600] =	vst v63  }
0x26: {  	_ = 	snop  }
0x27: {  	[tilespmem:s18], [sflag:$0x1] =	stream.indirect.gather [hbm4b:s31+s7], $0x20, s17, s7, $0xb8;
	[tilespmem:$0xC600] =	vst v63  }
0x28: {  	_ = 	snop  }
0x29: {  	[tilespmem:s20], [sflag:$0x1] =	stream.indirect.gather [hbm4b:s31+s7], $0x20, s19, s7, $0xb8;
	[tilespmem:$0xC600] =	vst v63  }
0x2a: {  	_ = 	snop  }
0x2b: {  	[tilespmem:s22], [sflag:$0x1] =	stream.indirect.gather [hbm4b:s31+s7], $0x20, s21, s7, $0xb8;
	[tilespmem:$0xC600] =	vst v63  }
0x2c: {  	_ = 	snop  }
0x2d: {  	[tilespmem:s24], [sflag:$0x1] =	stream.indirect.gather [hbm4b:s31+s7], $0x20, s23, s7, $0xb8;
	[tilespmem:$0xC600] =	vst v63  }
0x2e: {  	_ = 	snop  }
0x2f: {  	[tilespmem:s26], [sflag:$0x1] =	stream.indirect.gather [hbm4b:s31+s7], $0x20, s25, s7, $0xb8;
	[tilespmem:$0xC600] =	vst v63  }
0x30: {  	_ = 	snop  }
0x31: {  	[tilespmem:s29], [sflag:$0x1] =	stream.indirect.gather [hbm4b:s31+s7], $0x20, s28, s7, $0xb8;
	[tilespmem:$0xC600] =	vst v63  }
0x32: {  	_ =	swait.ge [sflag:s6], $0x1000  }
0x33: {  	[sflag:s6] =	ssyncset.done $0x0  }
0x34: {  	[sflag:s6] =	ssyncadd.s32 $0xFFFFF000  }
0x35: {  	_ =	swait.ge [sflag:s6], $0x1000  }
0x36: {  	[sflag:s6] =	ssyncset.done $0x0  }
0x37: {  	[sflag:s6] =	ssyncadd.s32 $0xFFFFF000  }
0x38: {  	_ =	swait.ge [sflag:s6], $0x1000  }
0x39: {  	[sflag:s6] =	ssyncset.done $0x0  }
0x3a: {  	[sflag:s6] =	ssyncadd.s32 $0xFFFFF000  }
0x3b: {  	_ =	swait.ge [sflag:s6], $0x1000  }
0x3c: {  	[sflag:s6] =	ssyncset.done $0x0  }
0x3d: {  	[sflag:s6] =	ssyncadd.s32 $0xFFFFF000  }
0x3e: {  	_ =	swait.ge [sflag:s6], $0x1000  }
0x3f: {  	[sflag:s6] =	ssyncset.done $0x0  }
0x40: {  	[sflag:s6] =	ssyncadd.s32 $0xFFFFF000  }
0x41: {  	_ =	swait.ge [sflag:s6], $0x1000  }
0x42: {  	[sflag:s6] =	ssyncset.done $0x0  }
0x43: {  	[sflag:s6] =	ssyncadd.s32 $0xFFFFF000  }
0x44: {  	_ =	swait.ge [sflag:s6], $0x1000  }
0x45: {  	[sflag:s6] =	ssyncset.done $0x0  }
0x46: {  	[sflag:s6] =	ssyncadd.s32 $0xFFFFF000  }
0x47: {  	_ =	swait.ge [sflag:s6], $0x1000  }
0x48: {  	[sflag:s6] =	ssyncset.done $0x0  }
0x49: {  	[sflag:s6] =	ssyncadd.s32 $0xFFFFF000  }
0x4a: {  	_ =	swait.ge [sflag:s6], $0x1000  }
0x4b: {  	[sflag:s6] =	ssyncset.done $0x0  }
0x4c: {  	[sflag:s6] =	ssyncadd.s32 $0xFFFFF000  }
0x4d: {  	_ =	swait.ge [sflag:s6], $0x1000  }
0x4e: {  	[sflag:s6] =	ssyncset.done $0x0  }
0x4f: {  	[sflag:s6] =	ssyncadd.s32 $0xFFFFF000  }
0x50: {  	_ =	swait.ge [sflag:s6], $0x1000  }
0x51: {  	[sflag:s6] =	ssyncset.done $0x0  }
0x52: {  	[sflag:s6] =	ssyncadd.s32 $0xFFFFF000  }
0x53: {  	_ =	swait.ge [sflag:s6], $0x1000  }
0x54: {  	[sflag:s6] =	ssyncset.done $0x0  }
0x55: {  	s0 =	rddreg [dreg:$0x5];
	[sflag:s6] =	ssyncadd.s32 $0xFFFFF000  }
0x56: {  	[hbm4b:s0+s2] =	stream.linear.scatter [tilespmem:s4], [sflag:$0x2], $0xC000, $0x38;
	[tilespmem:$0xC600] =	vst v63  }
0x57: {  	_ =	swait.ge [sflag:s3], $0xC000  }
0x58: {  	[sflag:s3] =	ssyncset.done $0x0  }
0x59: {  	s0 =	rddreg [dreg:$0x6];
	[sflag:s3] =	ssyncadd.s32 $0xFFFF4000  }
0x5a: {  	[tilespmem:s2], [sflag:$0x2] =	stream.linear.gather [hbm4b:s0+s2], $0x600, $0x38;
	[tilespmem:$0xC600] =	vst v63  }
0x5b: {  	_ =	swait.ge [sflag:s3], $0x600  }
0x5c: {  	[sflag:s3] =	ssyncset.done $0x0  }
0x5d: {  	[sflag:s3] =	ssyncadd.s32 $0xFFFFFA00  }
0x5e: {  	[tilespmem:s4], [sflag:$0x1] =	stream.indirect.gather [hbm4b:s30+s7], $0x20, s2, s7, $0xb8;
	[tilespmem:$0xC600] =	vst v63  }
0x5f: {  	_ = 	snop  }
0x60: {  	[tilespmem:s8], [sflag:$0x1] =	stream.indirect.gather [hbm4b:s30+s7], $0x20, s7, s7, $0xb8;
	[tilespmem:$0xC600] =	vst v63  }
0x61: {  	_ = 	snop  }
0x62: {  	[tilespmem:s10], [sflag:$0x1] =	stream.indirect.gather [hbm4b:s30+s7], $0x20, s9, s7, $0xb8;
	[tilespmem:$0xC600] =	vst v63  }
0x63: {  	_ = 	snop  }
0x64: {  	[tilespmem:s12], [sflag:$0x1] =	stream.indirect.gather [hbm4b:s30+s7], $0x20, s11, s7, $0xb8;
	[tilespmem:$0xC600] =	vst v63  }
0x65: {  	_ = 	snop  }
0x66: {  	[tilespmem:s14], [sflag:$0x1] =	stream.indirect.gather [hbm4b:s30+s7], $0x20, s13, s7, $0xb8;
	[tilespmem:$0xC600] =	vst v63  }
0x67: {  	_ = 	snop  }
0x68: {  	[tilespmem:s16], [sflag:$0x1] =	stream.indirect.gather [hbm4b:s30+s7], $0x20, s15, s7, $0xb8;
	[tilespmem:$0xC600] =	vst v63  }
0x69: {  	_ = 	snop  }
0x6a: {  	[tilespmem:s18], [sflag:$0x1] =	stream.indirect.gather [hbm4b:s30+s7], $0x20, s17, s7, $0xb8;
	[tilespmem:$0xC600] =	vst v63  }
0x6b: {  	_ = 	snop  }
0x6c: {  	[tilespmem:s20], [sflag:$0x1] =	stream.indirect.gather [hbm4b:s30+s7], $0x20, s19, s7, $0xb8;
	[tilespmem:$0xC600] =	vst v63  }
0x6d: {  	_ = 	snop  }
0x6e: {  	[tilespmem:s22], [sflag:$0x1] =	stream.indirect.gather [hbm4b:s30+s7], $0x20, s21, s7, $0xb8;
	[tilespmem:$0xC600] =	vst v63  }
0x6f: {  	_ = 	snop  }
0x70: {  	[tilespmem:s24], [sflag:$0x1] =	stream.indirect.gather [hbm4b:s30+s7], $0x20, s23, s7, $0xb8;
	[tilespmem:$0xC600] =	vst v63  }
0x71: {  	_ = 	snop  }
0x72: {  	[tilespmem:s26], [sflag:$0x1] =	stream.indirect.gather [hbm4b:s30+s7], $0x20, s25, s7, $0xb8;
	[tilespmem:$0xC600] =	vst v63  }
0x73: {  	_ = 	snop  }
0x74: {  	[tilespmem:s29], [sflag:$0x1] =	stream.indirect.gather [hbm4b:s30+s7], $0x20, s28, s7, $0xb8;
	[tilespmem:$0xC600] =	vst v63  }
0x75: {  	_ =	swait.ge [sflag:s6], $0x1000  }
0x76: {  	[sflag:s6] =	ssyncset.done $0x0  }
0x77: {  	[sflag:s6] =	ssyncadd.s32 $0xFFFFF000  }
0x78: {  	_ =	swait.ge [sflag:s6], $0x1000  }
0x79: {  	[sflag:s6] =	ssyncset.done $0x0  }
0x7a: {  	[sflag:s6] =	ssyncadd.s32 $0xFFFFF000  }
0x7b: {  	_ =	swait.ge [sflag:s6], $0x1000  }
0x7c: {  	[sflag:s6] =	ssyncset.done $0x0  }
0x7d: {  	[sflag:s6] =	ssyncadd.s32 $0xFFFFF000  }
0x7e: {  	_ =	swait.ge [sflag:s6], $0x1000  }
0x7f: {  	[sflag:s6] =	ssyncset.done $0x0  }
0x80: {  	[sflag:s6] =	ssyncadd.s32 $0xFFFFF000  }
0x81: {  	_ =	swait.ge [sflag:s6], $0x1000  }
0x82: {  	[sflag:s6] =	ssyncset.done $0x0  }
0x83: {  	[sflag:s6] =	ssyncadd.s32 $0xFFFFF000  }
0x84: {  	_ =	swait.ge [sflag:s6], $0x1000  }
0x85: {  	[sflag:s6] =	ssyncset.done $0x0  }
0x86: {  	[sflag:s6] =	ssyncadd.s32 $0xFFFFF000  }
0x87: {  	_ =	swait.ge [sflag:s6], $0x1000  }
0x88: {  	[sflag:s6] =	ssyncset.done $0x0  }
0x89: {  	[sflag:s6] =	ssyncadd.s32 $0xFFFFF000  }
0x8a: {  	_ =	swait.ge [sflag:s6], $0x1000  }
0x8b: {  	[sflag:s6] =	ssyncset.done $0x0  }
0x8c: {  	[sflag:s6] =	ssyncadd.s32 $0xFFFFF000  }
0x8d: {  	_ =	swait.ge [sflag:s6], $0x1000  }
0x8e: {  	[sflag:s6] =	ssyncset.done $0x0  }
0x8f: {  	[sflag:s6] =	ssyncadd.s32 $0xFFFFF000  }
0x90: {  	_ =	swait.ge [sflag:s6], $0x1000  }
0x91: {  	[sflag:s6] =	ssyncset.done $0x0  }
0x92: {  	[sflag:s6] =	ssyncadd.s32 $0xFFFFF000  }
0x93: {  	_ =	swait.ge [sflag:s6], $0x1000  }
0x94: {  	[sflag:s6] =	ssyncset.done $0x0  }
0x95: {  	[sflag:s6] =	ssyncadd.s32 $0xFFFFF000  }
0x96: {  	_ =	swait.ge [sflag:s6], $0x1000  }
0x97: {  	[sflag:s6] =	ssyncset.done $0x0  }
0x98: {  	s0 =	rddreg [dreg:$0x7];
	[sflag:s6] =	ssyncadd.s32 $0xFFFFF000  }
0x99: {  	[hbm4b:s0+s2] =	stream.linear.scatter [tilespmem:s4], [sflag:$0x2], $0xC000, $0x38;
	[tilespmem:$0xC600] =	vst v63  }
0x9a: {  	_ =	swait.ge [sflag:s3], $0xC000  }
0x9b: {  	[sflag:s3] =	ssyncset.done $0x0  }
0x9c: {  	s0 =	rddreg [dreg:$0x8];
	[sflag:s3] =	ssyncadd.s32 $0xFFFF4000  }
0x9d: {  	[tilespmem:s2], [sflag:$0x2] =	stream.linear.gather [hbm4b:s0+s2], $0x600, $0x38;
	[tilespmem:$0xC600] =	vst v63  }
0x9e: {  	_ =	swait.ge [sflag:s3], $0x600  }
0x9f: {  	[sflag:s3] =	ssyncset.done $0x0  }
0xa0: {  	[sflag:s3] =	ssyncadd.s32 $0xFFFFFA00  }
0xa1: {  	[tilespmem:s4], [sflag:$0x1] =	stream.indirect.gather [hbm4b:s5+s7], $0x20, s2, s7, $0xb8;
	[tilespmem:$0xC600] =	vst v63  }
0xa2: {  	_ = 	snop  }
0xa3: {  	[tilespmem:s8], [sflag:$0x1] =	stream.indirect.gather [hbm4b:s5+s7], $0x20, s7, s7, $0xb8;
	[tilespmem:$0xC600] =	vst v63  }
0xa4: {  	_ = 	snop  }
0xa5: {  	[tilespmem:s10], [sflag:$0x1] =	stream.indirect.gather [hbm4b:s5+s7], $0x20, s9, s7, $0xb8;
	[tilespmem:$0xC600] =	vst v63  }
0xa6: {  	_ = 	snop  }
0xa7: {  	[tilespmem:s12], [sflag:$0x1] =	stream.indirect.gather [hbm4b:s5+s7], $0x20, s11, s7, $0xb8;
	[tilespmem:$0xC600] =	vst v63  }
0xa8: {  	_ = 	snop  }
0xa9: {  	[tilespmem:s14], [sflag:$0x1] =	stream.indirect.gather [hbm4b:s5+s7], $0x20, s13, s7, $0xb8;
	[tilespmem:$0xC600] =	vst v63  }
0xaa: {  	_ = 	snop  }
0xab: {  	[tilespmem:s16], [sflag:$0x1] =	stream.indirect.gather [hbm4b:s5+s7], $0x20, s15, s7, $0xb8;
	[tilespmem:$0xC600] =	vst v63  }
0xac: {  	_ = 	snop  }
0xad: {  	[tilespmem:s18], [sflag:$0x1] =	stream.indirect.gather [hbm4b:s5+s7], $0x20, s17, s7, $0xb8;
	[tilespmem:$0xC600] =	vst v63  }
0xae: {  	_ = 	snop  }
0xaf: {  	[tilespmem:s20], [sflag:$0x1] =	stream.indirect.gather [hbm4b:s5+s7], $0x20, s19, s7, $0xb8;
	[tilespmem:$0xC600] =	vst v63  }
0xb0: {  	_ = 	snop  }
0xb1: {  	[tilespmem:s22], [sflag:$0x1] =	stream.indirect.gather [hbm4b:s5+s7], $0x20, s21, s7, $0xb8;
	[tilespmem:$0xC600] =	vst v63  }
0xb2: {  	_ = 	snop  }
0xb3: {  	[tilespmem:s24], [sflag:$0x1] =	stream.indirect.gather [hbm4b:s5+s7], $0x20, s23, s7, $0xb8;
	[tilespmem:$0xC600] =	vst v63  }
0xb4: {  	_ = 	snop  }
0xb5: {  	[tilespmem:s26], [sflag:$0x1] =	stream.indirect.gather [hbm4b:s5+s7], $0x20, s25, s7, $0xb8;
	[tilespmem:$0xC600] =	vst v63  }
0xb6: {  	_ = 	snop  }
0xb7: {  	[tilespmem:s29], [sflag:$0x1] =	stream.indirect.gather [hbm4b:s5+s7], $0x20, s28, s7, $0xb8;
	[tilespmem:$0xC600] =	vst v63  }
0xb8: {  	_ =	swait.ge [sflag:s6], $0x1000  }
0xb9: {  	[sflag:s6] =	ssyncset.done $0x0  }
0xba: {  	[sflag:s6] =	ssyncadd.s32 $0xFFFFF000  }
0xbb: {  	_ =	swait.ge [sflag:s6], $0x1000  }
0xbc: {  	[sflag:s6] =	ssyncset.done $0x0  }
0xbd: {  	[sflag:s6] =	ssyncadd.s32 $0xFFFFF000  }
0xbe: {  	_ =	swait.ge [sflag:s6], $0x1000  }
0xbf: {  	[sflag:s6] =	ssyncset.done $0x0  }
0xc0: {  	[sflag:s6] =	ssyncadd.s32 $0xFFFFF000  }
0xc1: {  	_ =	swait.ge [sflag:s6], $0x1000  }
0xc2: {  	[sflag:s6] =	ssyncset.done $0x0  }
0xc3: {  	[sflag:s6] =	ssyncadd.s32 $0xFFFFF000  }
0xc4: {  	_ =	swait.ge [sflag:s6], $0x1000  }
0xc5: {  	[sflag:s6] =	ssyncset.done $0x0  }
0xc6: {  	[sflag:s6] =	ssyncadd.s32 $0xFFFFF000  }
0xc7: {  	_ =	swait.ge [sflag:s6], $0x1000  }
0xc8: {  	[sflag:s6] =	ssyncset.done $0x0  }
0xc9: {  	[sflag:s6] =	ssyncadd.s32 $0xFFFFF000  }
0xca: {  	_ =	swait.ge [sflag:s6], $0x1000  }
0xcb: {  	[sflag:s6] =	ssyncset.done $0x0  }
0xcc: {  	[sflag:s6] =	ssyncadd.s32 $0xFFFFF000  }
0xcd: {  	_ =	swait.ge [sflag:s6], $0x1000  }
0xce: {  	[sflag:s6] =	ssyncset.done $0x0  }
0xcf: {  	[sflag:s6] =	ssyncadd.s32 $0xFFFFF000  }
0xd0: {  	_ =	swait.ge [sflag:s6], $0x1000  }
0xd1: {  	[sflag:s6] =	ssyncset.done $0x0  }
0xd2: {  	[sflag:s6] =	ssyncadd.s32 $0xFFFFF000  }
0xd3: {  	_ =	swait.ge [sflag:s6], $0x1000  }
0xd4: {  	[sflag:s6] =	ssyncset.done $0x0  }
0xd5: {  	[sflag:s6] =	ssyncadd.s32 $0xFFFFF000  }
0xd6: {  	_ =	swait.ge [sflag:s6], $0x1000  }
0xd7: {  	[sflag:s6] =	ssyncset.done $0x0  }
0xd8: {  	[sflag:s6] =	ssyncadd.s32 $0xFFFFF000  }
0xd9: {  	p1 =	sne.s32 s1, $0x1;
	_ =	swait.ge [sflag:s6], $0x1000  }
.Ltmp1:
0xda: {  	[sflag:s6] =	ssyncset.done $0x0;
	(pc) =	sbr.rel @!p1 .LBB2_3-.Ltmp1, $4  }
0xdb: {  	s0 =	rddreg [dreg:$0x9];
	[sflag:s6] =	ssyncadd.s32 $0xFFFFF000  }
0xdc: {  	[hbm4b:s0+s2] =	stream.linear.scatter [tilespmem:s4], [sflag:$0x2], $0xC000, $0x38;
	[tilespmem:$0xC600] =	vst v63  }
0xdd: {  	s1 =	sadd.s32 $0xFFFFFFFF, s1;
	_ =	swait.ge [sflag:s3], $0xC000  }
0xde: {  	p0 =	por $0x1, $0x1;
	s0 =	rddreg [dreg:$0x4];
	[sflag:s3] =	ssyncset.done $0x0  }
.LBB2_2:
0xdf: {  	[sflag:s3] =	ssyncadd.s32 $0xFFFF4000  }
0xe0: {  	[tilespmem:s2], [sflag:$0x2] =	stream.linear.gather [hbm4b:s0+s2], $0x600, $0x38;
	[tilespmem:$0xC600] =	vst v63  }
0xe1: {  	_ =	swait.ge [sflag:s3], $0x600  }
0xe2: {  	[sflag:s3] =	ssyncset.done $0x0  }
0xe3: {  	[sflag:s3] =	ssyncadd.s32 $0xFFFFFA00  }
0xe4: {  	[tilespmem:s4], [sflag:$0x1] =	stream.indirect.gather [hbm4b:s31+s7], $0x20, s2, s7, $0xb8;
	[tilespmem:$0xC600] =	vst v63  }
0xe5: {  	_ = 	snop  }
0xe6: {  	[tilespmem:s8], [sflag:$0x1] =	stream.indirect.gather [hbm4b:s31+s7], $0x20, s7, s7, $0xb8;
	[tilespmem:$0xC600] =	vst v63  }
0xe7: {  	_ = 	snop  }
0xe8: {  	[tilespmem:s10], [sflag:$0x1] =	stream.indirect.gather [hbm4b:s31+s7], $0x20, s9, s7, $0xb8;
	[tilespmem:$0xC600] =	vst v63  }
0xe9: {  	_ = 	snop  }
0xea: {  	[tilespmem:s12], [sflag:$0x1] =	stream.indirect.gather [hbm4b:s31+s7], $0x20, s11, s7, $0xb8;
	[tilespmem:$0xC600] =	vst v63  }
0xeb: {  	_ = 	snop  }
0xec: {  	[tilespmem:s14], [sflag:$0x1] =	stream.indirect.gather [hbm4b:s31+s7], $0x20, s13, s7, $0xb8;
	[tilespmem:$0xC600] =	vst v63  }
0xed: {  	_ = 	snop  }
0xee: {  	[tilespmem:s16], [sflag:$0x1] =	stream.indirect.gather [hbm4b:s31+s7], $0x20, s15, s7, $0xb8;
	[tilespmem:$0xC600] =	vst v63  }
0xef: {  	_ = 	snop  }
0xf0: {  	[tilespmem:s18], [sflag:$0x1] =	stream.indirect.gather [hbm4b:s31+s7], $0x20, s17, s7, $0xb8;
	[tilespmem:$0xC600] =	vst v63  }
0xf1: {  	_ = 	snop  }
0xf2: {  	[tilespmem:s20], [sflag:$0x1] =	stream.indirect.gather [hbm4b:s31+s7], $0x20, s19, s7, $0xb8;
	[tilespmem:$0xC600] =	vst v63  }
0xf3: {  	_ = 	snop  }
0xf4: {  	[tilespmem:s22], [sflag:$0x1] =	stream.indirect.gather [hbm4b:s31+s7], $0x20, s21, s7, $0xb8;
	[tilespmem:$0xC600] =	vst v63  }
0xf5: {  	_ = 	snop  }
0xf6: {  	[tilespmem:s24], [sflag:$0x1] =	stream.indirect.gather [hbm4b:s31+s7], $0x20, s23, s7, $0xb8;
	[tilespmem:$0xC600] =	vst v63  }
0xf7: {  	_ = 	snop  }
0xf8: {  	[tilespmem:s26], [sflag:$0x1] =	stream.indirect.gather [hbm4b:s31+s7], $0x20, s25, s7, $0xb8;
	[tilespmem:$0xC600] =	vst v63  }
0xf9: {  	_ = 	snop  }
0xfa: {  	[tilespmem:s29], [sflag:$0x1] =	stream.indirect.gather [hbm4b:s31+s7], $0x20, s28, s7, $0xb8;
	[tilespmem:$0xC600] =	vst v63  }
0xfb: {  	_ =	swait.ge [sflag:s6], $0x1000  }
0xfc: {  	[sflag:s6] =	ssyncset.done $0x0  }
0xfd: {  	[sflag:s6] =	ssyncadd.s32 $0xFFFFF000  }
0xfe: {  	_ =	swait.ge [sflag:s6], $0x1000  }
0xff: {  	[sflag:s6] =	ssyncset.done $0x0  }
0x100: {  	[sflag:s6] =	ssyncadd.s32 $0xFFFFF000  }
0x101: {  	_ =	swait.ge [sflag:s6], $0x1000  }
0x102: {  	[sflag:s6] =	ssyncset.done $0x0  }
0x103: {  	[sflag:s6] =	ssyncadd.s32 $0xFFFFF000  }
0x104: {  	_ =	swait.ge [sflag:s6], $0x1000  }
0x105: {  	[sflag:s6] =	ssyncset.done $0x0  }
0x106: {  	[sflag:s6] =	ssyncadd.s32 $0xFFFFF000  }
0x107: {  	_ =	swait.ge [sflag:s6], $0x1000  }
0x108: {  	[sflag:s6] =	ssyncset.done $0x0  }
0x109: {  	[sflag:s6] =	ssyncadd.s32 $0xFFFFF000  }
0x10a: {  	_ =	swait.ge [sflag:s6], $0x1000  }
0x10b: {  	[sflag:s6] =	ssyncset.done $0x0  }
0x10c: {  	[sflag:s6] =	ssyncadd.s32 $0xFFFFF000  }
0x10d: {  	_ =	swait.ge [sflag:s6], $0x1000  }
0x10e: {  	[sflag:s6] =	ssyncset.done $0x0  }
0x10f: {  	[sflag:s6] =	ssyncadd.s32 $0xFFFFF000  }
0x110: {  	_ =	swait.ge [sflag:s6], $0x1000  }
0x111: {  	[sflag:s6] =	ssyncset.done $0x0  }
0x112: {  	[sflag:s6] =	ssyncadd.s32 $0xFFFFF000  }
0x113: {  	_ =	swait.ge [sflag:s6], $0x1000  }
0x114: {  	[sflag:s6] =	ssyncset.done $0x0  }
0x115: {  	[sflag:s6] =	ssyncadd.s32 $0xFFFFF000  }
0x116: {  	_ =	swait.ge [sflag:s6], $0x1000  }
0x117: {  	[sflag:s6] =	ssyncset.done $0x0  }
0x118: {  	[sflag:s6] =	ssyncadd.s32 $0xFFFFF000  }
0x119: {  	_ =	swait.ge [sflag:s6], $0x1000  }
0x11a: {  	[sflag:s6] =	ssyncset.done $0x0  }
0x11b: {  	[sflag:s6] =	ssyncadd.s32 $0xFFFFF000  }
0x11c: {  	_ =	swait.ge [sflag:s6], $0x1000  }
0x11d: {  	[sflag:s6] =	ssyncset.done $0x0  }
0x11e: {  	s0 =	rddreg [dreg:$0x5];
	[sflag:s6] =	ssyncadd.s32 $0xFFFFF000  }
0x11f: {  	[hbm4b:s0+s2] =	stream.linear.scatter [tilespmem:s4], [sflag:$0x2], $0xC000, $0x38;
	[tilespmem:$0xC600] =	vst v63  }
0x120: {  	_ =	swait.ge [sflag:s3], $0xC000  }
0x121: {  	[sflag:s3] =	ssyncset.done $0x0  }
0x122: {  	s0 =	rddreg [dreg:$0x6];
	[sflag:s3] =	ssyncadd.s32 $0xFFFF4000  }
0x123: {  	[tilespmem:s2], [sflag:$0x2] =	stream.linear.gather [hbm4b:s0+s2], $0x600, $0x38;
	[tilespmem:$0xC600] =	vst v63  }
0x124: {  	_ =	swait.ge [sflag:s3], $0x600  }
0x125: {  	[sflag:s3] =	ssyncset.done $0x0  }
0x126: {  	[sflag:s3] =	ssyncadd.s32 $0xFFFFFA00  }
0x127: {  	[tilespmem:s4], [sflag:$0x1] =	stream.indirect.gather [hbm4b:s30+s7], $0x20, s2, s7, $0xb8;
	[tilespmem:$0xC600] =	vst v63  }
0x128: {  	_ = 	snop  }
0x129: {  	[tilespmem:s8], [sflag:$0x1] =	stream.indirect.gather [hbm4b:s30+s7], $0x20, s7, s7, $0xb8;
	[tilespmem:$0xC600] =	vst v63  }
0x12a: {  	_ = 	snop  }
0x12b: {  	[tilespmem:s10], [sflag:$0x1] =	stream.indirect.gather [hbm4b:s30+s7], $0x20, s9, s7, $0xb8;
	[tilespmem:$0xC600] =	vst v63  }
0x12c: {  	_ = 	snop  }
0x12d: {  	[tilespmem:s12], [sflag:$0x1] =	stream.indirect.gather [hbm4b:s30+s7], $0x20, s11, s7, $0xb8;
	[tilespmem:$0xC600] =	vst v63  }
0x12e: {  	_ = 	snop  }
0x12f: {  	[tilespmem:s14], [sflag:$0x1] =	stream.indirect.gather [hbm4b:s30+s7], $0x20, s13, s7, $0xb8;
	[tilespmem:$0xC600] =	vst v63  }
0x130: {  	_ = 	snop  }
0x131: {  	[tilespmem:s16], [sflag:$0x1] =	stream.indirect.gather [hbm4b:s30+s7], $0x20, s15, s7, $0xb8;
	[tilespmem:$0xC600] =	vst v63  }
0x132: {  	_ = 	snop  }
0x133: {  	[tilespmem:s18], [sflag:$0x1] =	stream.indirect.gather [hbm4b:s30+s7], $0x20, s17, s7, $0xb8;
	[tilespmem:$0xC600] =	vst v63  }
0x134: {  	_ = 	snop  }
0x135: {  	[tilespmem:s20], [sflag:$0x1] =	stream.indirect.gather [hbm4b:s30+s7], $0x20, s19, s7, $0xb8;
	[tilespmem:$0xC600] =	vst v63  }
0x136: {  	_ = 	snop  }
0x137: {  	[tilespmem:s22], [sflag:$0x1] =	stream.indirect.gather [hbm4b:s30+s7], $0x20, s21, s7, $0xb8;
	[tilespmem:$0xC600] =	vst v63  }
0x138: {  	_ = 	snop  }
0x139: {  	[tilespmem:s24], [sflag:$0x1] =	stream.indirect.gather [hbm4b:s30+s7], $0x20, s23, s7, $0xb8;
	[tilespmem:$0xC600] =	vst v63  }
0x13a: {  	_ = 	snop  }
0x13b: {  	[tilespmem:s26], [sflag:$0x1] =	stream.indirect.gather [hbm4b:s30+s7], $0x20, s25, s7, $0xb8;
	[tilespmem:$0xC600] =	vst v63  }
0x13c: {  	_ = 	snop  }
0x13d: {  	[tilespmem:s29], [sflag:$0x1] =	stream.indirect.gather [hbm4b:s30+s7], $0x20, s28, s7, $0xb8;
	[tilespmem:$0xC600] =	vst v63  }
0x13e: {  	_ =	swait.ge [sflag:s6], $0x1000  }
0x13f: {  	[sflag:s6] =	ssyncset.done $0x0  }
0x140: {  	[sflag:s6] =	ssyncadd.s32 $0xFFFFF000  }
0x141: {  	_ =	swait.ge [sflag:s6], $0x1000  }
0x142: {  	[sflag:s6] =	ssyncset.done $0x0  }
0x143: {  	[sflag:s6] =	ssyncadd.s32 $0xFFFFF000  }
0x144: {  	_ =	swait.ge [sflag:s6], $0x1000  }
0x145: {  	[sflag:s6] =	ssyncset.done $0x0  }
0x146: {  	[sflag:s6] =	ssyncadd.s32 $0xFFFFF000  }
0x147: {  	_ =	swait.ge [sflag:s6], $0x1000  }
0x148: {  	[sflag:s6] =	ssyncset.done $0x0  }
0x149: {  	[sflag:s6] =	ssyncadd.s32 $0xFFFFF000  }
0x14a: {  	_ =	swait.ge [sflag:s6], $0x1000  }
0x14b: {  	[sflag:s6] =	ssyncset.done $0x0  }
0x14c: {  	[sflag:s6] =	ssyncadd.s32 $0xFFFFF000  }
0x14d: {  	_ =	swait.ge [sflag:s6], $0x1000  }
0x14e: {  	[sflag:s6] =	ssyncset.done $0x0  }
0x14f: {  	[sflag:s6] =	ssyncadd.s32 $0xFFFFF000  }
0x150: {  	_ =	swait.ge [sflag:s6], $0x1000  }
0x151: {  	[sflag:s6] =	ssyncset.done $0x0  }
0x152: {  	[sflag:s6] =	ssyncadd.s32 $0xFFFFF000  }
0x153: {  	_ =	swait.ge [sflag:s6], $0x1000  }
0x154: {  	[sflag:s6] =	ssyncset.done $0x0  }
0x155: {  	[sflag:s6] =	ssyncadd.s32 $0xFFFFF000  }
0x156: {  	_ =	swait.ge [sflag:s6], $0x1000  }
0x157: {  	[sflag:s6] =	ssyncset.done $0x0  }
0x158: {  	[sflag:s6] =	ssyncadd.s32 $0xFFFFF000  }
0x159: {  	_ =	swait.ge [sflag:s6], $0x1000  }
0x15a: {  	[sflag:s6] =	ssyncset.done $0x0  }
0x15b: {  	[sflag:s6] =	ssyncadd.s32 $0xFFFFF000  }
0x15c: {  	_ =	swait.ge [sflag:s6], $0x1000  }
0x15d: {  	[sflag:s6] =	ssyncset.done $0x0  }
0x15e: {  	[sflag:s6] =	ssyncadd.s32 $0xFFFFF000  }
0x15f: {  	_ =	swait.ge [sflag:s6], $0x1000  }
0x160: {  	[sflag:s6] =	ssyncset.done $0x0  }
0x161: {  	s0 =	rddreg [dreg:$0x7];
	[sflag:s6] =	ssyncadd.s32 $0xFFFFF000  }
0x162: {  	[hbm4b:s0+s2] =	stream.linear.scatter [tilespmem:s4], [sflag:$0x2], $0xC000, $0x38;
	[tilespmem:$0xC600] =	vst v63  }
0x163: {  	_ =	swait.ge [sflag:s3], $0xC000  }
0x164: {  	[sflag:s3] =	ssyncset.done $0x0  }
0x165: {  	s0 =	rddreg [dreg:$0x8];
	[sflag:s3] =	ssyncadd.s32 $0xFFFF4000  }
0x166: {  	[tilespmem:s2], [sflag:$0x2] =	stream.linear.gather [hbm4b:s0+s2], $0x600, $0x38;
	[tilespmem:$0xC600] =	vst v63  }
0x167: {  	_ =	swait.ge [sflag:s3], $0x600  }
0x168: {  	[sflag:s3] =	ssyncset.done $0x0  }
0x169: {  	[sflag:s3] =	ssyncadd.s32 $0xFFFFFA00  }
0x16a: {  	[tilespmem:s4], [sflag:$0x1] =	stream.indirect.gather [hbm4b:s5+s7], $0x20, s2, s7, $0xb8;
	[tilespmem:$0xC600] =	vst v63  }
0x16b: {  	_ = 	snop  }
0x16c: {  	[tilespmem:s8], [sflag:$0x1] =	stream.indirect.gather [hbm4b:s5+s7], $0x20, s7, s7, $0xb8;
	[tilespmem:$0xC600] =	vst v63  }
0x16d: {  	_ = 	snop  }
0x16e: {  	[tilespmem:s10], [sflag:$0x1] =	stream.indirect.gather [hbm4b:s5+s7], $0x20, s9, s7, $0xb8;
	[tilespmem:$0xC600] =	vst v63  }
0x16f: {  	_ = 	snop  }
0x170: {  	[tilespmem:s12], [sflag:$0x1] =	stream.indirect.gather [hbm4b:s5+s7], $0x20, s11, s7, $0xb8;
	[tilespmem:$0xC600] =	vst v63  }
0x171: {  	_ = 	snop  }
0x172: {  	[tilespmem:s14], [sflag:$0x1] =	stream.indirect.gather [hbm4b:s5+s7], $0x20, s13, s7, $0xb8;
	[tilespmem:$0xC600] =	vst v63  }
0x173: {  	_ = 	snop  }
0x174: {  	[tilespmem:s16], [sflag:$0x1] =	stream.indirect.gather [hbm4b:s5+s7], $0x20, s15, s7, $0xb8;
	[tilespmem:$0xC600] =	vst v63  }
0x175: {  	_ = 	snop  }
0x176: {  	[tilespmem:s18], [sflag:$0x1] =	stream.indirect.gather [hbm4b:s5+s7], $0x20, s17, s7, $0xb8;
	[tilespmem:$0xC600] =	vst v63  }
0x177: {  	_ = 	snop  }
0x178: {  	[tilespmem:s20], [sflag:$0x1] =	stream.indirect.gather [hbm4b:s5+s7], $0x20, s19, s7, $0xb8;
	[tilespmem:$0xC600] =	vst v63  }
0x179: {  	_ = 	snop  }
0x17a: {  	[tilespmem:s22], [sflag:$0x1] =	stream.indirect.gather [hbm4b:s5+s7], $0x20, s21, s7, $0xb8;
	[tilespmem:$0xC600] =	vst v63  }
0x17b: {  	_ = 	snop  }
0x17c: {  	[tilespmem:s24], [sflag:$0x1] =	stream.indirect.gather [hbm4b:s5+s7], $0x20, s23, s7, $0xb8;
	[tilespmem:$0xC600] =	vst v63  }
0x17d: {  	_ = 	snop  }
0x17e: {  	[tilespmem:s26], [sflag:$0x1] =	stream.indirect.gather [hbm4b:s5+s7], $0x20, s25, s7, $0xb8;
	[tilespmem:$0xC600] =	vst v63  }
0x17f: {  	_ = 	snop  }
0x180: {  	[tilespmem:s29], [sflag:$0x1] =	stream.indirect.gather [hbm4b:s5+s7], $0x20, s28, s7, $0xb8;
	[tilespmem:$0xC600] =	vst v63  }
0x181: {  	_ =	swait.ge [sflag:s6], $0x1000  }
0x182: {  	[sflag:s6] =	ssyncset.done $0x0  }
0x183: {  	[sflag:s6] =	ssyncadd.s32 $0xFFFFF000  }
0x184: {  	_ =	swait.ge [sflag:s6], $0x1000  }
0x185: {  	[sflag:s6] =	ssyncset.done $0x0  }
0x186: {  	[sflag:s6] =	ssyncadd.s32 $0xFFFFF000  }
0x187: {  	_ =	swait.ge [sflag:s6], $0x1000  }
0x188: {  	[sflag:s6] =	ssyncset.done $0x0  }
0x189: {  	[sflag:s6] =	ssyncadd.s32 $0xFFFFF000  }
0x18a: {  	_ =	swait.ge [sflag:s6], $0x1000  }
0x18b: {  	[sflag:s6] =	ssyncset.done $0x0  }
0x18c: {  	[sflag:s6] =	ssyncadd.s32 $0xFFFFF000  }
0x18d: {  	_ =	swait.ge [sflag:s6], $0x1000  }
0x18e: {  	[sflag:s6] =	ssyncset.done $0x0  }
0x18f: {  	[sflag:s6] =	ssyncadd.s32 $0xFFFFF000  }
0x190: {  	_ =	swait.ge [sflag:s6], $0x1000  }
0x191: {  	[sflag:s6] =	ssyncset.done $0x0  }
0x192: {  	[sflag:s6] =	ssyncadd.s32 $0xFFFFF000  }
0x193: {  	_ =	swait.ge [sflag:s6], $0x1000  }
0x194: {  	[sflag:s6] =	ssyncset.done $0x0  }
0x195: {  	[sflag:s6] =	ssyncadd.s32 $0xFFFFF000  }
0x196: {  	_ =	swait.ge [sflag:s6], $0x1000  }
0x197: {  	[sflag:s6] =	ssyncset.done $0x0  }
0x198: {  	[sflag:s6] =	ssyncadd.s32 $0xFFFFF000  }
0x199: {  	_ =	swait.ge [sflag:s6], $0x1000  }
0x19a: {  	[sflag:s6] =	ssyncset.done $0x0  }
0x19b: {  	[sflag:s6] =	ssyncadd.s32 $0xFFFFF000  }
0x19c: {  	_ =	swait.ge [sflag:s6], $0x1000  }
0x19d: {  	[sflag:s6] =	ssyncset.done $0x0  }
0x19e: {  	[sflag:s6] =	ssyncadd.s32 $0xFFFFF000  }
0x19f: {  	_ =	swait.ge [sflag:s6], $0x1000  }
0x1a0: {  	[sflag:s6] =	ssyncset.done $0x0  }
0x1a1: {  	[sflag:s6] =	ssyncadd.s32 $0xFFFFF000  }
0x1a2: {  	p1 =	sne.s32 s1, $0x1;
	_ =	swait.ge [sflag:s6], $0x1000  }
.Ltmp2:
0x1a3: {  	[sflag:s6] =	ssyncset.done $0x0;
	(pc) =	sbr.rel @p1 .LBB2_2-.Ltmp2, $4  }
0x1a4: {  	s0 =	rddreg [dreg:$0x9];
	[sflag:s6] =	ssyncadd.s32 $0xFFFFF000  }
0x1a5: {  	[hbm4b:s0+s2] =	stream.linear.scatter [tilespmem:s4], [sflag:$0x2], $0xC000, $0x38;
	[tilespmem:$0xC600] =	vst v63  }
0x1a6: {  	_ =	swait.ge [sflag:s3], $0xC000  }
0x1a7: {  	s1 =	sadd.s32 $0xFFFFFFFF, s1;
	s0 =	rddreg [dreg:$0x4];
	[sflag:s3] =	ssyncset.done $0x0  }
.LBB2_3:
0x1a8: {  	[sflag:s3] =	ssyncadd.s32 @p0 $0xFFFF4000  }
0x1a9: {  	[tilespmem:s2], [sflag:$0x2] =	stream.linear.gather [hbm4b:s0+s2], $0x600, $0x38;
	[tilespmem:$0xC600] =	vst v63  }
0x1aa: {  	_ =	swait.ge [sflag:s3], $0x600  }
0x1ab: {  	[sflag:s3] =	ssyncset.done $0x0  }
0x1ac: {  	[sflag:s3] =	ssyncadd.s32 $0xFFFFFA00  }
0x1ad: {  	[tilespmem:s4], [sflag:$0x1] =	stream.indirect.gather [hbm4b:s31+s7], $0x20, s2, s7, $0xb8;
	[tilespmem:$0xC600] =	vst v63  }
0x1ae: {  	_ = 	snop  }
0x1af: {  	[tilespmem:s8], [sflag:$0x1] =	stream.indirect.gather [hbm4b:s31+s7], $0x20, s7, s7, $0xb8;
	[tilespmem:$0xC600] =	vst v63  }
0x1b0: {  	_ = 	snop  }
0x1b1: {  	[tilespmem:s10], [sflag:$0x1] =	stream.indirect.gather [hbm4b:s31+s7], $0x20, s9, s7, $0xb8;
	[tilespmem:$0xC600] =	vst v63  }
0x1b2: {  	_ = 	snop  }
0x1b3: {  	[tilespmem:s12], [sflag:$0x1] =	stream.indirect.gather [hbm4b:s31+s7], $0x20, s11, s7, $0xb8;
	[tilespmem:$0xC600] =	vst v63  }
0x1b4: {  	_ = 	snop  }
0x1b5: {  	[tilespmem:s14], [sflag:$0x1] =	stream.indirect.gather [hbm4b:s31+s7], $0x20, s13, s7, $0xb8;
	[tilespmem:$0xC600] =	vst v63  }
0x1b6: {  	_ = 	snop  }
0x1b7: {  	[tilespmem:s16], [sflag:$0x1] =	stream.indirect.gather [hbm4b:s31+s7], $0x20, s15, s7, $0xb8;
	[tilespmem:$0xC600] =	vst v63  }
0x1b8: {  	_ = 	snop  }
0x1b9: {  	[tilespmem:s18], [sflag:$0x1] =	stream.indirect.gather [hbm4b:s31+s7], $0x20, s17, s7, $0xb8;
	[tilespmem:$0xC600] =	vst v63  }
0x1ba: {  	_ = 	snop  }
0x1bb: {  	[tilespmem:s20], [sflag:$0x1] =	stream.indirect.gather [hbm4b:s31+s7], $0x20, s19, s7, $0xb8;
	[tilespmem:$0xC600] =	vst v63  }
0x1bc: {  	_ = 	snop  }
0x1bd: {  	[tilespmem:s22], [sflag:$0x1] =	stream.indirect.gather [hbm4b:s31+s7], $0x20, s21, s7, $0xb8;
	[tilespmem:$0xC600] =	vst v63  }
0x1be: {  	_ = 	snop  }
0x1bf: {  	[tilespmem:s24], [sflag:$0x1] =	stream.indirect.gather [hbm4b:s31+s7], $0x20, s23, s7, $0xb8;
	[tilespmem:$0xC600] =	vst v63  }
0x1c0: {  	_ = 	snop  }
0x1c1: {  	[tilespmem:s26], [sflag:$0x1] =	stream.indirect.gather [hbm4b:s31+s7], $0x20, s25, s7, $0xb8;
	[tilespmem:$0xC600] =	vst v63  }
0x1c2: {  	_ = 	snop  }
0x1c3: {  	[tilespmem:s29], [sflag:$0x1] =	stream.indirect.gather [hbm4b:s31+s7], $0x20, s28, s7, $0xb8;
	[tilespmem:$0xC600] =	vst v63  }
0x1c4: {  	_ =	swait.ge [sflag:s6], $0x1000  }
0x1c5: {  	[sflag:s6] =	ssyncset.done $0x0  }
0x1c6: {  	[sflag:s6] =	ssyncadd.s32 $0xFFFFF000  }
0x1c7: {  	_ =	swait.ge [sflag:s6], $0x1000  }
0x1c8: {  	[sflag:s6] =	ssyncset.done $0x0  }
0x1c9: {  	[sflag:s6] =	ssyncadd.s32 $0xFFFFF000  }
0x1ca: {  	_ =	swait.ge [sflag:s6], $0x1000  }
0x1cb: {  	[sflag:s6] =	ssyncset.done $0x0  }
0x1cc: {  	[sflag:s6] =	ssyncadd.s32 $0xFFFFF000  }
0x1cd: {  	_ =	swait.ge [sflag:s6], $0x1000  }
0x1ce: {  	[sflag:s6] =	ssyncset.done $0x0  }
0x1cf: {  	[sflag:s6] =	ssyncadd.s32 $0xFFFFF000  }
0x1d0: {  	_ =	swait.ge [sflag:s6], $0x1000  }
0x1d1: {  	[sflag:s6] =	ssyncset.done $0x0  }
0x1d2: {  	[sflag:s6] =	ssyncadd.s32 $0xFFFFF000  }
0x1d3: {  	_ =	swait.ge [sflag:s6], $0x1000  }
0x1d4: {  	[sflag:s6] =	ssyncset.done $0x0  }
0x1d5: {  	[sflag:s6] =	ssyncadd.s32 $0xFFFFF000  }
0x1d6: {  	_ =	swait.ge [sflag:s6], $0x1000  }
0x1d7: {  	[sflag:s6] =	ssyncset.done $0x0  }
0x1d8: {  	[sflag:s6] =	ssyncadd.s32 $0xFFFFF000  }
0x1d9: {  	_ =	swait.ge [sflag:s6], $0x1000  }
0x1da: {  	[sflag:s6] =	ssyncset.done $0x0  }
0x1db: {  	[sflag:s6] =	ssyncadd.s32 $0xFFFFF000  }
0x1dc: {  	_ =	swait.ge [sflag:s6], $0x1000  }
0x1dd: {  	[sflag:s6] =	ssyncset.done $0x0  }
0x1de: {  	[sflag:s6] =	ssyncadd.s32 $0xFFFFF000  }
0x1df: {  	_ =	swait.ge [sflag:s6], $0x1000  }
0x1e0: {  	[sflag:s6] =	ssyncset.done $0x0  }
0x1e1: {  	[sflag:s6] =	ssyncadd.s32 $0xFFFFF000  }
0x1e2: {  	_ =	swait.ge [sflag:s6], $0x1000  }
0x1e3: {  	[sflag:s6] =	ssyncset.done $0x0  }
0x1e4: {  	[sflag:s6] =	ssyncadd.s32 $0xFFFFF000  }
0x1e5: {  	_ =	swait.ge [sflag:s6], $0x1000  }
0x1e6: {  	[sflag:s6] =	ssyncset.done $0x0  }
0x1e7: {  	s31 =	rddreg [dreg:$0x5];
	[sflag:s6] =	ssyncadd.s32 $0xFFFFF000  }
0x1e8: {  	[hbm4b:s31+s2] =	stream.linear.scatter [tilespmem:s4], [sflag:$0x2], $0xC000, $0x38;
	[tilespmem:$0xC600] =	vst v63  }
0x1e9: {  	_ =	swait.ge [sflag:s3], $0xC000  }
0x1ea: {  	[sflag:s3] =	ssyncset.done $0x0  }
0x1eb: {  	s1 =	rddreg [dreg:$0x6];
	[sflag:s3] =	ssyncadd.s32 $0xFFFF4000  }
0x1ec: {  	[tilespmem:s2], [sflag:$0x2] =	stream.linear.gather [hbm4b:s1+s2], $0x600, $0x38;
	[tilespmem:$0xC600] =	vst v63  }
0x1ed: {  	_ =	swait.ge [sflag:s3], $0x600  }
0x1ee: {  	[sflag:s3] =	ssyncset.done $0x0  }
0x1ef: {  	[sflag:s3] =	ssyncadd.s32 $0xFFFFFA00  }
0x1f0: {  	[tilespmem:s4], [sflag:$0x1] =	stream.indirect.gather [hbm4b:s30+s7], $0x20, s2, s7, $0xb8;
	[tilespmem:$0xC600] =	vst v63  }
0x1f1: {  	_ = 	snop  }
0x1f2: {  	[tilespmem:s8], [sflag:$0x1] =	stream.indirect.gather [hbm4b:s30+s7], $0x20, s7, s7, $0xb8;
	[tilespmem:$0xC600] =	vst v63  }
0x1f3: {  	_ = 	snop  }
0x1f4: {  	[tilespmem:s10], [sflag:$0x1] =	stream.indirect.gather [hbm4b:s30+s7], $0x20, s9, s7, $0xb8;
	[tilespmem:$0xC600] =	vst v63  }
0x1f5: {  	_ = 	snop  }
0x1f6: {  	[tilespmem:s12], [sflag:$0x1] =	stream.indirect.gather [hbm4b:s30+s7], $0x20, s11, s7, $0xb8;
	[tilespmem:$0xC600] =	vst v63  }
0x1f7: {  	_ = 	snop  }
0x1f8: {  	[tilespmem:s14], [sflag:$0x1] =	stream.indirect.gather [hbm4b:s30+s7], $0x20, s13, s7, $0xb8;
	[tilespmem:$0xC600] =	vst v63  }
0x1f9: {  	_ = 	snop  }
0x1fa: {  	[tilespmem:s16], [sflag:$0x1] =	stream.indirect.gather [hbm4b:s30+s7], $0x20, s15, s7, $0xb8;
	[tilespmem:$0xC600] =	vst v63  }
0x1fb: {  	_ = 	snop  }
0x1fc: {  	[tilespmem:s18], [sflag:$0x1] =	stream.indirect.gather [hbm4b:s30+s7], $0x20, s17, s7, $0xb8;
	[tilespmem:$0xC600] =	vst v63  }
0x1fd: {  	_ = 	snop  }
0x1fe: {  	[tilespmem:s20], [sflag:$0x1] =	stream.indirect.gather [hbm4b:s30+s7], $0x20, s19, s7, $0xb8;
	[tilespmem:$0xC600] =	vst v63  }
0x1ff: {  	_ = 	snop  }
0x200: {  	[tilespmem:s22], [sflag:$0x1] =	stream.indirect.gather [hbm4b:s30+s7], $0x20, s21, s7, $0xb8;
	[tilespmem:$0xC600] =	vst v63  }
0x201: {  	_ = 	snop  }
0x202: {  	[tilespmem:s24], [sflag:$0x1] =	stream.indirect.gather [hbm4b:s30+s7], $0x20, s23, s7, $0xb8;
	[tilespmem:$0xC600] =	vst v63  }
0x203: {  	_ = 	snop  }
0x204: {  	[tilespmem:s26], [sflag:$0x1] =	stream.indirect.gather [hbm4b:s30+s7], $0x20, s25, s7, $0xb8;
	[tilespmem:$0xC600] =	vst v63  }
0x205: {  	_ = 	snop  }
0x206: {  	[tilespmem:s29], [sflag:$0x1] =	stream.indirect.gather [hbm4b:s30+s7], $0x20, s28, s7, $0xb8;
	[tilespmem:$0xC600] =	vst v63  }
0x207: {  	_ =	swait.ge [sflag:s6], $0x1000  }
0x208: {  	[sflag:s6] =	ssyncset.done $0x0  }
0x209: {  	[sflag:s6] =	ssyncadd.s32 $0xFFFFF000  }
0x20a: {  	_ =	swait.ge [sflag:s6], $0x1000  }
0x20b: {  	[sflag:s6] =	ssyncset.done $0x0  }
0x20c: {  	[sflag:s6] =	ssyncadd.s32 $0xFFFFF000  }
0x20d: {  	_ =	swait.ge [sflag:s6], $0x1000  }
0x20e: {  	[sflag:s6] =	ssyncset.done $0x0  }
0x20f: {  	[sflag:s6] =	ssyncadd.s32 $0xFFFFF000  }
0x210: {  	_ =	swait.ge [sflag:s6], $0x1000  }
0x211: {  	[sflag:s6] =	ssyncset.done $0x0  }
0x212: {  	[sflag:s6] =	ssyncadd.s32 $0xFFFFF000  }
0x213: {  	_ =	swait.ge [sflag:s6], $0x1000  }
0x214: {  	[sflag:s6] =	ssyncset.done $0x0  }
0x215: {  	[sflag:s6] =	ssyncadd.s32 $0xFFFFF000  }
0x216: {  	_ =	swait.ge [sflag:s6], $0x1000  }
0x217: {  	[sflag:s6] =	ssyncset.done $0x0  }
0x218: {  	[sflag:s6] =	ssyncadd.s32 $0xFFFFF000  }
0x219: {  	_ =	swait.ge [sflag:s6], $0x1000  }
0x21a: {  	[sflag:s6] =	ssyncset.done $0x0  }
0x21b: {  	[sflag:s6] =	ssyncadd.s32 $0xFFFFF000  }
0x21c: {  	_ =	swait.ge [sflag:s6], $0x1000  }
0x21d: {  	[sflag:s6] =	ssyncset.done $0x0  }
0x21e: {  	[sflag:s6] =	ssyncadd.s32 $0xFFFFF000  }
0x21f: {  	_ =	swait.ge [sflag:s6], $0x1000  }
0x220: {  	[sflag:s6] =	ssyncset.done $0x0  }
0x221: {  	[sflag:s6] =	ssyncadd.s32 $0xFFFFF000  }
0x222: {  	_ =	swait.ge [sflag:s6], $0x1000  }
0x223: {  	[sflag:s6] =	ssyncset.done $0x0  }
0x224: {  	[sflag:s6] =	ssyncadd.s32 $0xFFFFF000  }
0x225: {  	_ =	swait.ge [sflag:s6], $0x1000  }
0x226: {  	[sflag:s6] =	ssyncset.done $0x0  }
0x227: {  	[sflag:s6] =	ssyncadd.s32 $0xFFFFF000  }
0x228: {  	_ =	swait.ge [sflag:s6], $0x1000  }
0x229: {  	[sflag:s6] =	ssyncset.done $0x0  }
0x22a: {  	s31 =	rddreg [dreg:$0x7];
	[sflag:s6] =	ssyncadd.s32 $0xFFFFF000  }
0x22b: {  	[hbm4b:s31+s2] =	stream.linear.scatter [tilespmem:s4], [sflag:$0x2], $0xC000, $0x38;
	[tilespmem:$0xC600] =	vst v63  }
0x22c: {  	_ =	swait.ge [sflag:s3], $0xC000  }
0x22d: {  	[sflag:s3] =	ssyncset.done $0x0  }
0x22e: {  	s1 =	rddreg [dreg:$0x8];
	[sflag:s3] =	ssyncadd.s32 $0xFFFF4000  }
0x22f: {  	[tilespmem:s2], [sflag:$0x2] =	stream.linear.gather [hbm4b:s1+s2], $0x600, $0x38;
	[tilespmem:$0xC600] =	vst v63  }
0x230: {  	_ =	swait.ge [sflag:s3], $0x600  }
0x231: {  	[sflag:s3] =	ssyncset.done $0x0  }
0x232: {  	[sflag:s3] =	ssyncadd.s32 $0xFFFFFA00  }
0x233: {  	[tilespmem:s4], [sflag:$0x1] =	stream.indirect.gather [hbm4b:s5+s7], $0x20, s2, s7, $0xb8;
	[tilespmem:$0xC600] =	vst v63  }
0x234: {  	_ = 	snop  }
0x235: {  	[tilespmem:s8], [sflag:$0x1] =	stream.indirect.gather [hbm4b:s5+s7], $0x20, s7, s7, $0xb8;
	[tilespmem:$0xC600] =	vst v63  }
0x236: {  	_ = 	snop  }
0x237: {  	[tilespmem:s10], [sflag:$0x1] =	stream.indirect.gather [hbm4b:s5+s7], $0x20, s9, s7, $0xb8;
	[tilespmem:$0xC600] =	vst v63  }
0x238: {  	_ = 	snop  }
0x239: {  	[tilespmem:s12], [sflag:$0x1] =	stream.indirect.gather [hbm4b:s5+s7], $0x20, s11, s7, $0xb8;
	[tilespmem:$0xC600] =	vst v63  }
0x23a: {  	_ = 	snop  }
0x23b: {  	[tilespmem:s14], [sflag:$0x1] =	stream.indirect.gather [hbm4b:s5+s7], $0x20, s13, s7, $0xb8;
	[tilespmem:$0xC600] =	vst v63  }
0x23c: {  	_ = 	snop  }
0x23d: {  	[tilespmem:s16], [sflag:$0x1] =	stream.indirect.gather [hbm4b:s5+s7], $0x20, s15, s7, $0xb8;
	[tilespmem:$0xC600] =	vst v63  }
0x23e: {  	_ = 	snop  }
0x23f: {  	[tilespmem:s18], [sflag:$0x1] =	stream.indirect.gather [hbm4b:s5+s7], $0x20, s17, s7, $0xb8;
	[tilespmem:$0xC600] =	vst v63  }
0x240: {  	_ = 	snop  }
0x241: {  	[tilespmem:s20], [sflag:$0x1] =	stream.indirect.gather [hbm4b:s5+s7], $0x20, s19, s7, $0xb8;
	[tilespmem:$0xC600] =	vst v63  }
0x242: {  	_ = 	snop  }
0x243: {  	[tilespmem:s22], [sflag:$0x1] =	stream.indirect.gather [hbm4b:s5+s7], $0x20, s21, s7, $0xb8;
	[tilespmem:$0xC600] =	vst v63  }
0x244: {  	_ = 	snop  }
0x245: {  	[tilespmem:s24], [sflag:$0x1] =	stream.indirect.gather [hbm4b:s5+s7], $0x20, s23, s7, $0xb8;
	[tilespmem:$0xC600] =	vst v63  }
0x246: {  	_ = 	snop  }
0x247: {  	[tilespmem:s26], [sflag:$0x1] =	stream.indirect.gather [hbm4b:s5+s7], $0x20, s25, s7, $0xb8;
	[tilespmem:$0xC600] =	vst v63  }
0x248: {  	_ = 	snop  }
0x249: {  	[tilespmem:s29], [sflag:$0x1] =	stream.indirect.gather [hbm4b:s5+s7], $0x20, s28, s7, $0xb8;
	[tilespmem:$0xC600] =	vst v63  }
0x24a: {  	_ =	swait.ge [sflag:s6], $0x1000  }
0x24b: {  	[sflag:s6] =	ssyncset.done $0x0  }
0x24c: {  	[sflag:s6] =	ssyncadd.s32 $0xFFFFF000  }
0x24d: {  	_ =	swait.ge [sflag:s6], $0x1000  }
0x24e: {  	[sflag:s6] =	ssyncset.done $0x0  }
0x24f: {  	[sflag:s6] =	ssyncadd.s32 $0xFFFFF000  }
0x250: {  	_ =	swait.ge [sflag:s6], $0x1000  }
0x251: {  	[sflag:s6] =	ssyncset.done $0x0  }
0x252: {  	[sflag:s6] =	ssyncadd.s32 $0xFFFFF000  }
0x253: {  	_ =	swait.ge [sflag:s6], $0x1000  }
0x254: {  	[sflag:s6] =	ssyncset.done $0x0  }
0x255: {  	[sflag:s6] =	ssyncadd.s32 $0xFFFFF000  }
0x256: {  	_ =	swait.ge [sflag:s6], $0x1000  }
0x257: {  	[sflag:s6] =	ssyncset.done $0x0  }
0x258: {  	[sflag:s6] =	ssyncadd.s32 $0xFFFFF000  }
0x259: {  	_ =	swait.ge [sflag:s6], $0x1000  }
0x25a: {  	[sflag:s6] =	ssyncset.done $0x0  }
0x25b: {  	[sflag:s6] =	ssyncadd.s32 $0xFFFFF000  }
0x25c: {  	_ =	swait.ge [sflag:s6], $0x1000  }
0x25d: {  	[sflag:s6] =	ssyncset.done $0x0  }
0x25e: {  	[sflag:s6] =	ssyncadd.s32 $0xFFFFF000  }
0x25f: {  	_ =	swait.ge [sflag:s6], $0x1000  }
0x260: {  	[sflag:s6] =	ssyncset.done $0x0  }
0x261: {  	[sflag:s6] =	ssyncadd.s32 $0xFFFFF000  }
0x262: {  	_ =	swait.ge [sflag:s6], $0x1000  }
0x263: {  	[sflag:s6] =	ssyncset.done $0x0  }
0x264: {  	[sflag:s6] =	ssyncadd.s32 $0xFFFFF000  }
0x265: {  	_ =	swait.ge [sflag:s6], $0x1000  }
0x266: {  	[sflag:s6] =	ssyncset.done $0x0  }
0x267: {  	[sflag:s6] =	ssyncadd.s32 $0xFFFFF000  }
0x268: {  	_ =	swait.ge [sflag:s6], $0x1000  }
0x269: {  	[sflag:s6] =	ssyncset.done $0x0  }
0x26a: {  	[sflag:s6] =	ssyncadd.s32 $0xFFFFF000  }
0x26b: {  	_ =	swait.ge [sflag:s6], $0x1000  }
0x26c: {  	[sflag:s6] =	ssyncset.done $0x0  }
0x26d: {  	s30 =	rddreg [dreg:$0x9];
	[sflag:s6] =	ssyncadd.s32 $0xFFFFF000  }
0x26e: {  	[hbm4b:s30+s2] =	stream.linear.scatter [tilespmem:s4], [sflag:$0x2], $0xC000, $0x38;
	[tilespmem:$0xC600] =	vst v63  }
0x26f: {  	_ =	swait.ge [sflag:s3], $0xC000  }
0x270: {  	[sflag:s3] =	ssyncset.done $0x0  }
0x271: {  	[sflag:s3] =	ssyncadd.s32 $0xFFFF4000  }
0x272: {  	_ =	sfence.sel $0x180000  }
0x273: {  	[bflag:$0x0] =	sbarrier.arrive $0xFFFF  }
0x274: {  	_ =	strace $0x90000047  }
0x275: {  	s31 =	stileid.u32;
	[bflag:$0x2] =	sbarrier.arrive $0xFFFF  }
0x276: {  	p0 =	sne.s32 s31, $0x0;
	s0 =	rddreg [dreg:$0x3]  }
0x277: {  	s0 =	sadd.s32 @!p0 $0x100000, s0  }
0x278: {  	[sflag:s0] =	ssyncadd.tile.s32 @!p0 $0x1;
	_ =	shalt  }
.Lfunc_end2:
_tile_overlayer_lowered:
.L_overlay_start_2:
0x279: {  	(tag) =	ssettag $0x2  }
0x27a: {  	s0 =	rddreg [dreg:$0x0];
	s2 =	stileid.u32  }
0x27b: {  	s1 =	rddreg [dreg:$0x1];
	p0 =	sne.s32 s2, $0x0  }
0x27c: {  	s3 =	rddreg [dreg:$0x2];
	[bflag:$0x3] =	sbarrier.arrive $0xFFFF;
	s2 =	simm.s32 @!p0 $0x1C02  }
0x27d: {  	[timem:s3], [sflag:s2] =	dma.local @!p0 [hbm:s0], s1  }
0x27e: {  	s0 =	simm.s32 @!p0 $0x2  }
0x27f: {  	_ =	swait.ge @!p0 [sflag:s0], s1  }
0x280: {  	s1 =	ssub.s32 @!p0 $0x0, s1;
	[sflag:s0] =	ssyncset.done @!p0 $0x0  }
0x281: {  	[sflag:s0] =	ssyncadd.s32 @!p0 s1  }
0x282: {  	[bflag:$0x3] =	sbarrier.arrive $0xFFFF  }
0x283: {  	_ =	shalt  }

// kernel: sparse-core-data-format-call.cloned.1.call-start
scs
called_computation_lowered:
.L_overlay_start_0:
0x0: {  	s2 =	sld [smem:$0x3FD9]  }
0x1: {  	s3 =	sld [smem:$0x3FFE];
	_ =	sdelay $0x1  }
0x2: {  	s1 =	srdreg.scid  }
0x3: {  	s0 =	sand.u32 $0x1, s1  }
0x4: {  	s16 =	sshll.u32 s0, $0xA;
	s2 =	sadd.s32 s3, s2  }
0x5: {  	s2 =	sadd.s32 s2, s16  }
0x6: {  	[smem:$0x3FBD] =	sst s2  }
0x7: {  	_ = 	snop  }
0x8: {  	s2 =	sld [smem:$0x3FD0];
	_ =	sdelay $0x2  }
0x9: {  	s17 =	simm.s32 $0xB;
	s4 =	simm.s32 $0x10  }
0xa: {  	[smem:s4], [sflag:s17] =	dma.local [hbm:s2], $0x1  }
0xb: {  	_ =	swait.eq [sflag:s17], $0x1  }
0xc: {  	[sflag:s17] =	ssyncset.done $0x0  }
0xd: {  	[sflag:s17] =	ssyncadd.s32 $0xFFFFFFFF  }
0xe: {  	s18 =	sld [smem:$0x12];
	(tm) =	ssettm $0x1  }
0xf: {  	s19 =	sld [smem:$0x3FFB];
	_ =	sdelay $0x3  }
0x10: {  	_ =	strace s19  }
0x11: {  	s2 =	sld [smem:$0x3FFC];
	_ =	sdelay $0x3  }
0x12: {  	_ =	strace s2  }
0x13: {  	s2 =	sld [smem:$0x3FFD];
	_ =	sdelay $0x3  }
0x14: {  	_ =	strace s2  }
0x15: {  	_ =	strace $0x8FFFFFFF  }
0x16: {  	s20 =	sld [smem:$0x3FDB];
	_ =	sdelay $0x1  }
0x17: {  	s21 =	simm.s32 $_scs_section_size  }
0x18: {  	s5 =	simm.s32 $_size__tile_overlayer_lowered;
	s6 =	simm.s32 $_tile_overlayer_lowered  }
0x19: {  	s7 =	simm.s32 $0x1BFF;
	s22 =	sshll.u32 s6, $0x1;
	s4 =	sadd.s32 s21, s20  }
0x1a: {  	s23 =	simm.s32 $0x0;
	s5 =	sshll.u32 s5, $0x1;
	s6 =	sadd.s32 s22, s4  }
0x1b: {  	[timem:s23], [sflag:s7] =	dma.local [hbm:s6], s5  }
0x1c: {  	_ =	swait.ge [sflag:s7], s5  }
0x1d: {  	s5 =	ssub.s32 $0x0, s5;
	[sflag:s7] =	ssyncset.done $0x0  }
0x1e: {  	[sflag:s7] =	ssyncadd.s32 s5;
	_ =	sdelay $0x1  }
0x1f: {  	s24 =	simm.s32 $0x1B8B  }
0x20: {  	_ =	swait.ge [sflag:s24], $0x1  }
0x21: {  	[sflag:s24] =	ssyncset.done $0x0  }
0x22: {  	[sflag:s24] =	ssyncadd.s32 $0xFFFFFFFF  }
0x23: {  	s5 =	sld [smem:$0x0]  }
0x24: {  	s6 =	sand.u32 $0xFFFFFFFE, s1  }
0x25: {  	p0 =	sne.s32 s1, s6  }
0x26: {  	s6 =	sshll.u32 @p0 s6, $0xE  }
0x27: {  	s6 =	sadd.s32 @p0 $0x11B8D, s6;
	s7 =	sshll.u32 @p0 s5, $0x11  }
0x28: {  	s6 =	sor.u32 @p0 s7, s6  }
0x29: {  	[sflag:s6] =	ssyncadd.remote.s32 @p0 $0x1;
	_ =	sdelay $0x1  }
0x2a: {  	s6 =	simm.s32 @p0 $0x1B8D  }
0x2b: {  	_ =	swait.eq @p0 [sflag:s6], $0x1  }
0x2c: {  	[sflag:s6] =	ssyncadd.s32 @p0 $0xFFFFFFFF  }
0x2d: {  	s7 =	sshll.u32 @!p0 s1, $0xE  }
0x2e: {  	s7 =	sor.u32 @!p0 $0x4000, s7;
	s6 =	simm.s32 @!p0 $0x1B8D  }
0x2f: {  	s5 =	sshll.u32 @!p0 s5, $0x11;
	s7 =	sadd.s32 @!p0 $0x11B8D, s7;
	_ =	swait.eq @!p0 [sflag:s6], $0x1  }
0x30: {  	s5 =	sor.u32 @!p0 s5, s7;
	[sflag:s6] =	ssyncadd.s32 @!p0 $0xFFFFFFFF  }
0x31: {  	s26 =	simm.s32 $0x1B8E;
	s25 =	sld [smem:$0x3FFE];
	[sflag:s5] =	ssyncadd.remote.s32 @!p0 $0x1  }
0x32: {  	s27 =	simm.s32 $execute0_lowered;
	[smem:$0x3FD2] =	sst s26  }
0x33: {  	s6 =	sshll.u32 s27, $0x1;
	_ =	strace $0x80000049;
	[dreg:$0x1] =	wrdreg $0xFFFFFFFF  }
0x34: {  	s28 =	simm.s32 $_size_execute0_lowered;
	s4 =	sadd.s32 s4, s6;
	[dreg:$0x0] =	wrdreg $0x0  }
0x35: {  	s6 =	sshll.u32 s28, $0x1;
	[dreg:$0x2] =	wrdreg s4  }
0x36: {  	[dreg:$0x3] =	wrdreg s6  }
0x37: {  	[dreg:$0x4] =	wrdreg $0xC0  }
0x38: {  	_ =	task [dreg:s23], $0x5FFFF  }
0x39: {  	[dreg:$0x1] =	wrdreg $0xFFFFFFFF  }
0x3a: {  	[dreg:$0x0] =	wrdreg $0x60  }
0x3b: {  	[dreg:$0x2] =	wrdreg s25  }
0x3c: {  	[dreg:$0x3] =	wrdreg s18  }
0x3d: {  	[dreg:$0x4] =	wrdreg $0x9  }
0x3e: {  	_ =	task.clear_ibuf [dreg:s23], $0x5FFFF;
	_ =	strace $0x90000049  }
0x3f: {  	s29 =	simm.s32 $0x9;
	_ =	strace $0x8000004B  }
0x40: {  	_ =	swait.ge [sflag:s29], $0x1  }
0x41: {  	[sflag:s29] =	ssyncadd.s32 $0xFFFFFFFF  }
0x42: {  	_ =	strace $0x9000004B  }
0x43: {  	_ =	sfence  }
0x44: {  	s30 =	sld [smem:$0x0];
	_ =	sdelay $0x2  }
0x45: {  	s31 =	sshll.u32 s1, $0xD;
	s1 =	sshrl.u32 s1, $0x2  }
0x46: {  	s4 =	sand.u32 $0x4000, s31;
	s1 =	sadd.s32 s1, s30  }
0x47: {  	s0 =	sor.u32 s4, s0;
	s1 =	sshll.u32 s1, $0x11  }
0x48: {  	s0 =	sor.u32 s1, s0  }
0x49: {  	s0 =	sadd.s32 $0x8F2B, s0  }
0x4a: {  	[sflag:s0] =	ssyncadd.remote.s32 $0x1  }
0x4b: {  	_ =	sfence.sel $0xFFFF  }
0x4c: {  	[dreg:$0x0] =	wrdreg $0xFFFFFFFF;
	(pc) =	sbr.abs _section_cstart, $3  }
0x4d: {  	[dreg:$0x1] =	wrdreg $0xFFFFFFFF  }
0x4e: {  	_ =	task.clear_ibuf [dreg:s23], $0x2FFFF;
	_ =	strace $0x9FFFFFFF  }
0x4f: {  	(tm) =	ssettm $0x7FFFFFFF  }
tec
execute0_lowered:
.L_overlay_start_1:
0x0: {  	(tag) =	ssettag $0x1  }
0x1: {  	s4 =	rddreg [dreg:$0x0]  }
0x2: {  	s0 =	stileid.u32;
	s2 =	rddreg [dreg:$0x1]  }
0x3: {  	s8 =	srdreg.scid;
	s9 =	simm.s32 $0x2;
	s18 =	simm.s32 $0x0  }
0x4: {  	p0 =	por $0x0, $0x0;
	s11 =	simm.s32 $0xB000;
	s19 =	simm.s32 $0x0  }
0x5: {  	s20 =	simm.s32 $0x0;
	s12 =	simm.s32 $0x0;
	s1 =	sshll.u32 s0, $0x7  }
0x6: {  	s13 =	simm.s32 $0x0;
	s14 =	simm.s32 $0x0;
	s3 =	sand.u32 $0x80, s1  }
0x7: {  	s17 =	simm.s32 $0x0;
	s4 =	sadd.s32 $0x2F4400, s4;
	s5 =	ssub.s32 $0x100, s3  }
0x8: {  	s8 =	sshll.u32 s8, $0x7;
	s1 =	rddreg [dreg:$0x2];
	s6 =	sshrl.u32 s5, $0x7  }
.Ltmp0:
0x9: {  	s7 =	sshrl.u32 s5, $0x8;
	s6 =	sand.u32 $0x1, s6;
	(pc) =	sbr.rel .LBB1_1-.Ltmp0, $4  }
0xa: {  	_ =	strace $0x8000004A;
	s8 =	sand.u32 $0x80, s8;
	s7 =	sadd.s32 s7, s6  }
0xb: {  	s5 =	sshrl.u32 s0, $0x1;
	s6 =	simm.s32 $0x1;
	s7 =	smul.u32 $0x16, s7  }
0xc: {  	s16 =	smov.u32 s3;
	s15 =	smov.u32 s5;
	[sflag:s6] =	ssyncpa.u1 $0x0  }
0xd: {  	[sflag:s9] =	ssyncpa.u1 $0x0;
	s9 =	sshll.u32 s8, $0x3;
	s10 =	sor.u32 $0x1, s7  }
.LBB1_4:
0xe: {  	v5 =	vld [tilespmem:s22+$0xFFFFFFD0]  }
0xf: {  	v58 =	vld [tilespmem:s22+$0xFFFFFFE0]  }
0x10: {  	[tilespmem:s23+$0x2040 ss:$0x81] =	vst.msk $0xffff, v4;
	v59 =	vld [tilespmem:s22+$0xFFFFFFF0]  }
0x11: {  	s26 =	sshll.u32 s13, $0x8;
	s27 =	sshll.u32 s14, $0x3;
	[tilespmem:s23+$0x2850 ss:$0x81] =	vst.msk $0xffff, v3;
	v60 =	vld [tilespmem:s22+$0x0]  }
0x12: {  	s28 =	sshll.u32 s13, $0x7;
	s25 =	sshra.s32 s25, $0x2;
	p1 =	sgt.s32 s13, $0xAF;
	[tilespmem:s23+$0x3060 ss:$0x81] =	vst.msk $0xffff, v2;
	v61 =	vld [tilespmem:s22+$0x10]  }
0x13: {  	s30 =	sshra.s32 s13, $0x1F;
	[tilespmem:s23+$0x0 ss:$0x81] =	vst.msk $0xffff, v1;
	p2 =	sgt.s32 s12, $0x48;
	s23 =	smov.u32 s12;
	v62 =	vld [tilespmem:s22+$0x20]  }
0x14: {  	v63 =	vld [tilespmem:s22+$0xFFFFFFC0];
	s22 =	sand.u32 $0x78, s14;
	s26 =	sand.u32 $0xFFFFF800, s26;
	s27 =	sand.u32 $0xFFFFFC00, s27  }
0x15: {  	s31 =	sand.u32 $0x300, s28;
	s24 =	sadd.s32 s25, s24;
	s26 =	sadd.s32 s27, s26  }
0x16: {  	s23 =	simm.s32 @!p2 $0x48;
	s27 =	sand.u32 s30, s13;
	s29 =	sor.u32 s31, s26  }
0x17: {  	s30 =	sshra.s32 s14, $0x1F;
	s26 =	smov.u32 s13;
	s25 =	sshrl.u32 s29, $0x8  }
0x18: {  	s26 =	simm.s32 @!p1 $0xAF;
	p1 =	sgt.s32 s14, $0x80;
	s29 =	smov.u32 s14  }
0x19: {  	s31 =	sand.u32 s30, s14;
	s26 =	ssub.s32 s26, s27;
	s29 =	simm.s32 @!p1 $0x80  }
0x1a: {  	s30 =	smulhi.u32 $0x1745D18, s25;
	s27 =	ssub.s32 s29, s31;
	s31 =	sadd.s32 $0xFFFFFF51, s26  }
0x1b: {  	[tilespmem:s24+$0x3870 ss:$0x81] =	vst.msk $0xffff, v0;
	s23 =	ssub.s32 $0xC8, s23;
	p1 =	sgt.s32 s31, $0x0;
	s31 =	sadd.s32 $0xFFFFFF80, s27  }
0x1c: {  	[tilespmem:s24+$0x810 ss:$0x81] =	vst.msk $0xffff, v5;
	s27 =	ssub.s32 $0x100, s27;
	s29 =	smul.u32 $0xB0, s30;
	p3 =	sgt.s32 s31, $0x7F  }
0x1d: {  	[tilespmem:s24+$0x1020 ss:$0x81] =	vst.msk $0xffff, v58;
	s30 =	sand.u32 $0x80, s28;
	s31 =	smul.u32 $0x1600, s12;
	s27 =	simm.s32 @p3 $0x0  }
0x1e: {  	[tilespmem:s24+$0x1830 ss:$0x81] =	vst.msk $0xffff, v59;
	s26 =	ssub.s32 $0xB0, s26;
	s22 =	sor.u32 s22, s30;
	s23 =	smul.u32 s23, s27  }
0x1f: {  	[tilespmem:s24+$0x2040 ss:$0x81] =	vst.msk $0xffff, v60;
	s26 =	simm.s32 @p1 $0x0;
	s25 =	ssub.s32 s25, s29;
	s22 =	sshrl.u32 s22, $0x3  }
0x20: {  	[tilespmem:s24+$0x2850 ss:$0x81] =	vst.msk $0xffff, v61;
	s29 =	sand.u32 $0x7, s14;
	s28 =	sadd.s32 s2, s31;
	s23 =	smul.u32 s26, s23  }
0x21: {  	[tilespmem:s24+$0x3060 ss:$0x81] =	vst.msk $0xffff, v62;
	s25 =	sshll.u32 s25, $0x5;
	s30 =	sshll.u32 s29, $0x12;
	s22 =	sadd.s32 s22, s28  }
0x22: {  	[tilespmem:s24+$0x0 ss:$0x81] =	vst.msk $0xffff, v63;
	s31 =	sor.u32 $0x80, s30;
	s22 =	sadd.s32 s25, s22;
	s23 =	sand.u32 $0x3FFFFFFF, s23  }
0x23: {  	[hbm4b:s22+s31] =	stream.strided.scatter [tilespmem:s21], [sflag:$0x2], s23, s11, s31, $0x20;
	[tilespmem:$0x10100] =	vst v63  }
.LBB1_5:
0x24: {  	p1 =	slt.u32 s17, $0x2;
	s21 =	smov.u32 s19  }
0x25: {  	s22 =	smov.u32 s20;
	p2 =	sgt.s32 @!p1 s19, $0xAF;
	p3 =	sgt.s32 @!p1 s20, $0x80  }
0x26: {  	s23 =	sshra.s32 @!p1 s20, $0x1F;
	p2 =	por !p2, p1;
	p3 =	por !p3, p1  }
0x27: {  	s20 =	sand.u32 @!p1 s23, s20;
	s21 =	simm.s32 @p2 $0xAF;
	s22 =	simm.s32 @p3 $0x80  }
0x28: {  	p2 =	sgt.s32 @!p1 s18, $0x48;
	s20 =	ssub.s32 @!p1 s22, s20;
	s22 =	sshra.s32 @!p1 s19, $0x1F  }
0x29: {  	p2 =	por !p2, p1;
	s19 =	sand.u32 @!p1 s22, s19;
	s22 =	sadd.s32 @!p1 $0xFFFFFF80, s20  }
0x2a: {  	s18 =	simm.s32 @p2 $0x48;
	s19 =	ssub.s32 @!p1 s21, s19;
	p2 =	sgt.s32 @!p1 s22, $0x7F  }
0x2b: {  	s20 =	ssub.s32 @!p1 $0x100, s20;
	s21 =	sadd.s32 @!p1 $0xFFFFFF51, s19;
	p2 =	por !p2, p1  }
0x2c: {  	s18 =	ssub.s32 @!p1 $0xC8, s18;
	s20 =	simm.s32 @!p2 $0x0;
	p2 =	sgt.s32 @!p1 s21, $0x0  }
0x2d: {  	s19 =	ssub.s32 @!p1 $0xB0, s19;
	p2 =	por !p2, p1;
	s18 =	smul.u32 @!p1 s18, s20  }
0x2e: {  	s23 =	smov.u32 s16;
	s21 =	sadd.s32 $0x8, s15;
	s19 =	simm.s32 @!p2 $0x0  }
0x2f: {  	p2 =	sgt.s32 s21, $0xAF;
	s18 =	smul.u32 @!p1 s19, s18;
	s19 =	sadd.s32 $0x100, s16  }
0x30: {  	s25 =	sadd.s32 $0x1, s17;
	s23 =	smov.u32 @p2 s19  }
0x31: {  	p0 =	por !p0, !p0;
	s21 =	smov.u32 @p2 s5;
	p2 =	sgt.s32 s23, $0xFF  }
0x32: {  	s22 =	simm.s32 @!p1 $0x2;
	s23 =	smov.u32 @p2 s3;
	p2 =	sne.s32 s17, s10  }
.Ltmp1:
0x33: {  	s20 =	smov.u32 s14;
	s14 =	smov.u32 s16;
	(pc) =	sbr.rel @!p2 .LBB1_6-.Ltmp1, $4  }
0x34: {  	s19 =	smov.u32 s13;
	s13 =	smov.u32 s15;
	s18 =	sand.u32 @!p1 $0x3FFFFFFF, s18  }
0x35: {  	s15 =	smov.u32 s21;
	_ =	swait.ge @!p1 [sflag:s22], s18;
	s24 =	ssub.s32 @!p1 $0x0, s18  }
0x36: {  	s18 =	smov.u32 s12;
	s12 =	smov.u32 s8;
	[sflag:s22] =	ssyncset.done @!p1 $0x0  }
0x37: {  	s17 =	smov.u32 s25;
	s16 =	smov.u32 s23;
	[sflag:s22] =	ssyncadd.s32 @!p1 s24  }
.LBB1_1:
0x38: {  	p1 =	sge.u32 s17, s7  }
0x39: {  	s21 =	sshll.u32 @!p1 s15, $0x8  }
0x3a: {  	s22 =	sshll.u32 @!p1 s15, $0x7;
	s21 =	sand.u32 @!p1 $0xFFFFF800, s21  }
0x3b: {  	s22 =	sand.u32 @!p1 $0x300, s22;
	s21 =	sor.u32 @!p1 s9, s21  }
0x3c: {  	s21 =	sor.u32 @!p1 s22, s21  }
0x3d: {  	s21 =	sshrl.u32 @!p1 s21, $0x8  }
0x3e: {  	s22 =	smulhi.u32 @!p1 $0x1745D18, s21;
	_ =	sdelay $0x1  }
0x3f: {  	s22 =	smul.u32 @!p1 $0xB0, s22  }
0x40: {  	s31 =	sadd.s32 $0xFFFFFFFF, s17;
	s23 =	smul.u32 @!p1 $0x1600, s16  }
0x41: {  	s24 =	sxor.u32 @!p1 $0xFFFFFFFF, s17;
	s21 =	ssub.s32 @!p1 s21, s22;
	s22 =	sshll.u32 @!p1 s15, $0x4  }
0x42: {  	s24 =	sshll.u32 @!p1 s24, $0xE;
	s23 =	sadd.s32 @!p1 s4, s23;
	s22 =	sand.u32 @!p1 $0x10, s22  }
0x43: {  	s24 =	sand.u32 @!p1 $0x4000, s24;
	s21 =	sshll.u32 @!p1 s21, $0x5;
	s22 =	sadd.s32 @!p1 s22, s23  }
0x44: {  	s23 =	simm.s32 @!p1 $0xB000;
	s21 =	sadd.s32 @!p1 s21, s22;
	s22 =	simm.s32 @!p1 $0x80  }
0x45: {  	[tilespmem:s24], [sflag:$0x1] =	stream.strided.gather @!p1 [hbm4b:s21+s22], $0x4000, s23, s22, $0x38;
	[tilespmem:$0x10100] =	vst v63  }
0x46: {  	p1 =	sge.u32 s31, s7  }
.Ltmp2:
0x47: {  	_ = 	snop;
	(pc) =	sbr.rel @p1 .LBB1_5-.Ltmp2, $1  }
0x48: {  	_ =	sdelay $0x3  }
0x49: {  	s21 =	simm.s32 $0x1  }
0x4a: {  	_ =	swait.ge [sflag:s6], $0x4000;
	s21 =	simm.s32 @!p0 $0x0  }
0x4b: {  	[sflag:s6] =	ssyncset.done $0x0;
	s22 =	sshll.u32 s21, $0xE  }
0x4c: {  	[sflag:s6] =	ssyncadd.s32 $0xFFFFC000;
	s22 =	sor.u32 $0x40, s22  }
0x4d: {  	s21 =	smul.u32 $0x10200, s21;
	v0 =	vld [tilespmem:s22+$0x30]  }
0x4e: {  	v1 =	vld [tilespmem:s22+$0xFFFFFFD0]  }
0x4f: {  	s21 =	sshrl.u32 s21, $0x2;
	v5 =	vld [tilespmem:s22+$0xFFFFFFE0]  }
0x50: {  	v6 =	vld [tilespmem:s22+$0xFFFFFFF0];
	s24 =	sor.u32 $0x8000, s21  }
0x51: {  	s31 =	sand.u32 $0x1, s17;
	v4 =	vld [tilespmem:s22+$0x0];
	s23 =	sadd.s32 $0x0, s24  }
0x52: {  	v3 =	vld [tilespmem:s22+$0x10];
	s21 =	smul.u32 $0x10200, s31;
	[tilespmem:s23+$0x3870 ss:$0x81] =	vst.msk $0xffff, v0  }
0x53: {  	v2 =	vld [tilespmem:s22+$0x20];
	[tilespmem:s23+$0x810 ss:$0x81] =	vst.msk $0xffff, v1  }
0x54: {  	s21 =	sshrl.u32 s21, $0x2;
	v1 =	vld [tilespmem:s22+$0xFFFFFFC0];
	[tilespmem:s23+$0x1020 ss:$0x81] =	vst.msk $0xffff, v5;
	s22 =	sadd.s32 $0x80, s22  }
0x55: {  	s25 =	simm.s32 $0x4;
	s26 =	simm.s32 $0x8;
	s21 =	sor.u32 $0x8000, s21;
	[tilespmem:s23+$0x1830 ss:$0x81] =	vst.msk $0xffff, v6;
	v0 =	vld [tilespmem:s22+$0x30]  }
.LBB1_3:
0x56: {  	p1 =	sne.s32 s26, $0x1FC;
	v5 =	vld [tilespmem:s22+$0xFFFFFFD0];
	[tilespmem:s23+$0x2040 ss:$0x81] =	vst.msk $0xffff, v4  }
0x57: {  	v6 =	vld [tilespmem:s22+$0xFFFFFFE0];
	[tilespmem:s23+$0x2850 ss:$0x81] =	vst.msk $0xffff, v3  }
0x58: {  	s27 =	sshra.s32 s25, $0x2;
	s25 =	smov.u32 s26;
	v7 =	vld [tilespmem:s22+$0xFFFFFFF0];
	[tilespmem:s23+$0x3060 ss:$0x81] =	vst.msk $0xffff, v2  }
.Ltmp3:
0x59: {  	v4 =	vld [tilespmem:s22+$0x0];
	[tilespmem:s23+$0x0 ss:$0x81] =	vst.msk $0xffff, v1;
	s23 =	sadd.s32 s27, s24;
	(pc) =	sbr.rel @p1 .LBB1_3-.Ltmp3, $4  }
0x5a: {  	v3 =	vld [tilespmem:s22+$0x10];
	[tilespmem:s23+$0x3870 ss:$0x81] =	vst.msk $0xffff, v0  }
0x5b: {  	[tilespmem:s23+$0x810 ss:$0x81] =	vst.msk $0xffff, v5;
	v2 =	vld [tilespmem:s22+$0x20]  }
0x5c: {  	v1 =	vld [tilespmem:s22+$0xFFFFFFC0];
	[tilespmem:s23+$0x1020 ss:$0x81] =	vst.msk $0xffff, v6;
	s22 =	sadd.s32 $0x80, s22  }
0x5d: {  	s26 =	sadd.s32 $0x4, s26;
	v0 =	vld [tilespmem:s22+$0x30];
	[tilespmem:s23+$0x1830 ss:$0x81] =	vst.msk $0xffff, v7  }
.Ltmp4:
0x5e: {  	_ = 	snop;
	(pc) =	sbr.rel .LBB1_4-.Ltmp4, $1  }
0x5f: {  	_ =	sdelay $0x3  }
.LBB1_6:
0x60: {  	_ =	sfence.sel $0x180000  }
0x61: {  	s2 =	simm.s32 $0x1;
	[bflag:$0x0] =	sbarrier.arrive $0xFFFF  }
0x62: {  	s31 =	simm.s32 $0x2;
	[sflag:s2] =	ssyncpa.u1 $0x1  }
0x63: {  	[sflag:s31] =	ssyncpa.u1 $0x1  }
0x64: {  	p0 =	sne.s32 s0, $0x0;
	_ =	strace $0x9000004A  }
0x65: {  	s0 =	sadd.s32 @!p0 $0x100000, s1;
	[bflag:$0x2] =	sbarrier.arrive $0xFFFF  }
0x66: {  	[sflag:s0] =	ssyncadd.tile.s32 @!p0 $0x1;
	_ =	shalt  }
.Lfunc_end1:
_tile_overlayer_lowered:
.L_overlay_start_2:
0x67: {  	(tag) =	ssettag $0x2  }
0x68: {  	s0 =	rddreg [dreg:$0x0];
	s2 =	stileid.u32  }
0x69: {  	s1 =	rddreg [dreg:$0x1];
	p0 =	sne.s32 s2, $0x0  }
0x6a: {  	s3 =	rddreg [dreg:$0x2];
	[bflag:$0x3] =	sbarrier.arrive $0xFFFF;
	s2 =	simm.s32 @!p0 $0x1C01  }
0x6b: {  	[timem:s3], [sflag:s2] =	dma.local @!p0 [hbm:s0], s1  }
0x6c: {  	s0 =	simm.s32 @!p0 $0x1  }
0x6d: {  	_ =	swait.ge @!p0 [sflag:s0], s1  }
0x6e: {  	s1 =	ssub.s32 @!p0 $0x0, s1;
	[sflag:s0] =	ssyncset.done @!p0 $0x0  }
0x6f: {  	[sflag:s0] =	ssyncadd.s32 @!p0 s1  }
0x70: {  	[bflag:$0x3] =	sbarrier.arrive $0xFFFF  }
0x71: {  	_ =	shalt  }

</sc_bundles>
